<compile_context>
chip_gen: v7x
topology: tpu7x:2x2x1
jax: 0.10.2.dev20260603
libtpu: 0.0.44.dev20260713+nightly
codegen_flags: <defaults>
</compile_context>

<pallas_src>
import functools

import jax
import jax.numpy as jnp
import numpy as np
from jax import lax
from jax.experimental import pallas as pl
from jax.experimental.pallas import tpu as pltpu
from jax.experimental.pallas import tpu_sc as plsc

_PI = 3.141592
_C = 1500.0
_T_DT = 2.5e-08
_T_MIN = 2.33e-05
_S_NUM = 512
_S_RAD = 0.11
_G_N = 512
_G_D = 0.15 / 512
_T_SAMPLES = 2168
_BATCH = 32
_NUM_BATCHES = _S_NUM // _BATCH

_NW = 32
_ROWS_PER_W = _G_N // _NW
_LANES = 16
_JV = _G_N // _LANES

_K1 = 1.0 / (_C * _T_DT)
_K2 = np.float32(-_T_MIN / _T_DT)
_LO2 = np.float32((200.0 - _K2) ** 2)
_HI2 = np.float32((2166.0 - _K2) ** 2)
_LO2B = np.int32(_LO2.view(np.int32))
_SPANB = np.uint32(int(_HI2.view(np.int32)) - int(_LO2B))
_HALF = 8


def _tables():
    phi = np.linspace(0.0, 2 * _PI, _S_NUM)
    sx = (_S_RAD * np.cos(phi + _PI)).astype(np.float32)
    sy = (_S_RAD * np.sin(phi + _PI)).astype(np.float32)
    g = (np.linspace(-_G_N / 2, _G_N / 2, _G_N) * _G_D).astype(np.float32)
    dx2 = ((g[None, :] - sx[:, None]) * _K1) ** 2
    dy2 = ((g[None, :] - sy[:, None]) * _K1) ** 2
    return dx2.astype(np.float32), dy2.astype(np.float32)


def _rsqrt_lut(dx2, dy2):
    r2min = float((dx2.min(1) + dy2.min(1)).min())
    r2max = float((dx2.max(1) + dy2.max(1)).max())
    bmin = int(np.float32(r2min).view(np.int32)) >> 23
    bmax = int(np.float32(r2max).view(np.int32)) >> 23
    base = bmin << 9
    n = (bmax - bmin + 1) << 9
    bits = ((np.arange(n, dtype=np.int64) + base) << 14) | (1 << 13)
    vals = bits.astype(np.uint32).view(np.float32)
    lut = (1.0 / np.sqrt(vals.astype(np.float64))).astype(np.float32)
    return lut, np.int32(base)


def _block_bounds(dx2, dy2):
    bounds = np.zeros((_NUM_BATCHES, 2 * _G_N), dtype=np.int32)
    for b in range(_NUM_BATCHES):
        s = slice(b * _BATCH, (b + 1) * _BATCH)
        r2 = dx2[s][:, :, None] + dy2[s][:, None, :]
        va = ((r2 >= _LO2) & (r2 <= _HI2)).any(0)
        vb = va.reshape(_G_N, _JV, _LANES).any(2)
        for i in range(_G_N):
            idxs = np.nonzero(vb[i])[0]
            if len(idxs):
                bounds[b, i] = idxs[0]
                bounds[b, _G_N + i] = idxs[-1] + 1
    return bounds


_DX2_NP, _DY2_NP = _tables()
_LUT_NP, _LUT_BASE = _rsqrt_lut(_DX2_NP, _DY2_NP)
_LUT_N = _LUT_NP.shape[0]
_BOUNDS_NP = _block_bounds(_DX2_NP, _DY2_NP)
_IOTA16 = np.arange(16, dtype=np.int32)


def _sc_body(sig_hbm, dx2_hbm, dy2_hbm, lut_hbm, bounds_hbm, out_hbm, sig_v,
             dy2_v, dx2_v, tile_v, lut_v, blo_v, bhi_v, sem):
    wid = lax.axis_index("c") * 16 + lax.axis_index("s")
    rowa = wid * _HALF
    rowb = rowa + _G_N // 2
    zeros16 = jnp.zeros((_LANES,), jnp.float32)
    pltpu.sync_copy(lut_hbm, lut_v)

    def fire_or_drain(b, half0, fire):
        s0 = b * _BATCH

        def go(k, c2):
            for h0, r0 in ((half0, rowa), (half0 + _HALF, rowb)):
                cp = pltpu.make_async_copy(
                    tile_v.at[pl.ds(h0, _HALF)],
                    out_hbm.at[0, s0 + k, pl.ds(r0, _HALF)], sem)
                if fire:
                    cp.start()
                else:
                    cp.wait()
            return c2
        lax.fori_loop(0, _BATCH, go, 0)

    def batch_body(b, carry):
        s0 = b * _BATCH
        half0 = lax.rem(b, 2) * _ROWS_PER_W

        @pl.when(b >= 2)
        def _drain_prev():
            fire_or_drain(b - 2, half0, fire=False)

        pltpu.sync_copy(sig_hbm.at[pl.ds(s0, _BATCH)], sig_v)
        pltpu.sync_copy(dy2_hbm.at[pl.ds(s0, _BATCH)], dy2_v)
        pltpu.sync_copy(dx2_hbm.at[pl.ds(s0, _BATCH)], dx2_v)
        pltpu.sync_copy(bounds_hbm.at[b, pl.ds(rowa, _HALF)],
                        blo_v.at[pl.ds(0, _HALF)])
        pltpu.sync_copy(bounds_hbm.at[b, pl.ds(rowb, _HALF)],
                        blo_v.at[pl.ds(_HALF, _HALF)])
        pltpu.sync_copy(bounds_hbm.at[b, pl.ds(_G_N + rowa, _HALF)],
                        bhi_v.at[pl.ds(0, _HALF)])
        pltpu.sync_copy(bounds_hbm.at[b, pl.ds(_G_N + rowb, _HALF)],
                        bhi_v.at[pl.ds(_HALF, _HALF)])

        def zero_head(s, c2):
            sig_v[s, pl.ds(0, _LANES)] = zeros16
            return c2
        lax.fori_loop(0, _BATCH, zero_head, 0)

        def row_body(ii, c2):
            row = rowa + ii + (_G_N // 2 - _HALF) * lax.shift_right_logical(
                ii, 3)
            colv = jnp.full((_LANES,), row, jnp.int32)
            lane = lax.iota(jnp.int32, _LANES) == ii
            jlo = jnp.max(jnp.where(lane, blo_v[...], 0))
            jhi = jnp.max(jnp.where(lane, bhi_v[...], 0))

            def zero_blk(jv, c3):
                tile_v[half0 + ii, pl.ds(jv * _LANES, _LANES)] = zeros16
                return c3
            lax.fori_loop(0, jlo, zero_blk, 0)
            lax.fori_loop(jhi, _JV, zero_blk, 0)

            def jv_body(jv, c3):
                jbase = jv * _LANES
                acc = zeros16
                for s in range(_BATCH):
                    srow = jnp.full((_LANES,), s, jnp.int32)
                    dx2s = plsc.load_gather(dx2_v, [srow, colv])
                    dy2v = dy2_v[s, pl.ds(jbase, _LANES)]
                    r2 = dy2v + dx2s
                    valid = (r2 >= _LO2) & (r2 <= _HI2)
                    kidx = lax.shift_right_logical(
                        plsc.bitcast(r2, jnp.int32), 14) - _LUT_BASE
                    yb = plsc.load_gather(lut_v, [kidx])
                    half = 0.5 * r2
                    yb = yb * (1.5 - half * yb * yb)
                    idx = r2 * yb + _K2
                    idxc = jnp.where(valid, idx, 0.0)
                    d0i = idxc.astype(jnp.int32)
                    wb = idxc - d0i.astype(jnp.float32)
                    y0 = plsc.load_gather(sig_v, [srow, d0i])
                    y1 = plsc.load_gather(sig_v, [srow, d0i + 1])
                    acc = acc + (y0 + wb * (y1 - y0))
                tile_v[half0 + ii, pl.ds(jbase, _LANES)] = acc
                return c3

            return lax.fori_loop(jlo, jhi, jv_body, c2)

        lax.fori_loop(0, _ROWS_PER_W, row_body, 0)
        fire_or_drain(b, half0, fire=True)
        return carry

    lax.fori_loop(0, _NUM_BATCHES, batch_body, 0)

    def drain_tail(b, carry):
        fire_or_drain(b, lax.rem(b, 2) * _ROWS_PER_W, fire=False)
        return carry

    lax.fori_loop(_NUM_BATCHES - 2, _NUM_BATCHES, drain_tail, 0)


@jax.jit
def kernel(x):
    sig = x[0]
    dx2 = jnp.asarray(_DX2_NP)
    dy2 = jnp.asarray(_DY2_NP)
    lut = jnp.asarray(_LUT_NP)
    bounds = jnp.asarray(_BOUNDS_NP)

    run = functools.partial(
        pl.kernel,
        out_type=jax.ShapeDtypeStruct((1, _S_NUM, _G_N, _G_N), jnp.float32),
        mesh=plsc.VectorSubcoreMesh(core_axis_name="c", subcore_axis_name="s"),
        scratch_types=[
            pltpu.VMEM((_BATCH, _T_SAMPLES), jnp.float32),
            pltpu.VMEM((_BATCH, _G_N), jnp.float32),
            pltpu.VMEM((_BATCH, _G_N), jnp.float32),
            pltpu.VMEM((2 * _ROWS_PER_W, _G_N), jnp.float32),
            pltpu.VMEM((_LUT_N,), jnp.float32),
            pltpu.VMEM((_ROWS_PER_W,), jnp.int32),
            pltpu.VMEM((_ROWS_PER_W,), jnp.int32),
            pltpu.SemaphoreType.DMA,
        ],
        compiler_params=pltpu.CompilerParams(needs_layout_passes=False),
    )(_sc_body)
    return run(sig, dx2, dy2, lut, bounds)

# --- scband reference (transcript-rebuilt; emitter-appended) ---
"""Pipeline reference for scband-delay-layer-50362786513382 (READ-ONLY COPY).

The authoritative reference and input builder live on the scoring server;
editing this copy changes nothing except your own understanding.
"""

import jax, jax.numpy as jnp
import numpy as np

PI = 3.141592
C = 1500.0
T_FIXED = 0.0
T_DT = 2.5e-08
T_MAX = 2166 * 2.5e-08
T_MIN = 2.33e-05
S_NUM = 512
S_RAD = 0.11
S_ANG = PI
G_N = 512
G_D = 0.15 / 512
BATCH = 32
T_SAMPLES = 2168


def _constants():
    phi = jnp.linspace(0.0, 2 * PI, S_NUM)
    sensor_x = (S_RAD * jnp.cos(phi + S_ANG)).reshape(-1, 1, 1)
    sensor_y = (S_RAD * jnp.sin(phi + S_ANG)).reshape(-1, 1, 1)
    grid_x = (jnp.linspace(-G_N / 2, G_N / 2, G_N) * G_D).reshape(1, -1, 1)
    grid_y = (jnp.linspace(-G_N / 2, G_N / 2, G_N) * G_D).reshape(1, 1, -1)
    sub_x = jnp.zeros((1, 1, G_N))
    sub_y = jnp.zeros((1, G_N, 1))
    return sensor_x, sensor_y, grid_x, grid_y, sub_x, sub_y


def setup_inputs(seed: int = 0):
    key = jax.random.key(seed)
    x = jax.random.normal(key, (1, S_NUM, T_SAMPLES), dtype=jnp.float32)
    return {"x": x}


def reference(x):
    sensor_x, sensor_y, grid_x, grid_y, sub_x, sub_y = _constants()
    t0 = T_FIXED - T_MIN
    t_max = (T_MAX - T_FIXED) / T_DT
    x = x.at[:, :, 0].set(0.0)
    output = jnp.zeros((1, S_NUM, G_N, G_N), dtype=x.dtype)
    for ii in range(S_NUM // BATCH):
        batch_idx = np.arange(BATCH) + ii * BATCH
        signal_batch = x[:, batch_idx]
        sx = sensor_x[batch_idx]
        sy = sensor_y[batch_idx]
        dxt = grid_x - sx + sub_x
        dyt = grid_y - sy + sub_y
        distance = jnp.linalg.norm(jnp.stack((dxt, dyt), -1), axis=-1)
        idx = (distance / C + t0) / T_DT
        idx = jnp.where(idx > t_max, 0.0, idx)
        idx = jnp.where(idx < 200.0, 0.0, idx)
        idx = idx.reshape(1, BATCH, G_N * G_N)
        d0 = jnp.floor(idx)
        d1 = d0 + 1.0
        Wa = d1 - idx
        Wb = idx - d0
        y0 = jnp.take_along_axis(signal_batch, d0.astype(jnp.int32), axis=2)
        y1 = jnp.take_along_axis(signal_batch, d1.astype(jnp.int32), axis=2)
        img = (Wa * y0 + Wb * y1).reshape(BATCH, G_N, G_N).sum(0)
        output = output.at[:, batch_idx].set(jnp.broadcast_to(img, (1, BATCH, G_N, G_N)))
    return output

if __name__ == "__main__":
    import jax
    _d = setup_inputs()
    print(jax.jit(kernel)(*tuple(_d.values())))

</pallas_src>

<mosaic_0001>
#map = affine_map<(d0, d1) -> (0, 0)>
#map1 = affine_map<(d0, d1) -> (0)>
#map2 = affine_map<(d0, d1) -> (0, 0, 0, 0)>
module attributes {stable_mosaic.version = 14 : i64} {
  func.func @_sc_body(%arg0: i32, %arg1: i32, %arg2: memref<512x2168xf32, #tpu.memory_space<hbm>>, %arg3: memref<512x512xf32, #tpu.memory_space<hbm>>, %arg4: memref<512x512xf32, #tpu.memory_space<hbm>>, %arg5: memref<6144xf32, #tpu.memory_space<hbm>>, %arg6: memref<16x1024xi32, #tpu.memory_space<hbm>>, %arg7: memref<1x512x512x512xf32, #tpu.memory_space<hbm>>, %arg8: memref<32x2168xf32, #tpu.memory_space<vmem>>, %arg9: memref<32x512xf32, #tpu.memory_space<vmem>>, %arg10: memref<32x512xf32, #tpu.memory_space<vmem>>, %arg11: memref<32x512xf32, #tpu.memory_space<vmem>>, %arg12: memref<6144xf32, #tpu.memory_space<vmem>>, %arg13: memref<16xi32, #tpu.memory_space<vmem>>, %arg14: memref<16xi32, #tpu.memory_space<vmem>>, %arg15: memref<!tpu.dma_semaphore, #tpu.memory_space<semaphore_mem>>) attributes {dimension_semantics = [#tpu.dimension_semantics<core_parallel>, #tpu.dimension_semantics<subcore_parallel>], iteration_bounds = array<i64: 2, 16>, scalar_prefetch = 0 : i64, scratch_operands = 8 : i64, tpu.core_type = #tpu.core_type<sc_vector_subcore>, window_params = [{transform_indices = #map}, {transform_indices = #map}, {transform_indices = #map}, {transform_indices = #map1}, {transform_indices = #map}, {transform_indices = #map2}]} {
    %mul3A = arith.constant 16 : i32
    %mul3A_0 = arith.muli %arg0, %mul3A : i32
    %add3A = arith.addi %mul3A_0, %arg1 : i32
    %mul3A_1 = arith.constant 8 : i32
    %mul3A_2 = arith.muli %add3A, %mul3A_1 : i32
    %add3A_3 = arith.constant 256 : i32
    %add3A_4 = arith.addi %mul3A_2, %add3A_3 : i32
    %broadcast_in_dim3A = arith.constant 0.000000e+00 : f32
    %broadcast_in_dim3A_5 = vector.broadcast %broadcast_in_dim3A : f32 to vector<16xf32>
    "tpu.region"() ({
      %run_scoped3A = tpu.sem_alloc : memref<!tpu.dma_semaphore, #tpu.memory_space<semaphore_mem>>
      tpu.enqueue_dma source(%arg5 : memref<6144xf32, #tpu.memory_space<hbm>>) target(%arg12 : memref<6144xf32, #tpu.memory_space<vmem>>) target_semaphore(%run_scoped3A : memref<!tpu.dma_semaphore, #tpu.memory_space<semaphore_mem>>)
      tpu.wait_dma2 semaphore(%run_scoped3A : memref<!tpu.dma_semaphore, #tpu.memory_space<semaphore_mem>>) src(%arg5 : memref<6144xf32, #tpu.memory_space<hbm>>) dst(%arg12 : memref<6144xf32, #tpu.memory_space<vmem>>)
      tpu.yield
    }) : () -> ()
    %scan3A = arith.constant 0 : i32
    %scan3A_6 = arith.constant 0 : i32
    %scan3A_7 = arith.constant 16 : i32
    %scan3A_8 = arith.addi %scan3A_6, %scan3A_7 : i32
    %scan3A_9 = arith.constant 1 : i32
    scf.for %scan3A_17 = %scan3A_6 to %scan3A_8 step %scan3A_9  : i32 {
      %mul3A_18 = arith.constant 32 : i32
      %mul3A_19 = arith.muli %scan3A_17, %mul3A_18 : i32
      %rem3A = arith.constant 2 : i32
      %rem3A_20 = arith.remsi %scan3A_17, %rem3A : i32
      %mul3A_21 = arith.constant 16 : i32
      %mul3A_22 = arith.muli %rem3A_20, %mul3A_21 : i32
      %ge3A = arith.constant 2 : i32
      %ge3A_23 = arith.cmpi sge, %scan3A_17, %ge3A : i32
      %convert_element_type3A = arith.extui %ge3A_23 : i1 to i32
      %cond3A = arith.constant 0 : i32
      %cond3A_24 = arith.cmpi ne, %convert_element_type3A, %cond3A : i32
      scf.if %cond3A_24 {
        %sub3A = arith.constant 2 : i32
        %sub3A_49 = arith.subi %scan3A_17, %sub3A : i32
        %mul3A_50 = arith.constant 32 : i32
        %mul3A_51 = arith.muli %sub3A_49, %mul3A_50 : i32
        %scan3A_52 = arith.constant 0 : i32
        %scan3A_53 = arith.constant 0 : i32
        %scan3A_54 = arith.constant 32 : i32
        %scan3A_55 = arith.addi %scan3A_53, %scan3A_54 : i32
        %scan3A_56 = arith.constant 1 : i32
        scf.for %scan3A_58 = %scan3A_53 to %scan3A_55 step %scan3A_56  : i32 {
          %add3A_59 = arith.constant 8 : i32
          %add3A_60 = arith.addi %mul3A_22, %add3A_59 : i32
          %add3A_61 = arith.addi %mul3A_51, %scan3A_58 : i32
          %dma_wait3A = arith.constant 0 : i32
          %dma_wait3A_62 = arith.constant 0 : i32
          %dma_wait3A_63 = tpu.memref_slice %arg11[%mul3A_22, %dma_wait3A_62] : memref<32x512xf32, #tpu.memory_space<vmem>> -> memref<8x512xf32, #tpu.memory_space<vmem>>
          %dma_wait3A_64 = arith.constant 0 : i32
          %dma_wait3A_65 = tpu.memref_slice %arg7[%dma_wait3A, %add3A_61, %mul3A_2, %dma_wait3A_64] : memref<1x512x512x512xf32, #tpu.memory_space<hbm>> -> memref<1x1x8x512xf32, #tpu.memory_space<hbm>>
          %dma_wait3A_66 = tpu.memref_squeeze %dma_wait3A_65 : memref<1x1x8x512xf32, #tpu.memory_space<hbm>> -> memref<8x512xf32, #tpu.memory_space<hbm>>
          %dma_wait3A_67 = arith.constant 0 : i32
          %dma_wait3A_68 = tpu.memref_slice %arg7[%dma_wait3A, %add3A_61, %mul3A_2, %dma_wait3A_67] : memref<1x512x512x512xf32, #tpu.memory_space<hbm>> -> memref<1x1x8x512xf32, #tpu.memory_space<hbm>>
          %dma_wait3A_69 = tpu.memref_squeeze %dma_wait3A_68 : memref<1x1x8x512xf32, #tpu.memory_space<hbm>> -> memref<8x512xf32, #tpu.memory_space<hbm>>
          %dma_wait3A_70 = arith.constant 0 : i32
          %dma_wait3A_71 = tpu.memref_slice %arg11[%mul3A_22, %dma_wait3A_70] : memref<32x512xf32, #tpu.memory_space<vmem>> -> memref<8x512xf32, #tpu.memory_space<vmem>>
          tpu.wait_dma2 semaphore(%arg15 : memref<!tpu.dma_semaphore, #tpu.memory_space<semaphore_mem>>) src(%dma_wait3A_71 : memref<8x512xf32, #tpu.memory_space<vmem>>) dst(%dma_wait3A_69 : memref<8x512xf32, #tpu.memory_space<hbm>>)
          %add3A_72 = arith.addi %mul3A_51, %scan3A_58 : i32
          %dma_wait3A_73 = arith.constant 0 : i32
          %dma_wait3A_74 = arith.constant 0 : i32
          %dma_wait3A_75 = tpu.memref_slice %arg11[%add3A_60, %dma_wait3A_74] : memref<32x512xf32, #tpu.memory_space<vmem>> -> memref<8x512xf32, #tpu.memory_space<vmem>>
          %dma_wait3A_76 = arith.constant 0 : i32
          %dma_wait3A_77 = tpu.memref_slice %arg7[%dma_wait3A_73, %add3A_72, %add3A_4, %dma_wait3A_76] : memref<1x512x512x512xf32, #tpu.memory_space<hbm>> -> memref<1x1x8x512xf32, #tpu.memory_space<hbm>>
          %dma_wait3A_78 = tpu.memref_squeeze %dma_wait3A_77 : memref<1x1x8x512xf32, #tpu.memory_space<hbm>> -> memref<8x512xf32, #tpu.memory_space<hbm>>
          %dma_wait3A_79 = arith.constant 0 : i32
          %dma_wait3A_80 = tpu.memref_slice %arg7[%dma_wait3A_73, %add3A_72, %add3A_4, %dma_wait3A_79] : memref<1x512x512x512xf32, #tpu.memory_space<hbm>> -> memref<1x1x8x512xf32, #tpu.memory_space<hbm>>
          %dma_wait3A_81 = tpu.memref_squeeze %dma_wait3A_80 : memref<1x1x8x512xf32, #tpu.memory_space<hbm>> -> memref<8x512xf32, #tpu.memory_space<hbm>>
          %dma_wait3A_82 = arith.constant 0 : i32
          %dma_wait3A_83 = tpu.memref_slice %arg11[%add3A_60, %dma_wait3A_82] : memref<32x512xf32, #tpu.memory_space<vmem>> -> memref<8x512xf32, #tpu.memory_space<vmem>>
          tpu.wait_dma2 semaphore(%arg15 : memref<!tpu.dma_semaphore, #tpu.memory_space<semaphore_mem>>) src(%dma_wait3A_83 : memref<8x512xf32, #tpu.memory_space<vmem>>) dst(%dma_wait3A_81 : memref<8x512xf32, #tpu.memory_space<hbm>>)
        }
        %scan3A_57 = arith.constant 32 : i32
      } else {
      }
      "tpu.region"() ({
        %run_scoped3A = tpu.sem_alloc : memref<!tpu.dma_semaphore, #tpu.memory_space<semaphore_mem>>
        %dma_start3A = arith.constant 0 : i32
        %dma_start3A_49 = tpu.memref_slice %arg2[%mul3A_19, %dma_start3A] : memref<512x2168xf32, #tpu.memory_space<hbm>> -> memref<32x2168xf32, #tpu.memory_space<hbm>>
        %dma_start3A_50 = arith.constant 0 : i32
        %dma_start3A_51 = tpu.memref_slice %arg2[%mul3A_19, %dma_start3A_50] : memref<512x2168xf32, #tpu.memory_space<hbm>> -> memref<32x2168xf32, #tpu.memory_space<hbm>>
        tpu.enqueue_dma source(%dma_start3A_51 : memref<32x2168xf32, #tpu.memory_space<hbm>>) target(%arg8 : memref<32x2168xf32, #tpu.memory_space<vmem>>) target_semaphore(%run_scoped3A : memref<!tpu.dma_semaphore, #tpu.memory_space<semaphore_mem>>)
        %dma_wait3A = arith.constant 0 : i32
        %dma_wait3A_52 = tpu.memref_slice %arg2[%mul3A_19, %dma_wait3A] : memref<512x2168xf32, #tpu.memory_space<hbm>> -> memref<32x2168xf32, #tpu.memory_space<hbm>>
        %dma_wait3A_53 = arith.constant 0 : i32
        %dma_wait3A_54 = tpu.memref_slice %arg2[%mul3A_19, %dma_wait3A_53] : memref<512x2168xf32, #tpu.memory_space<hbm>> -> memref<32x2168xf32, #tpu.memory_space<hbm>>
        tpu.wait_dma2 semaphore(%run_scoped3A : memref<!tpu.dma_semaphore, #tpu.memory_space<semaphore_mem>>) src(%dma_wait3A_54 : memref<32x2168xf32, #tpu.memory_space<hbm>>) dst(%arg8 : memref<32x2168xf32, #tpu.memory_space<vmem>>)
        tpu.yield
      }) : () -> ()
      "tpu.region"() ({
        %run_scoped3A = tpu.sem_alloc : memref<!tpu.dma_semaphore, #tpu.memory_space<semaphore_mem>>
        %dma_start3A = arith.constant 0 : i32
        %dma_start3A_49 = tpu.memref_slice %arg4[%mul3A_19, %dma_start3A] : memref<512x512xf32, #tpu.memory_space<hbm>> -> memref<32x512xf32, #tpu.memory_space<hbm>>
        %dma_start3A_50 = arith.constant 0 : i32
        %dma_start3A_51 = tpu.memref_slice %arg4[%mul3A_19, %dma_start3A_50] : memref<512x512xf32, #tpu.memory_space<hbm>> -> memref<32x512xf32, #tpu.memory_space<hbm>>
        tpu.enqueue_dma source(%dma_start3A_51 : memref<32x512xf32, #tpu.memory_space<hbm>>) target(%arg9 : memref<32x512xf32, #tpu.memory_space<vmem>>) target_semaphore(%run_scoped3A : memref<!tpu.dma_semaphore, #tpu.memory_space<semaphore_mem>>)
        %dma_wait3A = arith.constant 0 : i32
        %dma_wait3A_52 = tpu.memref_slice %arg4[%mul3A_19, %dma_wait3A] : memref<512x512xf32, #tpu.memory_space<hbm>> -> memref<32x512xf32, #tpu.memory_space<hbm>>
        %dma_wait3A_53 = arith.constant 0 : i32
        %dma_wait3A_54 = tpu.memref_slice %arg4[%mul3A_19, %dma_wait3A_53] : memref<512x512xf32, #tpu.memory_space<hbm>> -> memref<32x512xf32, #tpu.memory_space<hbm>>
        tpu.wait_dma2 semaphore(%run_scoped3A : memref<!tpu.dma_semaphore, #tpu.memory_space<semaphore_mem>>) src(%dma_wait3A_54 : memref<32x512xf32, #tpu.memory_space<hbm>>) dst(%arg9 : memref<32x512xf32, #tpu.memory_space<vmem>>)
        tpu.yield
      }) : () -> ()
      "tpu.region"() ({
        %run_scoped3A = tpu.sem_alloc : memref<!tpu.dma_semaphore, #tpu.memory_space<semaphore_mem>>
        %dma_start3A = arith.constant 0 : i32
        %dma_start3A_49 = tpu.memref_slice %arg3[%mul3A_19, %dma_start3A] : memref<512x512xf32, #tpu.memory_space<hbm>> -> memref<32x512xf32, #tpu.memory_space<hbm>>
        %dma_start3A_50 = arith.constant 0 : i32
        %dma_start3A_51 = tpu.memref_slice %arg3[%mul3A_19, %dma_start3A_50] : memref<512x512xf32, #tpu.memory_space<hbm>> -> memref<32x512xf32, #tpu.memory_space<hbm>>
        tpu.enqueue_dma source(%dma_start3A_51 : memref<32x512xf32, #tpu.memory_space<hbm>>) target(%arg10 : memref<32x512xf32, #tpu.memory_space<vmem>>) target_semaphore(%run_scoped3A : memref<!tpu.dma_semaphore, #tpu.memory_space<semaphore_mem>>)
        %dma_wait3A = arith.constant 0 : i32
        %dma_wait3A_52 = tpu.memref_slice %arg3[%mul3A_19, %dma_wait3A] : memref<512x512xf32, #tpu.memory_space<hbm>> -> memref<32x512xf32, #tpu.memory_space<hbm>>
        %dma_wait3A_53 = arith.constant 0 : i32
        %dma_wait3A_54 = tpu.memref_slice %arg3[%mul3A_19, %dma_wait3A_53] : memref<512x512xf32, #tpu.memory_space<hbm>> -> memref<32x512xf32, #tpu.memory_space<hbm>>
        tpu.wait_dma2 semaphore(%run_scoped3A : memref<!tpu.dma_semaphore, #tpu.memory_space<semaphore_mem>>) src(%dma_wait3A_54 : memref<32x512xf32, #tpu.memory_space<hbm>>) dst(%arg10 : memref<32x512xf32, #tpu.memory_space<vmem>>)
        tpu.yield
      }) : () -> ()
      "tpu.region"() ({
        %run_scoped3A = tpu.sem_alloc : memref<!tpu.dma_semaphore, #tpu.memory_space<semaphore_mem>>
        %dma_start3A = arith.constant 0 : i32
        %dma_start3A_49 = tpu.memref_slice %arg13[%dma_start3A] : memref<16xi32, #tpu.memory_space<vmem>> -> memref<8xi32, #tpu.memory_space<vmem>>
        %dma_start3A_50 = tpu.memref_slice %arg6[%scan3A_17, %mul3A_2] : memref<16x1024xi32, #tpu.memory_space<hbm>> -> memref<1x8xi32, #tpu.memory_space<hbm>>
        %dma_start3A_51 = tpu.memref_squeeze %dma_start3A_50 : memref<1x8xi32, #tpu.memory_space<hbm>> -> memref<8xi32, #tpu.memory_space<hbm>>
        %dma_start3A_52 = arith.constant 0 : i32
        %dma_start3A_53 = tpu.memref_slice %arg13[%dma_start3A_52] : memref<16xi32, #tpu.memory_space<vmem>> -> memref<8xi32, #tpu.memory_space<vmem>>
        %dma_start3A_54 = tpu.memref_slice %arg6[%scan3A_17, %mul3A_2] : memref<16x1024xi32, #tpu.memory_space<hbm>> -> memref<1x8xi32, #tpu.memory_space<hbm>>
        %dma_start3A_55 = tpu.memref_squeeze %dma_start3A_54 : memref<1x8xi32, #tpu.memory_space<hbm>> -> memref<8xi32, #tpu.memory_space<hbm>>
        tpu.enqueue_dma source(%dma_start3A_55 : memref<8xi32, #tpu.memory_space<hbm>>) target(%dma_start3A_53 : memref<8xi32, #tpu.memory_space<vmem>>) target_semaphore(%run_scoped3A : memref<!tpu.dma_semaphore, #tpu.memory_space<semaphore_mem>>)
        %dma_wait3A = arith.constant 0 : i32
        %dma_wait3A_56 = tpu.memref_slice %arg13[%dma_wait3A] : memref<16xi32, #tpu.memory_space<vmem>> -> memref<8xi32, #tpu.memory_space<vmem>>
        %dma_wait3A_57 = tpu.memref_slice %arg6[%scan3A_17, %mul3A_2] : memref<16x1024xi32, #tpu.memory_space<hbm>> -> memref<1x8xi32, #tpu.memory_space<hbm>>
        %dma_wait3A_58 = tpu.memref_squeeze %dma_wait3A_57 : memref<1x8xi32, #tpu.memory_space<hbm>> -> memref<8xi32, #tpu.memory_space<hbm>>
        %dma_wait3A_59 = arith.constant 0 : i32
        %dma_wait3A_60 = tpu.memref_slice %arg13[%dma_wait3A_59] : memref<16xi32, #tpu.memory_space<vmem>> -> memref<8xi32, #tpu.memory_space<vmem>>
        %dma_wait3A_61 = tpu.memref_slice %arg6[%scan3A_17, %mul3A_2] : memref<16x1024xi32, #tpu.memory_space<hbm>> -> memref<1x8xi32, #tpu.memory_space<hbm>>
        %dma_wait3A_62 = tpu.memref_squeeze %dma_wait3A_61 : memref<1x8xi32, #tpu.memory_space<hbm>> -> memref<8xi32, #tpu.memory_space<hbm>>
        tpu.wait_dma2 semaphore(%run_scoped3A : memref<!tpu.dma_semaphore, #tpu.memory_space<semaphore_mem>>) src(%dma_wait3A_62 : memref<8xi32, #tpu.memory_space<hbm>>) dst(%dma_wait3A_60 : memref<8xi32, #tpu.memory_space<vmem>>)
        tpu.yield
      }) : () -> ()
      "tpu.region"() ({
        %run_scoped3A = tpu.sem_alloc : memref<!tpu.dma_semaphore, #tpu.memory_space<semaphore_mem>>
        %dma_start3A = arith.constant 8 : i32
        %dma_start3A_49 = tpu.memref_slice %arg13[%dma_start3A] : memref<16xi32, #tpu.memory_space<vmem>> -> memref<8xi32, #tpu.memory_space<vmem>>
        %dma_start3A_50 = tpu.memref_slice %arg6[%scan3A_17, %add3A_4] : memref<16x1024xi32, #tpu.memory_space<hbm>> -> memref<1x8xi32, #tpu.memory_space<hbm>>
        %dma_start3A_51 = tpu.memref_squeeze %dma_start3A_50 : memref<1x8xi32, #tpu.memory_space<hbm>> -> memref<8xi32, #tpu.memory_space<hbm>>
        %dma_start3A_52 = arith.constant 8 : i32
        %dma_start3A_53 = tpu.memref_slice %arg13[%dma_start3A_52] : memref<16xi32, #tpu.memory_space<vmem>> -> memref<8xi32, #tpu.memory_space<vmem>>
        %dma_start3A_54 = tpu.memref_slice %arg6[%scan3A_17, %add3A_4] : memref<16x1024xi32, #tpu.memory_space<hbm>> -> memref<1x8xi32, #tpu.memory_space<hbm>>
        %dma_start3A_55 = tpu.memref_squeeze %dma_start3A_54 : memref<1x8xi32, #tpu.memory_space<hbm>> -> memref<8xi32, #tpu.memory_space<hbm>>
        tpu.enqueue_dma source(%dma_start3A_55 : memref<8xi32, #tpu.memory_space<hbm>>) target(%dma_start3A_53 : memref<8xi32, #tpu.memory_space<vmem>>) target_semaphore(%run_scoped3A : memref<!tpu.dma_semaphore, #tpu.memory_space<semaphore_mem>>)
        %dma_wait3A = arith.constant 8 : i32
        %dma_wait3A_56 = tpu.memref_slice %arg13[%dma_wait3A] : memref<16xi32, #tpu.memory_space<vmem>> -> memref<8xi32, #tpu.memory_space<vmem>>
        %dma_wait3A_57 = tpu.memref_slice %arg6[%scan3A_17, %add3A_4] : memref<16x1024xi32, #tpu.memory_space<hbm>> -> memref<1x8xi32, #tpu.memory_space<hbm>>
        %dma_wait3A_58 = tpu.memref_squeeze %dma_wait3A_57 : memref<1x8xi32, #tpu.memory_space<hbm>> -> memref<8xi32, #tpu.memory_space<hbm>>
        %dma_wait3A_59 = arith.constant 8 : i32
        %dma_wait3A_60 = tpu.memref_slice %arg13[%dma_wait3A_59] : memref<16xi32, #tpu.memory_space<vmem>> -> memref<8xi32, #tpu.memory_space<vmem>>
        %dma_wait3A_61 = tpu.memref_slice %arg6[%scan3A_17, %add3A_4] : memref<16x1024xi32, #tpu.memory_space<hbm>> -> memref<1x8xi32, #tpu.memory_space<hbm>>
        %dma_wait3A_62 = tpu.memref_squeeze %dma_wait3A_61 : memref<1x8xi32, #tpu.memory_space<hbm>> -> memref<8xi32, #tpu.memory_space<hbm>>
        tpu.wait_dma2 semaphore(%run_scoped3A : memref<!tpu.dma_semaphore, #tpu.memory_space<semaphore_mem>>) src(%dma_wait3A_62 : memref<8xi32, #tpu.memory_space<hbm>>) dst(%dma_wait3A_60 : memref<8xi32, #tpu.memory_space<vmem>>)
        tpu.yield
      }) : () -> ()
      %add3A_25 = arith.constant 512 : i32
      %add3A_26 = arith.addi %add3A_25, %mul3A_2 : i32
      "tpu.region"() ({
        %run_scoped3A = tpu.sem_alloc : memref<!tpu.dma_semaphore, #tpu.memory_space<semaphore_mem>>
        %dma_start3A = arith.constant 0 : i32
        %dma_start3A_49 = tpu.memref_slice %arg14[%dma_start3A] : memref<16xi32, #tpu.memory_space<vmem>> -> memref<8xi32, #tpu.memory_space<vmem>>
        %dma_start3A_50 = tpu.memref_slice %arg6[%scan3A_17, %add3A_26] : memref<16x1024xi32, #tpu.memory_space<hbm>> -> memref<1x8xi32, #tpu.memory_space<hbm>>
        %dma_start3A_51 = tpu.memref_squeeze %dma_start3A_50 : memref<1x8xi32, #tpu.memory_space<hbm>> -> memref<8xi32, #tpu.memory_space<hbm>>
        %dma_start3A_52 = arith.constant 0 : i32
        %dma_start3A_53 = tpu.memref_slice %arg14[%dma_start3A_52] : memref<16xi32, #tpu.memory_space<vmem>> -> memref<8xi32, #tpu.memory_space<vmem>>
        %dma_start3A_54 = tpu.memref_slice %arg6[%scan3A_17, %add3A_26] : memref<16x1024xi32, #tpu.memory_space<hbm>> -> memref<1x8xi32, #tpu.memory_space<hbm>>
        %dma_start3A_55 = tpu.memref_squeeze %dma_start3A_54 : memref<1x8xi32, #tpu.memory_space<hbm>> -> memref<8xi32, #tpu.memory_space<hbm>>
        tpu.enqueue_dma source(%dma_start3A_55 : memref<8xi32, #tpu.memory_space<hbm>>) target(%dma_start3A_53 : memref<8xi32, #tpu.memory_space<vmem>>) target_semaphore(%run_scoped3A : memref<!tpu.dma_semaphore, #tpu.memory_space<semaphore_mem>>)
        %dma_wait3A = arith.constant 0 : i32
        %dma_wait3A_56 = tpu.memref_slice %arg14[%dma_wait3A] : memref<16xi32, #tpu.memory_space<vmem>> -> memref<8xi32, #tpu.memory_space<vmem>>
        %dma_wait3A_57 = tpu.memref_slice %arg6[%scan3A_17, %add3A_26] : memref<16x1024xi32, #tpu.memory_space<hbm>> -> memref<1x8xi32, #tpu.memory_space<hbm>>
        %dma_wait3A_58 = tpu.memref_squeeze %dma_wait3A_57 : memref<1x8xi32, #tpu.memory_space<hbm>> -> memref<8xi32, #tpu.memory_space<hbm>>
        %dma_wait3A_59 = arith.constant 0 : i32
        %dma_wait3A_60 = tpu.memref_slice %arg14[%dma_wait3A_59] : memref<16xi32, #tpu.memory_space<vmem>> -> memref<8xi32, #tpu.memory_space<vmem>>
        %dma_wait3A_61 = tpu.memref_slice %arg6[%scan3A_17, %add3A_26] : memref<16x1024xi32, #tpu.memory_space<hbm>> -> memref<1x8xi32, #tpu.memory_space<hbm>>
        %dma_wait3A_62 = tpu.memref_squeeze %dma_wait3A_61 : memref<1x8xi32, #tpu.memory_space<hbm>> -> memref<8xi32, #tpu.memory_space<hbm>>
        tpu.wait_dma2 semaphore(%run_scoped3A : memref<!tpu.dma_semaphore, #tpu.memory_space<semaphore_mem>>) src(%dma_wait3A_62 : memref<8xi32, #tpu.memory_space<hbm>>) dst(%dma_wait3A_60 : memref<8xi32, #tpu.memory_space<vmem>>)
        tpu.yield
      }) : () -> ()
      %add3A_27 = arith.constant 512 : i32
      %add3A_28 = arith.addi %add3A_27, %add3A_4 : i32
      "tpu.region"() ({
        %run_scoped3A = tpu.sem_alloc : memref<!tpu.dma_semaphore, #tpu.memory_space<semaphore_mem>>
        %dma_start3A = arith.constant 8 : i32
        %dma_start3A_49 = tpu.memref_slice %arg14[%dma_start3A] : memref<16xi32, #tpu.memory_space<vmem>> -> memref<8xi32, #tpu.memory_space<vmem>>
        %dma_start3A_50 = tpu.memref_slice %arg6[%scan3A_17, %add3A_28] : memref<16x1024xi32, #tpu.memory_space<hbm>> -> memref<1x8xi32, #tpu.memory_space<hbm>>
        %dma_start3A_51 = tpu.memref_squeeze %dma_start3A_50 : memref<1x8xi32, #tpu.memory_space<hbm>> -> memref<8xi32, #tpu.memory_space<hbm>>
        %dma_start3A_52 = arith.constant 8 : i32
        %dma_start3A_53 = tpu.memref_slice %arg14[%dma_start3A_52] : memref<16xi32, #tpu.memory_space<vmem>> -> memref<8xi32, #tpu.memory_space<vmem>>
        %dma_start3A_54 = tpu.memref_slice %arg6[%scan3A_17, %add3A_28] : memref<16x1024xi32, #tpu.memory_space<hbm>> -> memref<1x8xi32, #tpu.memory_space<hbm>>
        %dma_start3A_55 = tpu.memref_squeeze %dma_start3A_54 : memref<1x8xi32, #tpu.memory_space<hbm>> -> memref<8xi32, #tpu.memory_space<hbm>>
        tpu.enqueue_dma source(%dma_start3A_55 : memref<8xi32, #tpu.memory_space<hbm>>) target(%dma_start3A_53 : memref<8xi32, #tpu.memory_space<vmem>>) target_semaphore(%run_scoped3A : memref<!tpu.dma_semaphore, #tpu.memory_space<semaphore_mem>>)
        %dma_wait3A = arith.constant 8 : i32
        %dma_wait3A_56 = tpu.memref_slice %arg14[%dma_wait3A] : memref<16xi32, #tpu.memory_space<vmem>> -> memref<8xi32, #tpu.memory_space<vmem>>
        %dma_wait3A_57 = tpu.memref_slice %arg6[%scan3A_17, %add3A_28] : memref<16x1024xi32, #tpu.memory_space<hbm>> -> memref<1x8xi32, #tpu.memory_space<hbm>>
        %dma_wait3A_58 = tpu.memref_squeeze %dma_wait3A_57 : memref<1x8xi32, #tpu.memory_space<hbm>> -> memref<8xi32, #tpu.memory_space<hbm>>
        %dma_wait3A_59 = arith.constant 8 : i32
        %dma_wait3A_60 = tpu.memref_slice %arg14[%dma_wait3A_59] : memref<16xi32, #tpu.memory_space<vmem>> -> memref<8xi32, #tpu.memory_space<vmem>>
        %dma_wait3A_61 = tpu.memref_slice %arg6[%scan3A_17, %add3A_28] : memref<16x1024xi32, #tpu.memory_space<hbm>> -> memref<1x8xi32, #tpu.memory_space<hbm>>
        %dma_wait3A_62 = tpu.memref_squeeze %dma_wait3A_61 : memref<1x8xi32, #tpu.memory_space<hbm>> -> memref<8xi32, #tpu.memory_space<hbm>>
        tpu.wait_dma2 semaphore(%run_scoped3A : memref<!tpu.dma_semaphore, #tpu.memory_space<semaphore_mem>>) src(%dma_wait3A_62 : memref<8xi32, #tpu.memory_space<hbm>>) dst(%dma_wait3A_60 : memref<8xi32, #tpu.memory_space<vmem>>)
        tpu.yield
      }) : () -> ()
      %scan3A_29 = arith.constant 0 : i32
      %scan3A_30 = arith.constant 0 : i32
      %scan3A_31 = arith.constant 32 : i32
      %scan3A_32 = arith.addi %scan3A_30, %scan3A_31 : i32
      %scan3A_33 = arith.constant 1 : i32
      scf.for %scan3A_49 = %scan3A_30 to %scan3A_32 step %scan3A_33  : i32 {
        %swap3A = arith.index_cast %scan3A_49 : i32 to index
        %swap3A_50 = arith.constant 0 : index
        %swap3A_51 = tpu.vector_load %arg8[%swap3A, %swap3A_50] {strides = array<i32>} : memref<32x2168xf32, #tpu.memory_space<vmem>>, vector<16xf32>,
        tpu.vector_store %arg8[%swap3A, %swap3A_50], %broadcast_in_dim3A_5 {strides = array<i32>} : memref<32x2168xf32, #tpu.memory_space<vmem>>, vector<16xf32>,
      }
      %scan3A_34 = arith.constant 32 : i32
      %scan3A_35 = arith.constant 0 : i32
      %scan3A_36 = arith.constant 0 : i32
      %scan3A_37 = arith.constant 16 : i32
      %scan3A_38 = arith.addi %scan3A_36, %scan3A_37 : i32
      %scan3A_39 = arith.constant 1 : i32
      scf.for %scan3A_49 = %scan3A_36 to %scan3A_38 step %scan3A_39  : i32 {
        %add3A_50 = arith.addi %mul3A_2, %scan3A_49 : i32
        %shift_right_logical3A = arith.constant 3 : i32
        %shift_right_logical3A_51 = arith.shrui %scan3A_49, %shift_right_logical3A : i32
        %mul3A_52 = arith.constant 248 : i32
        %mul3A_53 = arith.muli %mul3A_52, %shift_right_logical3A_51 : i32
        %add3A_54 = arith.addi %add3A_50, %mul3A_53 : i32
        %broadcast_in_dim3A_55 = vector.broadcast %add3A_54 : i32 to vector<16xi32>
        %iota3A = tpu.iota {dimensions = array<i32: 0>} : vector<16xi32>
        %eq3A = vector.broadcast %scan3A_49 : i32 to vector<16xi32>
        %eq3A_56 = arith.cmpi eq, %iota3A, %eq3A : vector<16xi32>
        %get3A = arith.constant 0 : index
        %get3A_57 = tpu.vector_load %arg13[%get3A] {strides = array<i32>} : memref<16xi32, #tpu.memory_space<vmem>>, vector<16xi32>,
        %jit3A = arith.constant 0 : i32
        %broadcast_in_dim3A_58 = vector.broadcast %jit3A : i32 to vector<16xi32>
        %select_n3A = arith.select %eq3A_56, %get3A_57, %broadcast_in_dim3A_58 : vector<16xi1>, vector<16xi32>
        %reduce_max3A = arith.constant true
        %reduce_max3A_59 = vector.broadcast %reduce_max3A : i1 to vector<16xi1>
        %reduce_max3A_60 = arith.constant -2147483648 : i32
        %reduce_max3A_61 = vector.broadcast %reduce_max3A_60 : i32 to vector<16xi32>
        %reduce_max3A_62 = arith.xori %select_n3A, %reduce_max3A_61 : vector<16xi32>
        %reduce_max3A_63 = tpu.scan <max>, %reduce_max3A_62 masked %reduce_max3A_59 : vector<16xi32>, vector<16xi1> -> vector<16xi32>
        %reduce_max3A_64 = arith.xori %reduce_max3A_63, %reduce_max3A_61 : vector<16xi32>
        %reduce_max3A_65 = vector.extract %reduce_max3A_64[15] : i32 from vector<16xi32>
        %get3A_66 = arith.constant 0 : index
        %get3A_67 = tpu.vector_load %arg14[%get3A_66] {strides = array<i32>} : memref<16xi32, #tpu.memory_space<vmem>>, vector<16xi32>,
        %jit3A_68 = arith.constant 0 : i32
        %broadcast_in_dim3A_69 = vector.broadcast %jit3A_68 : i32 to vector<16xi32>
        %select_n3A_70 = arith.select %eq3A_56, %get3A_67, %broadcast_in_dim3A_69 : vector<16xi1>, vector<16xi32>
        %reduce_max3A_71 = arith.constant true
        %reduce_max3A_72 = vector.broadcast %reduce_max3A_71 : i1 to vector<16xi1>
        %reduce_max3A_73 = arith.constant -2147483648 : i32
        %reduce_max3A_74 = vector.broadcast %reduce_max3A_73 : i32 to vector<16xi32>
        %reduce_max3A_75 = arith.xori %select_n3A_70, %reduce_max3A_74 : vector<16xi32>
        %reduce_max3A_76 = tpu.scan <max>, %reduce_max3A_75 masked %reduce_max3A_72 : vector<16xi32>, vector<16xi1> -> vector<16xi32>
        %reduce_max3A_77 = arith.xori %reduce_max3A_76, %reduce_max3A_74 : vector<16xi32>
        %reduce_max3A_78 = vector.extract %reduce_max3A_77[15] : i32 from vector<16xi32>
        %while3A = arith.constant 0 : i32
        %while3A_79 = arith.constant 0 : i32
        %while3A_80 = arith.subi %reduce_max3A_65, %while3A_79 : i32
        %while3A_81 = arith.addi %while3A_79, %while3A_80 : i32
        %while3A_82 = arith.constant 1 : i32
        %while3A_83 = arith.divsi %while3A_80, %while3A_82 : i32
        %while3A_84 = arith.muli %while3A_83, %while3A_82 : i32
        %while3A_85 = arith.addi %while3A_79, %while3A_84 : i32
        %while3A_86 = arith.constant 1 : i32
        scf.for %while3A_106 = %while3A_79 to %while3A_85 step %while3A_86  : i32 {
          %add3A_107 = arith.addi %mul3A_22, %scan3A_49 : i32
          %mul3A_108 = arith.constant 16 : i32
          %mul3A_109 = arith.muli %while3A_106, %mul3A_108 : i32
          %swap3A = arith.index_cast %add3A_107 : i32 to index
          %swap3A_110 = arith.index_cast %mul3A_109 : i32 to index
          %swap3A_111 = tpu.vector_load %arg11[%swap3A, %swap3A_110] {strides = array<i32>} : memref<32x512xf32, #tpu.memory_space<vmem>>, vector<16xf32>,
          tpu.vector_store %arg11[%swap3A, %swap3A_110], %broadcast_in_dim3A_5 {strides = array<i32>} : memref<32x512xf32, #tpu.memory_space<vmem>>, vector<16xf32>,
        }
        %while3A_87 = arith.constant 1 : i32
        scf.for %while3A_106 = %while3A_85 to %while3A_81 step %while3A_87  : i32 {
          %add3A_107 = arith.addi %mul3A_22, %scan3A_49 : i32
          %mul3A_108 = arith.constant 16 : i32
          %mul3A_109 = arith.muli %while3A_106, %mul3A_108 : i32
          %swap3A = arith.index_cast %add3A_107 : i32 to index
          %swap3A_110 = arith.index_cast %mul3A_109 : i32 to index
          %swap3A_111 = tpu.vector_load %arg11[%swap3A, %swap3A_110] {strides = array<i32>} : memref<32x512xf32, #tpu.memory_space<vmem>>, vector<16xf32>,
          tpu.vector_store %arg11[%swap3A, %swap3A_110], %broadcast_in_dim3A_5 {strides = array<i32>} : memref<32x512xf32, #tpu.memory_space<vmem>>, vector<16xf32>,
        }
        %while3A_88 = arith.constant 0 : i32
        %while3A_89 = arith.constant 32 : i32
        %while3A_90 = arith.subi %while3A_89, %reduce_max3A_78 : i32
        %while3A_91 = arith.addi %reduce_max3A_78, %while3A_90 : i32
        %while3A_92 = arith.constant 1 : i32
        %while3A_93 = arith.divsi %while3A_90, %while3A_92 : i32
        %while3A_94 = arith.muli %while3A_93, %while3A_92 : i32
        %while3A_95 = arith.addi %reduce_max3A_78, %while3A_94 : i32
        %while3A_96 = arith.constant 1 : i32
        scf.for %while3A_106 = %reduce_max3A_78 to %while3A_95 step %while3A_96  : i32 {
          %add3A_107 = arith.addi %mul3A_22, %scan3A_49 : i32
          %mul3A_108 = arith.constant 16 : i32
          %mul3A_109 = arith.muli %while3A_106, %mul3A_108 : i32
          %swap3A = arith.index_cast %add3A_107 : i32 to index
          %swap3A_110 = arith.index_cast %mul3A_109 : i32 to index
          %swap3A_111 = tpu.vector_load %arg11[%swap3A, %swap3A_110] {strides = array<i32>} : memref<32x512xf32, #tpu.memory_space<vmem>>, vector<16xf32>,
          tpu.vector_store %arg11[%swap3A, %swap3A_110], %broadcast_in_dim3A_5 {strides = array<i32>} : memref<32x512xf32, #tpu.memory_space<vmem>>, vector<16xf32>,
        }
        %while3A_97 = arith.constant 1 : i32
        scf.for %while3A_106 = %while3A_95 to %while3A_91 step %while3A_97  : i32 {
          %add3A_107 = arith.addi %mul3A_22, %scan3A_49 : i32
          %mul3A_108 = arith.constant 16 : i32
          %mul3A_109 = arith.muli %while3A_106, %mul3A_108 : i32
          %swap3A = arith.index_cast %add3A_107 : i32 to index
          %swap3A_110 = arith.index_cast %mul3A_109 : i32 to index
          %swap3A_111 = tpu.vector_load %arg11[%swap3A, %swap3A_110] {strides = array<i32>} : memref<32x512xf32, #tpu.memory_space<vmem>>, vector<16xf32>,
          tpu.vector_store %arg11[%swap3A, %swap3A_110], %broadcast_in_dim3A_5 {strides = array<i32>} : memref<32x512xf32, #tpu.memory_space<vmem>>, vector<16xf32>,
        }
        %while3A_98 = arith.subi %reduce_max3A_78, %reduce_max3A_65 : i32
        %while3A_99 = arith.addi %reduce_max3A_65, %while3A_98 : i32
        %while3A_100 = arith.constant 1 : i32
        %while3A_101 = arith.divsi %while3A_98, %while3A_100 : i32
        %while3A_102 = arith.muli %while3A_101, %while3A_100 : i32
        %while3A_103 = arith.addi %reduce_max3A_65, %while3A_102 : i32
        %while3A_104 = arith.constant 1 : i32
        scf.for %while3A_106 = %reduce_max3A_65 to %while3A_103 step %while3A_104  : i32 {
          %mul3A_107 = arith.constant 16 : i32
          %mul3A_108 = arith.muli %while3A_106, %mul3A_107 : i32
          %broadcast_in_dim3A_109 = arith.constant 0 : i32
          %broadcast_in_dim3A_110 = vector.broadcast %broadcast_in_dim3A_109 : i32 to vector<16xi32>
          %gather3A = tpu.vector_load_idx %arg10[%broadcast_in_dim3A_110, %broadcast_in_dim3A_55] : memref<32x512xf32, #tpu.memory_space<vmem>>[vector<16xi32>, vector<16xi32>], vector<16xf32>,
          %get3A_111 = arith.constant 0 : i32
          %get3A_112 = arith.index_cast %get3A_111 : i32 to index
          %get3A_113 = arith.index_cast %mul3A_108 : i32 to index
          %get3A_114 = tpu.vector_load %arg9[%get3A_112, %get3A_113] {strides = array<i32>} : memref<32x512xf32, #tpu.memory_space<vmem>>, vector<16xf32>,
          %add3A_115 = arith.addf %get3A_114, %gather3A : vector<16xf32>
          %ge3A_116 = arith.constant 0x499C6C80 : f32
          %ge3A_117 = vector.broadcast %ge3A_116 : f32 to vector<16xf32>
          %ge3A_118 = arith.cmpf oge, %add3A_115, %ge3A_117 : vector<16xf32>
          %le3A = arith.constant 0x4B1272A4 : f32
          %le3A_119 = vector.broadcast %le3A : f32 to vector<16xf32>
          %le3A_120 = arith.cmpf ole, %add3A_115, %le3A_119 : vector<16xf32>
          %and3A = arith.andi %ge3A_118, %le3A_120 : vector<16xi1>
          %bitcast3A = vector.bitcast %add3A_115 : vector<16xf32> to vector<16xi32>
          %shift_right_logical3A_121 = arith.constant 14 : i32
          %shift_right_logical3A_122 = vector.broadcast %shift_right_logical3A_121 : i32 to vector<16xi32>
          %shift_right_logical3A_123 = arith.shrui %bitcast3A, %shift_right_logical3A_122 : vector<16xi32>
          %sub3A = arith.constant 71680 : i32
          %sub3A_124 = vector.broadcast %sub3A : i32 to vector<16xi32>
          %sub3A_125 = arith.subi %shift_right_logical3A_123, %sub3A_124 : vector<16xi32>
          %gather3A_126 = tpu.vector_load_idx %arg12[%sub3A_125] : memref<6144xf32, #tpu.memory_space<vmem>>[vector<16xi32>], vector<16xf32>,
          %mul3A_127 = arith.constant 5.000000e-01 : f32
          %mul3A_128 = vector.broadcast %mul3A_127 : f32 to vector<16xf32>
          %mul3A_129 = arith.mulf %mul3A_128, %add3A_115 : vector<16xf32>
          %mul3A_130 = arith.mulf %mul3A_129, %gather3A_126 : vector<16xf32>
          %mul3A_131 = arith.mulf %mul3A_130, %gather3A_126 : vector<16xf32>
          %sub3A_132 = arith.constant 1.500000e+00 : f32
          %sub3A_133 = vector.broadcast %sub3A_132 : f32 to vector<16xf32>
          %sub3A_134 = arith.subf %sub3A_133, %mul3A_131 : vector<16xf32>
          %mul3A_135 = arith.mulf %gather3A_126, %sub3A_134 : vector<16xf32>
          %mul3A_136 = arith.mulf %add3A_115, %mul3A_135 : vector<16xf32>
          %add3A_137 = arith.constant -9.320000e+02 : f32
          %add3A_138 = vector.broadcast %add3A_137 : f32 to vector<16xf32>
          %add3A_139 = arith.addf %mul3A_136, %add3A_138 : vector<16xf32>
          %jit3A_140 = arith.constant 0.000000e+00 : f32
          %broadcast_in_dim3A_141 = vector.broadcast %jit3A_140 : f32 to vector<16xf32>
          %select_n3A_142 = arith.select %and3A, %add3A_139, %broadcast_in_dim3A_141 : vector<16xi1>, vector<16xf32>
          %convert_element_type3A_143 = arith.fptosi %select_n3A_142 : vector<16xf32> to vector<16xi32>
          %convert_element_type3A_144 = arith.sitofp %convert_element_type3A_143 : vector<16xi32> to vector<16xf32>
          %sub3A_145 = arith.subf %select_n3A_142, %convert_element_type3A_144 : vector<16xf32>
          %gather3A_146 = tpu.vector_load_idx %arg8[%broadcast_in_dim3A_110, %convert_element_type3A_143] : memref<32x2168xf32, #tpu.memory_space<vmem>>[vector<16xi32>, vector<16xi32>], vector<16xf32>,
          %add3A_147 = arith.constant 1 : i32
          %add3A_148 = vector.broadcast %add3A_147 : i32 to vector<16xi32>
          %add3A_149 = arith.addi %convert_element_type3A_143, %add3A_148 : vector<16xi32>
          %gather3A_150 = tpu.vector_load_idx %arg8[%broadcast_in_dim3A_110, %add3A_149] : memref<32x2168xf32, #tpu.memory_space<vmem>>[vector<16xi32>, vector<16xi32>], vector<16xf32>,
          %sub3A_151 = arith.subf %gather3A_150, %gather3A_146 : vector<16xf32>
          %mul3A_152 = arith.mulf %sub3A_145, %sub3A_151 : vector<16xf32>
          %add3A_153 = arith.addf %gather3A_146, %mul3A_152 : vector<16xf32>
          %add3A_154 = arith.addf %broadcast_in_dim3A_5, %add3A_153 : vector<16xf32>
          %broadcast_in_dim3A_155 = arith.constant 1 : i32
          %broadcast_in_dim3A_156 = vector.broadcast %broadcast_in_dim3A_155 : i32 to vector<16xi32>
          %gather3A_157 = tpu.vector_load_idx %arg10[%broadcast_in_dim3A_156, %broadcast_in_dim3A_55] : memref<32x512xf32, #tpu.memory_space<vmem>>[vector<16xi32>, vector<16xi32>], vector<16xf32>,
          %get3A_158 = arith.constant 1 : i32
          %get3A_159 = arith.index_cast %get3A_158 : i32 to index
          %get3A_160 = arith.index_cast %mul3A_108 : i32 to index
          %get3A_161 = tpu.vector_load %arg9[%get3A_159, %get3A_160] {strides = array<i32>} : memref<32x512xf32, #tpu.memory_space<vmem>>, vector<16xf32>,
          %add3A_162 = arith.addf %get3A_161, %gather3A_157 : vector<16xf32>
          %ge3A_163 = arith.constant 0x499C6C80 : f32
          %ge3A_164 = vector.broadcast %ge3A_163 : f32 to vector<16xf32>
          %ge3A_165 = arith.cmpf oge, %add3A_162, %ge3A_164 : vector<16xf32>
          %le3A_166 = arith.constant 0x4B1272A4 : f32
          %le3A_167 = vector.broadcast %le3A_166 : f32 to vector<16xf32>
          %le3A_168 = arith.cmpf ole, %add3A_162, %le3A_167 : vector<16xf32>
          %and3A_169 = arith.andi %ge3A_165, %le3A_168 : vector<16xi1>
          %bitcast3A_170 = vector.bitcast %add3A_162 : vector<16xf32> to vector<16xi32>
          %shift_right_logical3A_171 = arith.constant 14 : i32
          %shift_right_logical3A_172 = vector.broadcast %shift_right_logical3A_171 : i32 to vector<16xi32>
          %shift_right_logical3A_173 = arith.shrui %bitcast3A_170, %shift_right_logical3A_172 : vector<16xi32>
          %sub3A_174 = arith.constant 71680 : i32
          %sub3A_175 = vector.broadcast %sub3A_174 : i32 to vector<16xi32>
          %sub3A_176 = arith.subi %shift_right_logical3A_173, %sub3A_175 : vector<16xi32>
          %gather3A_177 = tpu.vector_load_idx %arg12[%sub3A_176] : memref<6144xf32, #tpu.memory_space<vmem>>[vector<16xi32>], vector<16xf32>,
          %mul3A_178 = arith.constant 5.000000e-01 : f32
          %mul3A_179 = vector.broadcast %mul3A_178 : f32 to vector<16xf32>
          %mul3A_180 = arith.mulf %mul3A_179, %add3A_162 : vector<16xf32>
          %mul3A_181 = arith.mulf %mul3A_180, %gather3A_177 : vector<16xf32>
          %mul3A_182 = arith.mulf %mul3A_181, %gather3A_177 : vector<16xf32>
          %sub3A_183 = arith.constant 1.500000e+00 : f32
          %sub3A_184 = vector.broadcast %sub3A_183 : f32 to vector<16xf32>
          %sub3A_185 = arith.subf %sub3A_184, %mul3A_182 : vector<16xf32>
          %mul3A_186 = arith.mulf %gather3A_177, %sub3A_185 : vector<16xf32>
          %mul3A_187 = arith.mulf %add3A_162, %mul3A_186 : vector<16xf32>
          %add3A_188 = arith.constant -9.320000e+02 : f32
          %add3A_189 = vector.broadcast %add3A_188 : f32 to vector<16xf32>
          %add3A_190 = arith.addf %mul3A_187, %add3A_189 : vector<16xf32>
          %jit3A_191 = arith.constant 0.000000e+00 : f32
          %broadcast_in_dim3A_192 = vector.broadcast %jit3A_191 : f32 to vector<16xf32>
          %select_n3A_193 = arith.select %and3A_169, %add3A_190, %broadcast_in_dim3A_192 : vector<16xi1>, vector<16xf32>
          %convert_element_type3A_194 = arith.fptosi %select_n3A_193 : vector<16xf32> to vector<16xi32>
          %convert_element_type3A_195 = arith.sitofp %convert_element_type3A_194 : vector<16xi32> to vector<16xf32>
          %sub3A_196 = arith.subf %select_n3A_193, %convert_element_type3A_195 : vector<16xf32>
          %gather3A_197 = tpu.vector_load_idx %arg8[%broadcast_in_dim3A_156, %convert_element_type3A_194] : memref<32x2168xf32, #tpu.memory_space<vmem>>[vector<16xi32>, vector<16xi32>], vector<16xf32>,
          %add3A_198 = arith.constant 1 : i32
          %add3A_199 = vector.broadcast %add3A_198 : i32 to vector<16xi32>
          %add3A_200 = arith.addi %convert_element_type3A_194, %add3A_199 : vector<16xi32>
          %gather3A_201 = tpu.vector_load_idx %arg8[%broadcast_in_dim3A_156, %add3A_200] : memref<32x2168xf32, #tpu.memory_space<vmem>>[vector<16xi32>, vector<16xi32>], vector<16xf32>,
          %sub3A_202 = arith.subf %gather3A_201, %gather3A_197 : vector<16xf32>
          %mul3A_203 = arith.mulf %sub3A_196, %sub3A_202 : vector<16xf32>
          %add3A_204 = arith.addf %gather3A_197, %mul3A_203 : vector<16xf32>
          %add3A_205 = arith.addf %add3A_154, %add3A_204 : vector<16xf32>
          %broadcast_in_dim3A_206 = arith.constant 2 : i32
          %broadcast_in_dim3A_207 = vector.broadcast %broadcast_in_dim3A_206 : i32 to vector<16xi32>
          %gather3A_208 = tpu.vector_load_idx %arg10[%broadcast_in_dim3A_207, %broadcast_in_dim3A_55] : memref<32x512xf32, #tpu.memory_space<vmem>>[vector<16xi32>, vector<16xi32>], vector<16xf32>,
          %get3A_209 = arith.constant 2 : i32
          %get3A_210 = arith.index_cast %get3A_209 : i32 to index
          %get3A_211 = arith.index_cast %mul3A_108 : i32 to index
          %get3A_212 = tpu.vector_load %arg9[%get3A_210, %get3A_211] {strides = array<i32>} : memref<32x512xf32, #tpu.memory_space<vmem>>, vector<16xf32>,
          %add3A_213 = arith.addf %get3A_212, %gather3A_208 : vector<16xf32>
          %ge3A_214 = arith.constant 0x499C6C80 : f32
          %ge3A_215 = vector.broadcast %ge3A_214 : f32 to vector<16xf32>
          %ge3A_216 = arith.cmpf oge, %add3A_213, %ge3A_215 : vector<16xf32>
          %le3A_217 = arith.constant 0x4B1272A4 : f32
          %le3A_218 = vector.broadcast %le3A_217 : f32 to vector<16xf32>
          %le3A_219 = arith.cmpf ole, %add3A_213, %le3A_218 : vector<16xf32>
          %and3A_220 = arith.andi %ge3A_216, %le3A_219 : vector<16xi1>
          %bitcast3A_221 = vector.bitcast %add3A_213 : vector<16xf32> to vector<16xi32>
          %shift_right_logical3A_222 = arith.constant 14 : i32
          %shift_right_logical3A_223 = vector.broadcast %shift_right_logical3A_222 : i32 to vector<16xi32>
          %shift_right_logical3A_224 = arith.shrui %bitcast3A_221, %shift_right_logical3A_223 : vector<16xi32>
          %sub3A_225 = arith.constant 71680 : i32
          %sub3A_226 = vector.broadcast %sub3A_225 : i32 to vector<16xi32>
          %sub3A_227 = arith.subi %shift_right_logical3A_224, %sub3A_226 : vector<16xi32>
          %gather3A_228 = tpu.vector_load_idx %arg12[%sub3A_227] : memref<6144xf32, #tpu.memory_space<vmem>>[vector<16xi32>], vector<16xf32>,
          %mul3A_229 = arith.constant 5.000000e-01 : f32
          %mul3A_230 = vector.broadcast %mul3A_229 : f32 to vector<16xf32>
          %mul3A_231 = arith.mulf %mul3A_230, %add3A_213 : vector<16xf32>
          %mul3A_232 = arith.mulf %mul3A_231, %gather3A_228 : vector<16xf32>
          %mul3A_233 = arith.mulf %mul3A_232, %gather3A_228 : vector<16xf32>
          %sub3A_234 = arith.constant 1.500000e+00 : f32
          %sub3A_235 = vector.broadcast %sub3A_234 : f32 to vector<16xf32>
          %sub3A_236 = arith.subf %sub3A_235, %mul3A_233 : vector<16xf32>
          %mul3A_237 = arith.mulf %gather3A_228, %sub3A_236 : vector<16xf32>
          %mul3A_238 = arith.mulf %add3A_213, %mul3A_237 : vector<16xf32>
          %add3A_239 = arith.constant -9.320000e+02 : f32
          %add3A_240 = vector.broadcast %add3A_239 : f32 to vector<16xf32>
          %add3A_241 = arith.addf %mul3A_238, %add3A_240 : vector<16xf32>
          %jit3A_242 = arith.constant 0.000000e+00 : f32
          %broadcast_in_dim3A_243 = vector.broadcast %jit3A_242 : f32 to vector<16xf32>
          %select_n3A_244 = arith.select %and3A_220, %add3A_241, %broadcast_in_dim3A_243 : vector<16xi1>, vector<16xf32>
          %convert_element_type3A_245 = arith.fptosi %select_n3A_244 : vector<16xf32> to vector<16xi32>
          %convert_element_type3A_246 = arith.sitofp %convert_element_type3A_245 : vector<16xi32> to vector<16xf32>
          %sub3A_247 = arith.subf %select_n3A_244, %convert_element_type3A_246 : vector<16xf32>
          %gather3A_248 = tpu.vector_load_idx %arg8[%broadcast_in_dim3A_207, %convert_element_type3A_245] : memref<32x2168xf32, #tpu.memory_space<vmem>>[vector<16xi32>, vector<16xi32>], vector<16xf32>,
          %add3A_249 = arith.constant 1 : i32
          %add3A_250 = vector.broadcast %add3A_249 : i32 to vector<16xi32>
          %add3A_251 = arith.addi %convert_element_type3A_245, %add3A_250 : vector<16xi32>
          %gather3A_252 = tpu.vector_load_idx %arg8[%broadcast_in_dim3A_207, %add3A_251] : memref<32x2168xf32, #tpu.memory_space<vmem>>[vector<16xi32>, vector<16xi32>], vector<16xf32>,
          %sub3A_253 = arith.subf %gather3A_252, %gather3A_248 : vector<16xf32>
          %mul3A_254 = arith.mulf %sub3A_247, %sub3A_253 : vector<16xf32>
          %add3A_255 = arith.addf %gather3A_248, %mul3A_254 : vector<16xf32>
          %add3A_256 = arith.addf %add3A_205, %add3A_255 : vector<16xf32>
          %broadcast_in_dim3A_257 = arith.constant 3 : i32
          %broadcast_in_dim3A_258 = vector.broadcast %broadcast_in_dim3A_257 : i32 to vector<16xi32>
          %gather3A_259 = tpu.vector_load_idx %arg10[%broadcast_in_dim3A_258, %broadcast_in_dim3A_55] : memref<32x512xf32, #tpu.memory_space<vmem>>[vector<16xi32>, vector<16xi32>], vector<16xf32>,
          %get3A_260 = arith.constant 3 : i32
          %get3A_261 = arith.index_cast %get3A_260 : i32 to index
          %get3A_262 = arith.index_cast %mul3A_108 : i32 to index
          %get3A_263 = tpu.vector_load %arg9[%get3A_261, %get3A_262] {strides = array<i32>} : memref<32x512xf32, #tpu.memory_space<vmem>>, vector<16xf32>,
          %add3A_264 = arith.addf %get3A_263, %gather3A_259 : vector<16xf32>
          %ge3A_265 = arith.constant 0x499C6C80 : f32
          %ge3A_266 = vector.broadcast %ge3A_265 : f32 to vector<16xf32>
          %ge3A_267 = arith.cmpf oge, %add3A_264, %ge3A_266 : vector<16xf32>
          %le3A_268 = arith.constant 0x4B1272A4 : f32
          %le3A_269 = vector.broadcast %le3A_268 : f32 to vector<16xf32>
          %le3A_270 = arith.cmpf ole, %add3A_264, %le3A_269 : vector<16xf32>
          %and3A_271 = arith.andi %ge3A_267, %le3A_270 : vector<16xi1>
          %bitcast3A_272 = vector.bitcast %add3A_264 : vector<16xf32> to vector<16xi32>
          %shift_right_logical3A_273 = arith.constant 14 : i32
          %shift_right_logical3A_274 = vector.broadcast %shift_right_logical3A_273 : i32 to vector<16xi32>
          %shift_right_logical3A_275 = arith.shrui %bitcast3A_272, %shift_right_logical3A_274 : vector<16xi32>
          %sub3A_276 = arith.constant 71680 : i32
          %sub3A_277 = vector.broadcast %sub3A_276 : i32 to vector<16xi32>
          %sub3A_278 = arith.subi %shift_right_logical3A_275, %sub3A_277 : vector<16xi32>
          %gather3A_279 = tpu.vector_load_idx %arg12[%sub3A_278] : memref<6144xf32, #tpu.memory_space<vmem>>[vector<16xi32>], vector<16xf32>,
          %mul3A_280 = arith.constant 5.000000e-01 : f32
          %mul3A_281 = vector.broadcast %mul3A_280 : f32 to vector<16xf32>
          %mul3A_282 = arith.mulf %mul3A_281, %add3A_264 : vector<16xf32>
          %mul3A_283 = arith.mulf %mul3A_282, %gather3A_279 : vector<16xf32>
          %mul3A_284 = arith.mulf %mul3A_283, %gather3A_279 : vector<16xf32>
          %sub3A_285 = arith.constant 1.500000e+00 : f32
          %sub3A_286 = vector.broadcast %sub3A_285 : f32 to vector<16xf32>
          %sub3A_287 = arith.subf %sub3A_286, %mul3A_284 : vector<16xf32>
          %mul3A_288 = arith.mulf %gather3A_279, %sub3A_287 : vector<16xf32>
          %mul3A_289 = arith.mulf %add3A_264, %mul3A_288 : vector<16xf32>
          %add3A_290 = arith.constant -9.320000e+02 : f32
          %add3A_291 = vector.broadcast %add3A_290 : f32 to vector<16xf32>
          %add3A_292 = arith.addf %mul3A_289, %add3A_291 : vector<16xf32>
          %jit3A_293 = arith.constant 0.000000e+00 : f32
          %broadcast_in_dim3A_294 = vector.broadcast %jit3A_293 : f32 to vector<16xf32>
          %select_n3A_295 = arith.select %and3A_271, %add3A_292, %broadcast_in_dim3A_294 : vector<16xi1>, vector<16xf32>
          %convert_element_type3A_296 = arith.fptosi %select_n3A_295 : vector<16xf32> to vector<16xi32>
          %convert_element_type3A_297 = arith.sitofp %convert_element_type3A_296 : vector<16xi32> to vector<16xf32>
          %sub3A_298 = arith.subf %select_n3A_295, %convert_element_type3A_297 : vector<16xf32>
          %gather3A_299 = tpu.vector_load_idx %arg8[%broadcast_in_dim3A_258, %convert_element_type3A_296] : memref<32x2168xf32, #tpu.memory_space<vmem>>[vector<16xi32>, vector<16xi32>], vector<16xf32>,
          %add3A_300 = arith.constant 1 : i32
          %add3A_301 = vector.broadcast %add3A_300 : i32 to vector<16xi32>
          %add3A_302 = arith.addi %convert_element_type3A_296, %add3A_301 : vector<16xi32>
          %gather3A_303 = tpu.vector_load_idx %arg8[%broadcast_in_dim3A_258, %add3A_302] : memref<32x2168xf32, #tpu.memory_space<vmem>>[vector<16xi32>, vector<16xi32>], vector<16xf32>,
          %sub3A_304 = arith.subf %gather3A_303, %gather3A_299 : vector<16xf32>
          %mul3A_305 = arith.mulf %sub3A_298, %sub3A_304 : vector<16xf32>
          %add3A_306 = arith.addf %gather3A_299, %mul3A_305 : vector<16xf32>
          %add3A_307 = arith.addf %add3A_256, %add3A_306 : vector<16xf32>
          %broadcast_in_dim3A_308 = arith.constant 4 : i32
          %broadcast_in_dim3A_309 = vector.broadcast %broadcast_in_dim3A_308 : i32 to vector<16xi32>
          %gather3A_310 = tpu.vector_load_idx %arg10[%broadcast_in_dim3A_309, %broadcast_in_dim3A_55] : memref<32x512xf32, #tpu.memory_space<vmem>>[vector<16xi32>, vector<16xi32>], vector<16xf32>,
          %get3A_311 = arith.constant 4 : i32
          %get3A_312 = arith.index_cast %get3A_311 : i32 to index
          %get3A_313 = arith.index_cast %mul3A_108 : i32 to index
          %get3A_314 = tpu.vector_load %arg9[%get3A_312, %get3A_313] {strides = array<i32>} : memref<32x512xf32, #tpu.memory_space<vmem>>, vector<16xf32>,
          %add3A_315 = arith.addf %get3A_314, %gather3A_310 : vector<16xf32>
          %ge3A_316 = arith.constant 0x499C6C80 : f32
          %ge3A_317 = vector.broadcast %ge3A_316 : f32 to vector<16xf32>
          %ge3A_318 = arith.cmpf oge, %add3A_315, %ge3A_317 : vector<16xf32>
          %le3A_319 = arith.constant 0x4B1272A4 : f32
          %le3A_320 = vector.broadcast %le3A_319 : f32 to vector<16xf32>
          %le3A_321 = arith.cmpf ole, %add3A_315, %le3A_320 : vector<16xf32>
          %and3A_322 = arith.andi %ge3A_318, %le3A_321 : vector<16xi1>
          %bitcast3A_323 = vector.bitcast %add3A_315 : vector<16xf32> to vector<16xi32>
          %shift_right_logical3A_324 = arith.constant 14 : i32
          %shift_right_logical3A_325 = vector.broadcast %shift_right_logical3A_324 : i32 to vector<16xi32>
          %shift_right_logical3A_326 = arith.shrui %bitcast3A_323, %shift_right_logical3A_325 : vector<16xi32>
          %sub3A_327 = arith.constant 71680 : i32
          %sub3A_328 = vector.broadcast %sub3A_327 : i32 to vector<16xi32>
          %sub3A_329 = arith.subi %shift_right_logical3A_326, %sub3A_328 : vector<16xi32>
          %gather3A_330 = tpu.vector_load_idx %arg12[%sub3A_329] : memref<6144xf32, #tpu.memory_space<vmem>>[vector<16xi32>], vector<16xf32>,
          %mul3A_331 = arith.constant 5.000000e-01 : f32
          %mul3A_332 = vector.broadcast %mul3A_331 : f32 to vector<16xf32>
          %mul3A_333 = arith.mulf %mul3A_332, %add3A_315 : vector<16xf32>
          %mul3A_334 = arith.mulf %mul3A_333, %gather3A_330 : vector<16xf32>
          %mul3A_335 = arith.mulf %mul3A_334, %gather3A_330 : vector<16xf32>
          %sub3A_336 = arith.constant 1.500000e+00 : f32
          %sub3A_337 = vector.broadcast %sub3A_336 : f32 to vector<16xf32>
          %sub3A_338 = arith.subf %sub3A_337, %mul3A_335 : vector<16xf32>
          %mul3A_339 = arith.mulf %gather3A_330, %sub3A_338 : vector<16xf32>
          %mul3A_340 = arith.mulf %add3A_315, %mul3A_339 : vector<16xf32>
          %add3A_341 = arith.constant -9.320000e+02 : f32
          %add3A_342 = vector.broadcast %add3A_341 : f32 to vector<16xf32>
          %add3A_343 = arith.addf %mul3A_340, %add3A_342 : vector<16xf32>
          %jit3A_344 = arith.constant 0.000000e+00 : f32
          %broadcast_in_dim3A_345 = vector.broadcast %jit3A_344 : f32 to vector<16xf32>
          %select_n3A_346 = arith.select %and3A_322, %add3A_343, %broadcast_in_dim3A_345 : vector<16xi1>, vector<16xf32>
          %convert_element_type3A_347 = arith.fptosi %select_n3A_346 : vector<16xf32> to vector<16xi32>
          %convert_element_type3A_348 = arith.sitofp %convert_element_type3A_347 : vector<16xi32> to vector<16xf32>
          %sub3A_349 = arith.subf %select_n3A_346, %convert_element_type3A_348 : vector<16xf32>
          %gather3A_350 = tpu.vector_load_idx %arg8[%broadcast_in_dim3A_309, %convert_element_type3A_347] : memref<32x2168xf32, #tpu.memory_space<vmem>>[vector<16xi32>, vector<16xi32>], vector<16xf32>,
          %add3A_351 = arith.constant 1 : i32
          %add3A_352 = vector.broadcast %add3A_351 : i32 to vector<16xi32>
          %add3A_353 = arith.addi %convert_element_type3A_347, %add3A_352 : vector<16xi32>
          %gather3A_354 = tpu.vector_load_idx %arg8[%broadcast_in_dim3A_309, %add3A_353] : memref<32x2168xf32, #tpu.memory_space<vmem>>[vector<16xi32>, vector<16xi32>], vector<16xf32>,
          %sub3A_355 = arith.subf %gather3A_354, %gather3A_350 : vector<16xf32>
          %mul3A_356 = arith.mulf %sub3A_349, %sub3A_355 : vector<16xf32>
          %add3A_357 = arith.addf %gather3A_350, %mul3A_356 : vector<16xf32>
          %add3A_358 = arith.addf %add3A_307, %add3A_357 : vector<16xf32>
          %broadcast_in_dim3A_359 = arith.constant 5 : i32
          %broadcast_in_dim3A_360 = vector.broadcast %broadcast_in_dim3A_359 : i32 to vector<16xi32>
          %gather3A_361 = tpu.vector_load_idx %arg10[%broadcast_in_dim3A_360, %broadcast_in_dim3A_55] : memref<32x512xf32, #tpu.memory_space<vmem>>[vector<16xi32>, vector<16xi32>], vector<16xf32>,
          %get3A_362 = arith.constant 5 : i32
          %get3A_363 = arith.index_cast %get3A_362 : i32 to index
          %get3A_364 = arith.index_cast %mul3A_108 : i32 to index
          %get3A_365 = tpu.vector_load %arg9[%get3A_363, %get3A_364] {strides = array<i32>} : memref<32x512xf32, #tpu.memory_space<vmem>>, vector<16xf32>,
          %add3A_366 = arith.addf %get3A_365, %gather3A_361 : vector<16xf32>
          %ge3A_367 = arith.constant 0x499C6C80 : f32
          %ge3A_368 = vector.broadcast %ge3A_367 : f32 to vector<16xf32>
          %ge3A_369 = arith.cmpf oge, %add3A_366, %ge3A_368 : vector<16xf32>
          %le3A_370 = arith.constant 0x4B1272A4 : f32
          %le3A_371 = vector.broadcast %le3A_370 : f32 to vector<16xf32>
          %le3A_372 = arith.cmpf ole, %add3A_366, %le3A_371 : vector<16xf32>
          %and3A_373 = arith.andi %ge3A_369, %le3A_372 : vector<16xi1>
          %bitcast3A_374 = vector.bitcast %add3A_366 : vector<16xf32> to vector<16xi32>
          %shift_right_logical3A_375 = arith.constant 14 : i32
          %shift_right_logical3A_376 = vector.broadcast %shift_right_logical3A_375 : i32 to vector<16xi32>
          %shift_right_logical3A_377 = arith.shrui %bitcast3A_374, %shift_right_logical3A_376 : vector<16xi32>
          %sub3A_378 = arith.constant 71680 : i32
          %sub3A_379 = vector.broadcast %sub3A_378 : i32 to vector<16xi32>
          %sub3A_380 = arith.subi %shift_right_logical3A_377, %sub3A_379 : vector<16xi32>
          %gather3A_381 = tpu.vector_load_idx %arg12[%sub3A_380] : memref<6144xf32, #tpu.memory_space<vmem>>[vector<16xi32>], vector<16xf32>,
          %mul3A_382 = arith.constant 5.000000e-01 : f32
          %mul3A_383 = vector.broadcast %mul3A_382 : f32 to vector<16xf32>
          %mul3A_384 = arith.mulf %mul3A_383, %add3A_366 : vector<16xf32>
          %mul3A_385 = arith.mulf %mul3A_384, %gather3A_381 : vector<16xf32>
          %mul3A_386 = arith.mulf %mul3A_385, %gather3A_381 : vector<16xf32>
          %sub3A_387 = arith.constant 1.500000e+00 : f32
          %sub3A_388 = vector.broadcast %sub3A_387 : f32 to vector<16xf32>
          %sub3A_389 = arith.subf %sub3A_388, %mul3A_386 : vector<16xf32>
          %mul3A_390 = arith.mulf %gather3A_381, %sub3A_389 : vector<16xf32>
          %mul3A_391 = arith.mulf %add3A_366, %mul3A_390 : vector<16xf32>
          %add3A_392 = arith.constant -9.320000e+02 : f32
          %add3A_393 = vector.broadcast %add3A_392 : f32 to vector<16xf32>
          %add3A_394 = arith.addf %mul3A_391, %add3A_393 : vector<16xf32>
          %jit3A_395 = arith.constant 0.000000e+00 : f32
          %broadcast_in_dim3A_396 = vector.broadcast %jit3A_395 : f32 to vector<16xf32>
          %select_n3A_397 = arith.select %and3A_373, %add3A_394, %broadcast_in_dim3A_396 : vector<16xi1>, vector<16xf32>
          %convert_element_type3A_398 = arith.fptosi %select_n3A_397 : vector<16xf32> to vector<16xi32>
          %convert_element_type3A_399 = arith.sitofp %convert_element_type3A_398 : vector<16xi32> to vector<16xf32>
          %sub3A_400 = arith.subf %select_n3A_397, %convert_element_type3A_399 : vector<16xf32>
          %gather3A_401 = tpu.vector_load_idx %arg8[%broadcast_in_dim3A_360, %convert_element_type3A_398] : memref<32x2168xf32, #tpu.memory_space<vmem>>[vector<16xi32>, vector<16xi32>], vector<16xf32>,
          %add3A_402 = arith.constant 1 : i32
          %add3A_403 = vector.broadcast %add3A_402 : i32 to vector<16xi32>
          %add3A_404 = arith.addi %convert_element_type3A_398, %add3A_403 : vector<16xi32>
          %gather3A_405 = tpu.vector_load_idx %arg8[%broadcast_in_dim3A_360, %add3A_404] : memref<32x2168xf32, #tpu.memory_space<vmem>>[vector<16xi32>, vector<16xi32>], vector<16xf32>,
          %sub3A_406 = arith.subf %gather3A_405, %gather3A_401 : vector<16xf32>
          %mul3A_407 = arith.mulf %sub3A_400, %sub3A_406 : vector<16xf32>
          %add3A_408 = arith.addf %gather3A_401, %mul3A_407 : vector<16xf32>
          %add3A_409 = arith.addf %add3A_358, %add3A_408 : vector<16xf32>
          %broadcast_in_dim3A_410 = arith.constant 6 : i32
          %broadcast_in_dim3A_411 = vector.broadcast %broadcast_in_dim3A_410 : i32 to vector<16xi32>
          %gather3A_412 = tpu.vector_load_idx %arg10[%broadcast_in_dim3A_411, %broadcast_in_dim3A_55] : memref<32x512xf32, #tpu.memory_space<vmem>>[vector<16xi32>, vector<16xi32>], vector<16xf32>,
          %get3A_413 = arith.constant 6 : i32
          %get3A_414 = arith.index_cast %get3A_413 : i32 to index
          %get3A_415 = arith.index_cast %mul3A_108 : i32 to index
          %get3A_416 = tpu.vector_load %arg9[%get3A_414, %get3A_415] {strides = array<i32>} : memref<32x512xf32, #tpu.memory_space<vmem>>, vector<16xf32>,
          %add3A_417 = arith.addf %get3A_416, %gather3A_412 : vector<16xf32>
          %ge3A_418 = arith.constant 0x499C6C80 : f32
          %ge3A_419 = vector.broadcast %ge3A_418 : f32 to vector<16xf32>
          %ge3A_420 = arith.cmpf oge, %add3A_417, %ge3A_419 : vector<16xf32>
          %le3A_421 = arith.constant 0x4B1272A4 : f32
          %le3A_422 = vector.broadcast %le3A_421 : f32 to vector<16xf32>
          %le3A_423 = arith.cmpf ole, %add3A_417, %le3A_422 : vector<16xf32>
          %and3A_424 = arith.andi %ge3A_420, %le3A_423 : vector<16xi1>
          %bitcast3A_425 = vector.bitcast %add3A_417 : vector<16xf32> to vector<16xi32>
          %shift_right_logical3A_426 = arith.constant 14 : i32
          %shift_right_logical3A_427 = vector.broadcast %shift_right_logical3A_426 : i32 to vector<16xi32>
          %shift_right_logical3A_428 = arith.shrui %bitcast3A_425, %shift_right_logical3A_427 : vector<16xi32>
          %sub3A_429 = arith.constant 71680 : i32
          %sub3A_430 = vector.broadcast %sub3A_429 : i32 to vector<16xi32>
          %sub3A_431 = arith.subi %shift_right_logical3A_428, %sub3A_430 : vector<16xi32>
          %gather3A_432 = tpu.vector_load_idx %arg12[%sub3A_431] : memref<6144xf32, #tpu.memory_space<vmem>>[vector<16xi32>], vector<16xf32>,
          %mul3A_433 = arith.constant 5.000000e-01 : f32
          %mul3A_434 = vector.broadcast %mul3A_433 : f32 to vector<16xf32>
          %mul3A_435 = arith.mulf %mul3A_434, %add3A_417 : vector<16xf32>
          %mul3A_436 = arith.mulf %mul3A_435, %gather3A_432 : vector<16xf32>
          %mul3A_437 = arith.mulf %mul3A_436, %gather3A_432 : vector<16xf32>
          %sub3A_438 = arith.constant 1.500000e+00 : f32
          %sub3A_439 = vector.broadcast %sub3A_438 : f32 to vector<16xf32>
          %sub3A_440 = arith.subf %sub3A_439, %mul3A_437 : vector<16xf32>
          %mul3A_441 = arith.mulf %gather3A_432, %sub3A_440 : vector<16xf32>
          %mul3A_442 = arith.mulf %add3A_417, %mul3A_441 : vector<16xf32>
          %add3A_443 = arith.constant -9.320000e+02 : f32
          %add3A_444 = vector.broadcast %add3A_443 : f32 to vector<16xf32>
          %add3A_445 = arith.addf %mul3A_442, %add3A_444 : vector<16xf32>
          %jit3A_446 = arith.constant 0.000000e+00 : f32
          %broadcast_in_dim3A_447 = vector.broadcast %jit3A_446 : f32 to vector<16xf32>
          %select_n3A_448 = arith.select %and3A_424, %add3A_445, %broadcast_in_dim3A_447 : vector<16xi1>, vector<16xf32>
          %convert_element_type3A_449 = arith.fptosi %select_n3A_448 : vector<16xf32> to vector<16xi32>
          %convert_element_type3A_450 = arith.sitofp %convert_element_type3A_449 : vector<16xi32> to vector<16xf32>
          %sub3A_451 = arith.subf %select_n3A_448, %convert_element_type3A_450 : vector<16xf32>
          %gather3A_452 = tpu.vector_load_idx %arg8[%broadcast_in_dim3A_411, %convert_element_type3A_449] : memref<32x2168xf32, #tpu.memory_space<vmem>>[vector<16xi32>, vector<16xi32>], vector<16xf32>,
          %add3A_453 = arith.constant 1 : i32
          %add3A_454 = vector.broadcast %add3A_453 : i32 to vector<16xi32>
          %add3A_455 = arith.addi %convert_element_type3A_449, %add3A_454 : vector<16xi32>
          %gather3A_456 = tpu.vector_load_idx %arg8[%broadcast_in_dim3A_411, %add3A_455] : memref<32x2168xf32, #tpu.memory_space<vmem>>[vector<16xi32>, vector<16xi32>], vector<16xf32>,
          %sub3A_457 = arith.subf %gather3A_456, %gather3A_452 : vector<16xf32>
          %mul3A_458 = arith.mulf %sub3A_451, %sub3A_457 : vector<16xf32>
          %add3A_459 = arith.addf %gather3A_452, %mul3A_458 : vector<16xf32>
          %add3A_460 = arith.addf %add3A_409, %add3A_459 : vector<16xf32>
          %broadcast_in_dim3A_461 = arith.constant 7 : i32
          %broadcast_in_dim3A_462 = vector.broadcast %broadcast_in_dim3A_461 : i32 to vector<16xi32>
          %gather3A_463 = tpu.vector_load_idx %arg10[%broadcast_in_dim3A_462, %broadcast_in_dim3A_55] : memref<32x512xf32, #tpu.memory_space<vmem>>[vector<16xi32>, vector<16xi32>], vector<16xf32>,
          %get3A_464 = arith.constant 7 : i32
          %get3A_465 = arith.index_cast %get3A_464 : i32 to index
          %get3A_466 = arith.index_cast %mul3A_108 : i32 to index
          %get3A_467 = tpu.vector_load %arg9[%get3A_465, %get3A_466] {strides = array<i32>} : memref<32x512xf32, #tpu.memory_space<vmem>>, vector<16xf32>,
          %add3A_468 = arith.addf %get3A_467, %gather3A_463 : vector<16xf32>
          %ge3A_469 = arith.constant 0x499C6C80 : f32
          %ge3A_470 = vector.broadcast %ge3A_469 : f32 to vector<16xf32>
          %ge3A_471 = arith.cmpf oge, %add3A_468, %ge3A_470 : vector<16xf32>
          %le3A_472 = arith.constant 0x4B1272A4 : f32
          %le3A_473 = vector.broadcast %le3A_472 : f32 to vector<16xf32>
          %le3A_474 = arith.cmpf ole, %add3A_468, %le3A_473 : vector<16xf32>
          %and3A_475 = arith.andi %ge3A_471, %le3A_474 : vector<16xi1>
          %bitcast3A_476 = vector.bitcast %add3A_468 : vector<16xf32> to vector<16xi32>
          %shift_right_logical3A_477 = arith.constant 14 : i32
          %shift_right_logical3A_478 = vector.broadcast %shift_right_logical3A_477 : i32 to vector<16xi32>
          %shift_right_logical3A_479 = arith.shrui %bitcast3A_476, %shift_right_logical3A_478 : vector<16xi32>
          %sub3A_480 = arith.constant 71680 : i32
          %sub3A_481 = vector.broadcast %sub3A_480 : i32 to vector<16xi32>
          %sub3A_482 = arith.subi %shift_right_logical3A_479, %sub3A_481 : vector<16xi32>
          %gather3A_483 = tpu.vector_load_idx %arg12[%sub3A_482] : memref<6144xf32, #tpu.memory_space<vmem>>[vector<16xi32>], vector<16xf32>,
          %mul3A_484 = arith.constant 5.000000e-01 : f32
          %mul3A_485 = vector.broadcast %mul3A_484 : f32 to vector<16xf32>
          %mul3A_486 = arith.mulf %mul3A_485, %add3A_468 : vector<16xf32>
          %mul3A_487 = arith.mulf %mul3A_486, %gather3A_483 : vector<16xf32>
          %mul3A_488 = arith.mulf %mul3A_487, %gather3A_483 : vector<16xf32>
          %sub3A_489 = arith.constant 1.500000e+00 : f32
          %sub3A_490 = vector.broadcast %sub3A_489 : f32 to vector<16xf32>
          %sub3A_491 = arith.subf %sub3A_490, %mul3A_488 : vector<16xf32>
          %mul3A_492 = arith.mulf %gather3A_483, %sub3A_491 : vector<16xf32>
          %mul3A_493 = arith.mulf %add3A_468, %mul3A_492 : vector<16xf32>
          %add3A_494 = arith.constant -9.320000e+02 : f32
          %add3A_495 = vector.broadcast %add3A_494 : f32 to vector<16xf32>
          %add3A_496 = arith.addf %mul3A_493, %add3A_495 : vector<16xf32>
          %jit3A_497 = arith.constant 0.000000e+00 : f32
          %broadcast_in_dim3A_498 = vector.broadcast %jit3A_497 : f32 to vector<16xf32>
          %select_n3A_499 = arith.select %and3A_475, %add3A_496, %broadcast_in_dim3A_498 : vector<16xi1>, vector<16xf32>
          %convert_element_type3A_500 = arith.fptosi %select_n3A_499 : vector<16xf32> to vector<16xi32>
          %convert_element_type3A_501 = arith.sitofp %convert_element_type3A_500 : vector<16xi32> to vector<16xf32>
          %sub3A_502 = arith.subf %select_n3A_499, %convert_element_type3A_501 : vector<16xf32>
          %gather3A_503 = tpu.vector_load_idx %arg8[%broadcast_in_dim3A_462, %convert_element_type3A_500] : memref<32x2168xf32, #tpu.memory_space<vmem>>[vector<16xi32>, vector<16xi32>], vector<16xf32>,
          %add3A_504 = arith.constant 1 : i32
          %add3A_505 = vector.broadcast %add3A_504 : i32 to vector<16xi32>
          %add3A_506 = arith.addi %convert_element_type3A_500, %add3A_505 : vector<16xi32>
          %gather3A_507 = tpu.vector_load_idx %arg8[%broadcast_in_dim3A_462, %add3A_506] : memref<32x2168xf32, #tpu.memory_space<vmem>>[vector<16xi32>, vector<16xi32>], vector<16xf32>,
          %sub3A_508 = arith.subf %gather3A_507, %gather3A_503 : vector<16xf32>
          %mul3A_509 = arith.mulf %sub3A_502, %sub3A_508 : vector<16xf32>
          %add3A_510 = arith.addf %gather3A_503, %mul3A_509 : vector<16xf32>
          %add3A_511 = arith.addf %add3A_460, %add3A_510 : vector<16xf32>
          %broadcast_in_dim3A_512 = arith.constant 8 : i32
          %broadcast_in_dim3A_513 = vector.broadcast %broadcast_in_dim3A_512 : i32 to vector<16xi32>
          %gather3A_514 = tpu.vector_load_idx %arg10[%broadcast_in_dim3A_513, %broadcast_in_dim3A_55] : memref<32x512xf32, #tpu.memory_space<vmem>>[vector<16xi32>, vector<16xi32>], vector<16xf32>,
          %get3A_515 = arith.constant 8 : i32
          %get3A_516 = arith.index_cast %get3A_515 : i32 to index
          %get3A_517 = arith.index_cast %mul3A_108 : i32 to index
          %get3A_518 = tpu.vector_load %arg9[%get3A_516, %get3A_517] {strides = array<i32>} : memref<32x512xf32, #tpu.memory_space<vmem>>, vector<16xf32>,
          %add3A_519 = arith.addf %get3A_518, %gather3A_514 : vector<16xf32>
          %ge3A_520 = arith.constant 0x499C6C80 : f32
          %ge3A_521 = vector.broadcast %ge3A_520 : f32 to vector<16xf32>
          %ge3A_522 = arith.cmpf oge, %add3A_519, %ge3A_521 : vector<16xf32>
          %le3A_523 = arith.constant 0x4B1272A4 : f32
          %le3A_524 = vector.broadcast %le3A_523 : f32 to vector<16xf32>
          %le3A_525 = arith.cmpf ole, %add3A_519, %le3A_524 : vector<16xf32>
          %and3A_526 = arith.andi %ge3A_522, %le3A_525 : vector<16xi1>
          %bitcast3A_527 = vector.bitcast %add3A_519 : vector<16xf32> to vector<16xi32>
          %shift_right_logical3A_528 = arith.constant 14 : i32
          %shift_right_logical3A_529 = vector.broadcast %shift_right_logical3A_528 : i32 to vector<16xi32>
          %shift_right_logical3A_530 = arith.shrui %bitcast3A_527, %shift_right_logical3A_529 : vector<16xi32>
          %sub3A_531 = arith.constant 71680 : i32
          %sub3A_532 = vector.broadcast %sub3A_531 : i32 to vector<16xi32>
          %sub3A_533 = arith.subi %shift_right_logical3A_530, %sub3A_532 : vector<16xi32>
          %gather3A_534 = tpu.vector_load_idx %arg12[%sub3A_533] : memref<6144xf32, #tpu.memory_space<vmem>>[vector<16xi32>], vector<16xf32>,
          %mul3A_535 = arith.constant 5.000000e-01 : f32
          %mul3A_536 = vector.broadcast %mul3A_535 : f32 to vector<16xf32>
          %mul3A_537 = arith.mulf %mul3A_536, %add3A_519 : vector<16xf32>
          %mul3A_538 = arith.mulf %mul3A_537, %gather3A_534 : vector<16xf32>
          %mul3A_539 = arith.mulf %mul3A_538, %gather3A_534 : vector<16xf32>
          %sub3A_540 = arith.constant 1.500000e+00 : f32
          %sub3A_541 = vector.broadcast %sub3A_540 : f32 to vector<16xf32>
          %sub3A_542 = arith.subf %sub3A_541, %mul3A_539 : vector<16xf32>
          %mul3A_543 = arith.mulf %gather3A_534, %sub3A_542 : vector<16xf32>
          %mul3A_544 = arith.mulf %add3A_519, %mul3A_543 : vector<16xf32>
          %add3A_545 = arith.constant -9.320000e+02 : f32
          %add3A_546 = vector.broadcast %add3A_545 : f32 to vector<16xf32>
          %add3A_547 = arith.addf %mul3A_544, %add3A_546 : vector<16xf32>
          %jit3A_548 = arith.constant 0.000000e+00 : f32
          %broadcast_in_dim3A_549 = vector.broadcast %jit3A_548 : f32 to vector<16xf32>
          %select_n3A_550 = arith.select %and3A_526, %add3A_547, %broadcast_in_dim3A_549 : vector<16xi1>, vector<16xf32>
          %convert_element_type3A_551 = arith.fptosi %select_n3A_550 : vector<16xf32> to vector<16xi32>
          %convert_element_type3A_552 = arith.sitofp %convert_element_type3A_551 : vector<16xi32> to vector<16xf32>
          %sub3A_553 = arith.subf %select_n3A_550, %convert_element_type3A_552 : vector<16xf32>
          %gather3A_554 = tpu.vector_load_idx %arg8[%broadcast_in_dim3A_513, %convert_element_type3A_551] : memref<32x2168xf32, #tpu.memory_space<vmem>>[vector<16xi32>, vector<16xi32>], vector<16xf32>,
          %add3A_555 = arith.constant 1 : i32
          %add3A_556 = vector.broadcast %add3A_555 : i32 to vector<16xi32>
          %add3A_557 = arith.addi %convert_element_type3A_551, %add3A_556 : vector<16xi32>
          %gather3A_558 = tpu.vector_load_idx %arg8[%broadcast_in_dim3A_513, %add3A_557] : memref<32x2168xf32, #tpu.memory_space<vmem>>[vector<16xi32>, vector<16xi32>], vector<16xf32>,
          %sub3A_559 = arith.subf %gather3A_558, %gather3A_554 : vector<16xf32>
          %mul3A_560 = arith.mulf %sub3A_553, %sub3A_559 : vector<16xf32>
          %add3A_561 = arith.addf %gather3A_554, %mul3A_560 : vector<16xf32>
          %add3A_562 = arith.addf %add3A_511, %add3A_561 : vector<16xf32>
          %broadcast_in_dim3A_563 = arith.constant 9 : i32
          %broadcast_in_dim3A_564 = vector.broadcast %broadcast_in_dim3A_563 : i32 to vector<16xi32>
          %gather3A_565 = tpu.vector_load_idx %arg10[%broadcast_in_dim3A_564, %broadcast_in_dim3A_55] : memref<32x512xf32, #tpu.memory_space<vmem>>[vector<16xi32>, vector<16xi32>], vector<16xf32>,
          %get3A_566 = arith.constant 9 : i32
          %get3A_567 = arith.index_cast %get3A_566 : i32 to index
          %get3A_568 = arith.index_cast %mul3A_108 : i32 to index
          %get3A_569 = tpu.vector_load %arg9[%get3A_567, %get3A_568] {strides = array<i32>} : memref<32x512xf32, #tpu.memory_space<vmem>>, vector<16xf32>,
          %add3A_570 = arith.addf %get3A_569, %gather3A_565 : vector<16xf32>
          %ge3A_571 = arith.constant 0x499C6C80 : f32
          %ge3A_572 = vector.broadcast %ge3A_571 : f32 to vector<16xf32>
          %ge3A_573 = arith.cmpf oge, %add3A_570, %ge3A_572 : vector<16xf32>
          %le3A_574 = arith.constant 0x4B1272A4 : f32
          %le3A_575 = vector.broadcast %le3A_574 : f32 to vector<16xf32>
          %le3A_576 = arith.cmpf ole, %add3A_570, %le3A_575 : vector<16xf32>
          %and3A_577 = arith.andi %ge3A_573, %le3A_576 : vector<16xi1>
          %bitcast3A_578 = vector.bitcast %add3A_570 : vector<16xf32> to vector<16xi32>
          %shift_right_logical3A_579 = arith.constant 14 : i32
          %shift_right_logical3A_580 = vector.broadcast %shift_right_logical3A_579 : i32 to vector<16xi32>
          %shift_right_logical3A_581 = arith.shrui %bitcast3A_578, %shift_right_logical3A_580 : vector<16xi32>
          %sub3A_582 = arith.constant 71680 : i32
          %sub3A_583 = vector.broadcast %sub3A_582 : i32 to vector<16xi32>
          %sub3A_584 = arith.subi %shift_right_logical3A_581, %sub3A_583 : vector<16xi32>
          %gather3A_585 = tpu.vector_load_idx %arg12[%sub3A_584] : memref<6144xf32, #tpu.memory_space<vmem>>[vector<16xi32>], vector<16xf32>,
          %mul3A_586 = arith.constant 5.000000e-01 : f32
          %mul3A_587 = vector.broadcast %mul3A_586 : f32 to vector<16xf32>
          %mul3A_588 = arith.mulf %mul3A_587, %add3A_570 : vector<16xf32>
          %mul3A_589 = arith.mulf %mul3A_588, %gather3A_585 : vector<16xf32>
          %mul3A_590 = arith.mulf %mul3A_589, %gather3A_585 : vector<16xf32>
          %sub3A_591 = arith.constant 1.500000e+00 : f32
          %sub3A_592 = vector.broadcast %sub3A_591 : f32 to vector<16xf32>
          %sub3A_593 = arith.subf %sub3A_592, %mul3A_590 : vector<16xf32>
          %mul3A_594 = arith.mulf %gather3A_585, %sub3A_593 : vector<16xf32>
          %mul3A_595 = arith.mulf %add3A_570, %mul3A_594 : vector<16xf32>
          %add3A_596 = arith.constant -9.320000e+02 : f32
          %add3A_597 = vector.broadcast %add3A_596 : f32 to vector<16xf32>
          %add3A_598 = arith.addf %mul3A_595, %add3A_597 : vector<16xf32>
          %jit3A_599 = arith.constant 0.000000e+00 : f32
          %broadcast_in_dim3A_600 = vector.broadcast %jit3A_599 : f32 to vector<16xf32>
          %select_n3A_601 = arith.select %and3A_577, %add3A_598, %broadcast_in_dim3A_600 : vector<16xi1>, vector<16xf32>
          %convert_element_type3A_602 = arith.fptosi %select_n3A_601 : vector<16xf32> to vector<16xi32>
          %convert_element_type3A_603 = arith.sitofp %convert_element_type3A_602 : vector<16xi32> to vector<16xf32>
          %sub3A_604 = arith.subf %select_n3A_601, %convert_element_type3A_603 : vector<16xf32>
          %gather3A_605 = tpu.vector_load_idx %arg8[%broadcast_in_dim3A_564, %convert_element_type3A_602] : memref<32x2168xf32, #tpu.memory_space<vmem>>[vector<16xi32>, vector<16xi32>], vector<16xf32>,
          %add3A_606 = arith.constant 1 : i32
          %add3A_607 = vector.broadcast %add3A_606 : i32 to vector<16xi32>
          %add3A_608 = arith.addi %convert_element_type3A_602, %add3A_607 : vector<16xi32>
          %gather3A_609 = tpu.vector_load_idx %arg8[%broadcast_in_dim3A_564, %add3A_608] : memref<32x2168xf32, #tpu.memory_space<vmem>>[vector<16xi32>, vector<16xi32>], vector<16xf32>,
          %sub3A_610 = arith.subf %gather3A_609, %gather3A_605 : vector<16xf32>
          %mul3A_611 = arith.mulf %sub3A_604, %sub3A_610 : vector<16xf32>
          %add3A_612 = arith.addf %gather3A_605, %mul3A_611 : vector<16xf32>
          %add3A_613 = arith.addf %add3A_562, %add3A_612 : vector<16xf32>
          %broadcast_in_dim3A_614 = arith.constant 10 : i32
          %broadcast_in_dim3A_615 = vector.broadcast %broadcast_in_dim3A_614 : i32 to vector<16xi32>
          %gather3A_616 = tpu.vector_load_idx %arg10[%broadcast_in_dim3A_615, %broadcast_in_dim3A_55] : memref<32x512xf32, #tpu.memory_space<vmem>>[vector<16xi32>, vector<16xi32>], vector<16xf32>,
          %get3A_617 = arith.constant 10 : i32
          %get3A_618 = arith.index_cast %get3A_617 : i32 to index
          %get3A_619 = arith.index_cast %mul3A_108 : i32 to index
          %get3A_620 = tpu.vector_load %arg9[%get3A_618, %get3A_619] {strides = array<i32>} : memref<32x512xf32, #tpu.memory_space<vmem>>, vector<16xf32>,
          %add3A_621 = arith.addf %get3A_620, %gather3A_616 : vector<16xf32>
          %ge3A_622 = arith.constant 0x499C6C80 : f32
          %ge3A_623 = vector.broadcast %ge3A_622 : f32 to vector<16xf32>
          %ge3A_624 = arith.cmpf oge, %add3A_621, %ge3A_623 : vector<16xf32>
          %le3A_625 = arith.constant 0x4B1272A4 : f32
          %le3A_626 = vector.broadcast %le3A_625 : f32 to vector<16xf32>
          %le3A_627 = arith.cmpf ole, %add3A_621, %le3A_626 : vector<16xf32>
          %and3A_628 = arith.andi %ge3A_624, %le3A_627 : vector<16xi1>
          %bitcast3A_629 = vector.bitcast %add3A_621 : vector<16xf32> to vector<16xi32>
          %shift_right_logical3A_630 = arith.constant 14 : i32
          %shift_right_logical3A_631 = vector.broadcast %shift_right_logical3A_630 : i32 to vector<16xi32>
          %shift_right_logical3A_632 = arith.shrui %bitcast3A_629, %shift_right_logical3A_631 : vector<16xi32>
          %sub3A_633 = arith.constant 71680 : i32
          %sub3A_634 = vector.broadcast %sub3A_633 : i32 to vector<16xi32>
          %sub3A_635 = arith.subi %shift_right_logical3A_632, %sub3A_634 : vector<16xi32>
          %gather3A_636 = tpu.vector_load_idx %arg12[%sub3A_635] : memref<6144xf32, #tpu.memory_space<vmem>>[vector<16xi32>], vector<16xf32>,
          %mul3A_637 = arith.constant 5.000000e-01 : f32
          %mul3A_638 = vector.broadcast %mul3A_637 : f32 to vector<16xf32>
          %mul3A_639 = arith.mulf %mul3A_638, %add3A_621 : vector<16xf32>
          %mul3A_640 = arith.mulf %mul3A_639, %gather3A_636 : vector<16xf32>
          %mul3A_641 = arith.mulf %mul3A_640, %gather3A_636 : vector<16xf32>
          %sub3A_642 = arith.constant 1.500000e+00 : f32
          %sub3A_643 = vector.broadcast %sub3A_642 : f32 to vector<16xf32>
          %sub3A_644 = arith.subf %sub3A_643, %mul3A_641 : vector<16xf32>
          %mul3A_645 = arith.mulf %gather3A_636, %sub3A_644 : vector<16xf32>
          %mul3A_646 = arith.mulf %add3A_621, %mul3A_645 : vector<16xf32>
          %add3A_647 = arith.constant -9.320000e+02 : f32
          %add3A_648 = vector.broadcast %add3A_647 : f32 to vector<16xf32>
          %add3A_649 = arith.addf %mul3A_646, %add3A_648 : vector<16xf32>
          %jit3A_650 = arith.constant 0.000000e+00 : f32
          %broadcast_in_dim3A_651 = vector.broadcast %jit3A_650 : f32 to vector<16xf32>
          %select_n3A_652 = arith.select %and3A_628, %add3A_649, %broadcast_in_dim3A_651 : vector<16xi1>, vector<16xf32>
          %convert_element_type3A_653 = arith.fptosi %select_n3A_652 : vector<16xf32> to vector<16xi32>
          %convert_element_type3A_654 = arith.sitofp %convert_element_type3A_653 : vector<16xi32> to vector<16xf32>
          %sub3A_655 = arith.subf %select_n3A_652, %convert_element_type3A_654 : vector<16xf32>
          %gather3A_656 = tpu.vector_load_idx %arg8[%broadcast_in_dim3A_615, %convert_element_type3A_653] : memref<32x2168xf32, #tpu.memory_space<vmem>>[vector<16xi32>, vector<16xi32>], vector<16xf32>,
          %add3A_657 = arith.constant 1 : i32
          %add3A_658 = vector.broadcast %add3A_657 : i32 to vector<16xi32>
          %add3A_659 = arith.addi %convert_element_type3A_653, %add3A_658 : vector<16xi32>
          %gather3A_660 = tpu.vector_load_idx %arg8[%broadcast_in_dim3A_615, %add3A_659] : memref<32x2168xf32, #tpu.memory_space<vmem>>[vector<16xi32>, vector<16xi32>], vector<16xf32>,
          %sub3A_661 = arith.subf %gather3A_660, %gather3A_656 : vector<16xf32>
          %mul3A_662 = arith.mulf %sub3A_655, %sub3A_661 : vector<16xf32>
          %add3A_663 = arith.addf %gather3A_656, %mul3A_662 : vector<16xf32>
          %add3A_664 = arith.addf %add3A_613, %add3A_663 : vector<16xf32>
          %broadcast_in_dim3A_665 = arith.constant 11 : i32
          %broadcast_in_dim3A_666 = vector.broadcast %broadcast_in_dim3A_665 : i32 to vector<16xi32>
          %gather3A_667 = tpu.vector_load_idx %arg10[%broadcast_in_dim3A_666, %broadcast_in_dim3A_55] : memref<32x512xf32, #tpu.memory_space<vmem>>[vector<16xi32>, vector<16xi32>], vector<16xf32>,
          %get3A_668 = arith.constant 11 : i32
          %get3A_669 = arith.index_cast %get3A_668 : i32 to index
          %get3A_670 = arith.index_cast %mul3A_108 : i32 to index
          %get3A_671 = tpu.vector_load %arg9[%get3A_669, %get3A_670] {strides = array<i32>} : memref<32x512xf32, #tpu.memory_space<vmem>>, vector<16xf32>,
          %add3A_672 = arith.addf %get3A_671, %gather3A_667 : vector<16xf32>
          %ge3A_673 = arith.constant 0x499C6C80 : f32
          %ge3A_674 = vector.broadcast %ge3A_673 : f32 to vector<16xf32>
          %ge3A_675 = arith.cmpf oge, %add3A_672, %ge3A_674 : vector<16xf32>
          %le3A_676 = arith.constant 0x4B1272A4 : f32
          %le3A_677 = vector.broadcast %le3A_676 : f32 to vector<16xf32>
          %le3A_678 = arith.cmpf ole, %add3A_672, %le3A_677 : vector<16xf32>
          %and3A_679 = arith.andi %ge3A_675, %le3A_678 : vector<16xi1>
          %bitcast3A_680 = vector.bitcast %add3A_672 : vector<16xf32> to vector<16xi32>
          %shift_right_logical3A_681 = arith.constant 14 : i32
          %shift_right_logical3A_682 = vector.broadcast %shift_right_logical3A_681 : i32 to vector<16xi32>
          %shift_right_logical3A_683 = arith.shrui %bitcast3A_680, %shift_right_logical3A_682 : vector<16xi32>
          %sub3A_684 = arith.constant 71680 : i32
          %sub3A_685 = vector.broadcast %sub3A_684 : i32 to vector<16xi32>
          %sub3A_686 = arith.subi %shift_right_logical3A_683, %sub3A_685 : vector<16xi32>
          %gather3A_687 = tpu.vector_load_idx %arg12[%sub3A_686] : memref<6144xf32, #tpu.memory_space<vmem>>[vector<16xi32>], vector<16xf32>,
          %mul3A_688 = arith.constant 5.000000e-01 : f32
          %mul3A_689 = vector.broadcast %mul3A_688 : f32 to vector<16xf32>
          %mul3A_690 = arith.mulf %mul3A_689, %add3A_672 : vector<16xf32>
          %mul3A_691 = arith.mulf %mul3A_690, %gather3A_687 : vector<16xf32>
          %mul3A_692 = arith.mulf %mul3A_691, %gather3A_687 : vector<16xf32>
          %sub3A_693 = arith.constant 1.500000e+00 : f32
          %sub3A_694 = vector.broadcast %sub3A_693 : f32 to vector<16xf32>
          %sub3A_695 = arith.subf %sub3A_694, %mul3A_692 : vector<16xf32>
          %mul3A_696 = arith.mulf %gather3A_687, %sub3A_695 : vector<16xf32>
          %mul3A_697 = arith.mulf %add3A_672, %mul3A_696 : vector<16xf32>
          %add3A_698 = arith.constant -9.320000e+02 : f32
          %add3A_699 = vector.broadcast %add3A_698 : f32 to vector<16xf32>
          %add3A_700 = arith.addf %mul3A_697, %add3A_699 : vector<16xf32>
          %jit3A_701 = arith.constant 0.000000e+00 : f32
          %broadcast_in_dim3A_702 = vector.broadcast %jit3A_701 : f32 to vector<16xf32>
          %select_n3A_703 = arith.select %and3A_679, %add3A_700, %broadcast_in_dim3A_702 : vector<16xi1>, vector<16xf32>
          %convert_element_type3A_704 = arith.fptosi %select_n3A_703 : vector<16xf32> to vector<16xi32>
          %convert_element_type3A_705 = arith.sitofp %convert_element_type3A_704 : vector<16xi32> to vector<16xf32>
          %sub3A_706 = arith.subf %select_n3A_703, %convert_element_type3A_705 : vector<16xf32>
          %gather3A_707 = tpu.vector_load_idx %arg8[%broadcast_in_dim3A_666, %convert_element_type3A_704] : memref<32x2168xf32, #tpu.memory_space<vmem>>[vector<16xi32>, vector<16xi32>], vector<16xf32>,
          %add3A_708 = arith.constant 1 : i32
          %add3A_709 = vector.broadcast %add3A_708 : i32 to vector<16xi32>
          %add3A_710 = arith.addi %convert_element_type3A_704, %add3A_709 : vector<16xi32>
          %gather3A_711 = tpu.vector_load_idx %arg8[%broadcast_in_dim3A_666, %add3A_710] : memref<32x2168xf32, #tpu.memory_space<vmem>>[vector<16xi32>, vector<16xi32>], vector<16xf32>,
          %sub3A_712 = arith.subf %gather3A_711, %gather3A_707 : vector<16xf32>
          %mul3A_713 = arith.mulf %sub3A_706, %sub3A_712 : vector<16xf32>
          %add3A_714 = arith.addf %gather3A_707, %mul3A_713 : vector<16xf32>
          %add3A_715 = arith.addf %add3A_664, %add3A_714 : vector<16xf32>
          %broadcast_in_dim3A_716 = arith.constant 12 : i32
          %broadcast_in_dim3A_717 = vector.broadcast %broadcast_in_dim3A_716 : i32 to vector<16xi32>
          %gather3A_718 = tpu.vector_load_idx %arg10[%broadcast_in_dim3A_717, %broadcast_in_dim3A_55] : memref<32x512xf32, #tpu.memory_space<vmem>>[vector<16xi32>, vector<16xi32>], vector<16xf32>,
          %get3A_719 = arith.constant 12 : i32
          %get3A_720 = arith.index_cast %get3A_719 : i32 to index
          %get3A_721 = arith.index_cast %mul3A_108 : i32 to index
          %get3A_722 = tpu.vector_load %arg9[%get3A_720, %get3A_721] {strides = array<i32>} : memref<32x512xf32, #tpu.memory_space<vmem>>, vector<16xf32>,
          %add3A_723 = arith.addf %get3A_722, %gather3A_718 : vector<16xf32>
          %ge3A_724 = arith.constant 0x499C6C80 : f32
          %ge3A_725 = vector.broadcast %ge3A_724 : f32 to vector<16xf32>
          %ge3A_726 = arith.cmpf oge, %add3A_723, %ge3A_725 : vector<16xf32>
          %le3A_727 = arith.constant 0x4B1272A4 : f32
          %le3A_728 = vector.broadcast %le3A_727 : f32 to vector<16xf32>
          %le3A_729 = arith.cmpf ole, %add3A_723, %le3A_728 : vector<16xf32>
          %and3A_730 = arith.andi %ge3A_726, %le3A_729 : vector<16xi1>
          %bitcast3A_731 = vector.bitcast %add3A_723 : vector<16xf32> to vector<16xi32>
          %shift_right_logical3A_732 = arith.constant 14 : i32
          %shift_right_logical3A_733 = vector.broadcast %shift_right_logical3A_732 : i32 to vector<16xi32>
          %shift_right_logical3A_734 = arith.shrui %bitcast3A_731, %shift_right_logical3A_733 : vector<16xi32>
          %sub3A_735 = arith.constant 71680 : i32
          %sub3A_736 = vector.broadcast %sub3A_735 : i32 to vector<16xi32>
          %sub3A_737 = arith.subi %shift_right_logical3A_734, %sub3A_736 : vector<16xi32>
          %gather3A_738 = tpu.vector_load_idx %arg12[%sub3A_737] : memref<6144xf32, #tpu.memory_space<vmem>>[vector<16xi32>], vector<16xf32>,
          %mul3A_739 = arith.constant 5.000000e-01 : f32
          %mul3A_740 = vector.broadcast %mul3A_739 : f32 to vector<16xf32>
          %mul3A_741 = arith.mulf %mul3A_740, %add3A_723 : vector<16xf32>
          %mul3A_742 = arith.mulf %mul3A_741, %gather3A_738 : vector<16xf32>
          %mul3A_743 = arith.mulf %mul3A_742, %gather3A_738 : vector<16xf32>
          %sub3A_744 = arith.constant 1.500000e+00 : f32
          %sub3A_745 = vector.broadcast %sub3A_744 : f32 to vector<16xf32>
          %sub3A_746 = arith.subf %sub3A_745, %mul3A_743 : vector<16xf32>
          %mul3A_747 = arith.mulf %gather3A_738, %sub3A_746 : vector<16xf32>
          %mul3A_748 = arith.mulf %add3A_723, %mul3A_747 : vector<16xf32>
          %add3A_749 = arith.constant -9.320000e+02 : f32
          %add3A_750 = vector.broadcast %add3A_749 : f32 to vector<16xf32>
          %add3A_751 = arith.addf %mul3A_748, %add3A_750 : vector<16xf32>
          %jit3A_752 = arith.constant 0.000000e+00 : f32
          %broadcast_in_dim3A_753 = vector.broadcast %jit3A_752 : f32 to vector<16xf32>
          %select_n3A_754 = arith.select %and3A_730, %add3A_751, %broadcast_in_dim3A_753 : vector<16xi1>, vector<16xf32>
          %convert_element_type3A_755 = arith.fptosi %select_n3A_754 : vector<16xf32> to vector<16xi32>
          %convert_element_type3A_756 = arith.sitofp %convert_element_type3A_755 : vector<16xi32> to vector<16xf32>
          %sub3A_757 = arith.subf %select_n3A_754, %convert_element_type3A_756 : vector<16xf32>
          %gather3A_758 = tpu.vector_load_idx %arg8[%broadcast_in_dim3A_717, %convert_element_type3A_755] : memref<32x2168xf32, #tpu.memory_space<vmem>>[vector<16xi32>, vector<16xi32>], vector<16xf32>,
          %add3A_759 = arith.constant 1 : i32
          %add3A_760 = vector.broadcast %add3A_759 : i32 to vector<16xi32>
          %add3A_761 = arith.addi %convert_element_type3A_755, %add3A_760 : vector<16xi32>
          %gather3A_762 = tpu.vector_load_idx %arg8[%broadcast_in_dim3A_717, %add3A_761] : memref<32x2168xf32, #tpu.memory_space<vmem>>[vector<16xi32>, vector<16xi32>], vector<16xf32>,
          %sub3A_763 = arith.subf %gather3A_762, %gather3A_758 : vector<16xf32>
          %mul3A_764 = arith.mulf %sub3A_757, %sub3A_763 : vector<16xf32>
          %add3A_765 = arith.addf %gather3A_758, %mul3A_764 : vector<16xf32>
          %add3A_766 = arith.addf %add3A_715, %add3A_765 : vector<16xf32>
          %broadcast_in_dim3A_767 = arith.constant 13 : i32
          %broadcast_in_dim3A_768 = vector.broadcast %broadcast_in_dim3A_767 : i32 to vector<16xi32>
          %gather3A_769 = tpu.vector_load_idx %arg10[%broadcast_in_dim3A_768, %broadcast_in_dim3A_55] : memref<32x512xf32, #tpu.memory_space<vmem>>[vector<16xi32>, vector<16xi32>], vector<16xf32>,
          %get3A_770 = arith.constant 13 : i32
          %get3A_771 = arith.index_cast %get3A_770 : i32 to index
          %get3A_772 = arith.index_cast %mul3A_108 : i32 to index
          %get3A_773 = tpu.vector_load %arg9[%get3A_771, %get3A_772] {strides = array<i32>} : memref<32x512xf32, #tpu.memory_space<vmem>>, vector<16xf32>,
          %add3A_774 = arith.addf %get3A_773, %gather3A_769 : vector<16xf32>
          %ge3A_775 = arith.constant 0x499C6C80 : f32
          %ge3A_776 = vector.broadcast %ge3A_775 : f32 to vector<16xf32>
          %ge3A_777 = arith.cmpf oge, %add3A_774, %ge3A_776 : vector<16xf32>
          %le3A_778 = arith.constant 0x4B1272A4 : f32
          %le3A_779 = vector.broadcast %le3A_778 : f32 to vector<16xf32>
          %le3A_780 = arith.cmpf ole, %add3A_774, %le3A_779 : vector<16xf32>
          %and3A_781 = arith.andi %ge3A_777, %le3A_780 : vector<16xi1>
          %bitcast3A_782 = vector.bitcast %add3A_774 : vector<16xf32> to vector<16xi32>
          %shift_right_logical3A_783 = arith.constant 14 : i32
          %shift_right_logical3A_784 = vector.broadcast %shift_right_logical3A_783 : i32 to vector<16xi32>
          %shift_right_logical3A_785 = arith.shrui %bitcast3A_782, %shift_right_logical3A_784 : vector<16xi32>
          %sub3A_786 = arith.constant 71680 : i32
          %sub3A_787 = vector.broadcast %sub3A_786 : i32 to vector<16xi32>
          %sub3A_788 = arith.subi %shift_right_logical3A_785, %sub3A_787 : vector<16xi32>
          %gather3A_789 = tpu.vector_load_idx %arg12[%sub3A_788] : memref<6144xf32, #tpu.memory_space<vmem>>[vector<16xi32>], vector<16xf32>,
          %mul3A_790 = arith.constant 5.000000e-01 : f32
          %mul3A_791 = vector.broadcast %mul3A_790 : f32 to vector<16xf32>
          %mul3A_792 = arith.mulf %mul3A_791, %add3A_774 : vector<16xf32>
          %mul3A_793 = arith.mulf %mul3A_792, %gather3A_789 : vector<16xf32>
          %mul3A_794 = arith.mulf %mul3A_793, %gather3A_789 : vector<16xf32>
          %sub3A_795 = arith.constant 1.500000e+00 : f32
          %sub3A_796 = vector.broadcast %sub3A_795 : f32 to vector<16xf32>
          %sub3A_797 = arith.subf %sub3A_796, %mul3A_794 : vector<16xf32>
          %mul3A_798 = arith.mulf %gather3A_789, %sub3A_797 : vector<16xf32>
          %mul3A_799 = arith.mulf %add3A_774, %mul3A_798 : vector<16xf32>
          %add3A_800 = arith.constant -9.320000e+02 : f32
          %add3A_801 = vector.broadcast %add3A_800 : f32 to vector<16xf32>
          %add3A_802 = arith.addf %mul3A_799, %add3A_801 : vector<16xf32>
          %jit3A_803 = arith.constant 0.000000e+00 : f32
          %broadcast_in_dim3A_804 = vector.broadcast %jit3A_803 : f32 to vector<16xf32>
          %select_n3A_805 = arith.select %and3A_781, %add3A_802, %broadcast_in_dim3A_804 : vector<16xi1>, vector<16xf32>
          %convert_element_type3A_806 = arith.fptosi %select_n3A_805 : vector<16xf32> to vector<16xi32>
          %convert_element_type3A_807 = arith.sitofp %convert_element_type3A_806 : vector<16xi32> to vector<16xf32>
          %sub3A_808 = arith.subf %select_n3A_805, %convert_element_type3A_807 : vector<16xf32>
          %gather3A_809 = tpu.vector_load_idx %arg8[%broadcast_in_dim3A_768, %convert_element_type3A_806] : memref<32x2168xf32, #tpu.memory_space<vmem>>[vector<16xi32>, vector<16xi32>], vector<16xf32>,
          %add3A_810 = arith.constant 1 : i32
          %add3A_811 = vector.broadcast %add3A_810 : i32 to vector<16xi32>
          %add3A_812 = arith.addi %convert_element_type3A_806, %add3A_811 : vector<16xi32>
          %gather3A_813 = tpu.vector_load_idx %arg8[%broadcast_in_dim3A_768, %add3A_812] : memref<32x2168xf32, #tpu.memory_space<vmem>>[vector<16xi32>, vector<16xi32>], vector<16xf32>,
          %sub3A_814 = arith.subf %gather3A_813, %gather3A_809 : vector<16xf32>
          %mul3A_815 = arith.mulf %sub3A_808, %sub3A_814 : vector<16xf32>
          %add3A_816 = arith.addf %gather3A_809, %mul3A_815 : vector<16xf32>
          %add3A_817 = arith.addf %add3A_766, %add3A_816 : vector<16xf32>
          %broadcast_in_dim3A_818 = arith.constant 14 : i32
          %broadcast_in_dim3A_819 = vector.broadcast %broadcast_in_dim3A_818 : i32 to vector<16xi32>
          %gather3A_820 = tpu.vector_load_idx %arg10[%broadcast_in_dim3A_819, %broadcast_in_dim3A_55] : memref<32x512xf32, #tpu.memory_space<vmem>>[vector<16xi32>, vector<16xi32>], vector<16xf32>,
          %get3A_821 = arith.constant 14 : i32
          %get3A_822 = arith.index_cast %get3A_821 : i32 to index
          %get3A_823 = arith.index_cast %mul3A_108 : i32 to index
          %get3A_824 = tpu.vector_load %arg9[%get3A_822, %get3A_823] {strides = array<i32>} : memref<32x512xf32, #tpu.memory_space<vmem>>, vector<16xf32>,
          %add3A_825 = arith.addf %get3A_824, %gather3A_820 : vector<16xf32>
          %ge3A_826 = arith.constant 0x499C6C80 : f32
          %ge3A_827 = vector.broadcast %ge3A_826 : f32 to vector<16xf32>
          %ge3A_828 = arith.cmpf oge, %add3A_825, %ge3A_827 : vector<16xf32>
          %le3A_829 = arith.constant 0x4B1272A4 : f32
          %le3A_830 = vector.broadcast %le3A_829 : f32 to vector<16xf32>
          %le3A_831 = arith.cmpf ole, %add3A_825, %le3A_830 : vector<16xf32>
          %and3A_832 = arith.andi %ge3A_828, %le3A_831 : vector<16xi1>
          %bitcast3A_833 = vector.bitcast %add3A_825 : vector<16xf32> to vector<16xi32>
          %shift_right_logical3A_834 = arith.constant 14 : i32
          %shift_right_logical3A_835 = vector.broadcast %shift_right_logical3A_834 : i32 to vector<16xi32>
          %shift_right_logical3A_836 = arith.shrui %bitcast3A_833, %shift_right_logical3A_835 : vector<16xi32>
          %sub3A_837 = arith.constant 71680 : i32
          %sub3A_838 = vector.broadcast %sub3A_837 : i32 to vector<16xi32>
          %sub3A_839 = arith.subi %shift_right_logical3A_836, %sub3A_838 : vector<16xi32>
          %gather3A_840 = tpu.vector_load_idx %arg12[%sub3A_839] : memref<6144xf32, #tpu.memory_space<vmem>>[vector<16xi32>], vector<16xf32>,
          %mul3A_841 = arith.constant 5.000000e-01 : f32
          %mul3A_842 = vector.broadcast %mul3A_841 : f32 to vector<16xf32>
          %mul3A_843 = arith.mulf %mul3A_842, %add3A_825 : vector<16xf32>
          %mul3A_844 = arith.mulf %mul3A_843, %gather3A_840 : vector<16xf32>
          %mul3A_845 = arith.mulf %mul3A_844, %gather3A_840 : vector<16xf32>
          %sub3A_846 = arith.constant 1.500000e+00 : f32
          %sub3A_847 = vector.broadcast %sub3A_846 : f32 to vector<16xf32>
          %sub3A_848 = arith.subf %sub3A_847, %mul3A_845 : vector<16xf32>
          %mul3A_849 = arith.mulf %gather3A_840, %sub3A_848 : vector<16xf32>
          %mul3A_850 = arith.mulf %add3A_825, %mul3A_849 : vector<16xf32>
          %add3A_851 = arith.constant -9.320000e+02 : f32
          %add3A_852 = vector.broadcast %add3A_851 : f32 to vector<16xf32>
          %add3A_853 = arith.addf %mul3A_850, %add3A_852 : vector<16xf32>
          %jit3A_854 = arith.constant 0.000000e+00 : f32
          %broadcast_in_dim3A_855 = vector.broadcast %jit3A_854 : f32 to vector<16xf32>
          %select_n3A_856 = arith.select %and3A_832, %add3A_853, %broadcast_in_dim3A_855 : vector<16xi1>, vector<16xf32>
          %convert_element_type3A_857 = arith.fptosi %select_n3A_856 : vector<16xf32> to vector<16xi32>
          %convert_element_type3A_858 = arith.sitofp %convert_element_type3A_857 : vector<16xi32> to vector<16xf32>
          %sub3A_859 = arith.subf %select_n3A_856, %convert_element_type3A_858 : vector<16xf32>
          %gather3A_860 = tpu.vector_load_idx %arg8[%broadcast_in_dim3A_819, %convert_element_type3A_857] : memref<32x2168xf32, #tpu.memory_space<vmem>>[vector<16xi32>, vector<16xi32>], vector<16xf32>,
          %add3A_861 = arith.constant 1 : i32
          %add3A_862 = vector.broadcast %add3A_861 : i32 to vector<16xi32>
          %add3A_863 = arith.addi %convert_element_type3A_857, %add3A_862 : vector<16xi32>
          %gather3A_864 = tpu.vector_load_idx %arg8[%broadcast_in_dim3A_819, %add3A_863] : memref<32x2168xf32, #tpu.memory_space<vmem>>[vector<16xi32>, vector<16xi32>], vector<16xf32>,
          %sub3A_865 = arith.subf %gather3A_864, %gather3A_860 : vector<16xf32>
          %mul3A_866 = arith.mulf %sub3A_859, %sub3A_865 : vector<16xf32>
          %add3A_867 = arith.addf %gather3A_860, %mul3A_866 : vector<16xf32>
          %add3A_868 = arith.addf %add3A_817, %add3A_867 : vector<16xf32>
          %broadcast_in_dim3A_869 = arith.constant 15 : i32
          %broadcast_in_dim3A_870 = vector.broadcast %broadcast_in_dim3A_869 : i32 to vector<16xi32>
          %gather3A_871 = tpu.vector_load_idx %arg10[%broadcast_in_dim3A_870, %broadcast_in_dim3A_55] : memref<32x512xf32, #tpu.memory_space<vmem>>[vector<16xi32>, vector<16xi32>], vector<16xf32>,
          %get3A_872 = arith.constant 15 : i32
          %get3A_873 = arith.index_cast %get3A_872 : i32 to index
          %get3A_874 = arith.index_cast %mul3A_108 : i32 to index
          %get3A_875 = tpu.vector_load %arg9[%get3A_873, %get3A_874] {strides = array<i32>} : memref<32x512xf32, #tpu.memory_space<vmem>>, vector<16xf32>,
          %add3A_876 = arith.addf %get3A_875, %gather3A_871 : vector<16xf32>
          %ge3A_877 = arith.constant 0x499C6C80 : f32
          %ge3A_878 = vector.broadcast %ge3A_877 : f32 to vector<16xf32>
          %ge3A_879 = arith.cmpf oge, %add3A_876, %ge3A_878 : vector<16xf32>
          %le3A_880 = arith.constant 0x4B1272A4 : f32
          %le3A_881 = vector.broadcast %le3A_880 : f32 to vector<16xf32>
          %le3A_882 = arith.cmpf ole, %add3A_876, %le3A_881 : vector<16xf32>
          %and3A_883 = arith.andi %ge3A_879, %le3A_882 : vector<16xi1>
          %bitcast3A_884 = vector.bitcast %add3A_876 : vector<16xf32> to vector<16xi32>
          %shift_right_logical3A_885 = arith.constant 14 : i32
          %shift_right_logical3A_886 = vector.broadcast %shift_right_logical3A_885 : i32 to vector<16xi32>
          %shift_right_logical3A_887 = arith.shrui %bitcast3A_884, %shift_right_logical3A_886 : vector<16xi32>
          %sub3A_888 = arith.constant 71680 : i32
          %sub3A_889 = vector.broadcast %sub3A_888 : i32 to vector<16xi32>
          %sub3A_890 = arith.subi %shift_right_logical3A_887, %sub3A_889 : vector<16xi32>
          %gather3A_891 = tpu.vector_load_idx %arg12[%sub3A_890] : memref<6144xf32, #tpu.memory_space<vmem>>[vector<16xi32>], vector<16xf32>,
          %mul3A_892 = arith.constant 5.000000e-01 : f32
          %mul3A_893 = vector.broadcast %mul3A_892 : f32 to vector<16xf32>
          %mul3A_894 = arith.mulf %mul3A_893, %add3A_876 : vector<16xf32>
          %mul3A_895 = arith.mulf %mul3A_894, %gather3A_891 : vector<16xf32>
          %mul3A_896 = arith.mulf %mul3A_895, %gather3A_891 : vector<16xf32>
          %sub3A_897 = arith.constant 1.500000e+00 : f32
          %sub3A_898 = vector.broadcast %sub3A_897 : f32 to vector<16xf32>
          %sub3A_899 = arith.subf %sub3A_898, %mul3A_896 : vector<16xf32>
          %mul3A_900 = arith.mulf %gather3A_891, %sub3A_899 : vector<16xf32>
          %mul3A_901 = arith.mulf %add3A_876, %mul3A_900 : vector<16xf32>
          %add3A_902 = arith.constant -9.320000e+02 : f32
          %add3A_903 = vector.broadcast %add3A_902 : f32 to vector<16xf32>
          %add3A_904 = arith.addf %mul3A_901, %add3A_903 : vector<16xf32>
          %jit3A_905 = arith.constant 0.000000e+00 : f32
          %broadcast_in_dim3A_906 = vector.broadcast %jit3A_905 : f32 to vector<16xf32>
          %select_n3A_907 = arith.select %and3A_883, %add3A_904, %broadcast_in_dim3A_906 : vector<16xi1>, vector<16xf32>
          %convert_element_type3A_908 = arith.fptosi %select_n3A_907 : vector<16xf32> to vector<16xi32>
          %convert_element_type3A_909 = arith.sitofp %convert_element_type3A_908 : vector<16xi32> to vector<16xf32>
          %sub3A_910 = arith.subf %select_n3A_907, %convert_element_type3A_909 : vector<16xf32>
          %gather3A_911 = tpu.vector_load_idx %arg8[%broadcast_in_dim3A_870, %convert_element_type3A_908] : memref<32x2168xf32, #tpu.memory_space<vmem>>[vector<16xi32>, vector<16xi32>], vector<16xf32>,
          %add3A_912 = arith.constant 1 : i32
          %add3A_913 = vector.broadcast %add3A_912 : i32 to vector<16xi32>
          %add3A_914 = arith.addi %convert_element_type3A_908, %add3A_913 : vector<16xi32>
          %gather3A_915 = tpu.vector_load_idx %arg8[%broadcast_in_dim3A_870, %add3A_914] : memref<32x2168xf32, #tpu.memory_space<vmem>>[vector<16xi32>, vector<16xi32>], vector<16xf32>,
          %sub3A_916 = arith.subf %gather3A_915, %gather3A_911 : vector<16xf32>
          %mul3A_917 = arith.mulf %sub3A_910, %sub3A_916 : vector<16xf32>
          %add3A_918 = arith.addf %gather3A_911, %mul3A_917 : vector<16xf32>
          %add3A_919 = arith.addf %add3A_868, %add3A_918 : vector<16xf32>
          %broadcast_in_dim3A_920 = arith.constant 16 : i32
          %broadcast_in_dim3A_921 = vector.broadcast %broadcast_in_dim3A_920 : i32 to vector<16xi32>
          %gather3A_922 = tpu.vector_load_idx %arg10[%broadcast_in_dim3A_921, %broadcast_in_dim3A_55] : memref<32x512xf32, #tpu.memory_space<vmem>>[vector<16xi32>, vector<16xi32>], vector<16xf32>,
          %get3A_923 = arith.constant 16 : i32
          %get3A_924 = arith.index_cast %get3A_923 : i32 to index
          %get3A_925 = arith.index_cast %mul3A_108 : i32 to index
          %get3A_926 = tpu.vector_load %arg9[%get3A_924, %get3A_925] {strides = array<i32>} : memref<32x512xf32, #tpu.memory_space<vmem>>, vector<16xf32>,
          %add3A_927 = arith.addf %get3A_926, %gather3A_922 : vector<16xf32>
          %ge3A_928 = arith.constant 0x499C6C80 : f32
          %ge3A_929 = vector.broadcast %ge3A_928 : f32 to vector<16xf32>
          %ge3A_930 = arith.cmpf oge, %add3A_927, %ge3A_929 : vector<16xf32>
          %le3A_931 = arith.constant 0x4B1272A4 : f32
          %le3A_932 = vector.broadcast %le3A_931 : f32 to vector<16xf32>
          %le3A_933 = arith.cmpf ole, %add3A_927, %le3A_932 : vector<16xf32>
          %and3A_934 = arith.andi %ge3A_930, %le3A_933 : vector<16xi1>
          %bitcast3A_935 = vector.bitcast %add3A_927 : vector<16xf32> to vector<16xi32>
          %shift_right_logical3A_936 = arith.constant 14 : i32
          %shift_right_logical3A_937 = vector.broadcast %shift_right_logical3A_936 : i32 to vector<16xi32>
          %shift_right_logical3A_938 = arith.shrui %bitcast3A_935, %shift_right_logical3A_937 : vector<16xi32>
          %sub3A_939 = arith.constant 71680 : i32
          %sub3A_940 = vector.broadcast %sub3A_939 : i32 to vector<16xi32>
          %sub3A_941 = arith.subi %shift_right_logical3A_938, %sub3A_940 : vector<16xi32>
          %gather3A_942 = tpu.vector_load_idx %arg12[%sub3A_941] : memref<6144xf32, #tpu.memory_space<vmem>>[vector<16xi32>], vector<16xf32>,
          %mul3A_943 = arith.constant 5.000000e-01 : f32
          %mul3A_944 = vector.broadcast %mul3A_943 : f32 to vector<16xf32>
          %mul3A_945 = arith.mulf %mul3A_944, %add3A_927 : vector<16xf32>
          %mul3A_946 = arith.mulf %mul3A_945, %gather3A_942 : vector<16xf32>
          %mul3A_947 = arith.mulf %mul3A_946, %gather3A_942 : vector<16xf32>
          %sub3A_948 = arith.constant 1.500000e+00 : f32
          %sub3A_949 = vector.broadcast %sub3A_948 : f32 to vector<16xf32>
          %sub3A_950 = arith.subf %sub3A_949, %mul3A_947 : vector<16xf32>
          %mul3A_951 = arith.mulf %gather3A_942, %sub3A_950 : vector<16xf32>
          %mul3A_952 = arith.mulf %add3A_927, %mul3A_951 : vector<16xf32>
          %add3A_953 = arith.constant -9.320000e+02 : f32
          %add3A_954 = vector.broadcast %add3A_953 : f32 to vector<16xf32>
          %add3A_955 = arith.addf %mul3A_952, %add3A_954 : vector<16xf32>
          %jit3A_956 = arith.constant 0.000000e+00 : f32
          %broadcast_in_dim3A_957 = vector.broadcast %jit3A_956 : f32 to vector<16xf32>
          %select_n3A_958 = arith.select %and3A_934, %add3A_955, %broadcast_in_dim3A_957 : vector<16xi1>, vector<16xf32>
          %convert_element_type3A_959 = arith.fptosi %select_n3A_958 : vector<16xf32> to vector<16xi32>
          %convert_element_type3A_960 = arith.sitofp %convert_element_type3A_959 : vector<16xi32> to vector<16xf32>
          %sub3A_961 = arith.subf %select_n3A_958, %convert_element_type3A_960 : vector<16xf32>
          %gather3A_962 = tpu.vector_load_idx %arg8[%broadcast_in_dim3A_921, %convert_element_type3A_959] : memref<32x2168xf32, #tpu.memory_space<vmem>>[vector<16xi32>, vector<16xi32>], vector<16xf32>,
          %add3A_963 = arith.constant 1 : i32
          %add3A_964 = vector.broadcast %add3A_963 : i32 to vector<16xi32>
          %add3A_965 = arith.addi %convert_element_type3A_959, %add3A_964 : vector<16xi32>
          %gather3A_966 = tpu.vector_load_idx %arg8[%broadcast_in_dim3A_921, %add3A_965] : memref<32x2168xf32, #tpu.memory_space<vmem>>[vector<16xi32>, vector<16xi32>], vector<16xf32>,
          %sub3A_967 = arith.subf %gather3A_966, %gather3A_962 : vector<16xf32>
          %mul3A_968 = arith.mulf %sub3A_961, %sub3A_967 : vector<16xf32>
          %add3A_969 = arith.addf %gather3A_962, %mul3A_968 : vector<16xf32>
          %add3A_970 = arith.addf %add3A_919, %add3A_969 : vector<16xf32>
          %broadcast_in_dim3A_971 = arith.constant 17 : i32
          %broadcast_in_dim3A_972 = vector.broadcast %broadcast_in_dim3A_971 : i32 to vector<16xi32>
          %gather3A_973 = tpu.vector_load_idx %arg10[%broadcast_in_dim3A_972, %broadcast_in_dim3A_55] : memref<32x512xf32, #tpu.memory_space<vmem>>[vector<16xi32>, vector<16xi32>], vector<16xf32>,
          %get3A_974 = arith.constant 17 : i32
          %get3A_975 = arith.index_cast %get3A_974 : i32 to index
          %get3A_976 = arith.index_cast %mul3A_108 : i32 to index
          %get3A_977 = tpu.vector_load %arg9[%get3A_975, %get3A_976] {strides = array<i32>} : memref<32x512xf32, #tpu.memory_space<vmem>>, vector<16xf32>,
          %add3A_978 = arith.addf %get3A_977, %gather3A_973 : vector<16xf32>
          %ge3A_979 = arith.constant 0x499C6C80 : f32
          %ge3A_980 = vector.broadcast %ge3A_979 : f32 to vector<16xf32>
          %ge3A_981 = arith.cmpf oge, %add3A_978, %ge3A_980 : vector<16xf32>
          %le3A_982 = arith.constant 0x4B1272A4 : f32
          %le3A_983 = vector.broadcast %le3A_982 : f32 to vector<16xf32>
          %le3A_984 = arith.cmpf ole, %add3A_978, %le3A_983 : vector<16xf32>
          %and3A_985 = arith.andi %ge3A_981, %le3A_984 : vector<16xi1>
          %bitcast3A_986 = vector.bitcast %add3A_978 : vector<16xf32> to vector<16xi32>
          %shift_right_logical3A_987 = arith.constant 14 : i32
          %shift_right_logical3A_988 = vector.broadcast %shift_right_logical3A_987 : i32 to vector<16xi32>
          %shift_right_logical3A_989 = arith.shrui %bitcast3A_986, %shift_right_logical3A_988 : vector<16xi32>
          %sub3A_990 = arith.constant 71680 : i32
          %sub3A_991 = vector.broadcast %sub3A_990 : i32 to vector<16xi32>
          %sub3A_992 = arith.subi %shift_right_logical3A_989, %sub3A_991 : vector<16xi32>
          %gather3A_993 = tpu.vector_load_idx %arg12[%sub3A_992] : memref<6144xf32, #tpu.memory_space<vmem>>[vector<16xi32>], vector<16xf32>,
          %mul3A_994 = arith.constant 5.000000e-01 : f32
          %mul3A_995 = vector.broadcast %mul3A_994 : f32 to vector<16xf32>
          %mul3A_996 = arith.mulf %mul3A_995, %add3A_978 : vector<16xf32>
          %mul3A_997 = arith.mulf %mul3A_996, %gather3A_993 : vector<16xf32>
          %mul3A_998 = arith.mulf %mul3A_997, %gather3A_993 : vector<16xf32>
          %sub3A_999 = arith.constant 1.500000e+00 : f32
          %sub3A_1000 = vector.broadcast %sub3A_999 : f32 to vector<16xf32>
          %sub3A_1001 = arith.subf %sub3A_1000, %mul3A_998 : vector<16xf32>
          %mul3A_1002 = arith.mulf %gather3A_993, %sub3A_1001 : vector<16xf32>
          %mul3A_1003 = arith.mulf %add3A_978, %mul3A_1002 : vector<16xf32>
          %add3A_1004 = arith.constant -9.320000e+02 : f32
          %add3A_1005 = vector.broadcast %add3A_1004 : f32 to vector<16xf32>
          %add3A_1006 = arith.addf %mul3A_1003, %add3A_1005 : vector<16xf32>
          %jit3A_1007 = arith.constant 0.000000e+00 : f32
          %broadcast_in_dim3A_1008 = vector.broadcast %jit3A_1007 : f32 to vector<16xf32>
          %select_n3A_1009 = arith.select %and3A_985, %add3A_1006, %broadcast_in_dim3A_1008 : vector<16xi1>, vector<16xf32>
          %convert_element_type3A_1010 = arith.fptosi %select_n3A_1009 : vector<16xf32> to vector<16xi32>
          %convert_element_type3A_1011 = arith.sitofp %convert_element_type3A_1010 : vector<16xi32> to vector<16xf32>
          %sub3A_1012 = arith.subf %select_n3A_1009, %convert_element_type3A_1011 : vector<16xf32>
          %gather3A_1013 = tpu.vector_load_idx %arg8[%broadcast_in_dim3A_972, %convert_element_type3A_1010] : memref<32x2168xf32, #tpu.memory_space<vmem>>[vector<16xi32>, vector<16xi32>], vector<16xf32>,
          %add3A_1014 = arith.constant 1 : i32
          %add3A_1015 = vector.broadcast %add3A_1014 : i32 to vector<16xi32>
          %add3A_1016 = arith.addi %convert_element_type3A_1010, %add3A_1015 : vector<16xi32>
          %gather3A_1017 = tpu.vector_load_idx %arg8[%broadcast_in_dim3A_972, %add3A_1016] : memref<32x2168xf32, #tpu.memory_space<vmem>>[vector<16xi32>, vector<16xi32>], vector<16xf32>,
          %sub3A_1018 = arith.subf %gather3A_1017, %gather3A_1013 : vector<16xf32>
          %mul3A_1019 = arith.mulf %sub3A_1012, %sub3A_1018 : vector<16xf32>
          %add3A_1020 = arith.addf %gather3A_1013, %mul3A_1019 : vector<16xf32>
          %add3A_1021 = arith.addf %add3A_970, %add3A_1020 : vector<16xf32>
          %broadcast_in_dim3A_1022 = arith.constant 18 : i32
          %broadcast_in_dim3A_1023 = vector.broadcast %broadcast_in_dim3A_1022 : i32 to vector<16xi32>
          %gather3A_1024 = tpu.vector_load_idx %arg10[%broadcast_in_dim3A_1023, %broadcast_in_dim3A_55] : memref<32x512xf32, #tpu.memory_space<vmem>>[vector<16xi32>, vector<16xi32>], vector<16xf32>,
          %get3A_1025 = arith.constant 18 : i32
          %get3A_1026 = arith.index_cast %get3A_1025 : i32 to index
          %get3A_1027 = arith.index_cast %mul3A_108 : i32 to index
          %get3A_1028 = tpu.vector_load %arg9[%get3A_1026, %get3A_1027] {strides = array<i32>} : memref<32x512xf32, #tpu.memory_space<vmem>>, vector<16xf32>,
          %add3A_1029 = arith.addf %get3A_1028, %gather3A_1024 : vector<16xf32>
          %ge3A_1030 = arith.constant 0x499C6C80 : f32
          %ge3A_1031 = vector.broadcast %ge3A_1030 : f32 to vector<16xf32>
          %ge3A_1032 = arith.cmpf oge, %add3A_1029, %ge3A_1031 : vector<16xf32>
          %le3A_1033 = arith.constant 0x4B1272A4 : f32
          %le3A_1034 = vector.broadcast %le3A_1033 : f32 to vector<16xf32>
          %le3A_1035 = arith.cmpf ole, %add3A_1029, %le3A_1034 : vector<16xf32>
          %and3A_1036 = arith.andi %ge3A_1032, %le3A_1035 : vector<16xi1>
          %bitcast3A_1037 = vector.bitcast %add3A_1029 : vector<16xf32> to vector<16xi32>
          %shift_right_logical3A_1038 = arith.constant 14 : i32
          %shift_right_logical3A_1039 = vector.broadcast %shift_right_logical3A_1038 : i32 to vector<16xi32>
          %shift_right_logical3A_1040 = arith.shrui %bitcast3A_1037, %shift_right_logical3A_1039 : vector<16xi32>
          %sub3A_1041 = arith.constant 71680 : i32
          %sub3A_1042 = vector.broadcast %sub3A_1041 : i32 to vector<16xi32>
          %sub3A_1043 = arith.subi %shift_right_logical3A_1040, %sub3A_1042 : vector<16xi32>
          %gather3A_1044 = tpu.vector_load_idx %arg12[%sub3A_1043] : memref<6144xf32, #tpu.memory_space<vmem>>[vector<16xi32>], vector<16xf32>,
          %mul3A_1045 = arith.constant 5.000000e-01 : f32
          %mul3A_1046 = vector.broadcast %mul3A_1045 : f32 to vector<16xf32>
          %mul3A_1047 = arith.mulf %mul3A_1046, %add3A_1029 : vector<16xf32>
          %mul3A_1048 = arith.mulf %mul3A_1047, %gather3A_1044 : vector<16xf32>
          %mul3A_1049 = arith.mulf %mul3A_1048, %gather3A_1044 : vector<16xf32>
          %sub3A_1050 = arith.constant 1.500000e+00 : f32
          %sub3A_1051 = vector.broadcast %sub3A_1050 : f32 to vector<16xf32>
          %sub3A_1052 = arith.subf %sub3A_1051, %mul3A_1049 : vector<16xf32>
          %mul3A_1053 = arith.mulf %gather3A_1044, %sub3A_1052 : vector<16xf32>
          %mul3A_1054 = arith.mulf %add3A_1029, %mul3A_1053 : vector<16xf32>
          %add3A_1055 = arith.constant -9.320000e+02 : f32
          %add3A_1056 = vector.broadcast %add3A_1055 : f32 to vector<16xf32>
          %add3A_1057 = arith.addf %mul3A_1054, %add3A_1056 : vector<16xf32>
          %jit3A_1058 = arith.constant 0.000000e+00 : f32
          %broadcast_in_dim3A_1059 = vector.broadcast %jit3A_1058 : f32 to vector<16xf32>
          %select_n3A_1060 = arith.select %and3A_1036, %add3A_1057, %broadcast_in_dim3A_1059 : vector<16xi1>, vector<16xf32>
          %convert_element_type3A_1061 = arith.fptosi %select_n3A_1060 : vector<16xf32> to vector<16xi32>
          %convert_element_type3A_1062 = arith.sitofp %convert_element_type3A_1061 : vector<16xi32> to vector<16xf32>
          %sub3A_1063 = arith.subf %select_n3A_1060, %convert_element_type3A_1062 : vector<16xf32>
          %gather3A_1064 = tpu.vector_load_idx %arg8[%broadcast_in_dim3A_1023, %convert_element_type3A_1061] : memref<32x2168xf32, #tpu.memory_space<vmem>>[vector<16xi32>, vector<16xi32>], vector<16xf32>,
          %add3A_1065 = arith.constant 1 : i32
          %add3A_1066 = vector.broadcast %add3A_1065 : i32 to vector<16xi32>
          %add3A_1067 = arith.addi %convert_element_type3A_1061, %add3A_1066 : vector<16xi32>
          %gather3A_1068 = tpu.vector_load_idx %arg8[%broadcast_in_dim3A_1023, %add3A_1067] : memref<32x2168xf32, #tpu.memory_space<vmem>>[vector<16xi32>, vector<16xi32>], vector<16xf32>,
          %sub3A_1069 = arith.subf %gather3A_1068, %gather3A_1064 : vector<16xf32>
          %mul3A_1070 = arith.mulf %sub3A_1063, %sub3A_1069 : vector<16xf32>
          %add3A_1071 = arith.addf %gather3A_1064, %mul3A_1070 : vector<16xf32>
          %add3A_1072 = arith.addf %add3A_1021, %add3A_1071 : vector<16xf32>
          %broadcast_in_dim3A_1073 = arith.constant 19 : i32
          %broadcast_in_dim3A_1074 = vector.broadcast %broadcast_in_dim3A_1073 : i32 to vector<16xi32>
          %gather3A_1075 = tpu.vector_load_idx %arg10[%broadcast_in_dim3A_1074, %broadcast_in_dim3A_55] : memref<32x512xf32, #tpu.memory_space<vmem>>[vector<16xi32>, vector<16xi32>], vector<16xf32>,
          %get3A_1076 = arith.constant 19 : i32
          %get3A_1077 = arith.index_cast %get3A_1076 : i32 to index
          %get3A_1078 = arith.index_cast %mul3A_108 : i32 to index
          %get3A_1079 = tpu.vector_load %arg9[%get3A_1077, %get3A_1078] {strides = array<i32>} : memref<32x512xf32, #tpu.memory_space<vmem>>, vector<16xf32>,
          %add3A_1080 = arith.addf %get3A_1079, %gather3A_1075 : vector<16xf32>
          %ge3A_1081 = arith.constant 0x499C6C80 : f32
          %ge3A_1082 = vector.broadcast %ge3A_1081 : f32 to vector<16xf32>
          %ge3A_1083 = arith.cmpf oge, %add3A_1080, %ge3A_1082 : vector<16xf32>
          %le3A_1084 = arith.constant 0x4B1272A4 : f32
          %le3A_1085 = vector.broadcast %le3A_1084 : f32 to vector<16xf32>
          %le3A_1086 = arith.cmpf ole, %add3A_1080, %le3A_1085 : vector<16xf32>
          %and3A_1087 = arith.andi %ge3A_1083, %le3A_1086 : vector<16xi1>
          %bitcast3A_1088 = vector.bitcast %add3A_1080 : vector<16xf32> to vector<16xi32>
          %shift_right_logical3A_1089 = arith.constant 14 : i32
          %shift_right_logical3A_1090 = vector.broadcast %shift_right_logical3A_1089 : i32 to vector<16xi32>
          %shift_right_logical3A_1091 = arith.shrui %bitcast3A_1088, %shift_right_logical3A_1090 : vector<16xi32>
          %sub3A_1092 = arith.constant 71680 : i32
          %sub3A_1093 = vector.broadcast %sub3A_1092 : i32 to vector<16xi32>
          %sub3A_1094 = arith.subi %shift_right_logical3A_1091, %sub3A_1093 : vector<16xi32>
          %gather3A_1095 = tpu.vector_load_idx %arg12[%sub3A_1094] : memref<6144xf32, #tpu.memory_space<vmem>>[vector<16xi32>], vector<16xf32>,
          %mul3A_1096 = arith.constant 5.000000e-01 : f32
          %mul3A_1097 = vector.broadcast %mul3A_1096 : f32 to vector<16xf32>
          %mul3A_1098 = arith.mulf %mul3A_1097, %add3A_1080 : vector<16xf32>
          %mul3A_1099 = arith.mulf %mul3A_1098, %gather3A_1095 : vector<16xf32>
          %mul3A_1100 = arith.mulf %mul3A_1099, %gather3A_1095 : vector<16xf32>
          %sub3A_1101 = arith.constant 1.500000e+00 : f32
          %sub3A_1102 = vector.broadcast %sub3A_1101 : f32 to vector<16xf32>
          %sub3A_1103 = arith.subf %sub3A_1102, %mul3A_1100 : vector<16xf32>
          %mul3A_1104 = arith.mulf %gather3A_1095, %sub3A_1103 : vector<16xf32>
          %mul3A_1105 = arith.mulf %add3A_1080, %mul3A_1104 : vector<16xf32>
          %add3A_1106 = arith.constant -9.320000e+02 : f32
          %add3A_1107 = vector.broadcast %add3A_1106 : f32 to vector<16xf32>
          %add3A_1108 = arith.addf %mul3A_1105, %add3A_1107 : vector<16xf32>
          %jit3A_1109 = arith.constant 0.000000e+00 : f32
          %broadcast_in_dim3A_1110 = vector.broadcast %jit3A_1109 : f32 to vector<16xf32>
          %select_n3A_1111 = arith.select %and3A_1087, %add3A_1108, %broadcast_in_dim3A_1110 : vector<16xi1>, vector<16xf32>
          %convert_element_type3A_1112 = arith.fptosi %select_n3A_1111 : vector<16xf32> to vector<16xi32>
          %convert_element_type3A_1113 = arith.sitofp %convert_element_type3A_1112 : vector<16xi32> to vector<16xf32>
          %sub3A_1114 = arith.subf %select_n3A_1111, %convert_element_type3A_1113 : vector<16xf32>
          %gather3A_1115 = tpu.vector_load_idx %arg8[%broadcast_in_dim3A_1074, %convert_element_type3A_1112] : memref<32x2168xf32, #tpu.memory_space<vmem>>[vector<16xi32>, vector<16xi32>], vector<16xf32>,
          %add3A_1116 = arith.constant 1 : i32
          %add3A_1117 = vector.broadcast %add3A_1116 : i32 to vector<16xi32>
          %add3A_1118 = arith.addi %convert_element_type3A_1112, %add3A_1117 : vector<16xi32>
          %gather3A_1119 = tpu.vector_load_idx %arg8[%broadcast_in_dim3A_1074, %add3A_1118] : memref<32x2168xf32, #tpu.memory_space<vmem>>[vector<16xi32>, vector<16xi32>], vector<16xf32>,
          %sub3A_1120 = arith.subf %gather3A_1119, %gather3A_1115 : vector<16xf32>
          %mul3A_1121 = arith.mulf %sub3A_1114, %sub3A_1120 : vector<16xf32>
          %add3A_1122 = arith.addf %gather3A_1115, %mul3A_1121 : vector<16xf32>
          %add3A_1123 = arith.addf %add3A_1072, %add3A_1122 : vector<16xf32>
          %broadcast_in_dim3A_1124 = arith.constant 20 : i32
          %broadcast_in_dim3A_1125 = vector.broadcast %broadcast_in_dim3A_1124 : i32 to vector<16xi32>
          %gather3A_1126 = tpu.vector_load_idx %arg10[%broadcast_in_dim3A_1125, %broadcast_in_dim3A_55] : memref<32x512xf32, #tpu.memory_space<vmem>>[vector<16xi32>, vector<16xi32>], vector<16xf32>,
          %get3A_1127 = arith.constant 20 : i32
          %get3A_1128 = arith.index_cast %get3A_1127 : i32 to index
          %get3A_1129 = arith.index_cast %mul3A_108 : i32 to index
          %get3A_1130 = tpu.vector_load %arg9[%get3A_1128, %get3A_1129] {strides = array<i32>} : memref<32x512xf32, #tpu.memory_space<vmem>>, vector<16xf32>,
          %add3A_1131 = arith.addf %get3A_1130, %gather3A_1126 : vector<16xf32>
          %ge3A_1132 = arith.constant 0x499C6C80 : f32
          %ge3A_1133 = vector.broadcast %ge3A_1132 : f32 to vector<16xf32>
          %ge3A_1134 = arith.cmpf oge, %add3A_1131, %ge3A_1133 : vector<16xf32>
          %le3A_1135 = arith.constant 0x4B1272A4 : f32
          %le3A_1136 = vector.broadcast %le3A_1135 : f32 to vector<16xf32>
          %le3A_1137 = arith.cmpf ole, %add3A_1131, %le3A_1136 : vector<16xf32>
          %and3A_1138 = arith.andi %ge3A_1134, %le3A_1137 : vector<16xi1>
          %bitcast3A_1139 = vector.bitcast %add3A_1131 : vector<16xf32> to vector<16xi32>
          %shift_right_logical3A_1140 = arith.constant 14 : i32
          %shift_right_logical3A_1141 = vector.broadcast %shift_right_logical3A_1140 : i32 to vector<16xi32>
          %shift_right_logical3A_1142 = arith.shrui %bitcast3A_1139, %shift_right_logical3A_1141 : vector<16xi32>
          %sub3A_1143 = arith.constant 71680 : i32
          %sub3A_1144 = vector.broadcast %sub3A_1143 : i32 to vector<16xi32>
          %sub3A_1145 = arith.subi %shift_right_logical3A_1142, %sub3A_1144 : vector<16xi32>
          %gather3A_1146 = tpu.vector_load_idx %arg12[%sub3A_1145] : memref<6144xf32, #tpu.memory_space<vmem>>[vector<16xi32>], vector<16xf32>,
          %mul3A_1147 = arith.constant 5.000000e-01 : f32
          %mul3A_1148 = vector.broadcast %mul3A_1147 : f32 to vector<16xf32>
          %mul3A_1149 = arith.mulf %mul3A_1148, %add3A_1131 : vector<16xf32>
          %mul3A_1150 = arith.mulf %mul3A_1149, %gather3A_1146 : vector<16xf32>
          %mul3A_1151 = arith.mulf %mul3A_1150, %gather3A_1146 : vector<16xf32>
          %sub3A_1152 = arith.constant 1.500000e+00 : f32
          %sub3A_1153 = vector.broadcast %sub3A_1152 : f32 to vector<16xf32>
          %sub3A_1154 = arith.subf %sub3A_1153, %mul3A_1151 : vector<16xf32>
          %mul3A_1155 = arith.mulf %gather3A_1146, %sub3A_1154 : vector<16xf32>
          %mul3A_1156 = arith.mulf %add3A_1131, %mul3A_1155 : vector<16xf32>
          %add3A_1157 = arith.constant -9.320000e+02 : f32
          %add3A_1158 = vector.broadcast %add3A_1157 : f32 to vector<16xf32>
          %add3A_1159 = arith.addf %mul3A_1156, %add3A_1158 : vector<16xf32>
          %jit3A_1160 = arith.constant 0.000000e+00 : f32
          %broadcast_in_dim3A_1161 = vector.broadcast %jit3A_1160 : f32 to vector<16xf32>
          %select_n3A_1162 = arith.select %and3A_1138, %add3A_1159, %broadcast_in_dim3A_1161 : vector<16xi1>, vector<16xf32>
          %convert_element_type3A_1163 = arith.fptosi %select_n3A_1162 : vector<16xf32> to vector<16xi32>
          %convert_element_type3A_1164 = arith.sitofp %convert_element_type3A_1163 : vector<16xi32> to vector<16xf32>
          %sub3A_1165 = arith.subf %select_n3A_1162, %convert_element_type3A_1164 : vector<16xf32>
          %gather3A_1166 = tpu.vector_load_idx %arg8[%broadcast_in_dim3A_1125, %convert_element_type3A_1163] : memref<32x2168xf32, #tpu.memory_space<vmem>>[vector<16xi32>, vector<16xi32>], vector<16xf32>,
          %add3A_1167 = arith.constant 1 : i32
          %add3A_1168 = vector.broadcast %add3A_1167 : i32 to vector<16xi32>
          %add3A_1169 = arith.addi %convert_element_type3A_1163, %add3A_1168 : vector<16xi32>
          %gather3A_1170 = tpu.vector_load_idx %arg8[%broadcast_in_dim3A_1125, %add3A_1169] : memref<32x2168xf32, #tpu.memory_space<vmem>>[vector<16xi32>, vector<16xi32>], vector<16xf32>,
          %sub3A_1171 = arith.subf %gather3A_1170, %gather3A_1166 : vector<16xf32>
          %mul3A_1172 = arith.mulf %sub3A_1165, %sub3A_1171 : vector<16xf32>
          %add3A_1173 = arith.addf %gather3A_1166, %mul3A_1172 : vector<16xf32>
          %add3A_1174 = arith.addf %add3A_1123, %add3A_1173 : vector<16xf32>
          %broadcast_in_dim3A_1175 = arith.constant 21 : i32
          %broadcast_in_dim3A_1176 = vector.broadcast %broadcast_in_dim3A_1175 : i32 to vector<16xi32>
          %gather3A_1177 = tpu.vector_load_idx %arg10[%broadcast_in_dim3A_1176, %broadcast_in_dim3A_55] : memref<32x512xf32, #tpu.memory_space<vmem>>[vector<16xi32>, vector<16xi32>], vector<16xf32>,
          %get3A_1178 = arith.constant 21 : i32
          %get3A_1179 = arith.index_cast %get3A_1178 : i32 to index
          %get3A_1180 = arith.index_cast %mul3A_108 : i32 to index
          %get3A_1181 = tpu.vector_load %arg9[%get3A_1179, %get3A_1180] {strides = array<i32>} : memref<32x512xf32, #tpu.memory_space<vmem>>, vector<16xf32>,
          %add3A_1182 = arith.addf %get3A_1181, %gather3A_1177 : vector<16xf32>
          %ge3A_1183 = arith.constant 0x499C6C80 : f32
          %ge3A_1184 = vector.broadcast %ge3A_1183 : f32 to vector<16xf32>
          %ge3A_1185 = arith.cmpf oge, %add3A_1182, %ge3A_1184 : vector<16xf32>
          %le3A_1186 = arith.constant 0x4B1272A4 : f32
          %le3A_1187 = vector.broadcast %le3A_1186 : f32 to vector<16xf32>
          %le3A_1188 = arith.cmpf ole, %add3A_1182, %le3A_1187 : vector<16xf32>
          %and3A_1189 = arith.andi %ge3A_1185, %le3A_1188 : vector<16xi1>
          %bitcast3A_1190 = vector.bitcast %add3A_1182 : vector<16xf32> to vector<16xi32>
          %shift_right_logical3A_1191 = arith.constant 14 : i32
          %shift_right_logical3A_1192 = vector.broadcast %shift_right_logical3A_1191 : i32 to vector<16xi32>
          %shift_right_logical3A_1193 = arith.shrui %bitcast3A_1190, %shift_right_logical3A_1192 : vector<16xi32>
          %sub3A_1194 = arith.constant 71680 : i32
          %sub3A_1195 = vector.broadcast %sub3A_1194 : i32 to vector<16xi32>
          %sub3A_1196 = arith.subi %shift_right_logical3A_1193, %sub3A_1195 : vector<16xi32>
          %gather3A_1197 = tpu.vector_load_idx %arg12[%sub3A_1196] : memref<6144xf32, #tpu.memory_space<vmem>>[vector<16xi32>], vector<16xf32>,
          %mul3A_1198 = arith.constant 5.000000e-01 : f32
          %mul3A_1199 = vector.broadcast %mul3A_1198 : f32 to vector<16xf32>
          %mul3A_1200 = arith.mulf %mul3A_1199, %add3A_1182 : vector<16xf32>
          %mul3A_1201 = arith.mulf %mul3A_1200, %gather3A_1197 : vector<16xf32>
          %mul3A_1202 = arith.mulf %mul3A_1201, %gather3A_1197 : vector<16xf32>
          %sub3A_1203 = arith.constant 1.500000e+00 : f32
          %sub3A_1204 = vector.broadcast %sub3A_1203 : f32 to vector<16xf32>
          %sub3A_1205 = arith.subf %sub3A_1204, %mul3A_1202 : vector<16xf32>
          %mul3A_1206 = arith.mulf %gather3A_1197, %sub3A_1205 : vector<16xf32>
          %mul3A_1207 = arith.mulf %add3A_1182, %mul3A_1206 : vector<16xf32>
          %add3A_1208 = arith.constant -9.320000e+02 : f32
          %add3A_1209 = vector.broadcast %add3A_1208 : f32 to vector<16xf32>
          %add3A_1210 = arith.addf %mul3A_1207, %add3A_1209 : vector<16xf32>
          %jit3A_1211 = arith.constant 0.000000e+00 : f32
          %broadcast_in_dim3A_1212 = vector.broadcast %jit3A_1211 : f32 to vector<16xf32>
          %select_n3A_1213 = arith.select %and3A_1189, %add3A_1210, %broadcast_in_dim3A_1212 : vector<16xi1>, vector<16xf32>
          %convert_element_type3A_1214 = arith.fptosi %select_n3A_1213 : vector<16xf32> to vector<16xi32>
          %convert_element_type3A_1215 = arith.sitofp %convert_element_type3A_1214 : vector<16xi32> to vector<16xf32>
          %sub3A_1216 = arith.subf %select_n3A_1213, %convert_element_type3A_1215 : vector<16xf32>
          %gather3A_1217 = tpu.vector_load_idx %arg8[%broadcast_in_dim3A_1176, %convert_element_type3A_1214] : memref<32x2168xf32, #tpu.memory_space<vmem>>[vector<16xi32>, vector<16xi32>], vector<16xf32>,
          %add3A_1218 = arith.constant 1 : i32
          %add3A_1219 = vector.broadcast %add3A_1218 : i32 to vector<16xi32>
          %add3A_1220 = arith.addi %convert_element_type3A_1214, %add3A_1219 : vector<16xi32>
          %gather3A_1221 = tpu.vector_load_idx %arg8[%broadcast_in_dim3A_1176, %add3A_1220] : memref<32x2168xf32, #tpu.memory_space<vmem>>[vector<16xi32>, vector<16xi32>], vector<16xf32>,
          %sub3A_1222 = arith.subf %gather3A_1221, %gather3A_1217 : vector<16xf32>
          %mul3A_1223 = arith.mulf %sub3A_1216, %sub3A_1222 : vector<16xf32>
          %add3A_1224 = arith.addf %gather3A_1217, %mul3A_1223 : vector<16xf32>
          %add3A_1225 = arith.addf %add3A_1174, %add3A_1224 : vector<16xf32>
          %broadcast_in_dim3A_1226 = arith.constant 22 : i32
          %broadcast_in_dim3A_1227 = vector.broadcast %broadcast_in_dim3A_1226 : i32 to vector<16xi32>
          %gather3A_1228 = tpu.vector_load_idx %arg10[%broadcast_in_dim3A_1227, %broadcast_in_dim3A_55] : memref<32x512xf32, #tpu.memory_space<vmem>>[vector<16xi32>, vector<16xi32>], vector<16xf32>,
          %get3A_1229 = arith.constant 22 : i32
          %get3A_1230 = arith.index_cast %get3A_1229 : i32 to index
          %get3A_1231 = arith.index_cast %mul3A_108 : i32 to index
          %get3A_1232 = tpu.vector_load %arg9[%get3A_1230, %get3A_1231] {strides = array<i32>} : memref<32x512xf32, #tpu.memory_space<vmem>>, vector<16xf32>,
          %add3A_1233 = arith.addf %get3A_1232, %gather3A_1228 : vector<16xf32>
          %ge3A_1234 = arith.constant 0x499C6C80 : f32
          %ge3A_1235 = vector.broadcast %ge3A_1234 : f32 to vector<16xf32>
          %ge3A_1236 = arith.cmpf oge, %add3A_1233, %ge3A_1235 : vector<16xf32>
          %le3A_1237 = arith.constant 0x4B1272A4 : f32
          %le3A_1238 = vector.broadcast %le3A_1237 : f32 to vector<16xf32>
          %le3A_1239 = arith.cmpf ole, %add3A_1233, %le3A_1238 : vector<16xf32>
          %and3A_1240 = arith.andi %ge3A_1236, %le3A_1239 : vector<16xi1>
          %bitcast3A_1241 = vector.bitcast %add3A_1233 : vector<16xf32> to vector<16xi32>
          %shift_right_logical3A_1242 = arith.constant 14 : i32
          %shift_right_logical3A_1243 = vector.broadcast %shift_right_logical3A_1242 : i32 to vector<16xi32>
          %shift_right_logical3A_1244 = arith.shrui %bitcast3A_1241, %shift_right_logical3A_1243 : vector<16xi32>
          %sub3A_1245 = arith.constant 71680 : i32
          %sub3A_1246 = vector.broadcast %sub3A_1245 : i32 to vector<16xi32>
          %sub3A_1247 = arith.subi %shift_right_logical3A_1244, %sub3A_1246 : vector<16xi32>
          %gather3A_1248 = tpu.vector_load_idx %arg12[%sub3A_1247] : memref<6144xf32, #tpu.memory_space<vmem>>[vector<16xi32>], vector<16xf32>,
          %mul3A_1249 = arith.constant 5.000000e-01 : f32
          %mul3A_1250 = vector.broadcast %mul3A_1249 : f32 to vector<16xf32>
          %mul3A_1251 = arith.mulf %mul3A_1250, %add3A_1233 : vector<16xf32>
          %mul3A_1252 = arith.mulf %mul3A_1251, %gather3A_1248 : vector<16xf32>
          %mul3A_1253 = arith.mulf %mul3A_1252, %gather3A_1248 : vector<16xf32>
          %sub3A_1254 = arith.constant 1.500000e+00 : f32
          %sub3A_1255 = vector.broadcast %sub3A_1254 : f32 to vector<16xf32>
          %sub3A_1256 = arith.subf %sub3A_1255, %mul3A_1253 : vector<16xf32>
          %mul3A_1257 = arith.mulf %gather3A_1248, %sub3A_1256 : vector<16xf32>
          %mul3A_1258 = arith.mulf %add3A_1233, %mul3A_1257 : vector<16xf32>
          %add3A_1259 = arith.constant -9.320000e+02 : f32
          %add3A_1260 = vector.broadcast %add3A_1259 : f32 to vector<16xf32>
          %add3A_1261 = arith.addf %mul3A_1258, %add3A_1260 : vector<16xf32>
          %jit3A_1262 = arith.constant 0.000000e+00 : f32
          %broadcast_in_dim3A_1263 = vector.broadcast %jit3A_1262 : f32 to vector<16xf32>
          %select_n3A_1264 = arith.select %and3A_1240, %add3A_1261, %broadcast_in_dim3A_1263 : vector<16xi1>, vector<16xf32>
          %convert_element_type3A_1265 = arith.fptosi %select_n3A_1264 : vector<16xf32> to vector<16xi32>
          %convert_element_type3A_1266 = arith.sitofp %convert_element_type3A_1265 : vector<16xi32> to vector<16xf32>
          %sub3A_1267 = arith.subf %select_n3A_1264, %convert_element_type3A_1266 : vector<16xf32>
          %gather3A_1268 = tpu.vector_load_idx %arg8[%broadcast_in_dim3A_1227, %convert_element_type3A_1265] : memref<32x2168xf32, #tpu.memory_space<vmem>>[vector<16xi32>, vector<16xi32>], vector<16xf32>,
          %add3A_1269 = arith.constant 1 : i32
          %add3A_1270 = vector.broadcast %add3A_1269 : i32 to vector<16xi32>
          %add3A_1271 = arith.addi %convert_element_type3A_1265, %add3A_1270 : vector<16xi32>
          %gather3A_1272 = tpu.vector_load_idx %arg8[%broadcast_in_dim3A_1227, %add3A_1271] : memref<32x2168xf32, #tpu.memory_space<vmem>>[vector<16xi32>, vector<16xi32>], vector<16xf32>,
          %sub3A_1273 = arith.subf %gather3A_1272, %gather3A_1268 : vector<16xf32>
          %mul3A_1274 = arith.mulf %sub3A_1267, %sub3A_1273 : vector<16xf32>
          %add3A_1275 = arith.addf %gather3A_1268, %mul3A_1274 : vector<16xf32>
          %add3A_1276 = arith.addf %add3A_1225, %add3A_1275 : vector<16xf32>
          %broadcast_in_dim3A_1277 = arith.constant 23 : i32
          %broadcast_in_dim3A_1278 = vector.broadcast %broadcast_in_dim3A_1277 : i32 to vector<16xi32>
          %gather3A_1279 = tpu.vector_load_idx %arg10[%broadcast_in_dim3A_1278, %broadcast_in_dim3A_55] : memref<32x512xf32, #tpu.memory_space<vmem>>[vector<16xi32>, vector<16xi32>], vector<16xf32>,
          %get3A_1280 = arith.constant 23 : i32
          %get3A_1281 = arith.index_cast %get3A_1280 : i32 to index
          %get3A_1282 = arith.index_cast %mul3A_108 : i32 to index
          %get3A_1283 = tpu.vector_load %arg9[%get3A_1281, %get3A_1282] {strides = array<i32>} : memref<32x512xf32, #tpu.memory_space<vmem>>, vector<16xf32>,
          %add3A_1284 = arith.addf %get3A_1283, %gather3A_1279 : vector<16xf32>
          %ge3A_1285 = arith.constant 0x499C6C80 : f32
          %ge3A_1286 = vector.broadcast %ge3A_1285 : f32 to vector<16xf32>
          %ge3A_1287 = arith.cmpf oge, %add3A_1284, %ge3A_1286 : vector<16xf32>
          %le3A_1288 = arith.constant 0x4B1272A4 : f32
          %le3A_1289 = vector.broadcast %le3A_1288 : f32 to vector<16xf32>
          %le3A_1290 = arith.cmpf ole, %add3A_1284, %le3A_1289 : vector<16xf32>
          %and3A_1291 = arith.andi %ge3A_1287, %le3A_1290 : vector<16xi1>
          %bitcast3A_1292 = vector.bitcast %add3A_1284 : vector<16xf32> to vector<16xi32>
          %shift_right_logical3A_1293 = arith.constant 14 : i32
          %shift_right_logical3A_1294 = vector.broadcast %shift_right_logical3A_1293 : i32 to vector<16xi32>
          %shift_right_logical3A_1295 = arith.shrui %bitcast3A_1292, %shift_right_logical3A_1294 : vector<16xi32>
          %sub3A_1296 = arith.constant 71680 : i32
          %sub3A_1297 = vector.broadcast %sub3A_1296 : i32 to vector<16xi32>
          %sub3A_1298 = arith.subi %shift_right_logical3A_1295, %sub3A_1297 : vector<16xi32>
          %gather3A_1299 = tpu.vector_load_idx %arg12[%sub3A_1298] : memref<6144xf32, #tpu.memory_space<vmem>>[vector<16xi32>], vector<16xf32>,
          %mul3A_1300 = arith.constant 5.000000e-01 : f32
          %mul3A_1301 = vector.broadcast %mul3A_1300 : f32 to vector<16xf32>
          %mul3A_1302 = arith.mulf %mul3A_1301, %add3A_1284 : vector<16xf32>
          %mul3A_1303 = arith.mulf %mul3A_1302, %gather3A_1299 : vector<16xf32>
          %mul3A_1304 = arith.mulf %mul3A_1303, %gather3A_1299 : vector<16xf32>
          %sub3A_1305 = arith.constant 1.500000e+00 : f32
          %sub3A_1306 = vector.broadcast %sub3A_1305 : f32 to vector<16xf32>
          %sub3A_1307 = arith.subf %sub3A_1306, %mul3A_1304 : vector<16xf32>
          %mul3A_1308 = arith.mulf %gather3A_1299, %sub3A_1307 : vector<16xf32>
          %mul3A_1309 = arith.mulf %add3A_1284, %mul3A_1308 : vector<16xf32>
          %add3A_1310 = arith.constant -9.320000e+02 : f32
          %add3A_1311 = vector.broadcast %add3A_1310 : f32 to vector<16xf32>
          %add3A_1312 = arith.addf %mul3A_1309, %add3A_1311 : vector<16xf32>
          %jit3A_1313 = arith.constant 0.000000e+00 : f32
          %broadcast_in_dim3A_1314 = vector.broadcast %jit3A_1313 : f32 to vector<16xf32>
          %select_n3A_1315 = arith.select %and3A_1291, %add3A_1312, %broadcast_in_dim3A_1314 : vector<16xi1>, vector<16xf32>
          %convert_element_type3A_1316 = arith.fptosi %select_n3A_1315 : vector<16xf32> to vector<16xi32>
          %convert_element_type3A_1317 = arith.sitofp %convert_element_type3A_1316 : vector<16xi32> to vector<16xf32>
          %sub3A_1318 = arith.subf %select_n3A_1315, %convert_element_type3A_1317 : vector<16xf32>
          %gather3A_1319 = tpu.vector_load_idx %arg8[%broadcast_in_dim3A_1278, %convert_element_type3A_1316] : memref<32x2168xf32, #tpu.memory_space<vmem>>[vector<16xi32>, vector<16xi32>], vector<16xf32>,
          %add3A_1320 = arith.constant 1 : i32
          %add3A_1321 = vector.broadcast %add3A_1320 : i32 to vector<16xi32>
          %add3A_1322 = arith.addi %convert_element_type3A_1316, %add3A_1321 : vector<16xi32>
          %gather3A_1323 = tpu.vector_load_idx %arg8[%broadcast_in_dim3A_1278, %add3A_1322] : memref<32x2168xf32, #tpu.memory_space<vmem>>[vector<16xi32>, vector<16xi32>], vector<16xf32>,
          %sub3A_1324 = arith.subf %gather3A_1323, %gather3A_1319 : vector<16xf32>
          %mul3A_1325 = arith.mulf %sub3A_1318, %sub3A_1324 : vector<16xf32>
          %add3A_1326 = arith.addf %gather3A_1319, %mul3A_1325 : vector<16xf32>
          %add3A_1327 = arith.addf %add3A_1276, %add3A_1326 : vector<16xf32>
          %broadcast_in_dim3A_1328 = arith.constant 24 : i32
          %broadcast_in_dim3A_1329 = vector.broadcast %broadcast_in_dim3A_1328 : i32 to vector<16xi32>
          %gather3A_1330 = tpu.vector_load_idx %arg10[%broadcast_in_dim3A_1329, %broadcast_in_dim3A_55] : memref<32x512xf32, #tpu.memory_space<vmem>>[vector<16xi32>, vector<16xi32>], vector<16xf32>,
          %get3A_1331 = arith.constant 24 : i32
          %get3A_1332 = arith.index_cast %get3A_1331 : i32 to index
          %get3A_1333 = arith.index_cast %mul3A_108 : i32 to index
          %get3A_1334 = tpu.vector_load %arg9[%get3A_1332, %get3A_1333] {strides = array<i32>} : memref<32x512xf32, #tpu.memory_space<vmem>>, vector<16xf32>,
          %add3A_1335 = arith.addf %get3A_1334, %gather3A_1330 : vector<16xf32>
          %ge3A_1336 = arith.constant 0x499C6C80 : f32
          %ge3A_1337 = vector.broadcast %ge3A_1336 : f32 to vector<16xf32>
          %ge3A_1338 = arith.cmpf oge, %add3A_1335, %ge3A_1337 : vector<16xf32>
          %le3A_1339 = arith.constant 0x4B1272A4 : f32
          %le3A_1340 = vector.broadcast %le3A_1339 : f32 to vector<16xf32>
          %le3A_1341 = arith.cmpf ole, %add3A_1335, %le3A_1340 : vector<16xf32>
          %and3A_1342 = arith.andi %ge3A_1338, %le3A_1341 : vector<16xi1>
          %bitcast3A_1343 = vector.bitcast %add3A_1335 : vector<16xf32> to vector<16xi32>
          %shift_right_logical3A_1344 = arith.constant 14 : i32
          %shift_right_logical3A_1345 = vector.broadcast %shift_right_logical3A_1344 : i32 to vector<16xi32>
          %shift_right_logical3A_1346 = arith.shrui %bitcast3A_1343, %shift_right_logical3A_1345 : vector<16xi32>
          %sub3A_1347 = arith.constant 71680 : i32
          %sub3A_1348 = vector.broadcast %sub3A_1347 : i32 to vector<16xi32>
          %sub3A_1349 = arith.subi %shift_right_logical3A_1346, %sub3A_1348 : vector<16xi32>
          %gather3A_1350 = tpu.vector_load_idx %arg12[%sub3A_1349] : memref<6144xf32, #tpu.memory_space<vmem>>[vector<16xi32>], vector<16xf32>,
          %mul3A_1351 = arith.constant 5.000000e-01 : f32
          %mul3A_1352 = vector.broadcast %mul3A_1351 : f32 to vector<16xf32>
          %mul3A_1353 = arith.mulf %mul3A_1352, %add3A_1335 : vector<16xf32>
          %mul3A_1354 = arith.mulf %mul3A_1353, %gather3A_1350 : vector<16xf32>
          %mul3A_1355 = arith.mulf %mul3A_1354, %gather3A_1350 : vector<16xf32>
          %sub3A_1356 = arith.constant 1.500000e+00 : f32
          %sub3A_1357 = vector.broadcast %sub3A_1356 : f32 to vector<16xf32>
          %sub3A_1358 = arith.subf %sub3A_1357, %mul3A_1355 : vector<16xf32>
          %mul3A_1359 = arith.mulf %gather3A_1350, %sub3A_1358 : vector<16xf32>
          %mul3A_1360 = arith.mulf %add3A_1335, %mul3A_1359 : vector<16xf32>
          %add3A_1361 = arith.constant -9.320000e+02 : f32
          %add3A_1362 = vector.broadcast %add3A_1361 : f32 to vector<16xf32>
          %add3A_1363 = arith.addf %mul3A_1360, %add3A_1362 : vector<16xf32>
          %jit3A_1364 = arith.constant 0.000000e+00 : f32
          %broadcast_in_dim3A_1365 = vector.broadcast %jit3A_1364 : f32 to vector<16xf32>
          %select_n3A_1366 = arith.select %and3A_1342, %add3A_1363, %broadcast_in_dim3A_1365 : vector<16xi1>, vector<16xf32>
          %convert_element_type3A_1367 = arith.fptosi %select_n3A_1366 : vector<16xf32> to vector<16xi32>
          %convert_element_type3A_1368 = arith.sitofp %convert_element_type3A_1367 : vector<16xi32> to vector<16xf32>
          %sub3A_1369 = arith.subf %select_n3A_1366, %convert_element_type3A_1368 : vector<16xf32>
          %gather3A_1370 = tpu.vector_load_idx %arg8[%broadcast_in_dim3A_1329, %convert_element_type3A_1367] : memref<32x2168xf32, #tpu.memory_space<vmem>>[vector<16xi32>, vector<16xi32>], vector<16xf32>,
          %add3A_1371 = arith.constant 1 : i32
          %add3A_1372 = vector.broadcast %add3A_1371 : i32 to vector<16xi32>
          %add3A_1373 = arith.addi %convert_element_type3A_1367, %add3A_1372 : vector<16xi32>
          %gather3A_1374 = tpu.vector_load_idx %arg8[%broadcast_in_dim3A_1329, %add3A_1373] : memref<32x2168xf32, #tpu.memory_space<vmem>>[vector<16xi32>, vector<16xi32>], vector<16xf32>,
          %sub3A_1375 = arith.subf %gather3A_1374, %gather3A_1370 : vector<16xf32>
          %mul3A_1376 = arith.mulf %sub3A_1369, %sub3A_1375 : vector<16xf32>
          %add3A_1377 = arith.addf %gather3A_1370, %mul3A_1376 : vector<16xf32>
          %add3A_1378 = arith.addf %add3A_1327, %add3A_1377 : vector<16xf32>
          %broadcast_in_dim3A_1379 = arith.constant 25 : i32
          %broadcast_in_dim3A_1380 = vector.broadcast %broadcast_in_dim3A_1379 : i32 to vector<16xi32>
          %gather3A_1381 = tpu.vector_load_idx %arg10[%broadcast_in_dim3A_1380, %broadcast_in_dim3A_55] : memref<32x512xf32, #tpu.memory_space<vmem>>[vector<16xi32>, vector<16xi32>], vector<16xf32>,
          %get3A_1382 = arith.constant 25 : i32
          %get3A_1383 = arith.index_cast %get3A_1382 : i32 to index
          %get3A_1384 = arith.index_cast %mul3A_108 : i32 to index
          %get3A_1385 = tpu.vector_load %arg9[%get3A_1383, %get3A_1384] {strides = array<i32>} : memref<32x512xf32, #tpu.memory_space<vmem>>, vector<16xf32>,
          %add3A_1386 = arith.addf %get3A_1385, %gather3A_1381 : vector<16xf32>
          %ge3A_1387 = arith.constant 0x499C6C80 : f32
          %ge3A_1388 = vector.broadcast %ge3A_1387 : f32 to vector<16xf32>
          %ge3A_1389 = arith.cmpf oge, %add3A_1386, %ge3A_1388 : vector<16xf32>
          %le3A_1390 = arith.constant 0x4B1272A4 : f32
          %le3A_1391 = vector.broadcast %le3A_1390 : f32 to vector<16xf32>
          %le3A_1392 = arith.cmpf ole, %add3A_1386, %le3A_1391 : vector<16xf32>
          %and3A_1393 = arith.andi %ge3A_1389, %le3A_1392 : vector<16xi1>
          %bitcast3A_1394 = vector.bitcast %add3A_1386 : vector<16xf32> to vector<16xi32>
          %shift_right_logical3A_1395 = arith.constant 14 : i32
          %shift_right_logical3A_1396 = vector.broadcast %shift_right_logical3A_1395 : i32 to vector<16xi32>
          %shift_right_logical3A_1397 = arith.shrui %bitcast3A_1394, %shift_right_logical3A_1396 : vector<16xi32>
          %sub3A_1398 = arith.constant 71680 : i32
          %sub3A_1399 = vector.broadcast %sub3A_1398 : i32 to vector<16xi32>
          %sub3A_1400 = arith.subi %shift_right_logical3A_1397, %sub3A_1399 : vector<16xi32>
          %gather3A_1401 = tpu.vector_load_idx %arg12[%sub3A_1400] : memref<6144xf32, #tpu.memory_space<vmem>>[vector<16xi32>], vector<16xf32>,
          %mul3A_1402 = arith.constant 5.000000e-01 : f32
          %mul3A_1403 = vector.broadcast %mul3A_1402 : f32 to vector<16xf32>
          %mul3A_1404 = arith.mulf %mul3A_1403, %add3A_1386 : vector<16xf32>
          %mul3A_1405 = arith.mulf %mul3A_1404, %gather3A_1401 : vector<16xf32>
          %mul3A_1406 = arith.mulf %mul3A_1405, %gather3A_1401 : vector<16xf32>
          %sub3A_1407 = arith.constant 1.500000e+00 : f32
          %sub3A_1408 = vector.broadcast %sub3A_1407 : f32 to vector<16xf32>
          %sub3A_1409 = arith.subf %sub3A_1408, %mul3A_1406 : vector<16xf32>
          %mul3A_1410 = arith.mulf %gather3A_1401, %sub3A_1409 : vector<16xf32>
          %mul3A_1411 = arith.mulf %add3A_1386, %mul3A_1410 : vector<16xf32>
          %add3A_1412 = arith.constant -9.320000e+02 : f32
          %add3A_1413 = vector.broadcast %add3A_1412 : f32 to vector<16xf32>
          %add3A_1414 = arith.addf %mul3A_1411, %add3A_1413 : vector<16xf32>
          %jit3A_1415 = arith.constant 0.000000e+00 : f32
          %broadcast_in_dim3A_1416 = vector.broadcast %jit3A_1415 : f32 to vector<16xf32>
          %select_n3A_1417 = arith.select %and3A_1393, %add3A_1414, %broadcast_in_dim3A_1416 : vector<16xi1>, vector<16xf32>
          %convert_element_type3A_1418 = arith.fptosi %select_n3A_1417 : vector<16xf32> to vector<16xi32>
          %convert_element_type3A_1419 = arith.sitofp %convert_element_type3A_1418 : vector<16xi32> to vector<16xf32>
          %sub3A_1420 = arith.subf %select_n3A_1417, %convert_element_type3A_1419 : vector<16xf32>
          %gather3A_1421 = tpu.vector_load_idx %arg8[%broadcast_in_dim3A_1380, %convert_element_type3A_1418] : memref<32x2168xf32, #tpu.memory_space<vmem>>[vector<16xi32>, vector<16xi32>], vector<16xf32>,
          %add3A_1422 = arith.constant 1 : i32
          %add3A_1423 = vector.broadcast %add3A_1422 : i32 to vector<16xi32>
          %add3A_1424 = arith.addi %convert_element_type3A_1418, %add3A_1423 : vector<16xi32>
          %gather3A_1425 = tpu.vector_load_idx %arg8[%broadcast_in_dim3A_1380, %add3A_1424] : memref<32x2168xf32, #tpu.memory_space<vmem>>[vector<16xi32>, vector<16xi32>], vector<16xf32>,
          %sub3A_1426 = arith.subf %gather3A_1425, %gather3A_1421 : vector<16xf32>
          %mul3A_1427 = arith.mulf %sub3A_1420, %sub3A_1426 : vector<16xf32>
          %add3A_1428 = arith.addf %gather3A_1421, %mul3A_1427 : vector<16xf32>
          %add3A_1429 = arith.addf %add3A_1378, %add3A_1428 : vector<16xf32>
          %broadcast_in_dim3A_1430 = arith.constant 26 : i32
          %broadcast_in_dim3A_1431 = vector.broadcast %broadcast_in_dim3A_1430 : i32 to vector<16xi32>
          %gather3A_1432 = tpu.vector_load_idx %arg10[%broadcast_in_dim3A_1431, %broadcast_in_dim3A_55] : memref<32x512xf32, #tpu.memory_space<vmem>>[vector<16xi32>, vector<16xi32>], vector<16xf32>,
          %get3A_1433 = arith.constant 26 : i32
          %get3A_1434 = arith.index_cast %get3A_1433 : i32 to index
          %get3A_1435 = arith.index_cast %mul3A_108 : i32 to index
          %get3A_1436 = tpu.vector_load %arg9[%get3A_1434, %get3A_1435] {strides = array<i32>} : memref<32x512xf32, #tpu.memory_space<vmem>>, vector<16xf32>,
          %add3A_1437 = arith.addf %get3A_1436, %gather3A_1432 : vector<16xf32>
          %ge3A_1438 = arith.constant 0x499C6C80 : f32
          %ge3A_1439 = vector.broadcast %ge3A_1438 : f32 to vector<16xf32>
          %ge3A_1440 = arith.cmpf oge, %add3A_1437, %ge3A_1439 : vector<16xf32>
          %le3A_1441 = arith.constant 0x4B1272A4 : f32
          %le3A_1442 = vector.broadcast %le3A_1441 : f32 to vector<16xf32>
          %le3A_1443 = arith.cmpf ole, %add3A_1437, %le3A_1442 : vector<16xf32>
          %and3A_1444 = arith.andi %ge3A_1440, %le3A_1443 : vector<16xi1>
          %bitcast3A_1445 = vector.bitcast %add3A_1437 : vector<16xf32> to vector<16xi32>
          %shift_right_logical3A_1446 = arith.constant 14 : i32
          %shift_right_logical3A_1447 = vector.broadcast %shift_right_logical3A_1446 : i32 to vector<16xi32>
          %shift_right_logical3A_1448 = arith.shrui %bitcast3A_1445, %shift_right_logical3A_1447 : vector<16xi32>
          %sub3A_1449 = arith.constant 71680 : i32
          %sub3A_1450 = vector.broadcast %sub3A_1449 : i32 to vector<16xi32>
          %sub3A_1451 = arith.subi %shift_right_logical3A_1448, %sub3A_1450 : vector<16xi32>
          %gather3A_1452 = tpu.vector_load_idx %arg12[%sub3A_1451] : memref<6144xf32, #tpu.memory_space<vmem>>[vector<16xi32>], vector<16xf32>,
          %mul3A_1453 = arith.constant 5.000000e-01 : f32
          %mul3A_1454 = vector.broadcast %mul3A_1453 : f32 to vector<16xf32>
          %mul3A_1455 = arith.mulf %mul3A_1454, %add3A_1437 : vector<16xf32>
          %mul3A_1456 = arith.mulf %mul3A_1455, %gather3A_1452 : vector<16xf32>
          %mul3A_1457 = arith.mulf %mul3A_1456, %gather3A_1452 : vector<16xf32>
          %sub3A_1458 = arith.constant 1.500000e+00 : f32
          %sub3A_1459 = vector.broadcast %sub3A_1458 : f32 to vector<16xf32>
          %sub3A_1460 = arith.subf %sub3A_1459, %mul3A_1457 : vector<16xf32>
          %mul3A_1461 = arith.mulf %gather3A_1452, %sub3A_1460 : vector<16xf32>
          %mul3A_1462 = arith.mulf %add3A_1437, %mul3A_1461 : vector<16xf32>
          %add3A_1463 = arith.constant -9.320000e+02 : f32
          %add3A_1464 = vector.broadcast %add3A_1463 : f32 to vector<16xf32>
          %add3A_1465 = arith.addf %mul3A_1462, %add3A_1464 : vector<16xf32>
          %jit3A_1466 = arith.constant 0.000000e+00 : f32
          %broadcast_in_dim3A_1467 = vector.broadcast %jit3A_1466 : f32 to vector<16xf32>
          %select_n3A_1468 = arith.select %and3A_1444, %add3A_1465, %broadcast_in_dim3A_1467 : vector<16xi1>, vector<16xf32>
          %convert_element_type3A_1469 = arith.fptosi %select_n3A_1468 : vector<16xf32> to vector<16xi32>
          %convert_element_type3A_1470 = arith.sitofp %convert_element_type3A_1469 : vector<16xi32> to vector<16xf32>
          %sub3A_1471 = arith.subf %select_n3A_1468, %convert_element_type3A_1470 : vector<16xf32>
          %gather3A_1472 = tpu.vector_load_idx %arg8[%broadcast_in_dim3A_1431, %convert_element_type3A_1469] : memref<32x2168xf32, #tpu.memory_space<vmem>>[vector<16xi32>, vector<16xi32>], vector<16xf32>,
          %add3A_1473 = arith.constant 1 : i32
          %add3A_1474 = vector.broadcast %add3A_1473 : i32 to vector<16xi32>
          %add3A_1475 = arith.addi %convert_element_type3A_1469, %add3A_1474 : vector<16xi32>
          %gather3A_1476 = tpu.vector_load_idx %arg8[%broadcast_in_dim3A_1431, %add3A_1475] : memref<32x2168xf32, #tpu.memory_space<vmem>>[vector<16xi32>, vector<16xi32>], vector<16xf32>,
          %sub3A_1477 = arith.subf %gather3A_1476, %gather3A_1472 : vector<16xf32>
          %mul3A_1478 = arith.mulf %sub3A_1471, %sub3A_1477 : vector<16xf32>
          %add3A_1479 = arith.addf %gather3A_1472, %mul3A_1478 : vector<16xf32>
          %add3A_1480 = arith.addf %add3A_1429, %add3A_1479 : vector<16xf32>
          %broadcast_in_dim3A_1481 = arith.constant 27 : i32
          %broadcast_in_dim3A_1482 = vector.broadcast %broadcast_in_dim3A_1481 : i32 to vector<16xi32>
          %gather3A_1483 = tpu.vector_load_idx %arg10[%broadcast_in_dim3A_1482, %broadcast_in_dim3A_55] : memref<32x512xf32, #tpu.memory_space<vmem>>[vector<16xi32>, vector<16xi32>], vector<16xf32>,
          %get3A_1484 = arith.constant 27 : i32
          %get3A_1485 = arith.index_cast %get3A_1484 : i32 to index
          %get3A_1486 = arith.index_cast %mul3A_108 : i32 to index
          %get3A_1487 = tpu.vector_load %arg9[%get3A_1485, %get3A_1486] {strides = array<i32>} : memref<32x512xf32, #tpu.memory_space<vmem>>, vector<16xf32>,
          %add3A_1488 = arith.addf %get3A_1487, %gather3A_1483 : vector<16xf32>
          %ge3A_1489 = arith.constant 0x499C6C80 : f32
          %ge3A_1490 = vector.broadcast %ge3A_1489 : f32 to vector<16xf32>
          %ge3A_1491 = arith.cmpf oge, %add3A_1488, %ge3A_1490 : vector<16xf32>
          %le3A_1492 = arith.constant 0x4B1272A4 : f32
          %le3A_1493 = vector.broadcast %le3A_1492 : f32 to vector<16xf32>
          %le3A_1494 = arith.cmpf ole, %add3A_1488, %le3A_1493 : vector<16xf32>
          %and3A_1495 = arith.andi %ge3A_1491, %le3A_1494 : vector<16xi1>
          %bitcast3A_1496 = vector.bitcast %add3A_1488 : vector<16xf32> to vector<16xi32>
          %shift_right_logical3A_1497 = arith.constant 14 : i32
          %shift_right_logical3A_1498 = vector.broadcast %shift_right_logical3A_1497 : i32 to vector<16xi32>
          %shift_right_logical3A_1499 = arith.shrui %bitcast3A_1496, %shift_right_logical3A_1498 : vector<16xi32>
          %sub3A_1500 = arith.constant 71680 : i32
          %sub3A_1501 = vector.broadcast %sub3A_1500 : i32 to vector<16xi32>
          %sub3A_1502 = arith.subi %shift_right_logical3A_1499, %sub3A_1501 : vector<16xi32>
          %gather3A_1503 = tpu.vector_load_idx %arg12[%sub3A_1502] : memref<6144xf32, #tpu.memory_space<vmem>>[vector<16xi32>], vector<16xf32>,
          %mul3A_1504 = arith.constant 5.000000e-01 : f32
          %mul3A_1505 = vector.broadcast %mul3A_1504 : f32 to vector<16xf32>
          %mul3A_1506 = arith.mulf %mul3A_1505, %add3A_1488 : vector<16xf32>
          %mul3A_1507 = arith.mulf %mul3A_1506, %gather3A_1503 : vector<16xf32>
          %mul3A_1508 = arith.mulf %mul3A_1507, %gather3A_1503 : vector<16xf32>
          %sub3A_1509 = arith.constant 1.500000e+00 : f32
          %sub3A_1510 = vector.broadcast %sub3A_1509 : f32 to vector<16xf32>
          %sub3A_1511 = arith.subf %sub3A_1510, %mul3A_1508 : vector<16xf32>
          %mul3A_1512 = arith.mulf %gather3A_1503, %sub3A_1511 : vector<16xf32>
          %mul3A_1513 = arith.mulf %add3A_1488, %mul3A_1512 : vector<16xf32>
          %add3A_1514 = arith.constant -9.320000e+02 : f32
          %add3A_1515 = vector.broadcast %add3A_1514 : f32 to vector<16xf32>
          %add3A_1516 = arith.addf %mul3A_1513, %add3A_1515 : vector<16xf32>
          %jit3A_1517 = arith.constant 0.000000e+00 : f32
          %broadcast_in_dim3A_1518 = vector.broadcast %jit3A_1517 : f32 to vector<16xf32>
          %select_n3A_1519 = arith.select %and3A_1495, %add3A_1516, %broadcast_in_dim3A_1518 : vector<16xi1>, vector<16xf32>
          %convert_element_type3A_1520 = arith.fptosi %select_n3A_1519 : vector<16xf32> to vector<16xi32>
          %convert_element_type3A_1521 = arith.sitofp %convert_element_type3A_1520 : vector<16xi32> to vector<16xf32>
          %sub3A_1522 = arith.subf %select_n3A_1519, %convert_element_type3A_1521 : vector<16xf32>
          %gather3A_1523 = tpu.vector_load_idx %arg8[%broadcast_in_dim3A_1482, %convert_element_type3A_1520] : memref<32x2168xf32, #tpu.memory_space<vmem>>[vector<16xi32>, vector<16xi32>], vector<16xf32>,
          %add3A_1524 = arith.constant 1 : i32
          %add3A_1525 = vector.broadcast %add3A_1524 : i32 to vector<16xi32>
          %add3A_1526 = arith.addi %convert_element_type3A_1520, %add3A_1525 : vector<16xi32>
          %gather3A_1527 = tpu.vector_load_idx %arg8[%broadcast_in_dim3A_1482, %add3A_1526] : memref<32x2168xf32, #tpu.memory_space<vmem>>[vector<16xi32>, vector<16xi32>], vector<16xf32>,
          %sub3A_1528 = arith.subf %gather3A_1527, %gather3A_1523 : vector<16xf32>
          %mul3A_1529 = arith.mulf %sub3A_1522, %sub3A_1528 : vector<16xf32>
          %add3A_1530 = arith.addf %gather3A_1523, %mul3A_1529 : vector<16xf32>
          %add3A_1531 = arith.addf %add3A_1480, %add3A_1530 : vector<16xf32>
          %broadcast_in_dim3A_1532 = arith.constant 28 : i32
          %broadcast_in_dim3A_1533 = vector.broadcast %broadcast_in_dim3A_1532 : i32 to vector<16xi32>
          %gather3A_1534 = tpu.vector_load_idx %arg10[%broadcast_in_dim3A_1533, %broadcast_in_dim3A_55] : memref<32x512xf32, #tpu.memory_space<vmem>>[vector<16xi32>, vector<16xi32>], vector<16xf32>,
          %get3A_1535 = arith.constant 28 : i32
          %get3A_1536 = arith.index_cast %get3A_1535 : i32 to index
          %get3A_1537 = arith.index_cast %mul3A_108 : i32 to index
          %get3A_1538 = tpu.vector_load %arg9[%get3A_1536, %get3A_1537] {strides = array<i32>} : memref<32x512xf32, #tpu.memory_space<vmem>>, vector<16xf32>,
          %add3A_1539 = arith.addf %get3A_1538, %gather3A_1534 : vector<16xf32>
          %ge3A_1540 = arith.constant 0x499C6C80 : f32
          %ge3A_1541 = vector.broadcast %ge3A_1540 : f32 to vector<16xf32>
          %ge3A_1542 = arith.cmpf oge, %add3A_1539, %ge3A_1541 : vector<16xf32>
          %le3A_1543 = arith.constant 0x4B1272A4 : f32
          %le3A_1544 = vector.broadcast %le3A_1543 : f32 to vector<16xf32>
          %le3A_1545 = arith.cmpf ole, %add3A_1539, %le3A_1544 : vector<16xf32>
          %and3A_1546 = arith.andi %ge3A_1542, %le3A_1545 : vector<16xi1>
          %bitcast3A_1547 = vector.bitcast %add3A_1539 : vector<16xf32> to vector<16xi32>
          %shift_right_logical3A_1548 = arith.constant 14 : i32
          %shift_right_logical3A_1549 = vector.broadcast %shift_right_logical3A_1548 : i32 to vector<16xi32>
          %shift_right_logical3A_1550 = arith.shrui %bitcast3A_1547, %shift_right_logical3A_1549 : vector<16xi32>
          %sub3A_1551 = arith.constant 71680 : i32
          %sub3A_1552 = vector.broadcast %sub3A_1551 : i32 to vector<16xi32>
          %sub3A_1553 = arith.subi %shift_right_logical3A_1550, %sub3A_1552 : vector<16xi32>
          %gather3A_1554 = tpu.vector_load_idx %arg12[%sub3A_1553] : memref<6144xf32, #tpu.memory_space<vmem>>[vector<16xi32>], vector<16xf32>,
          %mul3A_1555 = arith.constant 5.000000e-01 : f32
          %mul3A_1556 = vector.broadcast %mul3A_1555 : f32 to vector<16xf32>
          %mul3A_1557 = arith.mulf %mul3A_1556, %add3A_1539 : vector<16xf32>
          %mul3A_1558 = arith.mulf %mul3A_1557, %gather3A_1554 : vector<16xf32>
          %mul3A_1559 = arith.mulf %mul3A_1558, %gather3A_1554 : vector<16xf32>
          %sub3A_1560 = arith.constant 1.500000e+00 : f32
          %sub3A_1561 = vector.broadcast %sub3A_1560 : f32 to vector<16xf32>
          %sub3A_1562 = arith.subf %sub3A_1561, %mul3A_1559 : vector<16xf32>
          %mul3A_1563 = arith.mulf %gather3A_1554, %sub3A_1562 : vector<16xf32>
          %mul3A_1564 = arith.mulf %add3A_1539, %mul3A_1563 : vector<16xf32>
          %add3A_1565 = arith.constant -9.320000e+02 : f32
          %add3A_1566 = vector.broadcast %add3A_1565 : f32 to vector<16xf32>
          %add3A_1567 = arith.addf %mul3A_1564, %add3A_1566 : vector<16xf32>
          %jit3A_1568 = arith.constant 0.000000e+00 : f32
          %broadcast_in_dim3A_1569 = vector.broadcast %jit3A_1568 : f32 to vector<16xf32>
          %select_n3A_1570 = arith.select %and3A_1546, %add3A_1567, %broadcast_in_dim3A_1569 : vector<16xi1>, vector<16xf32>
          %convert_element_type3A_1571 = arith.fptosi %select_n3A_1570 : vector<16xf32> to vector<16xi32>
          %convert_element_type3A_1572 = arith.sitofp %convert_element_type3A_1571 : vector<16xi32> to vector<16xf32>
          %sub3A_1573 = arith.subf %select_n3A_1570, %convert_element_type3A_1572 : vector<16xf32>
          %gather3A_1574 = tpu.vector_load_idx %arg8[%broadcast_in_dim3A_1533, %convert_element_type3A_1571] : memref<32x2168xf32, #tpu.memory_space<vmem>>[vector<16xi32>, vector<16xi32>], vector<16xf32>,
          %add3A_1575 = arith.constant 1 : i32
          %add3A_1576 = vector.broadcast %add3A_1575 : i32 to vector<16xi32>
          %add3A_1577 = arith.addi %convert_element_type3A_1571, %add3A_1576 : vector<16xi32>
          %gather3A_1578 = tpu.vector_load_idx %arg8[%broadcast_in_dim3A_1533, %add3A_1577] : memref<32x2168xf32, #tpu.memory_space<vmem>>[vector<16xi32>, vector<16xi32>], vector<16xf32>,
          %sub3A_1579 = arith.subf %gather3A_1578, %gather3A_1574 : vector<16xf32>
          %mul3A_1580 = arith.mulf %sub3A_1573, %sub3A_1579 : vector<16xf32>
          %add3A_1581 = arith.addf %gather3A_1574, %mul3A_1580 : vector<16xf32>
          %add3A_1582 = arith.addf %add3A_1531, %add3A_1581 : vector<16xf32>
          %broadcast_in_dim3A_1583 = arith.constant 29 : i32
          %broadcast_in_dim3A_1584 = vector.broadcast %broadcast_in_dim3A_1583 : i32 to vector<16xi32>
          %gather3A_1585 = tpu.vector_load_idx %arg10[%broadcast_in_dim3A_1584, %broadcast_in_dim3A_55] : memref<32x512xf32, #tpu.memory_space<vmem>>[vector<16xi32>, vector<16xi32>], vector<16xf32>,
          %get3A_1586 = arith.constant 29 : i32
          %get3A_1587 = arith.index_cast %get3A_1586 : i32 to index
          %get3A_1588 = arith.index_cast %mul3A_108 : i32 to index
          %get3A_1589 = tpu.vector_load %arg9[%get3A_1587, %get3A_1588] {strides = array<i32>} : memref<32x512xf32, #tpu.memory_space<vmem>>, vector<16xf32>,
          %add3A_1590 = arith.addf %get3A_1589, %gather3A_1585 : vector<16xf32>
          %ge3A_1591 = arith.constant 0x499C6C80 : f32
          %ge3A_1592 = vector.broadcast %ge3A_1591 : f32 to vector<16xf32>
          %ge3A_1593 = arith.cmpf oge, %add3A_1590, %ge3A_1592 : vector<16xf32>
          %le3A_1594 = arith.constant 0x4B1272A4 : f32
          %le3A_1595 = vector.broadcast %le3A_1594 : f32 to vector<16xf32>
          %le3A_1596 = arith.cmpf ole, %add3A_1590, %le3A_1595 : vector<16xf32>
          %and3A_1597 = arith.andi %ge3A_1593, %le3A_1596 : vector<16xi1>
          %bitcast3A_1598 = vector.bitcast %add3A_1590 : vector<16xf32> to vector<16xi32>
          %shift_right_logical3A_1599 = arith.constant 14 : i32
          %shift_right_logical3A_1600 = vector.broadcast %shift_right_logical3A_1599 : i32 to vector<16xi32>
          %shift_right_logical3A_1601 = arith.shrui %bitcast3A_1598, %shift_right_logical3A_1600 : vector<16xi32>
          %sub3A_1602 = arith.constant 71680 : i32
          %sub3A_1603 = vector.broadcast %sub3A_1602 : i32 to vector<16xi32>
          %sub3A_1604 = arith.subi %shift_right_logical3A_1601, %sub3A_1603 : vector<16xi32>
          %gather3A_1605 = tpu.vector_load_idx %arg12[%sub3A_1604] : memref<6144xf32, #tpu.memory_space<vmem>>[vector<16xi32>], vector<16xf32>,
          %mul3A_1606 = arith.constant 5.000000e-01 : f32
          %mul3A_1607 = vector.broadcast %mul3A_1606 : f32 to vector<16xf32>
          %mul3A_1608 = arith.mulf %mul3A_1607, %add3A_1590 : vector<16xf32>
          %mul3A_1609 = arith.mulf %mul3A_1608, %gather3A_1605 : vector<16xf32>
          %mul3A_1610 = arith.mulf %mul3A_1609, %gather3A_1605 : vector<16xf32>
          %sub3A_1611 = arith.constant 1.500000e+00 : f32
          %sub3A_1612 = vector.broadcast %sub3A_1611 : f32 to vector<16xf32>
          %sub3A_1613 = arith.subf %sub3A_1612, %mul3A_1610 : vector<16xf32>
          %mul3A_1614 = arith.mulf %gather3A_1605, %sub3A_1613 : vector<16xf32>
          %mul3A_1615 = arith.mulf %add3A_1590, %mul3A_1614 : vector<16xf32>
          %add3A_1616 = arith.constant -9.320000e+02 : f32
          %add3A_1617 = vector.broadcast %add3A_1616 : f32 to vector<16xf32>
          %add3A_1618 = arith.addf %mul3A_1615, %add3A_1617 : vector<16xf32>
          %jit3A_1619 = arith.constant 0.000000e+00 : f32
          %broadcast_in_dim3A_1620 = vector.broadcast %jit3A_1619 : f32 to vector<16xf32>
          %select_n3A_1621 = arith.select %and3A_1597, %add3A_1618, %broadcast_in_dim3A_1620 : vector<16xi1>, vector<16xf32>
          %convert_element_type3A_1622 = arith.fptosi %select_n3A_1621 : vector<16xf32> to vector<16xi32>
          %convert_element_type3A_1623 = arith.sitofp %convert_element_type3A_1622 : vector<16xi32> to vector<16xf32>
          %sub3A_1624 = arith.subf %select_n3A_1621, %convert_element_type3A_1623 : vector<16xf32>
          %gather3A_1625 = tpu.vector_load_idx %arg8[%broadcast_in_dim3A_1584, %convert_element_type3A_1622] : memref<32x2168xf32, #tpu.memory_space<vmem>>[vector<16xi32>, vector<16xi32>], vector<16xf32>,
          %add3A_1626 = arith.constant 1 : i32
          %add3A_1627 = vector.broadcast %add3A_1626 : i32 to vector<16xi32>
          %add3A_1628 = arith.addi %convert_element_type3A_1622, %add3A_1627 : vector<16xi32>
          %gather3A_1629 = tpu.vector_load_idx %arg8[%broadcast_in_dim3A_1584, %add3A_1628] : memref<32x2168xf32, #tpu.memory_space<vmem>>[vector<16xi32>, vector<16xi32>], vector<16xf32>,
          %sub3A_1630 = arith.subf %gather3A_1629, %gather3A_1625 : vector<16xf32>
          %mul3A_1631 = arith.mulf %sub3A_1624, %sub3A_1630 : vector<16xf32>
          %add3A_1632 = arith.addf %gather3A_1625, %mul3A_1631 : vector<16xf32>
          %add3A_1633 = arith.addf %add3A_1582, %add3A_1632 : vector<16xf32>
          %broadcast_in_dim3A_1634 = arith.constant 30 : i32
          %broadcast_in_dim3A_1635 = vector.broadcast %broadcast_in_dim3A_1634 : i32 to vector<16xi32>
          %gather3A_1636 = tpu.vector_load_idx %arg10[%broadcast_in_dim3A_1635, %broadcast_in_dim3A_55] : memref<32x512xf32, #tpu.memory_space<vmem>>[vector<16xi32>, vector<16xi32>], vector<16xf32>,
          %get3A_1637 = arith.constant 30 : i32
          %get3A_1638 = arith.index_cast %get3A_1637 : i32 to index
          %get3A_1639 = arith.index_cast %mul3A_108 : i32 to index
          %get3A_1640 = tpu.vector_load %arg9[%get3A_1638, %get3A_1639] {strides = array<i32>} : memref<32x512xf32, #tpu.memory_space<vmem>>, vector<16xf32>,
          %add3A_1641 = arith.addf %get3A_1640, %gather3A_1636 : vector<16xf32>
          %ge3A_1642 = arith.constant 0x499C6C80 : f32
          %ge3A_1643 = vector.broadcast %ge3A_1642 : f32 to vector<16xf32>
          %ge3A_1644 = arith.cmpf oge, %add3A_1641, %ge3A_1643 : vector<16xf32>
          %le3A_1645 = arith.constant 0x4B1272A4 : f32
          %le3A_1646 = vector.broadcast %le3A_1645 : f32 to vector<16xf32>
          %le3A_1647 = arith.cmpf ole, %add3A_1641, %le3A_1646 : vector<16xf32>
          %and3A_1648 = arith.andi %ge3A_1644, %le3A_1647 : vector<16xi1>
          %bitcast3A_1649 = vector.bitcast %add3A_1641 : vector<16xf32> to vector<16xi32>
          %shift_right_logical3A_1650 = arith.constant 14 : i32
          %shift_right_logical3A_1651 = vector.broadcast %shift_right_logical3A_1650 : i32 to vector<16xi32>
          %shift_right_logical3A_1652 = arith.shrui %bitcast3A_1649, %shift_right_logical3A_1651 : vector<16xi32>
          %sub3A_1653 = arith.constant 71680 : i32
          %sub3A_1654 = vector.broadcast %sub3A_1653 : i32 to vector<16xi32>
          %sub3A_1655 = arith.subi %shift_right_logical3A_1652, %sub3A_1654 : vector<16xi32>
          %gather3A_1656 = tpu.vector_load_idx %arg12[%sub3A_1655] : memref<6144xf32, #tpu.memory_space<vmem>>[vector<16xi32>], vector<16xf32>,
          %mul3A_1657 = arith.constant 5.000000e-01 : f32
          %mul3A_1658 = vector.broadcast %mul3A_1657 : f32 to vector<16xf32>
          %mul3A_1659 = arith.mulf %mul3A_1658, %add3A_1641 : vector<16xf32>
          %mul3A_1660 = arith.mulf %mul3A_1659, %gather3A_1656 : vector<16xf32>
          %mul3A_1661 = arith.mulf %mul3A_1660, %gather3A_1656 : vector<16xf32>
          %sub3A_1662 = arith.constant 1.500000e+00 : f32
          %sub3A_1663 = vector.broadcast %sub3A_1662 : f32 to vector<16xf32>
          %sub3A_1664 = arith.subf %sub3A_1663, %mul3A_1661 : vector<16xf32>
          %mul3A_1665 = arith.mulf %gather3A_1656, %sub3A_1664 : vector<16xf32>
          %mul3A_1666 = arith.mulf %add3A_1641, %mul3A_1665 : vector<16xf32>
          %add3A_1667 = arith.constant -9.320000e+02 : f32
          %add3A_1668 = vector.broadcast %add3A_1667 : f32 to vector<16xf32>
          %add3A_1669 = arith.addf %mul3A_1666, %add3A_1668 : vector<16xf32>
          %jit3A_1670 = arith.constant 0.000000e+00 : f32
          %broadcast_in_dim3A_1671 = vector.broadcast %jit3A_1670 : f32 to vector<16xf32>
          %select_n3A_1672 = arith.select %and3A_1648, %add3A_1669, %broadcast_in_dim3A_1671 : vector<16xi1>, vector<16xf32>
          %convert_element_type3A_1673 = arith.fptosi %select_n3A_1672 : vector<16xf32> to vector<16xi32>
          %convert_element_type3A_1674 = arith.sitofp %convert_element_type3A_1673 : vector<16xi32> to vector<16xf32>
          %sub3A_1675 = arith.subf %select_n3A_1672, %convert_element_type3A_1674 : vector<16xf32>
          %gather3A_1676 = tpu.vector_load_idx %arg8[%broadcast_in_dim3A_1635, %convert_element_type3A_1673] : memref<32x2168xf32, #tpu.memory_space<vmem>>[vector<16xi32>, vector<16xi32>], vector<16xf32>,
          %add3A_1677 = arith.constant 1 : i32
          %add3A_1678 = vector.broadcast %add3A_1677 : i32 to vector<16xi32>
          %add3A_1679 = arith.addi %convert_element_type3A_1673, %add3A_1678 : vector<16xi32>
          %gather3A_1680 = tpu.vector_load_idx %arg8[%broadcast_in_dim3A_1635, %add3A_1679] : memref<32x2168xf32, #tpu.memory_space<vmem>>[vector<16xi32>, vector<16xi32>], vector<16xf32>,
          %sub3A_1681 = arith.subf %gather3A_1680, %gather3A_1676 : vector<16xf32>
          %mul3A_1682 = arith.mulf %sub3A_1675, %sub3A_1681 : vector<16xf32>
          %add3A_1683 = arith.addf %gather3A_1676, %mul3A_1682 : vector<16xf32>
          %add3A_1684 = arith.addf %add3A_1633, %add3A_1683 : vector<16xf32>
          %broadcast_in_dim3A_1685 = arith.constant 31 : i32
          %broadcast_in_dim3A_1686 = vector.broadcast %broadcast_in_dim3A_1685 : i32 to vector<16xi32>
          %gather3A_1687 = tpu.vector_load_idx %arg10[%broadcast_in_dim3A_1686, %broadcast_in_dim3A_55] : memref<32x512xf32, #tpu.memory_space<vmem>>[vector<16xi32>, vector<16xi32>], vector<16xf32>,
          %get3A_1688 = arith.constant 31 : i32
          %get3A_1689 = arith.index_cast %get3A_1688 : i32 to index
          %get3A_1690 = arith.index_cast %mul3A_108 : i32 to index
          %get3A_1691 = tpu.vector_load %arg9[%get3A_1689, %get3A_1690] {strides = array<i32>} : memref<32x512xf32, #tpu.memory_space<vmem>>, vector<16xf32>,
          %add3A_1692 = arith.addf %get3A_1691, %gather3A_1687 : vector<16xf32>
          %ge3A_1693 = arith.constant 0x499C6C80 : f32
          %ge3A_1694 = vector.broadcast %ge3A_1693 : f32 to vector<16xf32>
          %ge3A_1695 = arith.cmpf oge, %add3A_1692, %ge3A_1694 : vector<16xf32>
          %le3A_1696 = arith.constant 0x4B1272A4 : f32
          %le3A_1697 = vector.broadcast %le3A_1696 : f32 to vector<16xf32>
          %le3A_1698 = arith.cmpf ole, %add3A_1692, %le3A_1697 : vector<16xf32>
          %and3A_1699 = arith.andi %ge3A_1695, %le3A_1698 : vector<16xi1>
          %bitcast3A_1700 = vector.bitcast %add3A_1692 : vector<16xf32> to vector<16xi32>
          %shift_right_logical3A_1701 = arith.constant 14 : i32
          %shift_right_logical3A_1702 = vector.broadcast %shift_right_logical3A_1701 : i32 to vector<16xi32>
          %shift_right_logical3A_1703 = arith.shrui %bitcast3A_1700, %shift_right_logical3A_1702 : vector<16xi32>
          %sub3A_1704 = arith.constant 71680 : i32
          %sub3A_1705 = vector.broadcast %sub3A_1704 : i32 to vector<16xi32>
          %sub3A_1706 = arith.subi %shift_right_logical3A_1703, %sub3A_1705 : vector<16xi32>
          %gather3A_1707 = tpu.vector_load_idx %arg12[%sub3A_1706] : memref<6144xf32, #tpu.memory_space<vmem>>[vector<16xi32>], vector<16xf32>,
          %mul3A_1708 = arith.constant 5.000000e-01 : f32
          %mul3A_1709 = vector.broadcast %mul3A_1708 : f32 to vector<16xf32>
          %mul3A_1710 = arith.mulf %mul3A_1709, %add3A_1692 : vector<16xf32>
          %mul3A_1711 = arith.mulf %mul3A_1710, %gather3A_1707 : vector<16xf32>
          %mul3A_1712 = arith.mulf %mul3A_1711, %gather3A_1707 : vector<16xf32>
          %sub3A_1713 = arith.constant 1.500000e+00 : f32
          %sub3A_1714 = vector.broadcast %sub3A_1713 : f32 to vector<16xf32>
          %sub3A_1715 = arith.subf %sub3A_1714, %mul3A_1712 : vector<16xf32>
          %mul3A_1716 = arith.mulf %gather3A_1707, %sub3A_1715 : vector<16xf32>
          %mul3A_1717 = arith.mulf %add3A_1692, %mul3A_1716 : vector<16xf32>
          %add3A_1718 = arith.constant -9.320000e+02 : f32
          %add3A_1719 = vector.broadcast %add3A_1718 : f32 to vector<16xf32>
          %add3A_1720 = arith.addf %mul3A_1717, %add3A_1719 : vector<16xf32>
          %jit3A_1721 = arith.constant 0.000000e+00 : f32
          %broadcast_in_dim3A_1722 = vector.broadcast %jit3A_1721 : f32 to vector<16xf32>
          %select_n3A_1723 = arith.select %and3A_1699, %add3A_1720, %broadcast_in_dim3A_1722 : vector<16xi1>, vector<16xf32>
          %convert_element_type3A_1724 = arith.fptosi %select_n3A_1723 : vector<16xf32> to vector<16xi32>
          %convert_element_type3A_1725 = arith.sitofp %convert_element_type3A_1724 : vector<16xi32> to vector<16xf32>
          %sub3A_1726 = arith.subf %select_n3A_1723, %convert_element_type3A_1725 : vector<16xf32>
          %gather3A_1727 = tpu.vector_load_idx %arg8[%broadcast_in_dim3A_1686, %convert_element_type3A_1724] : memref<32x2168xf32, #tpu.memory_space<vmem>>[vector<16xi32>, vector<16xi32>], vector<16xf32>,
          %add3A_1728 = arith.constant 1 : i32
          %add3A_1729 = vector.broadcast %add3A_1728 : i32 to vector<16xi32>
          %add3A_1730 = arith.addi %convert_element_type3A_1724, %add3A_1729 : vector<16xi32>
          %gather3A_1731 = tpu.vector_load_idx %arg8[%broadcast_in_dim3A_1686, %add3A_1730] : memref<32x2168xf32, #tpu.memory_space<vmem>>[vector<16xi32>, vector<16xi32>], vector<16xf32>,
          %sub3A_1732 = arith.subf %gather3A_1731, %gather3A_1727 : vector<16xf32>
          %mul3A_1733 = arith.mulf %sub3A_1726, %sub3A_1732 : vector<16xf32>
          %add3A_1734 = arith.addf %gather3A_1727, %mul3A_1733 : vector<16xf32>
          %add3A_1735 = arith.addf %add3A_1684, %add3A_1734 : vector<16xf32>
          %add3A_1736 = arith.addi %mul3A_22, %scan3A_49 : i32
          %swap3A = arith.index_cast %add3A_1736 : i32 to index
          %swap3A_1737 = arith.index_cast %mul3A_108 : i32 to index
          %swap3A_1738 = tpu.vector_load %arg11[%swap3A, %swap3A_1737] {strides = array<i32>} : memref<32x512xf32, #tpu.memory_space<vmem>>, vector<16xf32>,
          tpu.vector_store %arg11[%swap3A, %swap3A_1737], %add3A_1735 {strides = array<i32>} : memref<32x512xf32, #tpu.memory_space<vmem>>, vector<16xf32>,
        }
        %while3A_105 = arith.constant 1 : i32
        scf.for %while3A_106 = %while3A_103 to %while3A_99 step %while3A_105  : i32 {
          %mul3A_107 = arith.constant 16 : i32
          %mul3A_108 = arith.muli %while3A_106, %mul3A_107 : i32
          %broadcast_in_dim3A_109 = arith.constant 0 : i32
          %broadcast_in_dim3A_110 = vector.broadcast %broadcast_in_dim3A_109 : i32 to vector<16xi32>
          %gather3A = tpu.vector_load_idx %arg10[%broadcast_in_dim3A_110, %broadcast_in_dim3A_55] : memref<32x512xf32, #tpu.memory_space<vmem>>[vector<16xi32>, vector<16xi32>], vector<16xf32>,
          %get3A_111 = arith.constant 0 : i32
          %get3A_112 = arith.index_cast %get3A_111 : i32 to index
          %get3A_113 = arith.index_cast %mul3A_108 : i32 to index
          %get3A_114 = tpu.vector_load %arg9[%get3A_112, %get3A_113] {strides = array<i32>} : memref<32x512xf32, #tpu.memory_space<vmem>>, vector<16xf32>,
          %add3A_115 = arith.addf %get3A_114, %gather3A : vector<16xf32>
          %ge3A_116 = arith.constant 0x499C6C80 : f32
          %ge3A_117 = vector.broadcast %ge3A_116 : f32 to vector<16xf32>
          %ge3A_118 = arith.cmpf oge, %add3A_115, %ge3A_117 : vector<16xf32>
          %le3A = arith.constant 0x4B1272A4 : f32
          %le3A_119 = vector.broadcast %le3A : f32 to vector<16xf32>
          %le3A_120 = arith.cmpf ole, %add3A_115, %le3A_119 : vector<16xf32>
          %and3A = arith.andi %ge3A_118, %le3A_120 : vector<16xi1>
          %bitcast3A = vector.bitcast %add3A_115 : vector<16xf32> to vector<16xi32>
          %shift_right_logical3A_121 = arith.constant 14 : i32
          %shift_right_logical3A_122 = vector.broadcast %shift_right_logical3A_121 : i32 to vector<16xi32>
          %shift_right_logical3A_123 = arith.shrui %bitcast3A, %shift_right_logical3A_122 : vector<16xi32>
          %sub3A = arith.constant 71680 : i32
          %sub3A_124 = vector.broadcast %sub3A : i32 to vector<16xi32>
          %sub3A_125 = arith.subi %shift_right_logical3A_123, %sub3A_124 : vector<16xi32>
          %gather3A_126 = tpu.vector_load_idx %arg12[%sub3A_125] : memref<6144xf32, #tpu.memory_space<vmem>>[vector<16xi32>], vector<16xf32>,
          %mul3A_127 = arith.constant 5.000000e-01 : f32
          %mul3A_128 = vector.broadcast %mul3A_127 : f32 to vector<16xf32>
          %mul3A_129 = arith.mulf %mul3A_128, %add3A_115 : vector<16xf32>
          %mul3A_130 = arith.mulf %mul3A_129, %gather3A_126 : vector<16xf32>
          %mul3A_131 = arith.mulf %mul3A_130, %gather3A_126 : vector<16xf32>
          %sub3A_132 = arith.constant 1.500000e+00 : f32
          %sub3A_133 = vector.broadcast %sub3A_132 : f32 to vector<16xf32>
          %sub3A_134 = arith.subf %sub3A_133, %mul3A_131 : vector<16xf32>
          %mul3A_135 = arith.mulf %gather3A_126, %sub3A_134 : vector<16xf32>
          %mul3A_136 = arith.mulf %add3A_115, %mul3A_135 : vector<16xf32>
          %add3A_137 = arith.constant -9.320000e+02 : f32
          %add3A_138 = vector.broadcast %add3A_137 : f32 to vector<16xf32>
          %add3A_139 = arith.addf %mul3A_136, %add3A_138 : vector<16xf32>
          %jit3A_140 = arith.constant 0.000000e+00 : f32
          %broadcast_in_dim3A_141 = vector.broadcast %jit3A_140 : f32 to vector<16xf32>
          %select_n3A_142 = arith.select %and3A, %add3A_139, %broadcast_in_dim3A_141 : vector<16xi1>, vector<16xf32>
          %convert_element_type3A_143 = arith.fptosi %select_n3A_142 : vector<16xf32> to vector<16xi32>
          %convert_element_type3A_144 = arith.sitofp %convert_element_type3A_143 : vector<16xi32> to vector<16xf32>
          %sub3A_145 = arith.subf %select_n3A_142, %convert_element_type3A_144 : vector<16xf32>
          %gather3A_146 = tpu.vector_load_idx %arg8[%broadcast_in_dim3A_110, %convert_element_type3A_143] : memref<32x2168xf32, #tpu.memory_space<vmem>>[vector<16xi32>, vector<16xi32>], vector<16xf32>,
          %add3A_147 = arith.constant 1 : i32
          %add3A_148 = vector.broadcast %add3A_147 : i32 to vector<16xi32>
          %add3A_149 = arith.addi %convert_element_type3A_143, %add3A_148 : vector<16xi32>
          %gather3A_150 = tpu.vector_load_idx %arg8[%broadcast_in_dim3A_110, %add3A_149] : memref<32x2168xf32, #tpu.memory_space<vmem>>[vector<16xi32>, vector<16xi32>], vector<16xf32>,
          %sub3A_151 = arith.subf %gather3A_150, %gather3A_146 : vector<16xf32>
          %mul3A_152 = arith.mulf %sub3A_145, %sub3A_151 : vector<16xf32>
          %add3A_153 = arith.addf %gather3A_146, %mul3A_152 : vector<16xf32>
          %add3A_154 = arith.addf %broadcast_in_dim3A_5, %add3A_153 : vector<16xf32>
          %broadcast_in_dim3A_155 = arith.constant 1 : i32
          %broadcast_in_dim3A_156 = vector.broadcast %broadcast_in_dim3A_155 : i32 to vector<16xi32>
          %gather3A_157 = tpu.vector_load_idx %arg10[%broadcast_in_dim3A_156, %broadcast_in_dim3A_55] : memref<32x512xf32, #tpu.memory_space<vmem>>[vector<16xi32>, vector<16xi32>], vector<16xf32>,
          %get3A_158 = arith.constant 1 : i32
          %get3A_159 = arith.index_cast %get3A_158 : i32 to index
          %get3A_160 = arith.index_cast %mul3A_108 : i32 to index
          %get3A_161 = tpu.vector_load %arg9[%get3A_159, %get3A_160] {strides = array<i32>} : memref<32x512xf32, #tpu.memory_space<vmem>>, vector<16xf32>,
          %add3A_162 = arith.addf %get3A_161, %gather3A_157 : vector<16xf32>
          %ge3A_163 = arith.constant 0x499C6C80 : f32
          %ge3A_164 = vector.broadcast %ge3A_163 : f32 to vector<16xf32>
          %ge3A_165 = arith.cmpf oge, %add3A_162, %ge3A_164 : vector<16xf32>
          %le3A_166 = arith.constant 0x4B1272A4 : f32
          %le3A_167 = vector.broadcast %le3A_166 : f32 to vector<16xf32>
          %le3A_168 = arith.cmpf ole, %add3A_162, %le3A_167 : vector<16xf32>
          %and3A_169 = arith.andi %ge3A_165, %le3A_168 : vector<16xi1>
          %bitcast3A_170 = vector.bitcast %add3A_162 : vector<16xf32> to vector<16xi32>
          %shift_right_logical3A_171 = arith.constant 14 : i32
          %shift_right_logical3A_172 = vector.broadcast %shift_right_logical3A_171 : i32 to vector<16xi32>
          %shift_right_logical3A_173 = arith.shrui %bitcast3A_170, %shift_right_logical3A_172 : vector<16xi32>
          %sub3A_174 = arith.constant 71680 : i32
          %sub3A_175 = vector.broadcast %sub3A_174 : i32 to vector<16xi32>
          %sub3A_176 = arith.subi %shift_right_logical3A_173, %sub3A_175 : vector<16xi32>
          %gather3A_177 = tpu.vector_load_idx %arg12[%sub3A_176] : memref<6144xf32, #tpu.memory_space<vmem>>[vector<16xi32>], vector<16xf32>,
          %mul3A_178 = arith.constant 5.000000e-01 : f32
          %mul3A_179 = vector.broadcast %mul3A_178 : f32 to vector<16xf32>
          %mul3A_180 = arith.mulf %mul3A_179, %add3A_162 : vector<16xf32>
          %mul3A_181 = arith.mulf %mul3A_180, %gather3A_177 : vector<16xf32>
          %mul3A_182 = arith.mulf %mul3A_181, %gather3A_177 : vector<16xf32>
          %sub3A_183 = arith.constant 1.500000e+00 : f32
          %sub3A_184 = vector.broadcast %sub3A_183 : f32 to vector<16xf32>
          %sub3A_185 = arith.subf %sub3A_184, %mul3A_182 : vector<16xf32>
          %mul3A_186 = arith.mulf %gather3A_177, %sub3A_185 : vector<16xf32>
          %mul3A_187 = arith.mulf %add3A_162, %mul3A_186 : vector<16xf32>
          %add3A_188 = arith.constant -9.320000e+02 : f32
          %add3A_189 = vector.broadcast %add3A_188 : f32 to vector<16xf32>
          %add3A_190 = arith.addf %mul3A_187, %add3A_189 : vector<16xf32>
          %jit3A_191 = arith.constant 0.000000e+00 : f32
          %broadcast_in_dim3A_192 = vector.broadcast %jit3A_191 : f32 to vector<16xf32>
          %select_n3A_193 = arith.select %and3A_169, %add3A_190, %broadcast_in_dim3A_192 : vector<16xi1>, vector<16xf32>
          %convert_element_type3A_194 = arith.fptosi %select_n3A_193 : vector<16xf32> to vector<16xi32>
          %convert_element_type3A_195 = arith.sitofp %convert_element_type3A_194 : vector<16xi32> to vector<16xf32>
          %sub3A_196 = arith.subf %select_n3A_193, %convert_element_type3A_195 : vector<16xf32>
          %gather3A_197 = tpu.vector_load_idx %arg8[%broadcast_in_dim3A_156, %convert_element_type3A_194] : memref<32x2168xf32, #tpu.memory_space<vmem>>[vector<16xi32>, vector<16xi32>], vector<16xf32>,
          %add3A_198 = arith.constant 1 : i32
          %add3A_199 = vector.broadcast %add3A_198 : i32 to vector<16xi32>
          %add3A_200 = arith.addi %convert_element_type3A_194, %add3A_199 : vector<16xi32>
          %gather3A_201 = tpu.vector_load_idx %arg8[%broadcast_in_dim3A_156, %add3A_200] : memref<32x2168xf32, #tpu.memory_space<vmem>>[vector<16xi32>, vector<16xi32>], vector<16xf32>,
          %sub3A_202 = arith.subf %gather3A_201, %gather3A_197 : vector<16xf32>
          %mul3A_203 = arith.mulf %sub3A_196, %sub3A_202 : vector<16xf32>
          %add3A_204 = arith.addf %gather3A_197, %mul3A_203 : vector<16xf32>
          %add3A_205 = arith.addf %add3A_154, %add3A_204 : vector<16xf32>
          %broadcast_in_dim3A_206 = arith.constant 2 : i32
          %broadcast_in_dim3A_207 = vector.broadcast %broadcast_in_dim3A_206 : i32 to vector<16xi32>
          %gather3A_208 = tpu.vector_load_idx %arg10[%broadcast_in_dim3A_207, %broadcast_in_dim3A_55] : memref<32x512xf32, #tpu.memory_space<vmem>>[vector<16xi32>, vector<16xi32>], vector<16xf32>,
          %get3A_209 = arith.constant 2 : i32
          %get3A_210 = arith.index_cast %get3A_209 : i32 to index
          %get3A_211 = arith.index_cast %mul3A_108 : i32 to index
          %get3A_212 = tpu.vector_load %arg9[%get3A_210, %get3A_211] {strides = array<i32>} : memref<32x512xf32, #tpu.memory_space<vmem>>, vector<16xf32>,
          %add3A_213 = arith.addf %get3A_212, %gather3A_208 : vector<16xf32>
          %ge3A_214 = arith.constant 0x499C6C80 : f32
          %ge3A_215 = vector.broadcast %ge3A_214 : f32 to vector<16xf32>
          %ge3A_216 = arith.cmpf oge, %add3A_213, %ge3A_215 : vector<16xf32>
          %le3A_217 = arith.constant 0x4B1272A4 : f32
          %le3A_218 = vector.broadcast %le3A_217 : f32 to vector<16xf32>
          %le3A_219 = arith.cmpf ole, %add3A_213, %le3A_218 : vector<16xf32>
          %and3A_220 = arith.andi %ge3A_216, %le3A_219 : vector<16xi1>
          %bitcast3A_221 = vector.bitcast %add3A_213 : vector<16xf32> to vector<16xi32>
          %shift_right_logical3A_222 = arith.constant 14 : i32
          %shift_right_logical3A_223 = vector.broadcast %shift_right_logical3A_222 : i32 to vector<16xi32>
          %shift_right_logical3A_224 = arith.shrui %bitcast3A_221, %shift_right_logical3A_223 : vector<16xi32>
          %sub3A_225 = arith.constant 71680 : i32
          %sub3A_226 = vector.broadcast %sub3A_225 : i32 to vector<16xi32>
          %sub3A_227 = arith.subi %shift_right_logical3A_224, %sub3A_226 : vector<16xi32>
          %gather3A_228 = tpu.vector_load_idx %arg12[%sub3A_227] : memref<6144xf32, #tpu.memory_space<vmem>>[vector<16xi32>], vector<16xf32>,
          %mul3A_229 = arith.constant 5.000000e-01 : f32
          %mul3A_230 = vector.broadcast %mul3A_229 : f32 to vector<16xf32>
          %mul3A_231 = arith.mulf %mul3A_230, %add3A_213 : vector<16xf32>
          %mul3A_232 = arith.mulf %mul3A_231, %gather3A_228 : vector<16xf32>
          %mul3A_233 = arith.mulf %mul3A_232, %gather3A_228 : vector<16xf32>
          %sub3A_234 = arith.constant 1.500000e+00 : f32
          %sub3A_235 = vector.broadcast %sub3A_234 : f32 to vector<16xf32>
          %sub3A_236 = arith.subf %sub3A_235, %mul3A_233 : vector<16xf32>
          %mul3A_237 = arith.mulf %gather3A_228, %sub3A_236 : vector<16xf32>
          %mul3A_238 = arith.mulf %add3A_213, %mul3A_237 : vector<16xf32>
          %add3A_239 = arith.constant -9.320000e+02 : f32
          %add3A_240 = vector.broadcast %add3A_239 : f32 to vector<16xf32>
          %add3A_241 = arith.addf %mul3A_238, %add3A_240 : vector<16xf32>
          %jit3A_242 = arith.constant 0.000000e+00 : f32
          %broadcast_in_dim3A_243 = vector.broadcast %jit3A_242 : f32 to vector<16xf32>
          %select_n3A_244 = arith.select %and3A_220, %add3A_241, %broadcast_in_dim3A_243 : vector<16xi1>, vector<16xf32>
          %convert_element_type3A_245 = arith.fptosi %select_n3A_244 : vector<16xf32> to vector<16xi32>
          %convert_element_type3A_246 = arith.sitofp %convert_element_type3A_245 : vector<16xi32> to vector<16xf32>
          %sub3A_247 = arith.subf %select_n3A_244, %convert_element_type3A_246 : vector<16xf32>
          %gather3A_248 = tpu.vector_load_idx %arg8[%broadcast_in_dim3A_207, %convert_element_type3A_245] : memref<32x2168xf32, #tpu.memory_space<vmem>>[vector<16xi32>, vector<16xi32>], vector<16xf32>,
          %add3A_249 = arith.constant 1 : i32
          %add3A_250 = vector.broadcast %add3A_249 : i32 to vector<16xi32>
          %add3A_251 = arith.addi %convert_element_type3A_245, %add3A_250 : vector<16xi32>
          %gather3A_252 = tpu.vector_load_idx %arg8[%broadcast_in_dim3A_207, %add3A_251] : memref<32x2168xf32, #tpu.memory_space<vmem>>[vector<16xi32>, vector<16xi32>], vector<16xf32>,
          %sub3A_253 = arith.subf %gather3A_252, %gather3A_248 : vector<16xf32>
          %mul3A_254 = arith.mulf %sub3A_247, %sub3A_253 : vector<16xf32>
          %add3A_255 = arith.addf %gather3A_248, %mul3A_254 : vector<16xf32>
          %add3A_256 = arith.addf %add3A_205, %add3A_255 : vector<16xf32>
          %broadcast_in_dim3A_257 = arith.constant 3 : i32
          %broadcast_in_dim3A_258 = vector.broadcast %broadcast_in_dim3A_257 : i32 to vector<16xi32>
          %gather3A_259 = tpu.vector_load_idx %arg10[%broadcast_in_dim3A_258, %broadcast_in_dim3A_55] : memref<32x512xf32, #tpu.memory_space<vmem>>[vector<16xi32>, vector<16xi32>], vector<16xf32>,
          %get3A_260 = arith.constant 3 : i32
          %get3A_261 = arith.index_cast %get3A_260 : i32 to index
          %get3A_262 = arith.index_cast %mul3A_108 : i32 to index
          %get3A_263 = tpu.vector_load %arg9[%get3A_261, %get3A_262] {strides = array<i32>} : memref<32x512xf32, #tpu.memory_space<vmem>>, vector<16xf32>,
          %add3A_264 = arith.addf %get3A_263, %gather3A_259 : vector<16xf32>
          %ge3A_265 = arith.constant 0x499C6C80 : f32
          %ge3A_266 = vector.broadcast %ge3A_265 : f32 to vector<16xf32>
          %ge3A_267 = arith.cmpf oge, %add3A_264, %ge3A_266 : vector<16xf32>
          %le3A_268 = arith.constant 0x4B1272A4 : f32
          %le3A_269 = vector.broadcast %le3A_268 : f32 to vector<16xf32>
          %le3A_270 = arith.cmpf ole, %add3A_264, %le3A_269 : vector<16xf32>
          %and3A_271 = arith.andi %ge3A_267, %le3A_270 : vector<16xi1>
          %bitcast3A_272 = vector.bitcast %add3A_264 : vector<16xf32> to vector<16xi32>
          %shift_right_logical3A_273 = arith.constant 14 : i32
          %shift_right_logical3A_274 = vector.broadcast %shift_right_logical3A_273 : i32 to vector<16xi32>
          %shift_right_logical3A_275 = arith.shrui %bitcast3A_272, %shift_right_logical3A_274 : vector<16xi32>
          %sub3A_276 = arith.constant 71680 : i32
          %sub3A_277 = vector.broadcast %sub3A_276 : i32 to vector<16xi32>
          %sub3A_278 = arith.subi %shift_right_logical3A_275, %sub3A_277 : vector<16xi32>
          %gather3A_279 = tpu.vector_load_idx %arg12[%sub3A_278] : memref<6144xf32, #tpu.memory_space<vmem>>[vector<16xi32>], vector<16xf32>,
          %mul3A_280 = arith.constant 5.000000e-01 : f32
          %mul3A_281 = vector.broadcast %mul3A_280 : f32 to vector<16xf32>
          %mul3A_282 = arith.mulf %mul3A_281, %add3A_264 : vector<16xf32>
          %mul3A_283 = arith.mulf %mul3A_282, %gather3A_279 : vector<16xf32>
          %mul3A_284 = arith.mulf %mul3A_283, %gather3A_279 : vector<16xf32>
          %sub3A_285 = arith.constant 1.500000e+00 : f32
          %sub3A_286 = vector.broadcast %sub3A_285 : f32 to vector<16xf32>
          %sub3A_287 = arith.subf %sub3A_286, %mul3A_284 : vector<16xf32>
          %mul3A_288 = arith.mulf %gather3A_279, %sub3A_287 : vector<16xf32>
          %mul3A_289 = arith.mulf %add3A_264, %mul3A_288 : vector<16xf32>
          %add3A_290 = arith.constant -9.320000e+02 : f32
          %add3A_291 = vector.broadcast %add3A_290 : f32 to vector<16xf32>
          %add3A_292 = arith.addf %mul3A_289, %add3A_291 : vector<16xf32>
          %jit3A_293 = arith.constant 0.000000e+00 : f32
          %broadcast_in_dim3A_294 = vector.broadcast %jit3A_293 : f32 to vector<16xf32>
          %select_n3A_295 = arith.select %and3A_271, %add3A_292, %broadcast_in_dim3A_294 : vector<16xi1>, vector<16xf32>
          %convert_element_type3A_296 = arith.fptosi %select_n3A_295 : vector<16xf32> to vector<16xi32>
          %convert_element_type3A_297 = arith.sitofp %convert_element_type3A_296 : vector<16xi32> to vector<16xf32>
          %sub3A_298 = arith.subf %select_n3A_295, %convert_element_type3A_297 : vector<16xf32>
          %gather3A_299 = tpu.vector_load_idx %arg8[%broadcast_in_dim3A_258, %convert_element_type3A_296] : memref<32x2168xf32, #tpu.memory_space<vmem>>[vector<16xi32>, vector<16xi32>], vector<16xf32>,
          %add3A_300 = arith.constant 1 : i32
          %add3A_301 = vector.broadcast %add3A_300 : i32 to vector<16xi32>
          %add3A_302 = arith.addi %convert_element_type3A_296, %add3A_301 : vector<16xi32>
          %gather3A_303 = tpu.vector_load_idx %arg8[%broadcast_in_dim3A_258, %add3A_302] : memref<32x2168xf32, #tpu.memory_space<vmem>>[vector<16xi32>, vector<16xi32>], vector<16xf32>,
          %sub3A_304 = arith.subf %gather3A_303, %gather3A_299 : vector<16xf32>
          %mul3A_305 = arith.mulf %sub3A_298, %sub3A_304 : vector<16xf32>
          %add3A_306 = arith.addf %gather3A_299, %mul3A_305 : vector<16xf32>
          %add3A_307 = arith.addf %add3A_256, %add3A_306 : vector<16xf32>
          %broadcast_in_dim3A_308 = arith.constant 4 : i32
          %broadcast_in_dim3A_309 = vector.broadcast %broadcast_in_dim3A_308 : i32 to vector<16xi32>
          %gather3A_310 = tpu.vector_load_idx %arg10[%broadcast_in_dim3A_309, %broadcast_in_dim3A_55] : memref<32x512xf32, #tpu.memory_space<vmem>>[vector<16xi32>, vector<16xi32>], vector<16xf32>,
          %get3A_311 = arith.constant 4 : i32
          %get3A_312 = arith.index_cast %get3A_311 : i32 to index
          %get3A_313 = arith.index_cast %mul3A_108 : i32 to index
          %get3A_314 = tpu.vector_load %arg9[%get3A_312, %get3A_313] {strides = array<i32>} : memref<32x512xf32, #tpu.memory_space<vmem>>, vector<16xf32>,
          %add3A_315 = arith.addf %get3A_314, %gather3A_310 : vector<16xf32>
          %ge3A_316 = arith.constant 0x499C6C80 : f32
          %ge3A_317 = vector.broadcast %ge3A_316 : f32 to vector<16xf32>
          %ge3A_318 = arith.cmpf oge, %add3A_315, %ge3A_317 : vector<16xf32>
          %le3A_319 = arith.constant 0x4B1272A4 : f32
          %le3A_320 = vector.broadcast %le3A_319 : f32 to vector<16xf32>
          %le3A_321 = arith.cmpf ole, %add3A_315, %le3A_320 : vector<16xf32>
          %and3A_322 = arith.andi %ge3A_318, %le3A_321 : vector<16xi1>
          %bitcast3A_323 = vector.bitcast %add3A_315 : vector<16xf32> to vector<16xi32>
          %shift_right_logical3A_324 = arith.constant 14 : i32
          %shift_right_logical3A_325 = vector.broadcast %shift_right_logical3A_324 : i32 to vector<16xi32>
          %shift_right_logical3A_326 = arith.shrui %bitcast3A_323, %shift_right_logical3A_325 : vector<16xi32>
          %sub3A_327 = arith.constant 71680 : i32
          %sub3A_328 = vector.broadcast %sub3A_327 : i32 to vector<16xi32>
          %sub3A_329 = arith.subi %shift_right_logical3A_326, %sub3A_328 : vector<16xi32>
          %gather3A_330 = tpu.vector_load_idx %arg12[%sub3A_329] : memref<6144xf32, #tpu.memory_space<vmem>>[vector<16xi32>], vector<16xf32>,
          %mul3A_331 = arith.constant 5.000000e-01 : f32
          %mul3A_332 = vector.broadcast %mul3A_331 : f32 to vector<16xf32>
          %mul3A_333 = arith.mulf %mul3A_332, %add3A_315 : vector<16xf32>
          %mul3A_334 = arith.mulf %mul3A_333, %gather3A_330 : vector<16xf32>
          %mul3A_335 = arith.mulf %mul3A_334, %gather3A_330 : vector<16xf32>
          %sub3A_336 = arith.constant 1.500000e+00 : f32
          %sub3A_337 = vector.broadcast %sub3A_336 : f32 to vector<16xf32>
          %sub3A_338 = arith.subf %sub3A_337, %mul3A_335 : vector<16xf32>
          %mul3A_339 = arith.mulf %gather3A_330, %sub3A_338 : vector<16xf32>
          %mul3A_340 = arith.mulf %add3A_315, %mul3A_339 : vector<16xf32>
          %add3A_341 = arith.constant -9.320000e+02 : f32
          %add3A_342 = vector.broadcast %add3A_341 : f32 to vector<16xf32>
          %add3A_343 = arith.addf %mul3A_340, %add3A_342 : vector<16xf32>
          %jit3A_344 = arith.constant 0.000000e+00 : f32
          %broadcast_in_dim3A_345 = vector.broadcast %jit3A_344 : f32 to vector<16xf32>
          %select_n3A_346 = arith.select %and3A_322, %add3A_343, %broadcast_in_dim3A_345 : vector<16xi1>, vector<16xf32>
          %convert_element_type3A_347 = arith.fptosi %select_n3A_346 : vector<16xf32> to vector<16xi32>
          %convert_element_type3A_348 = arith.sitofp %convert_element_type3A_347 : vector<16xi32> to vector<16xf32>
          %sub3A_349 = arith.subf %select_n3A_346, %convert_element_type3A_348 : vector<16xf32>
          %gather3A_350 = tpu.vector_load_idx %arg8[%broadcast_in_dim3A_309, %convert_element_type3A_347] : memref<32x2168xf32, #tpu.memory_space<vmem>>[vector<16xi32>, vector<16xi32>], vector<16xf32>,
          %add3A_351 = arith.constant 1 : i32
          %add3A_352 = vector.broadcast %add3A_351 : i32 to vector<16xi32>
          %add3A_353 = arith.addi %convert_element_type3A_347, %add3A_352 : vector<16xi32>
          %gather3A_354 = tpu.vector_load_idx %arg8[%broadcast_in_dim3A_309, %add3A_353] : memref<32x2168xf32, #tpu.memory_space<vmem>>[vector<16xi32>, vector<16xi32>], vector<16xf32>,
          %sub3A_355 = arith.subf %gather3A_354, %gather3A_350 : vector<16xf32>
          %mul3A_356 = arith.mulf %sub3A_349, %sub3A_355 : vector<16xf32>
          %add3A_357 = arith.addf %gather3A_350, %mul3A_356 : vector<16xf32>
          %add3A_358 = arith.addf %add3A_307, %add3A_357 : vector<16xf32>
          %broadcast_in_dim3A_359 = arith.constant 5 : i32
          %broadcast_in_dim3A_360 = vector.broadcast %broadcast_in_dim3A_359 : i32 to vector<16xi32>
          %gather3A_361 = tpu.vector_load_idx %arg10[%broadcast_in_dim3A_360, %broadcast_in_dim3A_55] : memref<32x512xf32, #tpu.memory_space<vmem>>[vector<16xi32>, vector<16xi32>], vector<16xf32>,
          %get3A_362 = arith.constant 5 : i32
          %get3A_363 = arith.index_cast %get3A_362 : i32 to index
          %get3A_364 = arith.index_cast %mul3A_108 : i32 to index
          %get3A_365 = tpu.vector_load %arg9[%get3A_363, %get3A_364] {strides = array<i32>} : memref<32x512xf32, #tpu.memory_space<vmem>>, vector<16xf32>,
          %add3A_366 = arith.addf %get3A_365, %gather3A_361 : vector<16xf32>
          %ge3A_367 = arith.constant 0x499C6C80 : f32
          %ge3A_368 = vector.broadcast %ge3A_367 : f32 to vector<16xf32>
          %ge3A_369 = arith.cmpf oge, %add3A_366, %ge3A_368 : vector<16xf32>
          %le3A_370 = arith.constant 0x4B1272A4 : f32
          %le3A_371 = vector.broadcast %le3A_370 : f32 to vector<16xf32>
          %le3A_372 = arith.cmpf ole, %add3A_366, %le3A_371 : vector<16xf32>
          %and3A_373 = arith.andi %ge3A_369, %le3A_372 : vector<16xi1>
          %bitcast3A_374 = vector.bitcast %add3A_366 : vector<16xf32> to vector<16xi32>
          %shift_right_logical3A_375 = arith.constant 14 : i32
          %shift_right_logical3A_376 = vector.broadcast %shift_right_logical3A_375 : i32 to vector<16xi32>
          %shift_right_logical3A_377 = arith.shrui %bitcast3A_374, %shift_right_logical3A_376 : vector<16xi32>
          %sub3A_378 = arith.constant 71680 : i32
          %sub3A_379 = vector.broadcast %sub3A_378 : i32 to vector<16xi32>
          %sub3A_380 = arith.subi %shift_right_logical3A_377, %sub3A_379 : vector<16xi32>
          %gather3A_381 = tpu.vector_load_idx %arg12[%sub3A_380] : memref<6144xf32, #tpu.memory_space<vmem>>[vector<16xi32>], vector<16xf32>,
          %mul3A_382 = arith.constant 5.000000e-01 : f32
          %mul3A_383 = vector.broadcast %mul3A_382 : f32 to vector<16xf32>
          %mul3A_384 = arith.mulf %mul3A_383, %add3A_366 : vector<16xf32>
          %mul3A_385 = arith.mulf %mul3A_384, %gather3A_381 : vector<16xf32>
          %mul3A_386 = arith.mulf %mul3A_385, %gather3A_381 : vector<16xf32>
          %sub3A_387 = arith.constant 1.500000e+00 : f32
          %sub3A_388 = vector.broadcast %sub3A_387 : f32 to vector<16xf32>
          %sub3A_389 = arith.subf %sub3A_388, %mul3A_386 : vector<16xf32>
          %mul3A_390 = arith.mulf %gather3A_381, %sub3A_389 : vector<16xf32>
          %mul3A_391 = arith.mulf %add3A_366, %mul3A_390 : vector<16xf32>
          %add3A_392 = arith.constant -9.320000e+02 : f32
          %add3A_393 = vector.broadcast %add3A_392 : f32 to vector<16xf32>
          %add3A_394 = arith.addf %mul3A_391, %add3A_393 : vector<16xf32>
          %jit3A_395 = arith.constant 0.000000e+00 : f32
          %broadcast_in_dim3A_396 = vector.broadcast %jit3A_395 : f32 to vector<16xf32>
          %select_n3A_397 = arith.select %and3A_373, %add3A_394, %broadcast_in_dim3A_396 : vector<16xi1>, vector<16xf32>
          %convert_element_type3A_398 = arith.fptosi %select_n3A_397 : vector<16xf32> to vector<16xi32>
          %convert_element_type3A_399 = arith.sitofp %convert_element_type3A_398 : vector<16xi32> to vector<16xf32>
          %sub3A_400 = arith.subf %select_n3A_397, %convert_element_type3A_399 : vector<16xf32>
          %gather3A_401 = tpu.vector_load_idx %arg8[%broadcast_in_dim3A_360, %convert_element_type3A_398] : memref<32x2168xf32, #tpu.memory_space<vmem>>[vector<16xi32>, vector<16xi32>], vector<16xf32>,
          %add3A_402 = arith.constant 1 : i32
          %add3A_403 = vector.broadcast %add3A_402 : i32 to vector<16xi32>
          %add3A_404 = arith.addi %convert_element_type3A_398, %add3A_403 : vector<16xi32>
          %gather3A_405 = tpu.vector_load_idx %arg8[%broadcast_in_dim3A_360, %add3A_404] : memref<32x2168xf32, #tpu.memory_space<vmem>>[vector<16xi32>, vector<16xi32>], vector<16xf32>,
          %sub3A_406 = arith.subf %gather3A_405, %gather3A_401 : vector<16xf32>
          %mul3A_407 = arith.mulf %sub3A_400, %sub3A_406 : vector<16xf32>
          %add3A_408 = arith.addf %gather3A_401, %mul3A_407 : vector<16xf32>
          %add3A_409 = arith.addf %add3A_358, %add3A_408 : vector<16xf32>
          %broadcast_in_dim3A_410 = arith.constant 6 : i32
          %broadcast_in_dim3A_411 = vector.broadcast %broadcast_in_dim3A_410 : i32 to vector<16xi32>
          %gather3A_412 = tpu.vector_load_idx %arg10[%broadcast_in_dim3A_411, %broadcast_in_dim3A_55] : memref<32x512xf32, #tpu.memory_space<vmem>>[vector<16xi32>, vector<16xi32>], vector<16xf32>,
          %get3A_413 = arith.constant 6 : i32
          %get3A_414 = arith.index_cast %get3A_413 : i32 to index
          %get3A_415 = arith.index_cast %mul3A_108 : i32 to index
          %get3A_416 = tpu.vector_load %arg9[%get3A_414, %get3A_415] {strides = array<i32>} : memref<32x512xf32, #tpu.memory_space<vmem>>, vector<16xf32>,
          %add3A_417 = arith.addf %get3A_416, %gather3A_412 : vector<16xf32>
          %ge3A_418 = arith.constant 0x499C6C80 : f32
          %ge3A_419 = vector.broadcast %ge3A_418 : f32 to vector<16xf32>
          %ge3A_420 = arith.cmpf oge, %add3A_417, %ge3A_419 : vector<16xf32>
          %le3A_421 = arith.constant 0x4B1272A4 : f32
          %le3A_422 = vector.broadcast %le3A_421 : f32 to vector<16xf32>
          %le3A_423 = arith.cmpf ole, %add3A_417, %le3A_422 : vector<16xf32>
          %and3A_424 = arith.andi %ge3A_420, %le3A_423 : vector<16xi1>
          %bitcast3A_425 = vector.bitcast %add3A_417 : vector<16xf32> to vector<16xi32>
          %shift_right_logical3A_426 = arith.constant 14 : i32
          %shift_right_logical3A_427 = vector.broadcast %shift_right_logical3A_426 : i32 to vector<16xi32>
          %shift_right_logical3A_428 = arith.shrui %bitcast3A_425, %shift_right_logical3A_427 : vector<16xi32>
          %sub3A_429 = arith.constant 71680 : i32
          %sub3A_430 = vector.broadcast %sub3A_429 : i32 to vector<16xi32>
          %sub3A_431 = arith.subi %shift_right_logical3A_428, %sub3A_430 : vector<16xi32>
          %gather3A_432 = tpu.vector_load_idx %arg12[%sub3A_431] : memref<6144xf32, #tpu.memory_space<vmem>>[vector<16xi32>], vector<16xf32>,
          %mul3A_433 = arith.constant 5.000000e-01 : f32
          %mul3A_434 = vector.broadcast %mul3A_433 : f32 to vector<16xf32>
          %mul3A_435 = arith.mulf %mul3A_434, %add3A_417 : vector<16xf32>
          %mul3A_436 = arith.mulf %mul3A_435, %gather3A_432 : vector<16xf32>
          %mul3A_437 = arith.mulf %mul3A_436, %gather3A_432 : vector<16xf32>
          %sub3A_438 = arith.constant 1.500000e+00 : f32
          %sub3A_439 = vector.broadcast %sub3A_438 : f32 to vector<16xf32>
          %sub3A_440 = arith.subf %sub3A_439, %mul3A_437 : vector<16xf32>
          %mul3A_441 = arith.mulf %gather3A_432, %sub3A_440 : vector<16xf32>
          %mul3A_442 = arith.mulf %add3A_417, %mul3A_441 : vector<16xf32>
          %add3A_443 = arith.constant -9.320000e+02 : f32
          %add3A_444 = vector.broadcast %add3A_443 : f32 to vector<16xf32>
          %add3A_445 = arith.addf %mul3A_442, %add3A_444 : vector<16xf32>
          %jit3A_446 = arith.constant 0.000000e+00 : f32
          %broadcast_in_dim3A_447 = vector.broadcast %jit3A_446 : f32 to vector<16xf32>
          %select_n3A_448 = arith.select %and3A_424, %add3A_445, %broadcast_in_dim3A_447 : vector<16xi1>, vector<16xf32>
          %convert_element_type3A_449 = arith.fptosi %select_n3A_448 : vector<16xf32> to vector<16xi32>
          %convert_element_type3A_450 = arith.sitofp %convert_element_type3A_449 : vector<16xi32> to vector<16xf32>
          %sub3A_451 = arith.subf %select_n3A_448, %convert_element_type3A_450 : vector<16xf32>
          %gather3A_452 = tpu.vector_load_idx %arg8[%broadcast_in_dim3A_411, %convert_element_type3A_449] : memref<32x2168xf32, #tpu.memory_space<vmem>>[vector<16xi32>, vector<16xi32>], vector<16xf32>,
          %add3A_453 = arith.constant 1 : i32
          %add3A_454 = vector.broadcast %add3A_453 : i32 to vector<16xi32>
          %add3A_455 = arith.addi %convert_element_type3A_449, %add3A_454 : vector<16xi32>
          %gather3A_456 = tpu.vector_load_idx %arg8[%broadcast_in_dim3A_411, %add3A_455] : memref<32x2168xf32, #tpu.memory_space<vmem>>[vector<16xi32>, vector<16xi32>], vector<16xf32>,
          %sub3A_457 = arith.subf %gather3A_456, %gather3A_452 : vector<16xf32>
          %mul3A_458 = arith.mulf %sub3A_451, %sub3A_457 : vector<16xf32>
          %add3A_459 = arith.addf %gather3A_452, %mul3A_458 : vector<16xf32>
          %add3A_460 = arith.addf %add3A_409, %add3A_459 : vector<16xf32>
          %broadcast_in_dim3A_461 = arith.constant 7 : i32
          %broadcast_in_dim3A_462 = vector.broadcast %broadcast_in_dim3A_461 : i32 to vector<16xi32>
          %gather3A_463 = tpu.vector_load_idx %arg10[%broadcast_in_dim3A_462, %broadcast_in_dim3A_55] : memref<32x512xf32, #tpu.memory_space<vmem>>[vector<16xi32>, vector<16xi32>], vector<16xf32>,
          %get3A_464 = arith.constant 7 : i32
          %get3A_465 = arith.index_cast %get3A_464 : i32 to index
          %get3A_466 = arith.index_cast %mul3A_108 : i32 to index
          %get3A_467 = tpu.vector_load %arg9[%get3A_465, %get3A_466] {strides = array<i32>} : memref<32x512xf32, #tpu.memory_space<vmem>>, vector<16xf32>,
          %add3A_468 = arith.addf %get3A_467, %gather3A_463 : vector<16xf32>
          %ge3A_469 = arith.constant 0x499C6C80 : f32
          %ge3A_470 = vector.broadcast %ge3A_469 : f32 to vector<16xf32>
          %ge3A_471 = arith.cmpf oge, %add3A_468, %ge3A_470 : vector<16xf32>
          %le3A_472 = arith.constant 0x4B1272A4 : f32
          %le3A_473 = vector.broadcast %le3A_472 : f32 to vector<16xf32>
          %le3A_474 = arith.cmpf ole, %add3A_468, %le3A_473 : vector<16xf32>
          %and3A_475 = arith.andi %ge3A_471, %le3A_474 : vector<16xi1>
          %bitcast3A_476 = vector.bitcast %add3A_468 : vector<16xf32> to vector<16xi32>
          %shift_right_logical3A_477 = arith.constant 14 : i32
          %shift_right_logical3A_478 = vector.broadcast %shift_right_logical3A_477 : i32 to vector<16xi32>
          %shift_right_logical3A_479 = arith.shrui %bitcast3A_476, %shift_right_logical3A_478 : vector<16xi32>
          %sub3A_480 = arith.constant 71680 : i32
          %sub3A_481 = vector.broadcast %sub3A_480 : i32 to vector<16xi32>
          %sub3A_482 = arith.subi %shift_right_logical3A_479, %sub3A_481 : vector<16xi32>
          %gather3A_483 = tpu.vector_load_idx %arg12[%sub3A_482] : memref<6144xf32, #tpu.memory_space<vmem>>[vector<16xi32>], vector<16xf32>,
          %mul3A_484 = arith.constant 5.000000e-01 : f32
          %mul3A_485 = vector.broadcast %mul3A_484 : f32 to vector<16xf32>
          %mul3A_486 = arith.mulf %mul3A_485, %add3A_468 : vector<16xf32>
          %mul3A_487 = arith.mulf %mul3A_486, %gather3A_483 : vector<16xf32>
          %mul3A_488 = arith.mulf %mul3A_487, %gather3A_483 : vector<16xf32>
          %sub3A_489 = arith.constant 1.500000e+00 : f32
          %sub3A_490 = vector.broadcast %sub3A_489 : f32 to vector<16xf32>
          %sub3A_491 = arith.subf %sub3A_490, %mul3A_488 : vector<16xf32>
          %mul3A_492 = arith.mulf %gather3A_483, %sub3A_491 : vector<16xf32>
          %mul3A_493 = arith.mulf %add3A_468, %mul3A_492 : vector<16xf32>
          %add3A_494 = arith.constant -9.320000e+02 : f32
          %add3A_495 = vector.broadcast %add3A_494 : f32 to vector<16xf32>
          %add3A_496 = arith.addf %mul3A_493, %add3A_495 : vector<16xf32>
          %jit3A_497 = arith.constant 0.000000e+00 : f32
          %broadcast_in_dim3A_498 = vector.broadcast %jit3A_497 : f32 to vector<16xf32>
          %select_n3A_499 = arith.select %and3A_475, %add3A_496, %broadcast_in_dim3A_498 : vector<16xi1>, vector<16xf32>
          %convert_element_type3A_500 = arith.fptosi %select_n3A_499 : vector<16xf32> to vector<16xi32>
          %convert_element_type3A_501 = arith.sitofp %convert_element_type3A_500 : vector<16xi32> to vector<16xf32>
          %sub3A_502 = arith.subf %select_n3A_499, %convert_element_type3A_501 : vector<16xf32>
          %gather3A_503 = tpu.vector_load_idx %arg8[%broadcast_in_dim3A_462, %convert_element_type3A_500] : memref<32x2168xf32, #tpu.memory_space<vmem>>[vector<16xi32>, vector<16xi32>], vector<16xf32>,
          %add3A_504 = arith.constant 1 : i32
          %add3A_505 = vector.broadcast %add3A_504 : i32 to vector<16xi32>
          %add3A_506 = arith.addi %convert_element_type3A_500, %add3A_505 : vector<16xi32>
          %gather3A_507 = tpu.vector_load_idx %arg8[%broadcast_in_dim3A_462, %add3A_506] : memref<32x2168xf32, #tpu.memory_space<vmem>>[vector<16xi32>, vector<16xi32>], vector<16xf32>,
          %sub3A_508 = arith.subf %gather3A_507, %gather3A_503 : vector<16xf32>
          %mul3A_509 = arith.mulf %sub3A_502, %sub3A_508 : vector<16xf32>
          %add3A_510 = arith.addf %gather3A_503, %mul3A_509 : vector<16xf32>
          %add3A_511 = arith.addf %add3A_460, %add3A_510 : vector<16xf32>
          %broadcast_in_dim3A_512 = arith.constant 8 : i32
          %broadcast_in_dim3A_513 = vector.broadcast %broadcast_in_dim3A_512 : i32 to vector<16xi32>
          %gather3A_514 = tpu.vector_load_idx %arg10[%broadcast_in_dim3A_513, %broadcast_in_dim3A_55] : memref<32x512xf32, #tpu.memory_space<vmem>>[vector<16xi32>, vector<16xi32>], vector<16xf32>,
          %get3A_515 = arith.constant 8 : i32
          %get3A_516 = arith.index_cast %get3A_515 : i32 to index
          %get3A_517 = arith.index_cast %mul3A_108 : i32 to index
          %get3A_518 = tpu.vector_load %arg9[%get3A_516, %get3A_517] {strides = array<i32>} : memref<32x512xf32, #tpu.memory_space<vmem>>, vector<16xf32>,
          %add3A_519 = arith.addf %get3A_518, %gather3A_514 : vector<16xf32>
          %ge3A_520 = arith.constant 0x499C6C80 : f32
          %ge3A_521 = vector.broadcast %ge3A_520 : f32 to vector<16xf32>
          %ge3A_522 = arith.cmpf oge, %add3A_519, %ge3A_521 : vector<16xf32>
          %le3A_523 = arith.constant 0x4B1272A4 : f32
          %le3A_524 = vector.broadcast %le3A_523 : f32 to vector<16xf32>
          %le3A_525 = arith.cmpf ole, %add3A_519, %le3A_524 : vector<16xf32>
          %and3A_526 = arith.andi %ge3A_522, %le3A_525 : vector<16xi1>
          %bitcast3A_527 = vector.bitcast %add3A_519 : vector<16xf32> to vector<16xi32>
          %shift_right_logical3A_528 = arith.constant 14 : i32
          %shift_right_logical3A_529 = vector.broadcast %shift_right_logical3A_528 : i32 to vector<16xi32>
          %shift_right_logical3A_530 = arith.shrui %bitcast3A_527, %shift_right_logical3A_529 : vector<16xi32>
          %sub3A_531 = arith.constant 71680 : i32
          %sub3A_532 = vector.broadcast %sub3A_531 : i32 to vector<16xi32>
          %sub3A_533 = arith.subi %shift_right_logical3A_530, %sub3A_532 : vector<16xi32>
          %gather3A_534 = tpu.vector_load_idx %arg12[%sub3A_533] : memref<6144xf32, #tpu.memory_space<vmem>>[vector<16xi32>], vector<16xf32>,
          %mul3A_535 = arith.constant 5.000000e-01 : f32
          %mul3A_536 = vector.broadcast %mul3A_535 : f32 to vector<16xf32>
          %mul3A_537 = arith.mulf %mul3A_536, %add3A_519 : vector<16xf32>
          %mul3A_538 = arith.mulf %mul3A_537, %gather3A_534 : vector<16xf32>
          %mul3A_539 = arith.mulf %mul3A_538, %gather3A_534 : vector<16xf32>
          %sub3A_540 = arith.constant 1.500000e+00 : f32
          %sub3A_541 = vector.broadcast %sub3A_540 : f32 to vector<16xf32>
          %sub3A_542 = arith.subf %sub3A_541, %mul3A_539 : vector<16xf32>
          %mul3A_543 = arith.mulf %gather3A_534, %sub3A_542 : vector<16xf32>
          %mul3A_544 = arith.mulf %add3A_519, %mul3A_543 : vector<16xf32>
          %add3A_545 = arith.constant -9.320000e+02 : f32
          %add3A_546 = vector.broadcast %add3A_545 : f32 to vector<16xf32>
          %add3A_547 = arith.addf %mul3A_544, %add3A_546 : vector<16xf32>
          %jit3A_548 = arith.constant 0.000000e+00 : f32
          %broadcast_in_dim3A_549 = vector.broadcast %jit3A_548 : f32 to vector<16xf32>
          %select_n3A_550 = arith.select %and3A_526, %add3A_547, %broadcast_in_dim3A_549 : vector<16xi1>, vector<16xf32>
          %convert_element_type3A_551 = arith.fptosi %select_n3A_550 : vector<16xf32> to vector<16xi32>
          %convert_element_type3A_552 = arith.sitofp %convert_element_type3A_551 : vector<16xi32> to vector<16xf32>
          %sub3A_553 = arith.subf %select_n3A_550, %convert_element_type3A_552 : vector<16xf32>
          %gather3A_554 = tpu.vector_load_idx %arg8[%broadcast_in_dim3A_513, %convert_element_type3A_551] : memref<32x2168xf32, #tpu.memory_space<vmem>>[vector<16xi32>, vector<16xi32>], vector<16xf32>,
          %add3A_555 = arith.constant 1 : i32
          %add3A_556 = vector.broadcast %add3A_555 : i32 to vector<16xi32>
          %add3A_557 = arith.addi %convert_element_type3A_551, %add3A_556 : vector<16xi32>
          %gather3A_558 = tpu.vector_load_idx %arg8[%broadcast_in_dim3A_513, %add3A_557] : memref<32x2168xf32, #tpu.memory_space<vmem>>[vector<16xi32>, vector<16xi32>], vector<16xf32>,
          %sub3A_559 = arith.subf %gather3A_558, %gather3A_554 : vector<16xf32>
          %mul3A_560 = arith.mulf %sub3A_553, %sub3A_559 : vector<16xf32>
          %add3A_561 = arith.addf %gather3A_554, %mul3A_560 : vector<16xf32>
          %add3A_562 = arith.addf %add3A_511, %add3A_561 : vector<16xf32>
          %broadcast_in_dim3A_563 = arith.constant 9 : i32
          %broadcast_in_dim3A_564 = vector.broadcast %broadcast_in_dim3A_563 : i32 to vector<16xi32>
          %gather3A_565 = tpu.vector_load_idx %arg10[%broadcast_in_dim3A_564, %broadcast_in_dim3A_55] : memref<32x512xf32, #tpu.memory_space<vmem>>[vector<16xi32>, vector<16xi32>], vector<16xf32>,
          %get3A_566 = arith.constant 9 : i32
          %get3A_567 = arith.index_cast %get3A_566 : i32 to index
          %get3A_568 = arith.index_cast %mul3A_108 : i32 to index
          %get3A_569 = tpu.vector_load %arg9[%get3A_567, %get3A_568] {strides = array<i32>} : memref<32x512xf32, #tpu.memory_space<vmem>>, vector<16xf32>,
          %add3A_570 = arith.addf %get3A_569, %gather3A_565 : vector<16xf32>
          %ge3A_571 = arith.constant 0x499C6C80 : f32
          %ge3A_572 = vector.broadcast %ge3A_571 : f32 to vector<16xf32>
          %ge3A_573 = arith.cmpf oge, %add3A_570, %ge3A_572 : vector<16xf32>
          %le3A_574 = arith.constant 0x4B1272A4 : f32
          %le3A_575 = vector.broadcast %le3A_574 : f32 to vector<16xf32>
          %le3A_576 = arith.cmpf ole, %add3A_570, %le3A_575 : vector<16xf32>
          %and3A_577 = arith.andi %ge3A_573, %le3A_576 : vector<16xi1>
          %bitcast3A_578 = vector.bitcast %add3A_570 : vector<16xf32> to vector<16xi32>
          %shift_right_logical3A_579 = arith.constant 14 : i32
          %shift_right_logical3A_580 = vector.broadcast %shift_right_logical3A_579 : i32 to vector<16xi32>
          %shift_right_logical3A_581 = arith.shrui %bitcast3A_578, %shift_right_logical3A_580 : vector<16xi32>
          %sub3A_582 = arith.constant 71680 : i32
          %sub3A_583 = vector.broadcast %sub3A_582 : i32 to vector<16xi32>
          %sub3A_584 = arith.subi %shift_right_logical3A_581, %sub3A_583 : vector<16xi32>
          %gather3A_585 = tpu.vector_load_idx %arg12[%sub3A_584] : memref<6144xf32, #tpu.memory_space<vmem>>[vector<16xi32>], vector<16xf32>,
          %mul3A_586 = arith.constant 5.000000e-01 : f32
          %mul3A_587 = vector.broadcast %mul3A_586 : f32 to vector<16xf32>
          %mul3A_588 = arith.mulf %mul3A_587, %add3A_570 : vector<16xf32>
          %mul3A_589 = arith.mulf %mul3A_588, %gather3A_585 : vector<16xf32>
          %mul3A_590 = arith.mulf %mul3A_589, %gather3A_585 : vector<16xf32>
          %sub3A_591 = arith.constant 1.500000e+00 : f32
          %sub3A_592 = vector.broadcast %sub3A_591 : f32 to vector<16xf32>
          %sub3A_593 = arith.subf %sub3A_592, %mul3A_590 : vector<16xf32>
          %mul3A_594 = arith.mulf %gather3A_585, %sub3A_593 : vector<16xf32>
          %mul3A_595 = arith.mulf %add3A_570, %mul3A_594 : vector<16xf32>
          %add3A_596 = arith.constant -9.320000e+02 : f32
          %add3A_597 = vector.broadcast %add3A_596 : f32 to vector<16xf32>
          %add3A_598 = arith.addf %mul3A_595, %add3A_597 : vector<16xf32>
          %jit3A_599 = arith.constant 0.000000e+00 : f32
          %broadcast_in_dim3A_600 = vector.broadcast %jit3A_599 : f32 to vector<16xf32>
          %select_n3A_601 = arith.select %and3A_577, %add3A_598, %broadcast_in_dim3A_600 : vector<16xi1>, vector<16xf32>
          %convert_element_type3A_602 = arith.fptosi %select_n3A_601 : vector<16xf32> to vector<16xi32>
          %convert_element_type3A_603 = arith.sitofp %convert_element_type3A_602 : vector<16xi32> to vector<16xf32>
          %sub3A_604 = arith.subf %select_n3A_601, %convert_element_type3A_603 : vector<16xf32>
          %gather3A_605 = tpu.vector_load_idx %arg8[%broadcast_in_dim3A_564, %convert_element_type3A_602] : memref<32x2168xf32, #tpu.memory_space<vmem>>[vector<16xi32>, vector<16xi32>], vector<16xf32>,
          %add3A_606 = arith.constant 1 : i32
          %add3A_607 = vector.broadcast %add3A_606 : i32 to vector<16xi32>
          %add3A_608 = arith.addi %convert_element_type3A_602, %add3A_607 : vector<16xi32>
          %gather3A_609 = tpu.vector_load_idx %arg8[%broadcast_in_dim3A_564, %add3A_608] : memref<32x2168xf32, #tpu.memory_space<vmem>>[vector<16xi32>, vector<16xi32>], vector<16xf32>,
          %sub3A_610 = arith.subf %gather3A_609, %gather3A_605 : vector<16xf32>
          %mul3A_611 = arith.mulf %sub3A_604, %sub3A_610 : vector<16xf32>
          %add3A_612 = arith.addf %gather3A_605, %mul3A_611 : vector<16xf32>
          %add3A_613 = arith.addf %add3A_562, %add3A_612 : vector<16xf32>
          %broadcast_in_dim3A_614 = arith.constant 10 : i32
          %broadcast_in_dim3A_615 = vector.broadcast %broadcast_in_dim3A_614 : i32 to vector<16xi32>
          %gather3A_616 = tpu.vector_load_idx %arg10[%broadcast_in_dim3A_615, %broadcast_in_dim3A_55] : memref<32x512xf32, #tpu.memory_space<vmem>>[vector<16xi32>, vector<16xi32>], vector<16xf32>,
          %get3A_617 = arith.constant 10 : i32
          %get3A_618 = arith.index_cast %get3A_617 : i32 to index
          %get3A_619 = arith.index_cast %mul3A_108 : i32 to index
          %get3A_620 = tpu.vector_load %arg9[%get3A_618, %get3A_619] {strides = array<i32>} : memref<32x512xf32, #tpu.memory_space<vmem>>, vector<16xf32>,
          %add3A_621 = arith.addf %get3A_620, %gather3A_616 : vector<16xf32>
          %ge3A_622 = arith.constant 0x499C6C80 : f32
          %ge3A_623 = vector.broadcast %ge3A_622 : f32 to vector<16xf32>
          %ge3A_624 = arith.cmpf oge, %add3A_621, %ge3A_623 : vector<16xf32>
          %le3A_625 = arith.constant 0x4B1272A4 : f32
          %le3A_626 = vector.broadcast %le3A_625 : f32 to vector<16xf32>
          %le3A_627 = arith.cmpf ole, %add3A_621, %le3A_626 : vector<16xf32>
          %and3A_628 = arith.andi %ge3A_624, %le3A_627 : vector<16xi1>
          %bitcast3A_629 = vector.bitcast %add3A_621 : vector<16xf32> to vector<16xi32>
          %shift_right_logical3A_630 = arith.constant 14 : i32
          %shift_right_logical3A_631 = vector.broadcast %shift_right_logical3A_630 : i32 to vector<16xi32>
          %shift_right_logical3A_632 = arith.shrui %bitcast3A_629, %shift_right_logical3A_631 : vector<16xi32>
          %sub3A_633 = arith.constant 71680 : i32
          %sub3A_634 = vector.broadcast %sub3A_633 : i32 to vector<16xi32>
          %sub3A_635 = arith.subi %shift_right_logical3A_632, %sub3A_634 : vector<16xi32>
          %gather3A_636 = tpu.vector_load_idx %arg12[%sub3A_635] : memref<6144xf32, #tpu.memory_space<vmem>>[vector<16xi32>], vector<16xf32>,
          %mul3A_637 = arith.constant 5.000000e-01 : f32
          %mul3A_638 = vector.broadcast %mul3A_637 : f32 to vector<16xf32>
          %mul3A_639 = arith.mulf %mul3A_638, %add3A_621 : vector<16xf32>
          %mul3A_640 = arith.mulf %mul3A_639, %gather3A_636 : vector<16xf32>
          %mul3A_641 = arith.mulf %mul3A_640, %gather3A_636 : vector<16xf32>
          %sub3A_642 = arith.constant 1.500000e+00 : f32
          %sub3A_643 = vector.broadcast %sub3A_642 : f32 to vector<16xf32>
          %sub3A_644 = arith.subf %sub3A_643, %mul3A_641 : vector<16xf32>
          %mul3A_645 = arith.mulf %gather3A_636, %sub3A_644 : vector<16xf32>
          %mul3A_646 = arith.mulf %add3A_621, %mul3A_645 : vector<16xf32>
          %add3A_647 = arith.constant -9.320000e+02 : f32
          %add3A_648 = vector.broadcast %add3A_647 : f32 to vector<16xf32>
          %add3A_649 = arith.addf %mul3A_646, %add3A_648 : vector<16xf32>
          %jit3A_650 = arith.constant 0.000000e+00 : f32
          %broadcast_in_dim3A_651 = vector.broadcast %jit3A_650 : f32 to vector<16xf32>
          %select_n3A_652 = arith.select %and3A_628, %add3A_649, %broadcast_in_dim3A_651 : vector<16xi1>, vector<16xf32>
          %convert_element_type3A_653 = arith.fptosi %select_n3A_652 : vector<16xf32> to vector<16xi32>
          %convert_element_type3A_654 = arith.sitofp %convert_element_type3A_653 : vector<16xi32> to vector<16xf32>
          %sub3A_655 = arith.subf %select_n3A_652, %convert_element_type3A_654 : vector<16xf32>
          %gather3A_656 = tpu.vector_load_idx %arg8[%broadcast_in_dim3A_615, %convert_element_type3A_653] : memref<32x2168xf32, #tpu.memory_space<vmem>>[vector<16xi32>, vector<16xi32>], vector<16xf32>,
          %add3A_657 = arith.constant 1 : i32
          %add3A_658 = vector.broadcast %add3A_657 : i32 to vector<16xi32>
          %add3A_659 = arith.addi %convert_element_type3A_653, %add3A_658 : vector<16xi32>
          %gather3A_660 = tpu.vector_load_idx %arg8[%broadcast_in_dim3A_615, %add3A_659] : memref<32x2168xf32, #tpu.memory_space<vmem>>[vector<16xi32>, vector<16xi32>], vector<16xf32>,
          %sub3A_661 = arith.subf %gather3A_660, %gather3A_656 : vector<16xf32>
          %mul3A_662 = arith.mulf %sub3A_655, %sub3A_661 : vector<16xf32>
          %add3A_663 = arith.addf %gather3A_656, %mul3A_662 : vector<16xf32>
          %add3A_664 = arith.addf %add3A_613, %add3A_663 : vector<16xf32>
          %broadcast_in_dim3A_665 = arith.constant 11 : i32
          %broadcast_in_dim3A_666 = vector.broadcast %broadcast_in_dim3A_665 : i32 to vector<16xi32>
          %gather3A_667 = tpu.vector_load_idx %arg10[%broadcast_in_dim3A_666, %broadcast_in_dim3A_55] : memref<32x512xf32, #tpu.memory_space<vmem>>[vector<16xi32>, vector<16xi32>], vector<16xf32>,
          %get3A_668 = arith.constant 11 : i32
          %get3A_669 = arith.index_cast %get3A_668 : i32 to index
          %get3A_670 = arith.index_cast %mul3A_108 : i32 to index
          %get3A_671 = tpu.vector_load %arg9[%get3A_669, %get3A_670] {strides = array<i32>} : memref<32x512xf32, #tpu.memory_space<vmem>>, vector<16xf32>,
          %add3A_672 = arith.addf %get3A_671, %gather3A_667 : vector<16xf32>
          %ge3A_673 = arith.constant 0x499C6C80 : f32
          %ge3A_674 = vector.broadcast %ge3A_673 : f32 to vector<16xf32>
          %ge3A_675 = arith.cmpf oge, %add3A_672, %ge3A_674 : vector<16xf32>
          %le3A_676 = arith.constant 0x4B1272A4 : f32
          %le3A_677 = vector.broadcast %le3A_676 : f32 to vector<16xf32>
          %le3A_678 = arith.cmpf ole, %add3A_672, %le3A_677 : vector<16xf32>
          %and3A_679 = arith.andi %ge3A_675, %le3A_678 : vector<16xi1>
          %bitcast3A_680 = vector.bitcast %add3A_672 : vector<16xf32> to vector<16xi32>
          %shift_right_logical3A_681 = arith.constant 14 : i32
          %shift_right_logical3A_682 = vector.broadcast %shift_right_logical3A_681 : i32 to vector<16xi32>
          %shift_right_logical3A_683 = arith.shrui %bitcast3A_680, %shift_right_logical3A_682 : vector<16xi32>
          %sub3A_684 = arith.constant 71680 : i32
          %sub3A_685 = vector.broadcast %sub3A_684 : i32 to vector<16xi32>
          %sub3A_686 = arith.subi %shift_right_logical3A_683, %sub3A_685 : vector<16xi32>
          %gather3A_687 = tpu.vector_load_idx %arg12[%sub3A_686] : memref<6144xf32, #tpu.memory_space<vmem>>[vector<16xi32>], vector<16xf32>,
          %mul3A_688 = arith.constant 5.000000e-01 : f32
          %mul3A_689 = vector.broadcast %mul3A_688 : f32 to vector<16xf32>
          %mul3A_690 = arith.mulf %mul3A_689, %add3A_672 : vector<16xf32>
          %mul3A_691 = arith.mulf %mul3A_690, %gather3A_687 : vector<16xf32>
          %mul3A_692 = arith.mulf %mul3A_691, %gather3A_687 : vector<16xf32>
          %sub3A_693 = arith.constant 1.500000e+00 : f32
          %sub3A_694 = vector.broadcast %sub3A_693 : f32 to vector<16xf32>
          %sub3A_695 = arith.subf %sub3A_694, %mul3A_692 : vector<16xf32>
          %mul3A_696 = arith.mulf %gather3A_687, %sub3A_695 : vector<16xf32>
          %mul3A_697 = arith.mulf %add3A_672, %mul3A_696 : vector<16xf32>
          %add3A_698 = arith.constant -9.320000e+02 : f32
          %add3A_699 = vector.broadcast %add3A_698 : f32 to vector<16xf32>
          %add3A_700 = arith.addf %mul3A_697, %add3A_699 : vector<16xf32>
          %jit3A_701 = arith.constant 0.000000e+00 : f32
          %broadcast_in_dim3A_702 = vector.broadcast %jit3A_701 : f32 to vector<16xf32>
          %select_n3A_703 = arith.select %and3A_679, %add3A_700, %broadcast_in_dim3A_702 : vector<16xi1>, vector<16xf32>
          %convert_element_type3A_704 = arith.fptosi %select_n3A_703 : vector<16xf32> to vector<16xi32>
          %convert_element_type3A_705 = arith.sitofp %convert_element_type3A_704 : vector<16xi32> to vector<16xf32>
          %sub3A_706 = arith.subf %select_n3A_703, %convert_element_type3A_705 : vector<16xf32>
          %gather3A_707 = tpu.vector_load_idx %arg8[%broadcast_in_dim3A_666, %convert_element_type3A_704] : memref<32x2168xf32, #tpu.memory_space<vmem>>[vector<16xi32>, vector<16xi32>], vector<16xf32>,
          %add3A_708 = arith.constant 1 : i32
          %add3A_709 = vector.broadcast %add3A_708 : i32 to vector<16xi32>
          %add3A_710 = arith.addi %convert_element_type3A_704, %add3A_709 : vector<16xi32>
          %gather3A_711 = tpu.vector_load_idx %arg8[%broadcast_in_dim3A_666, %add3A_710] : memref<32x2168xf32, #tpu.memory_space<vmem>>[vector<16xi32>, vector<16xi32>], vector<16xf32>,
          %sub3A_712 = arith.subf %gather3A_711, %gather3A_707 : vector<16xf32>
          %mul3A_713 = arith.mulf %sub3A_706, %sub3A_712 : vector<16xf32>
          %add3A_714 = arith.addf %gather3A_707, %mul3A_713 : vector<16xf32>
          %add3A_715 = arith.addf %add3A_664, %add3A_714 : vector<16xf32>
          %broadcast_in_dim3A_716 = arith.constant 12 : i32
          %broadcast_in_dim3A_717 = vector.broadcast %broadcast_in_dim3A_716 : i32 to vector<16xi32>
          %gather3A_718 = tpu.vector_load_idx %arg10[%broadcast_in_dim3A_717, %broadcast_in_dim3A_55] : memref<32x512xf32, #tpu.memory_space<vmem>>[vector<16xi32>, vector<16xi32>], vector<16xf32>,
          %get3A_719 = arith.constant 12 : i32
          %get3A_720 = arith.index_cast %get3A_719 : i32 to index
          %get3A_721 = arith.index_cast %mul3A_108 : i32 to index
          %get3A_722 = tpu.vector_load %arg9[%get3A_720, %get3A_721] {strides = array<i32>} : memref<32x512xf32, #tpu.memory_space<vmem>>, vector<16xf32>,
          %add3A_723 = arith.addf %get3A_722, %gather3A_718 : vector<16xf32>
          %ge3A_724 = arith.constant 0x499C6C80 : f32
          %ge3A_725 = vector.broadcast %ge3A_724 : f32 to vector<16xf32>
          %ge3A_726 = arith.cmpf oge, %add3A_723, %ge3A_725 : vector<16xf32>
          %le3A_727 = arith.constant 0x4B1272A4 : f32
          %le3A_728 = vector.broadcast %le3A_727 : f32 to vector<16xf32>
          %le3A_729 = arith.cmpf ole, %add3A_723, %le3A_728 : vector<16xf32>
          %and3A_730 = arith.andi %ge3A_726, %le3A_729 : vector<16xi1>
          %bitcast3A_731 = vector.bitcast %add3A_723 : vector<16xf32> to vector<16xi32>
          %shift_right_logical3A_732 = arith.constant 14 : i32
          %shift_right_logical3A_733 = vector.broadcast %shift_right_logical3A_732 : i32 to vector<16xi32>
          %shift_right_logical3A_734 = arith.shrui %bitcast3A_731, %shift_right_logical3A_733 : vector<16xi32>
          %sub3A_735 = arith.constant 71680 : i32
          %sub3A_736 = vector.broadcast %sub3A_735 : i32 to vector<16xi32>
          %sub3A_737 = arith.subi %shift_right_logical3A_734, %sub3A_736 : vector<16xi32>
          %gather3A_738 = tpu.vector_load_idx %arg12[%sub3A_737] : memref<6144xf32, #tpu.memory_space<vmem>>[vector<16xi32>], vector<16xf32>,
          %mul3A_739 = arith.constant 5.000000e-01 : f32
          %mul3A_740 = vector.broadcast %mul3A_739 : f32 to vector<16xf32>
          %mul3A_741 = arith.mulf %mul3A_740, %add3A_723 : vector<16xf32>
          %mul3A_742 = arith.mulf %mul3A_741, %gather3A_738 : vector<16xf32>
          %mul3A_743 = arith.mulf %mul3A_742, %gather3A_738 : vector<16xf32>
          %sub3A_744 = arith.constant 1.500000e+00 : f32
          %sub3A_745 = vector.broadcast %sub3A_744 : f32 to vector<16xf32>
          %sub3A_746 = arith.subf %sub3A_745, %mul3A_743 : vector<16xf32>
          %mul3A_747 = arith.mulf %gather3A_738, %sub3A_746 : vector<16xf32>
          %mul3A_748 = arith.mulf %add3A_723, %mul3A_747 : vector<16xf32>
          %add3A_749 = arith.constant -9.320000e+02 : f32
          %add3A_750 = vector.broadcast %add3A_749 : f32 to vector<16xf32>
          %add3A_751 = arith.addf %mul3A_748, %add3A_750 : vector<16xf32>
          %jit3A_752 = arith.constant 0.000000e+00 : f32
          %broadcast_in_dim3A_753 = vector.broadcast %jit3A_752 : f32 to vector<16xf32>
          %select_n3A_754 = arith.select %and3A_730, %add3A_751, %broadcast_in_dim3A_753 : vector<16xi1>, vector<16xf32>
          %convert_element_type3A_755 = arith.fptosi %select_n3A_754 : vector<16xf32> to vector<16xi32>
          %convert_element_type3A_756 = arith.sitofp %convert_element_type3A_755 : vector<16xi32> to vector<16xf32>
          %sub3A_757 = arith.subf %select_n3A_754, %convert_element_type3A_756 : vector<16xf32>
          %gather3A_758 = tpu.vector_load_idx %arg8[%broadcast_in_dim3A_717, %convert_element_type3A_755] : memref<32x2168xf32, #tpu.memory_space<vmem>>[vector<16xi32>, vector<16xi32>], vector<16xf32>,
          %add3A_759 = arith.constant 1 : i32
          %add3A_760 = vector.broadcast %add3A_759 : i32 to vector<16xi32>
          %add3A_761 = arith.addi %convert_element_type3A_755, %add3A_760 : vector<16xi32>
          %gather3A_762 = tpu.vector_load_idx %arg8[%broadcast_in_dim3A_717, %add3A_761] : memref<32x2168xf32, #tpu.memory_space<vmem>>[vector<16xi32>, vector<16xi32>], vector<16xf32>,
          %sub3A_763 = arith.subf %gather3A_762, %gather3A_758 : vector<16xf32>
          %mul3A_764 = arith.mulf %sub3A_757, %sub3A_763 : vector<16xf32>
          %add3A_765 = arith.addf %gather3A_758, %mul3A_764 : vector<16xf32>
          %add3A_766 = arith.addf %add3A_715, %add3A_765 : vector<16xf32>
          %broadcast_in_dim3A_767 = arith.constant 13 : i32
          %broadcast_in_dim3A_768 = vector.broadcast %broadcast_in_dim3A_767 : i32 to vector<16xi32>
          %gather3A_769 = tpu.vector_load_idx %arg10[%broadcast_in_dim3A_768, %broadcast_in_dim3A_55] : memref<32x512xf32, #tpu.memory_space<vmem>>[vector<16xi32>, vector<16xi32>], vector<16xf32>,
          %get3A_770 = arith.constant 13 : i32
          %get3A_771 = arith.index_cast %get3A_770 : i32 to index
          %get3A_772 = arith.index_cast %mul3A_108 : i32 to index
          %get3A_773 = tpu.vector_load %arg9[%get3A_771, %get3A_772] {strides = array<i32>} : memref<32x512xf32, #tpu.memory_space<vmem>>, vector<16xf32>,
          %add3A_774 = arith.addf %get3A_773, %gather3A_769 : vector<16xf32>
          %ge3A_775 = arith.constant 0x499C6C80 : f32
          %ge3A_776 = vector.broadcast %ge3A_775 : f32 to vector<16xf32>
          %ge3A_777 = arith.cmpf oge, %add3A_774, %ge3A_776 : vector<16xf32>
          %le3A_778 = arith.constant 0x4B1272A4 : f32
          %le3A_779 = vector.broadcast %le3A_778 : f32 to vector<16xf32>
          %le3A_780 = arith.cmpf ole, %add3A_774, %le3A_779 : vector<16xf32>
          %and3A_781 = arith.andi %ge3A_777, %le3A_780 : vector<16xi1>
          %bitcast3A_782 = vector.bitcast %add3A_774 : vector<16xf32> to vector<16xi32>
          %shift_right_logical3A_783 = arith.constant 14 : i32
          %shift_right_logical3A_784 = vector.broadcast %shift_right_logical3A_783 : i32 to vector<16xi32>
          %shift_right_logical3A_785 = arith.shrui %bitcast3A_782, %shift_right_logical3A_784 : vector<16xi32>
          %sub3A_786 = arith.constant 71680 : i32
          %sub3A_787 = vector.broadcast %sub3A_786 : i32 to vector<16xi32>
          %sub3A_788 = arith.subi %shift_right_logical3A_785, %sub3A_787 : vector<16xi32>
          %gather3A_789 = tpu.vector_load_idx %arg12[%sub3A_788] : memref<6144xf32, #tpu.memory_space<vmem>>[vector<16xi32>], vector<16xf32>,
          %mul3A_790 = arith.constant 5.000000e-01 : f32
          %mul3A_791 = vector.broadcast %mul3A_790 : f32 to vector<16xf32>
          %mul3A_792 = arith.mulf %mul3A_791, %add3A_774 : vector<16xf32>
          %mul3A_793 = arith.mulf %mul3A_792, %gather3A_789 : vector<16xf32>
          %mul3A_794 = arith.mulf %mul3A_793, %gather3A_789 : vector<16xf32>
          %sub3A_795 = arith.constant 1.500000e+00 : f32
          %sub3A_796 = vector.broadcast %sub3A_795 : f32 to vector<16xf32>
          %sub3A_797 = arith.subf %sub3A_796, %mul3A_794 : vector<16xf32>
          %mul3A_798 = arith.mulf %gather3A_789, %sub3A_797 : vector<16xf32>
          %mul3A_799 = arith.mulf %add3A_774, %mul3A_798 : vector<16xf32>
          %add3A_800 = arith.constant -9.320000e+02 : f32
          %add3A_801 = vector.broadcast %add3A_800 : f32 to vector<16xf32>
          %add3A_802 = arith.addf %mul3A_799, %add3A_801 : vector<16xf32>
          %jit3A_803 = arith.constant 0.000000e+00 : f32
          %broadcast_in_dim3A_804 = vector.broadcast %jit3A_803 : f32 to vector<16xf32>
          %select_n3A_805 = arith.select %and3A_781, %add3A_802, %broadcast_in_dim3A_804 : vector<16xi1>, vector<16xf32>
          %convert_element_type3A_806 = arith.fptosi %select_n3A_805 : vector<16xf32> to vector<16xi32>
          %convert_element_type3A_807 = arith.sitofp %convert_element_type3A_806 : vector<16xi32> to vector<16xf32>
          %sub3A_808 = arith.subf %select_n3A_805, %convert_element_type3A_807 : vector<16xf32>
          %gather3A_809 = tpu.vector_load_idx %arg8[%broadcast_in_dim3A_768, %convert_element_type3A_806] : memref<32x2168xf32, #tpu.memory_space<vmem>>[vector<16xi32>, vector<16xi32>], vector<16xf32>,
          %add3A_810 = arith.constant 1 : i32
          %add3A_811 = vector.broadcast %add3A_810 : i32 to vector<16xi32>
          %add3A_812 = arith.addi %convert_element_type3A_806, %add3A_811 : vector<16xi32>
          %gather3A_813 = tpu.vector_load_idx %arg8[%broadcast_in_dim3A_768, %add3A_812] : memref<32x2168xf32, #tpu.memory_space<vmem>>[vector<16xi32>, vector<16xi32>], vector<16xf32>,
          %sub3A_814 = arith.subf %gather3A_813, %gather3A_809 : vector<16xf32>
          %mul3A_815 = arith.mulf %sub3A_808, %sub3A_814 : vector<16xf32>
          %add3A_816 = arith.addf %gather3A_809, %mul3A_815 : vector<16xf32>
          %add3A_817 = arith.addf %add3A_766, %add3A_816 : vector<16xf32>
          %broadcast_in_dim3A_818 = arith.constant 14 : i32
          %broadcast_in_dim3A_819 = vector.broadcast %broadcast_in_dim3A_818 : i32 to vector<16xi32>
          %gather3A_820 = tpu.vector_load_idx %arg10[%broadcast_in_dim3A_819, %broadcast_in_dim3A_55] : memref<32x512xf32, #tpu.memory_space<vmem>>[vector<16xi32>, vector<16xi32>], vector<16xf32>,
          %get3A_821 = arith.constant 14 : i32
          %get3A_822 = arith.index_cast %get3A_821 : i32 to index
          %get3A_823 = arith.index_cast %mul3A_108 : i32 to index
          %get3A_824 = tpu.vector_load %arg9[%get3A_822, %get3A_823] {strides = array<i32>} : memref<32x512xf32, #tpu.memory_space<vmem>>, vector<16xf32>,
          %add3A_825 = arith.addf %get3A_824, %gather3A_820 : vector<16xf32>
          %ge3A_826 = arith.constant 0x499C6C80 : f32
          %ge3A_827 = vector.broadcast %ge3A_826 : f32 to vector<16xf32>
          %ge3A_828 = arith.cmpf oge, %add3A_825, %ge3A_827 : vector<16xf32>
          %le3A_829 = arith.constant 0x4B1272A4 : f32
          %le3A_830 = vector.broadcast %le3A_829 : f32 to vector<16xf32>
          %le3A_831 = arith.cmpf ole, %add3A_825, %le3A_830 : vector<16xf32>
          %and3A_832 = arith.andi %ge3A_828, %le3A_831 : vector<16xi1>
          %bitcast3A_833 = vector.bitcast %add3A_825 : vector<16xf32> to vector<16xi32>
          %shift_right_logical3A_834 = arith.constant 14 : i32
          %shift_right_logical3A_835 = vector.broadcast %shift_right_logical3A_834 : i32 to vector<16xi32>
          %shift_right_logical3A_836 = arith.shrui %bitcast3A_833, %shift_right_logical3A_835 : vector<16xi32>
          %sub3A_837 = arith.constant 71680 : i32
          %sub3A_838 = vector.broadcast %sub3A_837 : i32 to vector<16xi32>
          %sub3A_839 = arith.subi %shift_right_logical3A_836, %sub3A_838 : vector<16xi32>
          %gather3A_840 = tpu.vector_load_idx %arg12[%sub3A_839] : memref<6144xf32, #tpu.memory_space<vmem>>[vector<16xi32>], vector<16xf32>,
          %mul3A_841 = arith.constant 5.000000e-01 : f32
          %mul3A_842 = vector.broadcast %mul3A_841 : f32 to vector<16xf32>
          %mul3A_843 = arith.mulf %mul3A_842, %add3A_825 : vector<16xf32>
          %mul3A_844 = arith.mulf %mul3A_843, %gather3A_840 : vector<16xf32>
          %mul3A_845 = arith.mulf %mul3A_844, %gather3A_840 : vector<16xf32>
          %sub3A_846 = arith.constant 1.500000e+00 : f32
          %sub3A_847 = vector.broadcast %sub3A_846 : f32 to vector<16xf32>
          %sub3A_848 = arith.subf %sub3A_847, %mul3A_845 : vector<16xf32>
          %mul3A_849 = arith.mulf %gather3A_840, %sub3A_848 : vector<16xf32>
          %mul3A_850 = arith.mulf %add3A_825, %mul3A_849 : vector<16xf32>
          %add3A_851 = arith.constant -9.320000e+02 : f32
          %add3A_852 = vector.broadcast %add3A_851 : f32 to vector<16xf32>
          %add3A_853 = arith.addf %mul3A_850, %add3A_852 : vector<16xf32>
          %jit3A_854 = arith.constant 0.000000e+00 : f32
          %broadcast_in_dim3A_855 = vector.broadcast %jit3A_854 : f32 to vector<16xf32>
          %select_n3A_856 = arith.select %and3A_832, %add3A_853, %broadcast_in_dim3A_855 : vector<16xi1>, vector<16xf32>
          %convert_element_type3A_857 = arith.fptosi %select_n3A_856 : vector<16xf32> to vector<16xi32>
          %convert_element_type3A_858 = arith.sitofp %convert_element_type3A_857 : vector<16xi32> to vector<16xf32>
          %sub3A_859 = arith.subf %select_n3A_856, %convert_element_type3A_858 : vector<16xf32>
          %gather3A_860 = tpu.vector_load_idx %arg8[%broadcast_in_dim3A_819, %convert_element_type3A_857] : memref<32x2168xf32, #tpu.memory_space<vmem>>[vector<16xi32>, vector<16xi32>], vector<16xf32>,
          %add3A_861 = arith.constant 1 : i32
          %add3A_862 = vector.broadcast %add3A_861 : i32 to vector<16xi32>
          %add3A_863 = arith.addi %convert_element_type3A_857, %add3A_862 : vector<16xi32>
          %gather3A_864 = tpu.vector_load_idx %arg8[%broadcast_in_dim3A_819, %add3A_863] : memref<32x2168xf32, #tpu.memory_space<vmem>>[vector<16xi32>, vector<16xi32>], vector<16xf32>,
          %sub3A_865 = arith.subf %gather3A_864, %gather3A_860 : vector<16xf32>
          %mul3A_866 = arith.mulf %sub3A_859, %sub3A_865 : vector<16xf32>
          %add3A_867 = arith.addf %gather3A_860, %mul3A_866 : vector<16xf32>
          %add3A_868 = arith.addf %add3A_817, %add3A_867 : vector<16xf32>
          %broadcast_in_dim3A_869 = arith.constant 15 : i32
          %broadcast_in_dim3A_870 = vector.broadcast %broadcast_in_dim3A_869 : i32 to vector<16xi32>
          %gather3A_871 = tpu.vector_load_idx %arg10[%broadcast_in_dim3A_870, %broadcast_in_dim3A_55] : memref<32x512xf32, #tpu.memory_space<vmem>>[vector<16xi32>, vector<16xi32>], vector<16xf32>,
          %get3A_872 = arith.constant 15 : i32
          %get3A_873 = arith.index_cast %get3A_872 : i32 to index
          %get3A_874 = arith.index_cast %mul3A_108 : i32 to index
          %get3A_875 = tpu.vector_load %arg9[%get3A_873, %get3A_874] {strides = array<i32>} : memref<32x512xf32, #tpu.memory_space<vmem>>, vector<16xf32>,
          %add3A_876 = arith.addf %get3A_875, %gather3A_871 : vector<16xf32>
          %ge3A_877 = arith.constant 0x499C6C80 : f32
          %ge3A_878 = vector.broadcast %ge3A_877 : f32 to vector<16xf32>
          %ge3A_879 = arith.cmpf oge, %add3A_876, %ge3A_878 : vector<16xf32>
          %le3A_880 = arith.constant 0x4B1272A4 : f32
          %le3A_881 = vector.broadcast %le3A_880 : f32 to vector<16xf32>
          %le3A_882 = arith.cmpf ole, %add3A_876, %le3A_881 : vector<16xf32>
          %and3A_883 = arith.andi %ge3A_879, %le3A_882 : vector<16xi1>
          %bitcast3A_884 = vector.bitcast %add3A_876 : vector<16xf32> to vector<16xi32>
          %shift_right_logical3A_885 = arith.constant 14 : i32
          %shift_right_logical3A_886 = vector.broadcast %shift_right_logical3A_885 : i32 to vector<16xi32>
          %shift_right_logical3A_887 = arith.shrui %bitcast3A_884, %shift_right_logical3A_886 : vector<16xi32>
          %sub3A_888 = arith.constant 71680 : i32
          %sub3A_889 = vector.broadcast %sub3A_888 : i32 to vector<16xi32>
          %sub3A_890 = arith.subi %shift_right_logical3A_887, %sub3A_889 : vector<16xi32>
          %gather3A_891 = tpu.vector_load_idx %arg12[%sub3A_890] : memref<6144xf32, #tpu.memory_space<vmem>>[vector<16xi32>], vector<16xf32>,
          %mul3A_892 = arith.constant 5.000000e-01 : f32
          %mul3A_893 = vector.broadcast %mul3A_892 : f32 to vector<16xf32>
          %mul3A_894 = arith.mulf %mul3A_893, %add3A_876 : vector<16xf32>
          %mul3A_895 = arith.mulf %mul3A_894, %gather3A_891 : vector<16xf32>
          %mul3A_896 = arith.mulf %mul3A_895, %gather3A_891 : vector<16xf32>
          %sub3A_897 = arith.constant 1.500000e+00 : f32
          %sub3A_898 = vector.broadcast %sub3A_897 : f32 to vector<16xf32>
          %sub3A_899 = arith.subf %sub3A_898, %mul3A_896 : vector<16xf32>
          %mul3A_900 = arith.mulf %gather3A_891, %sub3A_899 : vector<16xf32>
          %mul3A_901 = arith.mulf %add3A_876, %mul3A_900 : vector<16xf32>
          %add3A_902 = arith.constant -9.320000e+02 : f32
          %add3A_903 = vector.broadcast %add3A_902 : f32 to vector<16xf32>
          %add3A_904 = arith.addf %mul3A_901, %add3A_903 : vector<16xf32>
          %jit3A_905 = arith.constant 0.000000e+00 : f32
          %broadcast_in_dim3A_906 = vector.broadcast %jit3A_905 : f32 to vector<16xf32>
          %select_n3A_907 = arith.select %and3A_883, %add3A_904, %broadcast_in_dim3A_906 : vector<16xi1>, vector<16xf32>
          %convert_element_type3A_908 = arith.fptosi %select_n3A_907 : vector<16xf32> to vector<16xi32>
          %convert_element_type3A_909 = arith.sitofp %convert_element_type3A_908 : vector<16xi32> to vector<16xf32>
          %sub3A_910 = arith.subf %select_n3A_907, %convert_element_type3A_909 : vector<16xf32>
          %gather3A_911 = tpu.vector_load_idx %arg8[%broadcast_in_dim3A_870, %convert_element_type3A_908] : memref<32x2168xf32, #tpu.memory_space<vmem>>[vector<16xi32>, vector<16xi32>], vector<16xf32>,
          %add3A_912 = arith.constant 1 : i32
          %add3A_913 = vector.broadcast %add3A_912 : i32 to vector<16xi32>
          %add3A_914 = arith.addi %convert_element_type3A_908, %add3A_913 : vector<16xi32>
          %gather3A_915 = tpu.vector_load_idx %arg8[%broadcast_in_dim3A_870, %add3A_914] : memref<32x2168xf32, #tpu.memory_space<vmem>>[vector<16xi32>, vector<16xi32>], vector<16xf32>,
          %sub3A_916 = arith.subf %gather3A_915, %gather3A_911 : vector<16xf32>
          %mul3A_917 = arith.mulf %sub3A_910, %sub3A_916 : vector<16xf32>
          %add3A_918 = arith.addf %gather3A_911, %mul3A_917 : vector<16xf32>
          %add3A_919 = arith.addf %add3A_868, %add3A_918 : vector<16xf32>
          %broadcast_in_dim3A_920 = arith.constant 16 : i32
          %broadcast_in_dim3A_921 = vector.broadcast %broadcast_in_dim3A_920 : i32 to vector<16xi32>
          %gather3A_922 = tpu.vector_load_idx %arg10[%broadcast_in_dim3A_921, %broadcast_in_dim3A_55] : memref<32x512xf32, #tpu.memory_space<vmem>>[vector<16xi32>, vector<16xi32>], vector<16xf32>,
          %get3A_923 = arith.constant 16 : i32
          %get3A_924 = arith.index_cast %get3A_923 : i32 to index
          %get3A_925 = arith.index_cast %mul3A_108 : i32 to index
          %get3A_926 = tpu.vector_load %arg9[%get3A_924, %get3A_925] {strides = array<i32>} : memref<32x512xf32, #tpu.memory_space<vmem>>, vector<16xf32>,
          %add3A_927 = arith.addf %get3A_926, %gather3A_922 : vector<16xf32>
          %ge3A_928 = arith.constant 0x499C6C80 : f32
          %ge3A_929 = vector.broadcast %ge3A_928 : f32 to vector<16xf32>
          %ge3A_930 = arith.cmpf oge, %add3A_927, %ge3A_929 : vector<16xf32>
          %le3A_931 = arith.constant 0x4B1272A4 : f32
          %le3A_932 = vector.broadcast %le3A_931 : f32 to vector<16xf32>
          %le3A_933 = arith.cmpf ole, %add3A_927, %le3A_932 : vector<16xf32>
          %and3A_934 = arith.andi %ge3A_930, %le3A_933 : vector<16xi1>
          %bitcast3A_935 = vector.bitcast %add3A_927 : vector<16xf32> to vector<16xi32>
          %shift_right_logical3A_936 = arith.constant 14 : i32
          %shift_right_logical3A_937 = vector.broadcast %shift_right_logical3A_936 : i32 to vector<16xi32>
          %shift_right_logical3A_938 = arith.shrui %bitcast3A_935, %shift_right_logical3A_937 : vector<16xi32>
          %sub3A_939 = arith.constant 71680 : i32
          %sub3A_940 = vector.broadcast %sub3A_939 : i32 to vector<16xi32>
          %sub3A_941 = arith.subi %shift_right_logical3A_938, %sub3A_940 : vector<16xi32>
          %gather3A_942 = tpu.vector_load_idx %arg12[%sub3A_941] : memref<6144xf32, #tpu.memory_space<vmem>>[vector<16xi32>], vector<16xf32>,
          %mul3A_943 = arith.constant 5.000000e-01 : f32
          %mul3A_944 = vector.broadcast %mul3A_943 : f32 to vector<16xf32>
          %mul3A_945 = arith.mulf %mul3A_944, %add3A_927 : vector<16xf32>
          %mul3A_946 = arith.mulf %mul3A_945, %gather3A_942 : vector<16xf32>
          %mul3A_947 = arith.mulf %mul3A_946, %gather3A_942 : vector<16xf32>
          %sub3A_948 = arith.constant 1.500000e+00 : f32
          %sub3A_949 = vector.broadcast %sub3A_948 : f32 to vector<16xf32>
          %sub3A_950 = arith.subf %sub3A_949, %mul3A_947 : vector<16xf32>
          %mul3A_951 = arith.mulf %gather3A_942, %sub3A_950 : vector<16xf32>
          %mul3A_952 = arith.mulf %add3A_927, %mul3A_951 : vector<16xf32>
          %add3A_953 = arith.constant -9.320000e+02 : f32
          %add3A_954 = vector.broadcast %add3A_953 : f32 to vector<16xf32>
          %add3A_955 = arith.addf %mul3A_952, %add3A_954 : vector<16xf32>
          %jit3A_956 = arith.constant 0.000000e+00 : f32
          %broadcast_in_dim3A_957 = vector.broadcast %jit3A_956 : f32 to vector<16xf32>
          %select_n3A_958 = arith.select %and3A_934, %add3A_955, %broadcast_in_dim3A_957 : vector<16xi1>, vector<16xf32>
          %convert_element_type3A_959 = arith.fptosi %select_n3A_958 : vector<16xf32> to vector<16xi32>
          %convert_element_type3A_960 = arith.sitofp %convert_element_type3A_959 : vector<16xi32> to vector<16xf32>
          %sub3A_961 = arith.subf %select_n3A_958, %convert_element_type3A_960 : vector<16xf32>
          %gather3A_962 = tpu.vector_load_idx %arg8[%broadcast_in_dim3A_921, %convert_element_type3A_959] : memref<32x2168xf32, #tpu.memory_space<vmem>>[vector<16xi32>, vector<16xi32>], vector<16xf32>,
          %add3A_963 = arith.constant 1 : i32
          %add3A_964 = vector.broadcast %add3A_963 : i32 to vector<16xi32>
          %add3A_965 = arith.addi %convert_element_type3A_959, %add3A_964 : vector<16xi32>
          %gather3A_966 = tpu.vector_load_idx %arg8[%broadcast_in_dim3A_921, %add3A_965] : memref<32x2168xf32, #tpu.memory_space<vmem>>[vector<16xi32>, vector<16xi32>], vector<16xf32>,
          %sub3A_967 = arith.subf %gather3A_966, %gather3A_962 : vector<16xf32>
          %mul3A_968 = arith.mulf %sub3A_961, %sub3A_967 : vector<16xf32>
          %add3A_969 = arith.addf %gather3A_962, %mul3A_968 : vector<16xf32>
          %add3A_970 = arith.addf %add3A_919, %add3A_969 : vector<16xf32>
          %broadcast_in_dim3A_971 = arith.constant 17 : i32
          %broadcast_in_dim3A_972 = vector.broadcast %broadcast_in_dim3A_971 : i32 to vector<16xi32>
          %gather3A_973 = tpu.vector_load_idx %arg10[%broadcast_in_dim3A_972, %broadcast_in_dim3A_55] : memref<32x512xf32, #tpu.memory_space<vmem>>[vector<16xi32>, vector<16xi32>], vector<16xf32>,
          %get3A_974 = arith.constant 17 : i32
          %get3A_975 = arith.index_cast %get3A_974 : i32 to index
          %get3A_976 = arith.index_cast %mul3A_108 : i32 to index
          %get3A_977 = tpu.vector_load %arg9[%get3A_975, %get3A_976] {strides = array<i32>} : memref<32x512xf32, #tpu.memory_space<vmem>>, vector<16xf32>,
          %add3A_978 = arith.addf %get3A_977, %gather3A_973 : vector<16xf32>
          %ge3A_979 = arith.constant 0x499C6C80 : f32
          %ge3A_980 = vector.broadcast %ge3A_979 : f32 to vector<16xf32>
          %ge3A_981 = arith.cmpf oge, %add3A_978, %ge3A_980 : vector<16xf32>
          %le3A_982 = arith.constant 0x4B1272A4 : f32
          %le3A_983 = vector.broadcast %le3A_982 : f32 to vector<16xf32>
          %le3A_984 = arith.cmpf ole, %add3A_978, %le3A_983 : vector<16xf32>
          %and3A_985 = arith.andi %ge3A_981, %le3A_984 : vector<16xi1>
          %bitcast3A_986 = vector.bitcast %add3A_978 : vector<16xf32> to vector<16xi32>
          %shift_right_logical3A_987 = arith.constant 14 : i32
          %shift_right_logical3A_988 = vector.broadcast %shift_right_logical3A_987 : i32 to vector<16xi32>
          %shift_right_logical3A_989 = arith.shrui %bitcast3A_986, %shift_right_logical3A_988 : vector<16xi32>
          %sub3A_990 = arith.constant 71680 : i32
          %sub3A_991 = vector.broadcast %sub3A_990 : i32 to vector<16xi32>
          %sub3A_992 = arith.subi %shift_right_logical3A_989, %sub3A_991 : vector<16xi32>
          %gather3A_993 = tpu.vector_load_idx %arg12[%sub3A_992] : memref<6144xf32, #tpu.memory_space<vmem>>[vector<16xi32>], vector<16xf32>,
          %mul3A_994 = arith.constant 5.000000e-01 : f32
          %mul3A_995 = vector.broadcast %mul3A_994 : f32 to vector<16xf32>
          %mul3A_996 = arith.mulf %mul3A_995, %add3A_978 : vector<16xf32>
          %mul3A_997 = arith.mulf %mul3A_996, %gather3A_993 : vector<16xf32>
          %mul3A_998 = arith.mulf %mul3A_997, %gather3A_993 : vector<16xf32>
          %sub3A_999 = arith.constant 1.500000e+00 : f32
          %sub3A_1000 = vector.broadcast %sub3A_999 : f32 to vector<16xf32>
          %sub3A_1001 = arith.subf %sub3A_1000, %mul3A_998 : vector<16xf32>
          %mul3A_1002 = arith.mulf %gather3A_993, %sub3A_1001 : vector<16xf32>
          %mul3A_1003 = arith.mulf %add3A_978, %mul3A_1002 : vector<16xf32>
          %add3A_1004 = arith.constant -9.320000e+02 : f32
          %add3A_1005 = vector.broadcast %add3A_1004 : f32 to vector<16xf32>
          %add3A_1006 = arith.addf %mul3A_1003, %add3A_1005 : vector<16xf32>
          %jit3A_1007 = arith.constant 0.000000e+00 : f32
          %broadcast_in_dim3A_1008 = vector.broadcast %jit3A_1007 : f32 to vector<16xf32>
          %select_n3A_1009 = arith.select %and3A_985, %add3A_1006, %broadcast_in_dim3A_1008 : vector<16xi1>, vector<16xf32>
          %convert_element_type3A_1010 = arith.fptosi %select_n3A_1009 : vector<16xf32> to vector<16xi32>
          %convert_element_type3A_1011 = arith.sitofp %convert_element_type3A_1010 : vector<16xi32> to vector<16xf32>
          %sub3A_1012 = arith.subf %select_n3A_1009, %convert_element_type3A_1011 : vector<16xf32>
          %gather3A_1013 = tpu.vector_load_idx %arg8[%broadcast_in_dim3A_972, %convert_element_type3A_1010] : memref<32x2168xf32, #tpu.memory_space<vmem>>[vector<16xi32>, vector<16xi32>], vector<16xf32>,
          %add3A_1014 = arith.constant 1 : i32
          %add3A_1015 = vector.broadcast %add3A_1014 : i32 to vector<16xi32>
          %add3A_1016 = arith.addi %convert_element_type3A_1010, %add3A_1015 : vector<16xi32>
          %gather3A_1017 = tpu.vector_load_idx %arg8[%broadcast_in_dim3A_972, %add3A_1016] : memref<32x2168xf32, #tpu.memory_space<vmem>>[vector<16xi32>, vector<16xi32>], vector<16xf32>,
          %sub3A_1018 = arith.subf %gather3A_1017, %gather3A_1013 : vector<16xf32>
          %mul3A_1019 = arith.mulf %sub3A_1012, %sub3A_1018 : vector<16xf32>
          %add3A_1020 = arith.addf %gather3A_1013, %mul3A_1019 : vector<16xf32>
          %add3A_1021 = arith.addf %add3A_970, %add3A_1020 : vector<16xf32>
          %broadcast_in_dim3A_1022 = arith.constant 18 : i32
          %broadcast_in_dim3A_1023 = vector.broadcast %broadcast_in_dim3A_1022 : i32 to vector<16xi32>
          %gather3A_1024 = tpu.vector_load_idx %arg10[%broadcast_in_dim3A_1023, %broadcast_in_dim3A_55] : memref<32x512xf32, #tpu.memory_space<vmem>>[vector<16xi32>, vector<16xi32>], vector<16xf32>,
          %get3A_1025 = arith.constant 18 : i32
          %get3A_1026 = arith.index_cast %get3A_1025 : i32 to index
          %get3A_1027 = arith.index_cast %mul3A_108 : i32 to index
          %get3A_1028 = tpu.vector_load %arg9[%get3A_1026, %get3A_1027] {strides = array<i32>} : memref<32x512xf32, #tpu.memory_space<vmem>>, vector<16xf32>,
          %add3A_1029 = arith.addf %get3A_1028, %gather3A_1024 : vector<16xf32>
          %ge3A_1030 = arith.constant 0x499C6C80 : f32
          %ge3A_1031 = vector.broadcast %ge3A_1030 : f32 to vector<16xf32>
          %ge3A_1032 = arith.cmpf oge, %add3A_1029, %ge3A_1031 : vector<16xf32>
          %le3A_1033 = arith.constant 0x4B1272A4 : f32
          %le3A_1034 = vector.broadcast %le3A_1033 : f32 to vector<16xf32>
          %le3A_1035 = arith.cmpf ole, %add3A_1029, %le3A_1034 : vector<16xf32>
          %and3A_1036 = arith.andi %ge3A_1032, %le3A_1035 : vector<16xi1>
          %bitcast3A_1037 = vector.bitcast %add3A_1029 : vector<16xf32> to vector<16xi32>
          %shift_right_logical3A_1038 = arith.constant 14 : i32
          %shift_right_logical3A_1039 = vector.broadcast %shift_right_logical3A_1038 : i32 to vector<16xi32>
          %shift_right_logical3A_1040 = arith.shrui %bitcast3A_1037, %shift_right_logical3A_1039 : vector<16xi32>
          %sub3A_1041 = arith.constant 71680 : i32
          %sub3A_1042 = vector.broadcast %sub3A_1041 : i32 to vector<16xi32>
          %sub3A_1043 = arith.subi %shift_right_logical3A_1040, %sub3A_1042 : vector<16xi32>
          %gather3A_1044 = tpu.vector_load_idx %arg12[%sub3A_1043] : memref<6144xf32, #tpu.memory_space<vmem>>[vector<16xi32>], vector<16xf32>,
          %mul3A_1045 = arith.constant 5.000000e-01 : f32
          %mul3A_1046 = vector.broadcast %mul3A_1045 : f32 to vector<16xf32>
          %mul3A_1047 = arith.mulf %mul3A_1046, %add3A_1029 : vector<16xf32>
          %mul3A_1048 = arith.mulf %mul3A_1047, %gather3A_1044 : vector<16xf32>
          %mul3A_1049 = arith.mulf %mul3A_1048, %gather3A_1044 : vector<16xf32>
          %sub3A_1050 = arith.constant 1.500000e+00 : f32
          %sub3A_1051 = vector.broadcast %sub3A_1050 : f32 to vector<16xf32>
          %sub3A_1052 = arith.subf %sub3A_1051, %mul3A_1049 : vector<16xf32>
          %mul3A_1053 = arith.mulf %gather3A_1044, %sub3A_1052 : vector<16xf32>
          %mul3A_1054 = arith.mulf %add3A_1029, %mul3A_1053 : vector<16xf32>
          %add3A_1055 = arith.constant -9.320000e+02 : f32
          %add3A_1056 = vector.broadcast %add3A_1055 : f32 to vector<16xf32>
          %add3A_1057 = arith.addf %mul3A_1054, %add3A_1056 : vector<16xf32>
          %jit3A_1058 = arith.constant 0.000000e+00 : f32
          %broadcast_in_dim3A_1059 = vector.broadcast %jit3A_1058 : f32 to vector<16xf32>
          %select_n3A_1060 = arith.select %and3A_1036, %add3A_1057, %broadcast_in_dim3A_1059 : vector<16xi1>, vector<16xf32>
          %convert_element_type3A_1061 = arith.fptosi %select_n3A_1060 : vector<16xf32> to vector<16xi32>
          %convert_element_type3A_1062 = arith.sitofp %convert_element_type3A_1061 : vector<16xi32> to vector<16xf32>
          %sub3A_1063 = arith.subf %select_n3A_1060, %convert_element_type3A_1062 : vector<16xf32>
          %gather3A_1064 = tpu.vector_load_idx %arg8[%broadcast_in_dim3A_1023, %convert_element_type3A_1061] : memref<32x2168xf32, #tpu.memory_space<vmem>>[vector<16xi32>, vector<16xi32>], vector<16xf32>,
          %add3A_1065 = arith.constant 1 : i32
          %add3A_1066 = vector.broadcast %add3A_1065 : i32 to vector<16xi32>
          %add3A_1067 = arith.addi %convert_element_type3A_1061, %add3A_1066 : vector<16xi32>
          %gather3A_1068 = tpu.vector_load_idx %arg8[%broadcast_in_dim3A_1023, %add3A_1067] : memref<32x2168xf32, #tpu.memory_space<vmem>>[vector<16xi32>, vector<16xi32>], vector<16xf32>,
          %sub3A_1069 = arith.subf %gather3A_1068, %gather3A_1064 : vector<16xf32>
          %mul3A_1070 = arith.mulf %sub3A_1063, %sub3A_1069 : vector<16xf32>
          %add3A_1071 = arith.addf %gather3A_1064, %mul3A_1070 : vector<16xf32>
          %add3A_1072 = arith.addf %add3A_1021, %add3A_1071 : vector<16xf32>
          %broadcast_in_dim3A_1073 = arith.constant 19 : i32
          %broadcast_in_dim3A_1074 = vector.broadcast %broadcast_in_dim3A_1073 : i32 to vector<16xi32>
          %gather3A_1075 = tpu.vector_load_idx %arg10[%broadcast_in_dim3A_1074, %broadcast_in_dim3A_55] : memref<32x512xf32, #tpu.memory_space<vmem>>[vector<16xi32>, vector<16xi32>], vector<16xf32>,
          %get3A_1076 = arith.constant 19 : i32
          %get3A_1077 = arith.index_cast %get3A_1076 : i32 to index
          %get3A_1078 = arith.index_cast %mul3A_108 : i32 to index
          %get3A_1079 = tpu.vector_load %arg9[%get3A_1077, %get3A_1078] {strides = array<i32>} : memref<32x512xf32, #tpu.memory_space<vmem>>, vector<16xf32>,
          %add3A_1080 = arith.addf %get3A_1079, %gather3A_1075 : vector<16xf32>
          %ge3A_1081 = arith.constant 0x499C6C80 : f32
          %ge3A_1082 = vector.broadcast %ge3A_1081 : f32 to vector<16xf32>
          %ge3A_1083 = arith.cmpf oge, %add3A_1080, %ge3A_1082 : vector<16xf32>
          %le3A_1084 = arith.constant 0x4B1272A4 : f32
          %le3A_1085 = vector.broadcast %le3A_1084 : f32 to vector<16xf32>
          %le3A_1086 = arith.cmpf ole, %add3A_1080, %le3A_1085 : vector<16xf32>
          %and3A_1087 = arith.andi %ge3A_1083, %le3A_1086 : vector<16xi1>
          %bitcast3A_1088 = vector.bitcast %add3A_1080 : vector<16xf32> to vector<16xi32>
          %shift_right_logical3A_1089 = arith.constant 14 : i32
          %shift_right_logical3A_1090 = vector.broadcast %shift_right_logical3A_1089 : i32 to vector<16xi32>
          %shift_right_logical3A_1091 = arith.shrui %bitcast3A_1088, %shift_right_logical3A_1090 : vector<16xi32>
          %sub3A_1092 = arith.constant 71680 : i32
          %sub3A_1093 = vector.broadcast %sub3A_1092 : i32 to vector<16xi32>
          %sub3A_1094 = arith.subi %shift_right_logical3A_1091, %sub3A_1093 : vector<16xi32>
          %gather3A_1095 = tpu.vector_load_idx %arg12[%sub3A_1094] : memref<6144xf32, #tpu.memory_space<vmem>>[vector<16xi32>], vector<16xf32>,
          %mul3A_1096 = arith.constant 5.000000e-01 : f32
          %mul3A_1097 = vector.broadcast %mul3A_1096 : f32 to vector<16xf32>
          %mul3A_1098 = arith.mulf %mul3A_1097, %add3A_1080 : vector<16xf32>
          %mul3A_1099 = arith.mulf %mul3A_1098, %gather3A_1095 : vector<16xf32>
          %mul3A_1100 = arith.mulf %mul3A_1099, %gather3A_1095 : vector<16xf32>
          %sub3A_1101 = arith.constant 1.500000e+00 : f32
          %sub3A_1102 = vector.broadcast %sub3A_1101 : f32 to vector<16xf32>
          %sub3A_1103 = arith.subf %sub3A_1102, %mul3A_1100 : vector<16xf32>
          %mul3A_1104 = arith.mulf %gather3A_1095, %sub3A_1103 : vector<16xf32>
          %mul3A_1105 = arith.mulf %add3A_1080, %mul3A_1104 : vector<16xf32>
          %add3A_1106 = arith.constant -9.320000e+02 : f32
          %add3A_1107 = vector.broadcast %add3A_1106 : f32 to vector<16xf32>
          %add3A_1108 = arith.addf %mul3A_1105, %add3A_1107 : vector<16xf32>
          %jit3A_1109 = arith.constant 0.000000e+00 : f32
          %broadcast_in_dim3A_1110 = vector.broadcast %jit3A_1109 : f32 to vector<16xf32>
          %select_n3A_1111 = arith.select %and3A_1087, %add3A_1108, %broadcast_in_dim3A_1110 : vector<16xi1>, vector<16xf32>
          %convert_element_type3A_1112 = arith.fptosi %select_n3A_1111 : vector<16xf32> to vector<16xi32>
          %convert_element_type3A_1113 = arith.sitofp %convert_element_type3A_1112 : vector<16xi32> to vector<16xf32>
          %sub3A_1114 = arith.subf %select_n3A_1111, %convert_element_type3A_1113 : vector<16xf32>
          %gather3A_1115 = tpu.vector_load_idx %arg8[%broadcast_in_dim3A_1074, %convert_element_type3A_1112] : memref<32x2168xf32, #tpu.memory_space<vmem>>[vector<16xi32>, vector<16xi32>], vector<16xf32>,
          %add3A_1116 = arith.constant 1 : i32
          %add3A_1117 = vector.broadcast %add3A_1116 : i32 to vector<16xi32>
          %add3A_1118 = arith.addi %convert_element_type3A_1112, %add3A_1117 : vector<16xi32>
          %gather3A_1119 = tpu.vector_load_idx %arg8[%broadcast_in_dim3A_1074, %add3A_1118] : memref<32x2168xf32, #tpu.memory_space<vmem>>[vector<16xi32>, vector<16xi32>], vector<16xf32>,
          %sub3A_1120 = arith.subf %gather3A_1119, %gather3A_1115 : vector<16xf32>
          %mul3A_1121 = arith.mulf %sub3A_1114, %sub3A_1120 : vector<16xf32>
          %add3A_1122 = arith.addf %gather3A_1115, %mul3A_1121 : vector<16xf32>
          %add3A_1123 = arith.addf %add3A_1072, %add3A_1122 : vector<16xf32>
          %broadcast_in_dim3A_1124 = arith.constant 20 : i32
          %broadcast_in_dim3A_1125 = vector.broadcast %broadcast_in_dim3A_1124 : i32 to vector<16xi32>
          %gather3A_1126 = tpu.vector_load_idx %arg10[%broadcast_in_dim3A_1125, %broadcast_in_dim3A_55] : memref<32x512xf32, #tpu.memory_space<vmem>>[vector<16xi32>, vector<16xi32>], vector<16xf32>,
          %get3A_1127 = arith.constant 20 : i32
          %get3A_1128 = arith.index_cast %get3A_1127 : i32 to index
          %get3A_1129 = arith.index_cast %mul3A_108 : i32 to index
          %get3A_1130 = tpu.vector_load %arg9[%get3A_1128, %get3A_1129] {strides = array<i32>} : memref<32x512xf32, #tpu.memory_space<vmem>>, vector<16xf32>,
          %add3A_1131 = arith.addf %get3A_1130, %gather3A_1126 : vector<16xf32>
          %ge3A_1132 = arith.constant 0x499C6C80 : f32
          %ge3A_1133 = vector.broadcast %ge3A_1132 : f32 to vector<16xf32>
          %ge3A_1134 = arith.cmpf oge, %add3A_1131, %ge3A_1133 : vector<16xf32>
          %le3A_1135 = arith.constant 0x4B1272A4 : f32
          %le3A_1136 = vector.broadcast %le3A_1135 : f32 to vector<16xf32>
          %le3A_1137 = arith.cmpf ole, %add3A_1131, %le3A_1136 : vector<16xf32>
          %and3A_1138 = arith.andi %ge3A_1134, %le3A_1137 : vector<16xi1>
          %bitcast3A_1139 = vector.bitcast %add3A_1131 : vector<16xf32> to vector<16xi32>
          %shift_right_logical3A_1140 = arith.constant 14 : i32
          %shift_right_logical3A_1141 = vector.broadcast %shift_right_logical3A_1140 : i32 to vector<16xi32>
          %shift_right_logical3A_1142 = arith.shrui %bitcast3A_1139, %shift_right_logical3A_1141 : vector<16xi32>
          %sub3A_1143 = arith.constant 71680 : i32
          %sub3A_1144 = vector.broadcast %sub3A_1143 : i32 to vector<16xi32>
          %sub3A_1145 = arith.subi %shift_right_logical3A_1142, %sub3A_1144 : vector<16xi32>
          %gather3A_1146 = tpu.vector_load_idx %arg12[%sub3A_1145] : memref<6144xf32, #tpu.memory_space<vmem>>[vector<16xi32>], vector<16xf32>,
          %mul3A_1147 = arith.constant 5.000000e-01 : f32
          %mul3A_1148 = vector.broadcast %mul3A_1147 : f32 to vector<16xf32>
          %mul3A_1149 = arith.mulf %mul3A_1148, %add3A_1131 : vector<16xf32>
          %mul3A_1150 = arith.mulf %mul3A_1149, %gather3A_1146 : vector<16xf32>
          %mul3A_1151 = arith.mulf %mul3A_1150, %gather3A_1146 : vector<16xf32>
          %sub3A_1152 = arith.constant 1.500000e+00 : f32
          %sub3A_1153 = vector.broadcast %sub3A_1152 : f32 to vector<16xf32>
          %sub3A_1154 = arith.subf %sub3A_1153, %mul3A_1151 : vector<16xf32>
          %mul3A_1155 = arith.mulf %gather3A_1146, %sub3A_1154 : vector<16xf32>
          %mul3A_1156 = arith.mulf %add3A_1131, %mul3A_1155 : vector<16xf32>
          %add3A_1157 = arith.constant -9.320000e+02 : f32
          %add3A_1158 = vector.broadcast %add3A_1157 : f32 to vector<16xf32>
          %add3A_1159 = arith.addf %mul3A_1156, %add3A_1158 : vector<16xf32>
          %jit3A_1160 = arith.constant 0.000000e+00 : f32
          %broadcast_in_dim3A_1161 = vector.broadcast %jit3A_1160 : f32 to vector<16xf32>
          %select_n3A_1162 = arith.select %and3A_1138, %add3A_1159, %broadcast_in_dim3A_1161 : vector<16xi1>, vector<16xf32>
          %convert_element_type3A_1163 = arith.fptosi %select_n3A_1162 : vector<16xf32> to vector<16xi32>
          %convert_element_type3A_1164 = arith.sitofp %convert_element_type3A_1163 : vector<16xi32> to vector<16xf32>
          %sub3A_1165 = arith.subf %select_n3A_1162, %convert_element_type3A_1164 : vector<16xf32>
          %gather3A_1166 = tpu.vector_load_idx %arg8[%broadcast_in_dim3A_1125, %convert_element_type3A_1163] : memref<32x2168xf32, #tpu.memory_space<vmem>>[vector<16xi32>, vector<16xi32>], vector<16xf32>,
          %add3A_1167 = arith.constant 1 : i32
          %add3A_1168 = vector.broadcast %add3A_1167 : i32 to vector<16xi32>
          %add3A_1169 = arith.addi %convert_element_type3A_1163, %add3A_1168 : vector<16xi32>
          %gather3A_1170 = tpu.vector_load_idx %arg8[%broadcast_in_dim3A_1125, %add3A_1169] : memref<32x2168xf32, #tpu.memory_space<vmem>>[vector<16xi32>, vector<16xi32>], vector<16xf32>,
          %sub3A_1171 = arith.subf %gather3A_1170, %gather3A_1166 : vector<16xf32>
          %mul3A_1172 = arith.mulf %sub3A_1165, %sub3A_1171 : vector<16xf32>
          %add3A_1173 = arith.addf %gather3A_1166, %mul3A_1172 : vector<16xf32>
          %add3A_1174 = arith.addf %add3A_1123, %add3A_1173 : vector<16xf32>
          %broadcast_in_dim3A_1175 = arith.constant 21 : i32
          %broadcast_in_dim3A_1176 = vector.broadcast %broadcast_in_dim3A_1175 : i32 to vector<16xi32>
          %gather3A_1177 = tpu.vector_load_idx %arg10[%broadcast_in_dim3A_1176, %broadcast_in_dim3A_55] : memref<32x512xf32, #tpu.memory_space<vmem>>[vector<16xi32>, vector<16xi32>], vector<16xf32>,
          %get3A_1178 = arith.constant 21 : i32
          %get3A_1179 = arith.index_cast %get3A_1178 : i32 to index
          %get3A_1180 = arith.index_cast %mul3A_108 : i32 to index
          %get3A_1181 = tpu.vector_load %arg9[%get3A_1179, %get3A_1180] {strides = array<i32>} : memref<32x512xf32, #tpu.memory_space<vmem>>, vector<16xf32>,
          %add3A_1182 = arith.addf %get3A_1181, %gather3A_1177 : vector<16xf32>
          %ge3A_1183 = arith.constant 0x499C6C80 : f32
          %ge3A_1184 = vector.broadcast %ge3A_1183 : f32 to vector<16xf32>
          %ge3A_1185 = arith.cmpf oge, %add3A_1182, %ge3A_1184 : vector<16xf32>
          %le3A_1186 = arith.constant 0x4B1272A4 : f32
          %le3A_1187 = vector.broadcast %le3A_1186 : f32 to vector<16xf32>
          %le3A_1188 = arith.cmpf ole, %add3A_1182, %le3A_1187 : vector<16xf32>
          %and3A_1189 = arith.andi %ge3A_1185, %le3A_1188 : vector<16xi1>
          %bitcast3A_1190 = vector.bitcast %add3A_1182 : vector<16xf32> to vector<16xi32>
          %shift_right_logical3A_1191 = arith.constant 14 : i32
          %shift_right_logical3A_1192 = vector.broadcast %shift_right_logical3A_1191 : i32 to vector<16xi32>
          %shift_right_logical3A_1193 = arith.shrui %bitcast3A_1190, %shift_right_logical3A_1192 : vector<16xi32>
          %sub3A_1194 = arith.constant 71680 : i32
          %sub3A_1195 = vector.broadcast %sub3A_1194 : i32 to vector<16xi32>
          %sub3A_1196 = arith.subi %shift_right_logical3A_1193, %sub3A_1195 : vector<16xi32>
          %gather3A_1197 = tpu.vector_load_idx %arg12[%sub3A_1196] : memref<6144xf32, #tpu.memory_space<vmem>>[vector<16xi32>], vector<16xf32>,
          %mul3A_1198 = arith.constant 5.000000e-01 : f32
          %mul3A_1199 = vector.broadcast %mul3A_1198 : f32 to vector<16xf32>
          %mul3A_1200 = arith.mulf %mul3A_1199, %add3A_1182 : vector<16xf32>
          %mul3A_1201 = arith.mulf %mul3A_1200, %gather3A_1197 : vector<16xf32>
          %mul3A_1202 = arith.mulf %mul3A_1201, %gather3A_1197 : vector<16xf32>
          %sub3A_1203 = arith.constant 1.500000e+00 : f32
          %sub3A_1204 = vector.broadcast %sub3A_1203 : f32 to vector<16xf32>
          %sub3A_1205 = arith.subf %sub3A_1204, %mul3A_1202 : vector<16xf32>
          %mul3A_1206 = arith.mulf %gather3A_1197, %sub3A_1205 : vector<16xf32>
          %mul3A_1207 = arith.mulf %add3A_1182, %mul3A_1206 : vector<16xf32>
          %add3A_1208 = arith.constant -9.320000e+02 : f32
          %add3A_1209 = vector.broadcast %add3A_1208 : f32 to vector<16xf32>
          %add3A_1210 = arith.addf %mul3A_1207, %add3A_1209 : vector<16xf32>
          %jit3A_1211 = arith.constant 0.000000e+00 : f32
          %broadcast_in_dim3A_1212 = vector.broadcast %jit3A_1211 : f32 to vector<16xf32>
          %select_n3A_1213 = arith.select %and3A_1189, %add3A_1210, %broadcast_in_dim3A_1212 : vector<16xi1>, vector<16xf32>
          %convert_element_type3A_1214 = arith.fptosi %select_n3A_1213 : vector<16xf32> to vector<16xi32>
          %convert_element_type3A_1215 = arith.sitofp %convert_element_type3A_1214 : vector<16xi32> to vector<16xf32>
          %sub3A_1216 = arith.subf %select_n3A_1213, %convert_element_type3A_1215 : vector<16xf32>
          %gather3A_1217 = tpu.vector_load_idx %arg8[%broadcast_in_dim3A_1176, %convert_element_type3A_1214] : memref<32x2168xf32, #tpu.memory_space<vmem>>[vector<16xi32>, vector<16xi32>], vector<16xf32>,
          %add3A_1218 = arith.constant 1 : i32
          %add3A_1219 = vector.broadcast %add3A_1218 : i32 to vector<16xi32>
          %add3A_1220 = arith.addi %convert_element_type3A_1214, %add3A_1219 : vector<16xi32>
          %gather3A_1221 = tpu.vector_load_idx %arg8[%broadcast_in_dim3A_1176, %add3A_1220] : memref<32x2168xf32, #tpu.memory_space<vmem>>[vector<16xi32>, vector<16xi32>], vector<16xf32>,
          %sub3A_1222 = arith.subf %gather3A_1221, %gather3A_1217 : vector<16xf32>
          %mul3A_1223 = arith.mulf %sub3A_1216, %sub3A_1222 : vector<16xf32>
          %add3A_1224 = arith.addf %gather3A_1217, %mul3A_1223 : vector<16xf32>
          %add3A_1225 = arith.addf %add3A_1174, %add3A_1224 : vector<16xf32>
          %broadcast_in_dim3A_1226 = arith.constant 22 : i32
          %broadcast_in_dim3A_1227 = vector.broadcast %broadcast_in_dim3A_1226 : i32 to vector<16xi32>
          %gather3A_1228 = tpu.vector_load_idx %arg10[%broadcast_in_dim3A_1227, %broadcast_in_dim3A_55] : memref<32x512xf32, #tpu.memory_space<vmem>>[vector<16xi32>, vector<16xi32>], vector<16xf32>,
          %get3A_1229 = arith.constant 22 : i32
          %get3A_1230 = arith.index_cast %get3A_1229 : i32 to index
          %get3A_1231 = arith.index_cast %mul3A_108 : i32 to index
          %get3A_1232 = tpu.vector_load %arg9[%get3A_1230, %get3A_1231] {strides = array<i32>} : memref<32x512xf32, #tpu.memory_space<vmem>>, vector<16xf32>,
          %add3A_1233 = arith.addf %get3A_1232, %gather3A_1228 : vector<16xf32>
          %ge3A_1234 = arith.constant 0x499C6C80 : f32
          %ge3A_1235 = vector.broadcast %ge3A_1234 : f32 to vector<16xf32>
          %ge3A_1236 = arith.cmpf oge, %add3A_1233, %ge3A_1235 : vector<16xf32>
          %le3A_1237 = arith.constant 0x4B1272A4 : f32
          %le3A_1238 = vector.broadcast %le3A_1237 : f32 to vector<16xf32>
          %le3A_1239 = arith.cmpf ole, %add3A_1233, %le3A_1238 : vector<16xf32>
          %and3A_1240 = arith.andi %ge3A_1236, %le3A_1239 : vector<16xi1>
          %bitcast3A_1241 = vector.bitcast %add3A_1233 : vector<16xf32> to vector<16xi32>
          %shift_right_logical3A_1242 = arith.constant 14 : i32
          %shift_right_logical3A_1243 = vector.broadcast %shift_right_logical3A_1242 : i32 to vector<16xi32>
          %shift_right_logical3A_1244 = arith.shrui %bitcast3A_1241, %shift_right_logical3A_1243 : vector<16xi32>
          %sub3A_1245 = arith.constant 71680 : i32
          %sub3A_1246 = vector.broadcast %sub3A_1245 : i32 to vector<16xi32>
          %sub3A_1247 = arith.subi %shift_right_logical3A_1244, %sub3A_1246 : vector<16xi32>
          %gather3A_1248 = tpu.vector_load_idx %arg12[%sub3A_1247] : memref<6144xf32, #tpu.memory_space<vmem>>[vector<16xi32>], vector<16xf32>,
          %mul3A_1249 = arith.constant 5.000000e-01 : f32
          %mul3A_1250 = vector.broadcast %mul3A_1249 : f32 to vector<16xf32>
          %mul3A_1251 = arith.mulf %mul3A_1250, %add3A_1233 : vector<16xf32>
          %mul3A_1252 = arith.mulf %mul3A_1251, %gather3A_1248 : vector<16xf32>
          %mul3A_1253 = arith.mulf %mul3A_1252, %gather3A_1248 : vector<16xf32>
          %sub3A_1254 = arith.constant 1.500000e+00 : f32
          %sub3A_1255 = vector.broadcast %sub3A_1254 : f32 to vector<16xf32>
          %sub3A_1256 = arith.subf %sub3A_1255, %mul3A_1253 : vector<16xf32>
          %mul3A_1257 = arith.mulf %gather3A_1248, %sub3A_1256 : vector<16xf32>
          %mul3A_1258 = arith.mulf %add3A_1233, %mul3A_1257 : vector<16xf32>
          %add3A_1259 = arith.constant -9.320000e+02 : f32
          %add3A_1260 = vector.broadcast %add3A_1259 : f32 to vector<16xf32>
          %add3A_1261 = arith.addf %mul3A_1258, %add3A_1260 : vector<16xf32>
          %jit3A_1262 = arith.constant 0.000000e+00 : f32
          %broadcast_in_dim3A_1263 = vector.broadcast %jit3A_1262 : f32 to vector<16xf32>
          %select_n3A_1264 = arith.select %and3A_1240, %add3A_1261, %broadcast_in_dim3A_1263 : vector<16xi1>, vector<16xf32>
          %convert_element_type3A_1265 = arith.fptosi %select_n3A_1264 : vector<16xf32> to vector<16xi32>
          %convert_element_type3A_1266 = arith.sitofp %convert_element_type3A_1265 : vector<16xi32> to vector<16xf32>
          %sub3A_1267 = arith.subf %select_n3A_1264, %convert_element_type3A_1266 : vector<16xf32>
          %gather3A_1268 = tpu.vector_load_idx %arg8[%broadcast_in_dim3A_1227, %convert_element_type3A_1265] : memref<32x2168xf32, #tpu.memory_space<vmem>>[vector<16xi32>, vector<16xi32>], vector<16xf32>,
          %add3A_1269 = arith.constant 1 : i32
          %add3A_1270 = vector.broadcast %add3A_1269 : i32 to vector<16xi32>
          %add3A_1271 = arith.addi %convert_element_type3A_1265, %add3A_1270 : vector<16xi32>
          %gather3A_1272 = tpu.vector_load_idx %arg8[%broadcast_in_dim3A_1227, %add3A_1271] : memref<32x2168xf32, #tpu.memory_space<vmem>>[vector<16xi32>, vector<16xi32>], vector<16xf32>,
          %sub3A_1273 = arith.subf %gather3A_1272, %gather3A_1268 : vector<16xf32>
          %mul3A_1274 = arith.mulf %sub3A_1267, %sub3A_1273 : vector<16xf32>
          %add3A_1275 = arith.addf %gather3A_1268, %mul3A_1274 : vector<16xf32>
          %add3A_1276 = arith.addf %add3A_1225, %add3A_1275 : vector<16xf32>
          %broadcast_in_dim3A_1277 = arith.constant 23 : i32
          %broadcast_in_dim3A_1278 = vector.broadcast %broadcast_in_dim3A_1277 : i32 to vector<16xi32>
          %gather3A_1279 = tpu.vector_load_idx %arg10[%broadcast_in_dim3A_1278, %broadcast_in_dim3A_55] : memref<32x512xf32, #tpu.memory_space<vmem>>[vector<16xi32>, vector<16xi32>], vector<16xf32>,
          %get3A_1280 = arith.constant 23 : i32
          %get3A_1281 = arith.index_cast %get3A_1280 : i32 to index
          %get3A_1282 = arith.index_cast %mul3A_108 : i32 to index
          %get3A_1283 = tpu.vector_load %arg9[%get3A_1281, %get3A_1282] {strides = array<i32>} : memref<32x512xf32, #tpu.memory_space<vmem>>, vector<16xf32>,
          %add3A_1284 = arith.addf %get3A_1283, %gather3A_1279 : vector<16xf32>
          %ge3A_1285 = arith.constant 0x499C6C80 : f32
          %ge3A_1286 = vector.broadcast %ge3A_1285 : f32 to vector<16xf32>
          %ge3A_1287 = arith.cmpf oge, %add3A_1284, %ge3A_1286 : vector<16xf32>
          %le3A_1288 = arith.constant 0x4B1272A4 : f32
          %le3A_1289 = vector.broadcast %le3A_1288 : f32 to vector<16xf32>
          %le3A_1290 = arith.cmpf ole, %add3A_1284, %le3A_1289 : vector<16xf32>
          %and3A_1291 = arith.andi %ge3A_1287, %le3A_1290 : vector<16xi1>
          %bitcast3A_1292 = vector.bitcast %add3A_1284 : vector<16xf32> to vector<16xi32>
          %shift_right_logical3A_1293 = arith.constant 14 : i32
          %shift_right_logical3A_1294 = vector.broadcast %shift_right_logical3A_1293 : i32 to vector<16xi32>
          %shift_right_logical3A_1295 = arith.shrui %bitcast3A_1292, %shift_right_logical3A_1294 : vector<16xi32>
          %sub3A_1296 = arith.constant 71680 : i32
          %sub3A_1297 = vector.broadcast %sub3A_1296 : i32 to vector<16xi32>
          %sub3A_1298 = arith.subi %shift_right_logical3A_1295, %sub3A_1297 : vector<16xi32>
          %gather3A_1299 = tpu.vector_load_idx %arg12[%sub3A_1298] : memref<6144xf32, #tpu.memory_space<vmem>>[vector<16xi32>], vector<16xf32>,
          %mul3A_1300 = arith.constant 5.000000e-01 : f32
          %mul3A_1301 = vector.broadcast %mul3A_1300 : f32 to vector<16xf32>
          %mul3A_1302 = arith.mulf %mul3A_1301, %add3A_1284 : vector<16xf32>
          %mul3A_1303 = arith.mulf %mul3A_1302, %gather3A_1299 : vector<16xf32>
          %mul3A_1304 = arith.mulf %mul3A_1303, %gather3A_1299 : vector<16xf32>
          %sub3A_1305 = arith.constant 1.500000e+00 : f32
          %sub3A_1306 = vector.broadcast %sub3A_1305 : f32 to vector<16xf32>
          %sub3A_1307 = arith.subf %sub3A_1306, %mul3A_1304 : vector<16xf32>
          %mul3A_1308 = arith.mulf %gather3A_1299, %sub3A_1307 : vector<16xf32>
          %mul3A_1309 = arith.mulf %add3A_1284, %mul3A_1308 : vector<16xf32>
          %add3A_1310 = arith.constant -9.320000e+02 : f32
          %add3A_1311 = vector.broadcast %add3A_1310 : f32 to vector<16xf32>
          %add3A_1312 = arith.addf %mul3A_1309, %add3A_1311 : vector<16xf32>
          %jit3A_1313 = arith.constant 0.000000e+00 : f32
          %broadcast_in_dim3A_1314 = vector.broadcast %jit3A_1313 : f32 to vector<16xf32>
          %select_n3A_1315 = arith.select %and3A_1291, %add3A_1312, %broadcast_in_dim3A_1314 : vector<16xi1>, vector<16xf32>
          %convert_element_type3A_1316 = arith.fptosi %select_n3A_1315 : vector<16xf32> to vector<16xi32>
          %convert_element_type3A_1317 = arith.sitofp %convert_element_type3A_1316 : vector<16xi32> to vector<16xf32>
          %sub3A_1318 = arith.subf %select_n3A_1315, %convert_element_type3A_1317 : vector<16xf32>
          %gather3A_1319 = tpu.vector_load_idx %arg8[%broadcast_in_dim3A_1278, %convert_element_type3A_1316] : memref<32x2168xf32, #tpu.memory_space<vmem>>[vector<16xi32>, vector<16xi32>], vector<16xf32>,
          %add3A_1320 = arith.constant 1 : i32
          %add3A_1321 = vector.broadcast %add3A_1320 : i32 to vector<16xi32>
          %add3A_1322 = arith.addi %convert_element_type3A_1316, %add3A_1321 : vector<16xi32>
          %gather3A_1323 = tpu.vector_load_idx %arg8[%broadcast_in_dim3A_1278, %add3A_1322] : memref<32x2168xf32, #tpu.memory_space<vmem>>[vector<16xi32>, vector<16xi32>], vector<16xf32>,
          %sub3A_1324 = arith.subf %gather3A_1323, %gather3A_1319 : vector<16xf32>
          %mul3A_1325 = arith.mulf %sub3A_1318, %sub3A_1324 : vector<16xf32>
          %add3A_1326 = arith.addf %gather3A_1319, %mul3A_1325 : vector<16xf32>
          %add3A_1327 = arith.addf %add3A_1276, %add3A_1326 : vector<16xf32>
          %broadcast_in_dim3A_1328 = arith.constant 24 : i32
          %broadcast_in_dim3A_1329 = vector.broadcast %broadcast_in_dim3A_1328 : i32 to vector<16xi32>
          %gather3A_1330 = tpu.vector_load_idx %arg10[%broadcast_in_dim3A_1329, %broadcast_in_dim3A_55] : memref<32x512xf32, #tpu.memory_space<vmem>>[vector<16xi32>, vector<16xi32>], vector<16xf32>,
          %get3A_1331 = arith.constant 24 : i32
          %get3A_1332 = arith.index_cast %get3A_1331 : i32 to index
          %get3A_1333 = arith.index_cast %mul3A_108 : i32 to index
          %get3A_1334 = tpu.vector_load %arg9[%get3A_1332, %get3A_1333] {strides = array<i32>} : memref<32x512xf32, #tpu.memory_space<vmem>>, vector<16xf32>,
          %add3A_1335 = arith.addf %get3A_1334, %gather3A_1330 : vector<16xf32>
          %ge3A_1336 = arith.constant 0x499C6C80 : f32
          %ge3A_1337 = vector.broadcast %ge3A_1336 : f32 to vector<16xf32>
          %ge3A_1338 = arith.cmpf oge, %add3A_1335, %ge3A_1337 : vector<16xf32>
          %le3A_1339 = arith.constant 0x4B1272A4 : f32
          %le3A_1340 = vector.broadcast %le3A_1339 : f32 to vector<16xf32>
          %le3A_1341 = arith.cmpf ole, %add3A_1335, %le3A_1340 : vector<16xf32>
          %and3A_1342 = arith.andi %ge3A_1338, %le3A_1341 : vector<16xi1>
          %bitcast3A_1343 = vector.bitcast %add3A_1335 : vector<16xf32> to vector<16xi32>
          %shift_right_logical3A_1344 = arith.constant 14 : i32
          %shift_right_logical3A_1345 = vector.broadcast %shift_right_logical3A_1344 : i32 to vector<16xi32>
          %shift_right_logical3A_1346 = arith.shrui %bitcast3A_1343, %shift_right_logical3A_1345 : vector<16xi32>
          %sub3A_1347 = arith.constant 71680 : i32
          %sub3A_1348 = vector.broadcast %sub3A_1347 : i32 to vector<16xi32>
          %sub3A_1349 = arith.subi %shift_right_logical3A_1346, %sub3A_1348 : vector<16xi32>
          %gather3A_1350 = tpu.vector_load_idx %arg12[%sub3A_1349] : memref<6144xf32, #tpu.memory_space<vmem>>[vector<16xi32>], vector<16xf32>,
          %mul3A_1351 = arith.constant 5.000000e-01 : f32
          %mul3A_1352 = vector.broadcast %mul3A_1351 : f32 to vector<16xf32>
          %mul3A_1353 = arith.mulf %mul3A_1352, %add3A_1335 : vector<16xf32>
          %mul3A_1354 = arith.mulf %mul3A_1353, %gather3A_1350 : vector<16xf32>
          %mul3A_1355 = arith.mulf %mul3A_1354, %gather3A_1350 : vector<16xf32>
          %sub3A_1356 = arith.constant 1.500000e+00 : f32
          %sub3A_1357 = vector.broadcast %sub3A_1356 : f32 to vector<16xf32>
          %sub3A_1358 = arith.subf %sub3A_1357, %mul3A_1355 : vector<16xf32>
          %mul3A_1359 = arith.mulf %gather3A_1350, %sub3A_1358 : vector<16xf32>
          %mul3A_1360 = arith.mulf %add3A_1335, %mul3A_1359 : vector<16xf32>
          %add3A_1361 = arith.constant -9.320000e+02 : f32
          %add3A_1362 = vector.broadcast %add3A_1361 : f32 to vector<16xf32>
          %add3A_1363 = arith.addf %mul3A_1360, %add3A_1362 : vector<16xf32>
          %jit3A_1364 = arith.constant 0.000000e+00 : f32
          %broadcast_in_dim3A_1365 = vector.broadcast %jit3A_1364 : f32 to vector<16xf32>
          %select_n3A_1366 = arith.select %and3A_1342, %add3A_1363, %broadcast_in_dim3A_1365 : vector<16xi1>, vector<16xf32>
          %convert_element_type3A_1367 = arith.fptosi %select_n3A_1366 : vector<16xf32> to vector<16xi32>
          %convert_element_type3A_1368 = arith.sitofp %convert_element_type3A_1367 : vector<16xi32> to vector<16xf32>
          %sub3A_1369 = arith.subf %select_n3A_1366, %convert_element_type3A_1368 : vector<16xf32>
          %gather3A_1370 = tpu.vector_load_idx %arg8[%broadcast_in_dim3A_1329, %convert_element_type3A_1367] : memref<32x2168xf32, #tpu.memory_space<vmem>>[vector<16xi32>, vector<16xi32>], vector<16xf32>,
          %add3A_1371 = arith.constant 1 : i32
          %add3A_1372 = vector.broadcast %add3A_1371 : i32 to vector<16xi32>
          %add3A_1373 = arith.addi %convert_element_type3A_1367, %add3A_1372 : vector<16xi32>
          %gather3A_1374 = tpu.vector_load_idx %arg8[%broadcast_in_dim3A_1329, %add3A_1373] : memref<32x2168xf32, #tpu.memory_space<vmem>>[vector<16xi32>, vector<16xi32>], vector<16xf32>,
          %sub3A_1375 = arith.subf %gather3A_1374, %gather3A_1370 : vector<16xf32>
          %mul3A_1376 = arith.mulf %sub3A_1369, %sub3A_1375 : vector<16xf32>
          %add3A_1377 = arith.addf %gather3A_1370, %mul3A_1376 : vector<16xf32>
          %add3A_1378 = arith.addf %add3A_1327, %add3A_1377 : vector<16xf32>
          %broadcast_in_dim3A_1379 = arith.constant 25 : i32
          %broadcast_in_dim3A_1380 = vector.broadcast %broadcast_in_dim3A_1379 : i32 to vector<16xi32>
          %gather3A_1381 = tpu.vector_load_idx %arg10[%broadcast_in_dim3A_1380, %broadcast_in_dim3A_55] : memref<32x512xf32, #tpu.memory_space<vmem>>[vector<16xi32>, vector<16xi32>], vector<16xf32>,
          %get3A_1382 = arith.constant 25 : i32
          %get3A_1383 = arith.index_cast %get3A_1382 : i32 to index
          %get3A_1384 = arith.index_cast %mul3A_108 : i32 to index
          %get3A_1385 = tpu.vector_load %arg9[%get3A_1383, %get3A_1384] {strides = array<i32>} : memref<32x512xf32, #tpu.memory_space<vmem>>, vector<16xf32>,
          %add3A_1386 = arith.addf %get3A_1385, %gather3A_1381 : vector<16xf32>
          %ge3A_1387 = arith.constant 0x499C6C80 : f32
          %ge3A_1388 = vector.broadcast %ge3A_1387 : f32 to vector<16xf32>
          %ge3A_1389 = arith.cmpf oge, %add3A_1386, %ge3A_1388 : vector<16xf32>
          %le3A_1390 = arith.constant 0x4B1272A4 : f32
          %le3A_1391 = vector.broadcast %le3A_1390 : f32 to vector<16xf32>
          %le3A_1392 = arith.cmpf ole, %add3A_1386, %le3A_1391 : vector<16xf32>
          %and3A_1393 = arith.andi %ge3A_1389, %le3A_1392 : vector<16xi1>
          %bitcast3A_1394 = vector.bitcast %add3A_1386 : vector<16xf32> to vector<16xi32>
          %shift_right_logical3A_1395 = arith.constant 14 : i32
          %shift_right_logical3A_1396 = vector.broadcast %shift_right_logical3A_1395 : i32 to vector<16xi32>
          %shift_right_logical3A_1397 = arith.shrui %bitcast3A_1394, %shift_right_logical3A_1396 : vector<16xi32>
          %sub3A_1398 = arith.constant 71680 : i32
          %sub3A_1399 = vector.broadcast %sub3A_1398 : i32 to vector<16xi32>
          %sub3A_1400 = arith.subi %shift_right_logical3A_1397, %sub3A_1399 : vector<16xi32>
          %gather3A_1401 = tpu.vector_load_idx %arg12[%sub3A_1400] : memref<6144xf32, #tpu.memory_space<vmem>>[vector<16xi32>], vector<16xf32>,
          %mul3A_1402 = arith.constant 5.000000e-01 : f32
          %mul3A_1403 = vector.broadcast %mul3A_1402 : f32 to vector<16xf32>
          %mul3A_1404 = arith.mulf %mul3A_1403, %add3A_1386 : vector<16xf32>
          %mul3A_1405 = arith.mulf %mul3A_1404, %gather3A_1401 : vector<16xf32>
          %mul3A_1406 = arith.mulf %mul3A_1405, %gather3A_1401 : vector<16xf32>
          %sub3A_1407 = arith.constant 1.500000e+00 : f32
          %sub3A_1408 = vector.broadcast %sub3A_1407 : f32 to vector<16xf32>
          %sub3A_1409 = arith.subf %sub3A_1408, %mul3A_1406 : vector<16xf32>
          %mul3A_1410 = arith.mulf %gather3A_1401, %sub3A_1409 : vector<16xf32>
          %mul3A_1411 = arith.mulf %add3A_1386, %mul3A_1410 : vector<16xf32>
          %add3A_1412 = arith.constant -9.320000e+02 : f32
          %add3A_1413 = vector.broadcast %add3A_1412 : f32 to vector<16xf32>
          %add3A_1414 = arith.addf %mul3A_1411, %add3A_1413 : vector<16xf32>
          %jit3A_1415 = arith.constant 0.000000e+00 : f32
          %broadcast_in_dim3A_1416 = vector.broadcast %jit3A_1415 : f32 to vector<16xf32>
          %select_n3A_1417 = arith.select %and3A_1393, %add3A_1414, %broadcast_in_dim3A_1416 : vector<16xi1>, vector<16xf32>
          %convert_element_type3A_1418 = arith.fptosi %select_n3A_1417 : vector<16xf32> to vector<16xi32>
          %convert_element_type3A_1419 = arith.sitofp %convert_element_type3A_1418 : vector<16xi32> to vector<16xf32>
          %sub3A_1420 = arith.subf %select_n3A_1417, %convert_element_type3A_1419 : vector<16xf32>
          %gather3A_1421 = tpu.vector_load_idx %arg8[%broadcast_in_dim3A_1380, %convert_element_type3A_1418] : memref<32x2168xf32, #tpu.memory_space<vmem>>[vector<16xi32>, vector<16xi32>], vector<16xf32>,
          %add3A_1422 = arith.constant 1 : i32
          %add3A_1423 = vector.broadcast %add3A_1422 : i32 to vector<16xi32>
          %add3A_1424 = arith.addi %convert_element_type3A_1418, %add3A_1423 : vector<16xi32>
          %gather3A_1425 = tpu.vector_load_idx %arg8[%broadcast_in_dim3A_1380, %add3A_1424] : memref<32x2168xf32, #tpu.memory_space<vmem>>[vector<16xi32>, vector<16xi32>], vector<16xf32>,
          %sub3A_1426 = arith.subf %gather3A_1425, %gather3A_1421 : vector<16xf32>
          %mul3A_1427 = arith.mulf %sub3A_1420, %sub3A_1426 : vector<16xf32>
          %add3A_1428 = arith.addf %gather3A_1421, %mul3A_1427 : vector<16xf32>
          %add3A_1429 = arith.addf %add3A_1378, %add3A_1428 : vector<16xf32>
          %broadcast_in_dim3A_1430 = arith.constant 26 : i32
          %broadcast_in_dim3A_1431 = vector.broadcast %broadcast_in_dim3A_1430 : i32 to vector<16xi32>
          %gather3A_1432 = tpu.vector_load_idx %arg10[%broadcast_in_dim3A_1431, %broadcast_in_dim3A_55] : memref<32x512xf32, #tpu.memory_space<vmem>>[vector<16xi32>, vector<16xi32>], vector<16xf32>,
          %get3A_1433 = arith.constant 26 : i32
          %get3A_1434 = arith.index_cast %get3A_1433 : i32 to index
          %get3A_1435 = arith.index_cast %mul3A_108 : i32 to index
          %get3A_1436 = tpu.vector_load %arg9[%get3A_1434, %get3A_1435] {strides = array<i32>} : memref<32x512xf32, #tpu.memory_space<vmem>>, vector<16xf32>,
          %add3A_1437 = arith.addf %get3A_1436, %gather3A_1432 : vector<16xf32>
          %ge3A_1438 = arith.constant 0x499C6C80 : f32
          %ge3A_1439 = vector.broadcast %ge3A_1438 : f32 to vector<16xf32>
          %ge3A_1440 = arith.cmpf oge, %add3A_1437, %ge3A_1439 : vector<16xf32>
          %le3A_1441 = arith.constant 0x4B1272A4 : f32
          %le3A_1442 = vector.broadcast %le3A_1441 : f32 to vector<16xf32>
          %le3A_1443 = arith.cmpf ole, %add3A_1437, %le3A_1442 : vector<16xf32>
          %and3A_1444 = arith.andi %ge3A_1440, %le3A_1443 : vector<16xi1>
          %bitcast3A_1445 = vector.bitcast %add3A_1437 : vector<16xf32> to vector<16xi32>
          %shift_right_logical3A_1446 = arith.constant 14 : i32
          %shift_right_logical3A_1447 = vector.broadcast %shift_right_logical3A_1446 : i32 to vector<16xi32>
          %shift_right_logical3A_1448 = arith.shrui %bitcast3A_1445, %shift_right_logical3A_1447 : vector<16xi32>
          %sub3A_1449 = arith.constant 71680 : i32
          %sub3A_1450 = vector.broadcast %sub3A_1449 : i32 to vector<16xi32>
          %sub3A_1451 = arith.subi %shift_right_logical3A_1448, %sub3A_1450 : vector<16xi32>
          %gather3A_1452 = tpu.vector_load_idx %arg12[%sub3A_1451] : memref<6144xf32, #tpu.memory_space<vmem>>[vector<16xi32>], vector<16xf32>,
          %mul3A_1453 = arith.constant 5.000000e-01 : f32
          %mul3A_1454 = vector.broadcast %mul3A_1453 : f32 to vector<16xf32>
          %mul3A_1455 = arith.mulf %mul3A_1454, %add3A_1437 : vector<16xf32>
          %mul3A_1456 = arith.mulf %mul3A_1455, %gather3A_1452 : vector<16xf32>
          %mul3A_1457 = arith.mulf %mul3A_1456, %gather3A_1452 : vector<16xf32>
          %sub3A_1458 = arith.constant 1.500000e+00 : f32
          %sub3A_1459 = vector.broadcast %sub3A_1458 : f32 to vector<16xf32>
          %sub3A_1460 = arith.subf %sub3A_1459, %mul3A_1457 : vector<16xf32>
          %mul3A_1461 = arith.mulf %gather3A_1452, %sub3A_1460 : vector<16xf32>
          %mul3A_1462 = arith.mulf %add3A_1437, %mul3A_1461 : vector<16xf32>
          %add3A_1463 = arith.constant -9.320000e+02 : f32
          %add3A_1464 = vector.broadcast %add3A_1463 : f32 to vector<16xf32>
          %add3A_1465 = arith.addf %mul3A_1462, %add3A_1464 : vector<16xf32>
          %jit3A_1466 = arith.constant 0.000000e+00 : f32
          %broadcast_in_dim3A_1467 = vector.broadcast %jit3A_1466 : f32 to vector<16xf32>
          %select_n3A_1468 = arith.select %and3A_1444, %add3A_1465, %broadcast_in_dim3A_1467 : vector<16xi1>, vector<16xf32>
          %convert_element_type3A_1469 = arith.fptosi %select_n3A_1468 : vector<16xf32> to vector<16xi32>
          %convert_element_type3A_1470 = arith.sitofp %convert_element_type3A_1469 : vector<16xi32> to vector<16xf32>
          %sub3A_1471 = arith.subf %select_n3A_1468, %convert_element_type3A_1470 : vector<16xf32>
          %gather3A_1472 = tpu.vector_load_idx %arg8[%broadcast_in_dim3A_1431, %convert_element_type3A_1469] : memref<32x2168xf32, #tpu.memory_space<vmem>>[vector<16xi32>, vector<16xi32>], vector<16xf32>,
          %add3A_1473 = arith.constant 1 : i32
          %add3A_1474 = vector.broadcast %add3A_1473 : i32 to vector<16xi32>
          %add3A_1475 = arith.addi %convert_element_type3A_1469, %add3A_1474 : vector<16xi32>
          %gather3A_1476 = tpu.vector_load_idx %arg8[%broadcast_in_dim3A_1431, %add3A_1475] : memref<32x2168xf32, #tpu.memory_space<vmem>>[vector<16xi32>, vector<16xi32>], vector<16xf32>,
          %sub3A_1477 = arith.subf %gather3A_1476, %gather3A_1472 : vector<16xf32>
          %mul3A_1478 = arith.mulf %sub3A_1471, %sub3A_1477 : vector<16xf32>
          %add3A_1479 = arith.addf %gather3A_1472, %mul3A_1478 : vector<16xf32>
          %add3A_1480 = arith.addf %add3A_1429, %add3A_1479 : vector<16xf32>
          %broadcast_in_dim3A_1481 = arith.constant 27 : i32
          %broadcast_in_dim3A_1482 = vector.broadcast %broadcast_in_dim3A_1481 : i32 to vector<16xi32>
          %gather3A_1483 = tpu.vector_load_idx %arg10[%broadcast_in_dim3A_1482, %broadcast_in_dim3A_55] : memref<32x512xf32, #tpu.memory_space<vmem>>[vector<16xi32>, vector<16xi32>], vector<16xf32>,
          %get3A_1484 = arith.constant 27 : i32
          %get3A_1485 = arith.index_cast %get3A_1484 : i32 to index
          %get3A_1486 = arith.index_cast %mul3A_108 : i32 to index
          %get3A_1487 = tpu.vector_load %arg9[%get3A_1485, %get3A_1486] {strides = array<i32>} : memref<32x512xf32, #tpu.memory_space<vmem>>, vector<16xf32>,
          %add3A_1488 = arith.addf %get3A_1487, %gather3A_1483 : vector<16xf32>
          %ge3A_1489 = arith.constant 0x499C6C80 : f32
          %ge3A_1490 = vector.broadcast %ge3A_1489 : f32 to vector<16xf32>
          %ge3A_1491 = arith.cmpf oge, %add3A_1488, %ge3A_1490 : vector<16xf32>
          %le3A_1492 = arith.constant 0x4B1272A4 : f32
          %le3A_1493 = vector.broadcast %le3A_1492 : f32 to vector<16xf32>
          %le3A_1494 = arith.cmpf ole, %add3A_1488, %le3A_1493 : vector<16xf32>
          %and3A_1495 = arith.andi %ge3A_1491, %le3A_1494 : vector<16xi1>
          %bitcast3A_1496 = vector.bitcast %add3A_1488 : vector<16xf32> to vector<16xi32>
          %shift_right_logical3A_1497 = arith.constant 14 : i32
          %shift_right_logical3A_1498 = vector.broadcast %shift_right_logical3A_1497 : i32 to vector<16xi32>
          %shift_right_logical3A_1499 = arith.shrui %bitcast3A_1496, %shift_right_logical3A_1498 : vector<16xi32>
          %sub3A_1500 = arith.constant 71680 : i32
          %sub3A_1501 = vector.broadcast %sub3A_1500 : i32 to vector<16xi32>
          %sub3A_1502 = arith.subi %shift_right_logical3A_1499, %sub3A_1501 : vector<16xi32>
          %gather3A_1503 = tpu.vector_load_idx %arg12[%sub3A_1502] : memref<6144xf32, #tpu.memory_space<vmem>>[vector<16xi32>], vector<16xf32>,
          %mul3A_1504 = arith.constant 5.000000e-01 : f32
          %mul3A_1505 = vector.broadcast %mul3A_1504 : f32 to vector<16xf32>
          %mul3A_1506 = arith.mulf %mul3A_1505, %add3A_1488 : vector<16xf32>
          %mul3A_1507 = arith.mulf %mul3A_1506, %gather3A_1503 : vector<16xf32>
          %mul3A_1508 = arith.mulf %mul3A_1507, %gather3A_1503 : vector<16xf32>
          %sub3A_1509 = arith.constant 1.500000e+00 : f32
          %sub3A_1510 = vector.broadcast %sub3A_1509 : f32 to vector<16xf32>
          %sub3A_1511 = arith.subf %sub3A_1510, %mul3A_1508 : vector<16xf32>
          %mul3A_1512 = arith.mulf %gather3A_1503, %sub3A_1511 : vector<16xf32>
          %mul3A_1513 = arith.mulf %add3A_1488, %mul3A_1512 : vector<16xf32>
          %add3A_1514 = arith.constant -9.320000e+02 : f32
          %add3A_1515 = vector.broadcast %add3A_1514 : f32 to vector<16xf32>
          %add3A_1516 = arith.addf %mul3A_1513, %add3A_1515 : vector<16xf32>
          %jit3A_1517 = arith.constant 0.000000e+00 : f32
          %broadcast_in_dim3A_1518 = vector.broadcast %jit3A_1517 : f32 to vector<16xf32>
          %select_n3A_1519 = arith.select %and3A_1495, %add3A_1516, %broadcast_in_dim3A_1518 : vector<16xi1>, vector<16xf32>
          %convert_element_type3A_1520 = arith.fptosi %select_n3A_1519 : vector<16xf32> to vector<16xi32>
          %convert_element_type3A_1521 = arith.sitofp %convert_element_type3A_1520 : vector<16xi32> to vector<16xf32>
          %sub3A_1522 = arith.subf %select_n3A_1519, %convert_element_type3A_1521 : vector<16xf32>
          %gather3A_1523 = tpu.vector_load_idx %arg8[%broadcast_in_dim3A_1482, %convert_element_type3A_1520] : memref<32x2168xf32, #tpu.memory_space<vmem>>[vector<16xi32>, vector<16xi32>], vector<16xf32>,
          %add3A_1524 = arith.constant 1 : i32
          %add3A_1525 = vector.broadcast %add3A_1524 : i32 to vector<16xi32>
          %add3A_1526 = arith.addi %convert_element_type3A_1520, %add3A_1525 : vector<16xi32>
          %gather3A_1527 = tpu.vector_load_idx %arg8[%broadcast_in_dim3A_1482, %add3A_1526] : memref<32x2168xf32, #tpu.memory_space<vmem>>[vector<16xi32>, vector<16xi32>], vector<16xf32>,
          %sub3A_1528 = arith.subf %gather3A_1527, %gather3A_1523 : vector<16xf32>
          %mul3A_1529 = arith.mulf %sub3A_1522, %sub3A_1528 : vector<16xf32>
          %add3A_1530 = arith.addf %gather3A_1523, %mul3A_1529 : vector<16xf32>
          %add3A_1531 = arith.addf %add3A_1480, %add3A_1530 : vector<16xf32>
          %broadcast_in_dim3A_1532 = arith.constant 28 : i32
          %broadcast_in_dim3A_1533 = vector.broadcast %broadcast_in_dim3A_1532 : i32 to vector<16xi32>
          %gather3A_1534 = tpu.vector_load_idx %arg10[%broadcast_in_dim3A_1533, %broadcast_in_dim3A_55] : memref<32x512xf32, #tpu.memory_space<vmem>>[vector<16xi32>, vector<16xi32>], vector<16xf32>,
          %get3A_1535 = arith.constant 28 : i32
          %get3A_1536 = arith.index_cast %get3A_1535 : i32 to index
          %get3A_1537 = arith.index_cast %mul3A_108 : i32 to index
          %get3A_1538 = tpu.vector_load %arg9[%get3A_1536, %get3A_1537] {strides = array<i32>} : memref<32x512xf32, #tpu.memory_space<vmem>>, vector<16xf32>,
          %add3A_1539 = arith.addf %get3A_1538, %gather3A_1534 : vector<16xf32>
          %ge3A_1540 = arith.constant 0x499C6C80 : f32
          %ge3A_1541 = vector.broadcast %ge3A_1540 : f32 to vector<16xf32>
          %ge3A_1542 = arith.cmpf oge, %add3A_1539, %ge3A_1541 : vector<16xf32>
          %le3A_1543 = arith.constant 0x4B1272A4 : f32
          %le3A_1544 = vector.broadcast %le3A_1543 : f32 to vector<16xf32>
          %le3A_1545 = arith.cmpf ole, %add3A_1539, %le3A_1544 : vector<16xf32>
          %and3A_1546 = arith.andi %ge3A_1542, %le3A_1545 : vector<16xi1>
          %bitcast3A_1547 = vector.bitcast %add3A_1539 : vector<16xf32> to vector<16xi32>
          %shift_right_logical3A_1548 = arith.constant 14 : i32
          %shift_right_logical3A_1549 = vector.broadcast %shift_right_logical3A_1548 : i32 to vector<16xi32>
          %shift_right_logical3A_1550 = arith.shrui %bitcast3A_1547, %shift_right_logical3A_1549 : vector<16xi32>
          %sub3A_1551 = arith.constant 71680 : i32
          %sub3A_1552 = vector.broadcast %sub3A_1551 : i32 to vector<16xi32>
          %sub3A_1553 = arith.subi %shift_right_logical3A_1550, %sub3A_1552 : vector<16xi32>
          %gather3A_1554 = tpu.vector_load_idx %arg12[%sub3A_1553] : memref<6144xf32, #tpu.memory_space<vmem>>[vector<16xi32>], vector<16xf32>,
          %mul3A_1555 = arith.constant 5.000000e-01 : f32
          %mul3A_1556 = vector.broadcast %mul3A_1555 : f32 to vector<16xf32>
          %mul3A_1557 = arith.mulf %mul3A_1556, %add3A_1539 : vector<16xf32>
          %mul3A_1558 = arith.mulf %mul3A_1557, %gather3A_1554 : vector<16xf32>
          %mul3A_1559 = arith.mulf %mul3A_1558, %gather3A_1554 : vector<16xf32>
          %sub3A_1560 = arith.constant 1.500000e+00 : f32
          %sub3A_1561 = vector.broadcast %sub3A_1560 : f32 to vector<16xf32>
          %sub3A_1562 = arith.subf %sub3A_1561, %mul3A_1559 : vector<16xf32>
          %mul3A_1563 = arith.mulf %gather3A_1554, %sub3A_1562 : vector<16xf32>
          %mul3A_1564 = arith.mulf %add3A_1539, %mul3A_1563 : vector<16xf32>
          %add3A_1565 = arith.constant -9.320000e+02 : f32
          %add3A_1566 = vector.broadcast %add3A_1565 : f32 to vector<16xf32>
          %add3A_1567 = arith.addf %mul3A_1564, %add3A_1566 : vector<16xf32>
          %jit3A_1568 = arith.constant 0.000000e+00 : f32
          %broadcast_in_dim3A_1569 = vector.broadcast %jit3A_1568 : f32 to vector<16xf32>
          %select_n3A_1570 = arith.select %and3A_1546, %add3A_1567, %broadcast_in_dim3A_1569 : vector<16xi1>, vector<16xf32>
          %convert_element_type3A_1571 = arith.fptosi %select_n3A_1570 : vector<16xf32> to vector<16xi32>
          %convert_element_type3A_1572 = arith.sitofp %convert_element_type3A_1571 : vector<16xi32> to vector<16xf32>
          %sub3A_1573 = arith.subf %select_n3A_1570, %convert_element_type3A_1572 : vector<16xf32>
          %gather3A_1574 = tpu.vector_load_idx %arg8[%broadcast_in_dim3A_1533, %convert_element_type3A_1571] : memref<32x2168xf32, #tpu.memory_space<vmem>>[vector<16xi32>, vector<16xi32>], vector<16xf32>,
          %add3A_1575 = arith.constant 1 : i32
          %add3A_1576 = vector.broadcast %add3A_1575 : i32 to vector<16xi32>
          %add3A_1577 = arith.addi %convert_element_type3A_1571, %add3A_1576 : vector<16xi32>
          %gather3A_1578 = tpu.vector_load_idx %arg8[%broadcast_in_dim3A_1533, %add3A_1577] : memref<32x2168xf32, #tpu.memory_space<vmem>>[vector<16xi32>, vector<16xi32>], vector<16xf32>,
          %sub3A_1579 = arith.subf %gather3A_1578, %gather3A_1574 : vector<16xf32>
          %mul3A_1580 = arith.mulf %sub3A_1573, %sub3A_1579 : vector<16xf32>
          %add3A_1581 = arith.addf %gather3A_1574, %mul3A_1580 : vector<16xf32>
          %add3A_1582 = arith.addf %add3A_1531, %add3A_1581 : vector<16xf32>
          %broadcast_in_dim3A_1583 = arith.constant 29 : i32
          %broadcast_in_dim3A_1584 = vector.broadcast %broadcast_in_dim3A_1583 : i32 to vector<16xi32>
          %gather3A_1585 = tpu.vector_load_idx %arg10[%broadcast_in_dim3A_1584, %broadcast_in_dim3A_55] : memref<32x512xf32, #tpu.memory_space<vmem>>[vector<16xi32>, vector<16xi32>], vector<16xf32>,
          %get3A_1586 = arith.constant 29 : i32
          %get3A_1587 = arith.index_cast %get3A_1586 : i32 to index
          %get3A_1588 = arith.index_cast %mul3A_108 : i32 to index
          %get3A_1589 = tpu.vector_load %arg9[%get3A_1587, %get3A_1588] {strides = array<i32>} : memref<32x512xf32, #tpu.memory_space<vmem>>, vector<16xf32>,
          %add3A_1590 = arith.addf %get3A_1589, %gather3A_1585 : vector<16xf32>
          %ge3A_1591 = arith.constant 0x499C6C80 : f32
          %ge3A_1592 = vector.broadcast %ge3A_1591 : f32 to vector<16xf32>
          %ge3A_1593 = arith.cmpf oge, %add3A_1590, %ge3A_1592 : vector<16xf32>
          %le3A_1594 = arith.constant 0x4B1272A4 : f32
          %le3A_1595 = vector.broadcast %le3A_1594 : f32 to vector<16xf32>
          %le3A_1596 = arith.cmpf ole, %add3A_1590, %le3A_1595 : vector<16xf32>
          %and3A_1597 = arith.andi %ge3A_1593, %le3A_1596 : vector<16xi1>
          %bitcast3A_1598 = vector.bitcast %add3A_1590 : vector<16xf32> to vector<16xi32>
          %shift_right_logical3A_1599 = arith.constant 14 : i32
          %shift_right_logical3A_1600 = vector.broadcast %shift_right_logical3A_1599 : i32 to vector<16xi32>
          %shift_right_logical3A_1601 = arith.shrui %bitcast3A_1598, %shift_right_logical3A_1600 : vector<16xi32>
          %sub3A_1602 = arith.constant 71680 : i32
          %sub3A_1603 = vector.broadcast %sub3A_1602 : i32 to vector<16xi32>
          %sub3A_1604 = arith.subi %shift_right_logical3A_1601, %sub3A_1603 : vector<16xi32>
          %gather3A_1605 = tpu.vector_load_idx %arg12[%sub3A_1604] : memref<6144xf32, #tpu.memory_space<vmem>>[vector<16xi32>], vector<16xf32>,
          %mul3A_1606 = arith.constant 5.000000e-01 : f32
          %mul3A_1607 = vector.broadcast %mul3A_1606 : f32 to vector<16xf32>
          %mul3A_1608 = arith.mulf %mul3A_1607, %add3A_1590 : vector<16xf32>
          %mul3A_1609 = arith.mulf %mul3A_1608, %gather3A_1605 : vector<16xf32>
          %mul3A_1610 = arith.mulf %mul3A_1609, %gather3A_1605 : vector<16xf32>
          %sub3A_1611 = arith.constant 1.500000e+00 : f32
          %sub3A_1612 = vector.broadcast %sub3A_1611 : f32 to vector<16xf32>
          %sub3A_1613 = arith.subf %sub3A_1612, %mul3A_1610 : vector<16xf32>
          %mul3A_1614 = arith.mulf %gather3A_1605, %sub3A_1613 : vector<16xf32>
          %mul3A_1615 = arith.mulf %add3A_1590, %mul3A_1614 : vector<16xf32>
          %add3A_1616 = arith.constant -9.320000e+02 : f32
          %add3A_1617 = vector.broadcast %add3A_1616 : f32 to vector<16xf32>
          %add3A_1618 = arith.addf %mul3A_1615, %add3A_1617 : vector<16xf32>
          %jit3A_1619 = arith.constant 0.000000e+00 : f32
          %broadcast_in_dim3A_1620 = vector.broadcast %jit3A_1619 : f32 to vector<16xf32>
          %select_n3A_1621 = arith.select %and3A_1597, %add3A_1618, %broadcast_in_dim3A_1620 : vector<16xi1>, vector<16xf32>
          %convert_element_type3A_1622 = arith.fptosi %select_n3A_1621 : vector<16xf32> to vector<16xi32>
          %convert_element_type3A_1623 = arith.sitofp %convert_element_type3A_1622 : vector<16xi32> to vector<16xf32>
          %sub3A_1624 = arith.subf %select_n3A_1621, %convert_element_type3A_1623 : vector<16xf32>
          %gather3A_1625 = tpu.vector_load_idx %arg8[%broadcast_in_dim3A_1584, %convert_element_type3A_1622] : memref<32x2168xf32, #tpu.memory_space<vmem>>[vector<16xi32>, vector<16xi32>], vector<16xf32>,
          %add3A_1626 = arith.constant 1 : i32
          %add3A_1627 = vector.broadcast %add3A_1626 : i32 to vector<16xi32>
          %add3A_1628 = arith.addi %convert_element_type3A_1622, %add3A_1627 : vector<16xi32>
          %gather3A_1629 = tpu.vector_load_idx %arg8[%broadcast_in_dim3A_1584, %add3A_1628] : memref<32x2168xf32, #tpu.memory_space<vmem>>[vector<16xi32>, vector<16xi32>], vector<16xf32>,
          %sub3A_1630 = arith.subf %gather3A_1629, %gather3A_1625 : vector<16xf32>
          %mul3A_1631 = arith.mulf %sub3A_1624, %sub3A_1630 : vector<16xf32>
          %add3A_1632 = arith.addf %gather3A_1625, %mul3A_1631 : vector<16xf32>
          %add3A_1633 = arith.addf %add3A_1582, %add3A_1632 : vector<16xf32>
          %broadcast_in_dim3A_1634 = arith.constant 30 : i32
          %broadcast_in_dim3A_1635 = vector.broadcast %broadcast_in_dim3A_1634 : i32 to vector<16xi32>
          %gather3A_1636 = tpu.vector_load_idx %arg10[%broadcast_in_dim3A_1635, %broadcast_in_dim3A_55] : memref<32x512xf32, #tpu.memory_space<vmem>>[vector<16xi32>, vector<16xi32>], vector<16xf32>,
          %get3A_1637 = arith.constant 30 : i32
          %get3A_1638 = arith.index_cast %get3A_1637 : i32 to index
          %get3A_1639 = arith.index_cast %mul3A_108 : i32 to index
          %get3A_1640 = tpu.vector_load %arg9[%get3A_1638, %get3A_1639] {strides = array<i32>} : memref<32x512xf32, #tpu.memory_space<vmem>>, vector<16xf32>,
          %add3A_1641 = arith.addf %get3A_1640, %gather3A_1636 : vector<16xf32>
          %ge3A_1642 = arith.constant 0x499C6C80 : f32
          %ge3A_1643 = vector.broadcast %ge3A_1642 : f32 to vector<16xf32>
          %ge3A_1644 = arith.cmpf oge, %add3A_1641, %ge3A_1643 : vector<16xf32>
          %le3A_1645 = arith.constant 0x4B1272A4 : f32
          %le3A_1646 = vector.broadcast %le3A_1645 : f32 to vector<16xf32>
          %le3A_1647 = arith.cmpf ole, %add3A_1641, %le3A_1646 : vector<16xf32>
          %and3A_1648 = arith.andi %ge3A_1644, %le3A_1647 : vector<16xi1>
          %bitcast3A_1649 = vector.bitcast %add3A_1641 : vector<16xf32> to vector<16xi32>
          %shift_right_logical3A_1650 = arith.constant 14 : i32
          %shift_right_logical3A_1651 = vector.broadcast %shift_right_logical3A_1650 : i32 to vector<16xi32>
          %shift_right_logical3A_1652 = arith.shrui %bitcast3A_1649, %shift_right_logical3A_1651 : vector<16xi32>
          %sub3A_1653 = arith.constant 71680 : i32
          %sub3A_1654 = vector.broadcast %sub3A_1653 : i32 to vector<16xi32>
          %sub3A_1655 = arith.subi %shift_right_logical3A_1652, %sub3A_1654 : vector<16xi32>
          %gather3A_1656 = tpu.vector_load_idx %arg12[%sub3A_1655] : memref<6144xf32, #tpu.memory_space<vmem>>[vector<16xi32>], vector<16xf32>,
          %mul3A_1657 = arith.constant 5.000000e-01 : f32
          %mul3A_1658 = vector.broadcast %mul3A_1657 : f32 to vector<16xf32>
          %mul3A_1659 = arith.mulf %mul3A_1658, %add3A_1641 : vector<16xf32>
          %mul3A_1660 = arith.mulf %mul3A_1659, %gather3A_1656 : vector<16xf32>
          %mul3A_1661 = arith.mulf %mul3A_1660, %gather3A_1656 : vector<16xf32>
          %sub3A_1662 = arith.constant 1.500000e+00 : f32
          %sub3A_1663 = vector.broadcast %sub3A_1662 : f32 to vector<16xf32>
          %sub3A_1664 = arith.subf %sub3A_1663, %mul3A_1661 : vector<16xf32>
          %mul3A_1665 = arith.mulf %gather3A_1656, %sub3A_1664 : vector<16xf32>
          %mul3A_1666 = arith.mulf %add3A_1641, %mul3A_1665 : vector<16xf32>
          %add3A_1667 = arith.constant -9.320000e+02 : f32
          %add3A_1668 = vector.broadcast %add3A_1667 : f32 to vector<16xf32>
          %add3A_1669 = arith.addf %mul3A_1666, %add3A_1668 : vector<16xf32>
          %jit3A_1670 = arith.constant 0.000000e+00 : f32
          %broadcast_in_dim3A_1671 = vector.broadcast %jit3A_1670 : f32 to vector<16xf32>
          %select_n3A_1672 = arith.select %and3A_1648, %add3A_1669, %broadcast_in_dim3A_1671 : vector<16xi1>, vector<16xf32>
          %convert_element_type3A_1673 = arith.fptosi %select_n3A_1672 : vector<16xf32> to vector<16xi32>
          %convert_element_type3A_1674 = arith.sitofp %convert_element_type3A_1673 : vector<16xi32> to vector<16xf32>
          %sub3A_1675 = arith.subf %select_n3A_1672, %convert_element_type3A_1674 : vector<16xf32>
          %gather3A_1676 = tpu.vector_load_idx %arg8[%broadcast_in_dim3A_1635, %convert_element_type3A_1673] : memref<32x2168xf32, #tpu.memory_space<vmem>>[vector<16xi32>, vector<16xi32>], vector<16xf32>,
          %add3A_1677 = arith.constant 1 : i32
          %add3A_1678 = vector.broadcast %add3A_1677 : i32 to vector<16xi32>
          %add3A_1679 = arith.addi %convert_element_type3A_1673, %add3A_1678 : vector<16xi32>
          %gather3A_1680 = tpu.vector_load_idx %arg8[%broadcast_in_dim3A_1635, %add3A_1679] : memref<32x2168xf32, #tpu.memory_space<vmem>>[vector<16xi32>, vector<16xi32>], vector<16xf32>,
          %sub3A_1681 = arith.subf %gather3A_1680, %gather3A_1676 : vector<16xf32>
          %mul3A_1682 = arith.mulf %sub3A_1675, %sub3A_1681 : vector<16xf32>
          %add3A_1683 = arith.addf %gather3A_1676, %mul3A_1682 : vector<16xf32>
          %add3A_1684 = arith.addf %add3A_1633, %add3A_1683 : vector<16xf32>
          %broadcast_in_dim3A_1685 = arith.constant 31 : i32
          %broadcast_in_dim3A_1686 = vector.broadcast %broadcast_in_dim3A_1685 : i32 to vector<16xi32>
          %gather3A_1687 = tpu.vector_load_idx %arg10[%broadcast_in_dim3A_1686, %broadcast_in_dim3A_55] : memref<32x512xf32, #tpu.memory_space<vmem>>[vector<16xi32>, vector<16xi32>], vector<16xf32>,
          %get3A_1688 = arith.constant 31 : i32
          %get3A_1689 = arith.index_cast %get3A_1688 : i32 to index
          %get3A_1690 = arith.index_cast %mul3A_108 : i32 to index
          %get3A_1691 = tpu.vector_load %arg9[%get3A_1689, %get3A_1690] {strides = array<i32>} : memref<32x512xf32, #tpu.memory_space<vmem>>, vector<16xf32>,
          %add3A_1692 = arith.addf %get3A_1691, %gather3A_1687 : vector<16xf32>
          %ge3A_1693 = arith.constant 0x499C6C80 : f32
          %ge3A_1694 = vector.broadcast %ge3A_1693 : f32 to vector<16xf32>
          %ge3A_1695 = arith.cmpf oge, %add3A_1692, %ge3A_1694 : vector<16xf32>
          %le3A_1696 = arith.constant 0x4B1272A4 : f32
          %le3A_1697 = vector.broadcast %le3A_1696 : f32 to vector<16xf32>
          %le3A_1698 = arith.cmpf ole, %add3A_1692, %le3A_1697 : vector<16xf32>
          %and3A_1699 = arith.andi %ge3A_1695, %le3A_1698 : vector<16xi1>
          %bitcast3A_1700 = vector.bitcast %add3A_1692 : vector<16xf32> to vector<16xi32>
          %shift_right_logical3A_1701 = arith.constant 14 : i32
          %shift_right_logical3A_1702 = vector.broadcast %shift_right_logical3A_1701 : i32 to vector<16xi32>
          %shift_right_logical3A_1703 = arith.shrui %bitcast3A_1700, %shift_right_logical3A_1702 : vector<16xi32>
          %sub3A_1704 = arith.constant 71680 : i32
          %sub3A_1705 = vector.broadcast %sub3A_1704 : i32 to vector<16xi32>
          %sub3A_1706 = arith.subi %shift_right_logical3A_1703, %sub3A_1705 : vector<16xi32>
          %gather3A_1707 = tpu.vector_load_idx %arg12[%sub3A_1706] : memref<6144xf32, #tpu.memory_space<vmem>>[vector<16xi32>], vector<16xf32>,
          %mul3A_1708 = arith.constant 5.000000e-01 : f32
          %mul3A_1709 = vector.broadcast %mul3A_1708 : f32 to vector<16xf32>
          %mul3A_1710 = arith.mulf %mul3A_1709, %add3A_1692 : vector<16xf32>
          %mul3A_1711 = arith.mulf %mul3A_1710, %gather3A_1707 : vector<16xf32>
          %mul3A_1712 = arith.mulf %mul3A_1711, %gather3A_1707 : vector<16xf32>
          %sub3A_1713 = arith.constant 1.500000e+00 : f32
          %sub3A_1714 = vector.broadcast %sub3A_1713 : f32 to vector<16xf32>
          %sub3A_1715 = arith.subf %sub3A_1714, %mul3A_1712 : vector<16xf32>
          %mul3A_1716 = arith.mulf %gather3A_1707, %sub3A_1715 : vector<16xf32>
          %mul3A_1717 = arith.mulf %add3A_1692, %mul3A_1716 : vector<16xf32>
          %add3A_1718 = arith.constant -9.320000e+02 : f32
          %add3A_1719 = vector.broadcast %add3A_1718 : f32 to vector<16xf32>
          %add3A_1720 = arith.addf %mul3A_1717, %add3A_1719 : vector<16xf32>
          %jit3A_1721 = arith.constant 0.000000e+00 : f32
          %broadcast_in_dim3A_1722 = vector.broadcast %jit3A_1721 : f32 to vector<16xf32>
          %select_n3A_1723 = arith.select %and3A_1699, %add3A_1720, %broadcast_in_dim3A_1722 : vector<16xi1>, vector<16xf32>
          %convert_element_type3A_1724 = arith.fptosi %select_n3A_1723 : vector<16xf32> to vector<16xi32>
          %convert_element_type3A_1725 = arith.sitofp %convert_element_type3A_1724 : vector<16xi32> to vector<16xf32>
          %sub3A_1726 = arith.subf %select_n3A_1723, %convert_element_type3A_1725 : vector<16xf32>
          %gather3A_1727 = tpu.vector_load_idx %arg8[%broadcast_in_dim3A_1686, %convert_element_type3A_1724] : memref<32x2168xf32, #tpu.memory_space<vmem>>[vector<16xi32>, vector<16xi32>], vector<16xf32>,
          %add3A_1728 = arith.constant 1 : i32
          %add3A_1729 = vector.broadcast %add3A_1728 : i32 to vector<16xi32>
          %add3A_1730 = arith.addi %convert_element_type3A_1724, %add3A_1729 : vector<16xi32>
          %gather3A_1731 = tpu.vector_load_idx %arg8[%broadcast_in_dim3A_1686, %add3A_1730] : memref<32x2168xf32, #tpu.memory_space<vmem>>[vector<16xi32>, vector<16xi32>], vector<16xf32>,
          %sub3A_1732 = arith.subf %gather3A_1731, %gather3A_1727 : vector<16xf32>
          %mul3A_1733 = arith.mulf %sub3A_1726, %sub3A_1732 : vector<16xf32>
          %add3A_1734 = arith.addf %gather3A_1727, %mul3A_1733 : vector<16xf32>
          %add3A_1735 = arith.addf %add3A_1684, %add3A_1734 : vector<16xf32>
          %add3A_1736 = arith.addi %mul3A_22, %scan3A_49 : i32
          %swap3A = arith.index_cast %add3A_1736 : i32 to index
          %swap3A_1737 = arith.index_cast %mul3A_108 : i32 to index
          %swap3A_1738 = tpu.vector_load %arg11[%swap3A, %swap3A_1737] {strides = array<i32>} : memref<32x512xf32, #tpu.memory_space<vmem>>, vector<16xf32>,
          tpu.vector_store %arg11[%swap3A, %swap3A_1737], %add3A_1735 {strides = array<i32>} : memref<32x512xf32, #tpu.memory_space<vmem>>, vector<16xf32>,
        }
      }
      %scan3A_40 = arith.constant 16 : i32
      %mul3A_41 = arith.constant 32 : i32
      %mul3A_42 = arith.muli %scan3A_17, %mul3A_41 : i32
      %scan3A_43 = arith.constant 0 : i32
      %scan3A_44 = arith.constant 0 : i32
      %scan3A_45 = arith.constant 32 : i32
      %scan3A_46 = arith.addi %scan3A_44, %scan3A_45 : i32
      %scan3A_47 = arith.constant 1 : i32
      scf.for %scan3A_49 = %scan3A_44 to %scan3A_46 step %scan3A_47  : i32 {
        %add3A_50 = arith.constant 8 : i32
        %add3A_51 = arith.addi %mul3A_22, %add3A_50 : i32
        %add3A_52 = arith.addi %mul3A_42, %scan3A_49 : i32
        %dma_start3A = arith.constant 0 : i32
        %dma_start3A_53 = arith.constant 0 : i32
        %dma_start3A_54 = tpu.memref_slice %arg11[%mul3A_22, %dma_start3A_53] : memref<32x512xf32, #tpu.memory_space<vmem>> -> memref<8x512xf32, #tpu.memory_space<vmem>>
        %dma_start3A_55 = arith.constant 0 : i32
        %dma_start3A_56 = tpu.memref_slice %arg7[%dma_start3A, %add3A_52, %mul3A_2, %dma_start3A_55] : memref<1x512x512x512xf32, #tpu.memory_space<hbm>> -> memref<1x1x8x512xf32, #tpu.memory_space<hbm>>
        %dma_start3A_57 = tpu.memref_squeeze %dma_start3A_56 : memref<1x1x8x512xf32, #tpu.memory_space<hbm>> -> memref<8x512xf32, #tpu.memory_space<hbm>>
        %dma_start3A_58 = arith.constant 0 : i32
        %dma_start3A_59 = tpu.memref_slice %arg7[%dma_start3A, %add3A_52, %mul3A_2, %dma_start3A_58] : memref<1x512x512x512xf32, #tpu.memory_space<hbm>> -> memref<1x1x8x512xf32, #tpu.memory_space<hbm>>
        %dma_start3A_60 = tpu.memref_squeeze %dma_start3A_59 : memref<1x1x8x512xf32, #tpu.memory_space<hbm>> -> memref<8x512xf32, #tpu.memory_space<hbm>>
        %dma_start3A_61 = arith.constant 0 : i32
        %dma_start3A_62 = tpu.memref_slice %arg11[%mul3A_22, %dma_start3A_61] : memref<32x512xf32, #tpu.memory_space<vmem>> -> memref<8x512xf32, #tpu.memory_space<vmem>>
        tpu.enqueue_dma source(%dma_start3A_62 : memref<8x512xf32, #tpu.memory_space<vmem>>) target(%dma_start3A_60 : memref<8x512xf32, #tpu.memory_space<hbm>>) target_semaphore(%arg15 : memref<!tpu.dma_semaphore, #tpu.memory_space<semaphore_mem>>)
        %add3A_63 = arith.addi %mul3A_42, %scan3A_49 : i32
        %dma_start3A_64 = arith.constant 0 : i32
        %dma_start3A_65 = arith.constant 0 : i32
        %dma_start3A_66 = tpu.memref_slice %arg11[%add3A_51, %dma_start3A_65] : memref<32x512xf32, #tpu.memory_space<vmem>> -> memref<8x512xf32, #tpu.memory_space<vmem>>
        %dma_start3A_67 = arith.constant 0 : i32
        %dma_start3A_68 = tpu.memref_slice %arg7[%dma_start3A_64, %add3A_63, %add3A_4, %dma_start3A_67] : memref<1x512x512x512xf32, #tpu.memory_space<hbm>> -> memref<1x1x8x512xf32, #tpu.memory_space<hbm>>
        %dma_start3A_69 = tpu.memref_squeeze %dma_start3A_68 : memref<1x1x8x512xf32, #tpu.memory_space<hbm>> -> memref<8x512xf32, #tpu.memory_space<hbm>>
        %dma_start3A_70 = arith.constant 0 : i32
        %dma_start3A_71 = tpu.memref_slice %arg7[%dma_start3A_64, %add3A_63, %add3A_4, %dma_start3A_70] : memref<1x512x512x512xf32, #tpu.memory_space<hbm>> -> memref<1x1x8x512xf32, #tpu.memory_space<hbm>>
        %dma_start3A_72 = tpu.memref_squeeze %dma_start3A_71 : memref<1x1x8x512xf32, #tpu.memory_space<hbm>> -> memref<8x512xf32, #tpu.memory_space<hbm>>
        %dma_start3A_73 = arith.constant 0 : i32
        %dma_start3A_74 = tpu.memref_slice %arg11[%add3A_51, %dma_start3A_73] : memref<32x512xf32, #tpu.memory_space<vmem>> -> memref<8x512xf32, #tpu.memory_space<vmem>>
        tpu.enqueue_dma source(%dma_start3A_74 : memref<8x512xf32, #tpu.memory_space<vmem>>) target(%dma_start3A_72 : memref<8x512xf32, #tpu.memory_space<hbm>>) target_semaphore(%arg15 : memref<!tpu.dma_semaphore, #tpu.memory_space<semaphore_mem>>)
      }
      %scan3A_48 = arith.constant 32 : i32
    }
    %scan3A_10 = arith.constant 16 : i32
    %scan3A_11 = arith.constant 0 : i32
    %scan3A_12 = arith.constant 14 : i32
    %scan3A_13 = arith.constant 2 : i32
    %scan3A_14 = arith.addi %scan3A_12, %scan3A_13 : i32
    %scan3A_15 = arith.constant 1 : i32
    scf.for %scan3A_17 = %scan3A_12 to %scan3A_14 step %scan3A_15  : i32 {
      %rem3A = arith.constant 2 : i32
      %rem3A_18 = arith.remsi %scan3A_17, %rem3A : i32
      %mul3A_19 = arith.constant 16 : i32
      %mul3A_20 = arith.muli %rem3A_18, %mul3A_19 : i32
      %mul3A_21 = arith.constant 32 : i32
      %mul3A_22 = arith.muli %scan3A_17, %mul3A_21 : i32
      %scan3A_23 = arith.constant 0 : i32
      %scan3A_24 = arith.constant 0 : i32
      %scan3A_25 = arith.constant 32 : i32
      %scan3A_26 = arith.addi %scan3A_24, %scan3A_25 : i32
      %scan3A_27 = arith.constant 1 : i32
      scf.for %scan3A_29 = %scan3A_24 to %scan3A_26 step %scan3A_27  : i32 {
        %add3A_30 = arith.constant 8 : i32
        %add3A_31 = arith.addi %mul3A_20, %add3A_30 : i32
        %add3A_32 = arith.addi %mul3A_22, %scan3A_29 : i32
        %dma_wait3A = arith.constant 0 : i32
        %dma_wait3A_33 = arith.constant 0 : i32
        %dma_wait3A_34 = tpu.memref_slice %arg11[%mul3A_20, %dma_wait3A_33] : memref<32x512xf32, #tpu.memory_space<vmem>> -> memref<8x512xf32, #tpu.memory_space<vmem>>
        %dma_wait3A_35 = arith.constant 0 : i32
        %dma_wait3A_36 = tpu.memref_slice %arg7[%dma_wait3A, %add3A_32, %mul3A_2, %dma_wait3A_35] : memref<1x512x512x512xf32, #tpu.memory_space<hbm>> -> memref<1x1x8x512xf32, #tpu.memory_space<hbm>>
        %dma_wait3A_37 = tpu.memref_squeeze %dma_wait3A_36 : memref<1x1x8x512xf32, #tpu.memory_space<hbm>> -> memref<8x512xf32, #tpu.memory_space<hbm>>
        %dma_wait3A_38 = arith.constant 0 : i32
        %dma_wait3A_39 = tpu.memref_slice %arg7[%dma_wait3A, %add3A_32, %mul3A_2, %dma_wait3A_38] : memref<1x512x512x512xf32, #tpu.memory_space<hbm>> -> memref<1x1x8x512xf32, #tpu.memory_space<hbm>>
        %dma_wait3A_40 = tpu.memref_squeeze %dma_wait3A_39 : memref<1x1x8x512xf32, #tpu.memory_space<hbm>> -> memref<8x512xf32, #tpu.memory_space<hbm>>
        %dma_wait3A_41 = arith.constant 0 : i32
        %dma_wait3A_42 = tpu.memref_slice %arg11[%mul3A_20, %dma_wait3A_41] : memref<32x512xf32, #tpu.memory_space<vmem>> -> memref<8x512xf32, #tpu.memory_space<vmem>>
        tpu.wait_dma2 semaphore(%arg15 : memref<!tpu.dma_semaphore, #tpu.memory_space<semaphore_mem>>) src(%dma_wait3A_42 : memref<8x512xf32, #tpu.memory_space<vmem>>) dst(%dma_wait3A_40 : memref<8x512xf32, #tpu.memory_space<hbm>>)
        %add3A_43 = arith.addi %mul3A_22, %scan3A_29 : i32
        %dma_wait3A_44 = arith.constant 0 : i32
        %dma_wait3A_45 = arith.constant 0 : i32
        %dma_wait3A_46 = tpu.memref_slice %arg11[%add3A_31, %dma_wait3A_45] : memref<32x512xf32, #tpu.memory_space<vmem>> -> memref<8x512xf32, #tpu.memory_space<vmem>>
        %dma_wait3A_47 = arith.constant 0 : i32
        %dma_wait3A_48 = tpu.memref_slice %arg7[%dma_wait3A_44, %add3A_43, %add3A_4, %dma_wait3A_47] : memref<1x512x512x512xf32, #tpu.memory_space<hbm>> -> memref<1x1x8x512xf32, #tpu.memory_space<hbm>>
        %dma_wait3A_49 = tpu.memref_squeeze %dma_wait3A_48 : memref<1x1x8x512xf32, #tpu.memory_space<hbm>> -> memref<8x512xf32, #tpu.memory_space<hbm>>
        %dma_wait3A_50 = arith.constant 0 : i32
        %dma_wait3A_51 = tpu.memref_slice %arg7[%dma_wait3A_44, %add3A_43, %add3A_4, %dma_wait3A_50] : memref<1x512x512x512xf32, #tpu.memory_space<hbm>> -> memref<1x1x8x512xf32, #tpu.memory_space<hbm>>
        %dma_wait3A_52 = tpu.memref_squeeze %dma_wait3A_51 : memref<1x1x8x512xf32, #tpu.memory_space<hbm>> -> memref<8x512xf32, #tpu.memory_space<hbm>>
        %dma_wait3A_53 = arith.constant 0 : i32
        %dma_wait3A_54 = tpu.memref_slice %arg11[%add3A_31, %dma_wait3A_53] : memref<32x512xf32, #tpu.memory_space<vmem>> -> memref<8x512xf32, #tpu.memory_space<vmem>>
        tpu.wait_dma2 semaphore(%arg15 : memref<!tpu.dma_semaphore, #tpu.memory_space<semaphore_mem>>) src(%dma_wait3A_54 : memref<8x512xf32, #tpu.memory_space<vmem>>) dst(%dma_wait3A_52 : memref<8x512xf32, #tpu.memory_space<hbm>>)
      }
      %scan3A_28 = arith.constant 32 : i32
    }
    %scan3A_16 = arith.constant 2 : i32
    return
  }
}

</mosaic_0001>

<sc_bundles>
// kernel: kernel.3.cloned.1.call-start
scs
__scs_entry_jumppad:
0x0: {  	(pc) =	sbr.rel $0x88, $3  }
0x1: {  	(tag) =	ssettag $0x0;
	lr =	simm.s32 $0x1  }
0x2: {  	[smem:$0x3FA0] =	sst lr;
	_ =	strace $0xD0000000  }
0x3: {  	_ = 	snop  }
0x4: {  	_ = 	snop  }
0x5: {  	_ = 	snop  }
0x6: {  	_ = 	snop  }
0x7: {  	_ = 	snop  }
__scs_overlays_trampoline_lowered:
0x8: {  	[smem:$0x3FAF] =	sst s0  }
0x9: {  	[smem:$0x3FB0] =	sst s1  }
0xa: {  	[smem:$0x3FB1] =	sst s2  }
0xb: {  	[smem:$0x3FB2] =	sst s3  }
0xc: {  	[smem:$0x3FB3] =	sst s4  }
0xd: {  	[smem:$0x3FB4] =	sst s5  }
0xe: {  	[smem:$0x3FB5] =	sst s6  }
0xf: {  	[smem:$0x3FB6] =	sst s7  }
0x10: {  	[smem:$0x3FB7] =	sst s8  }
0x11: {  	[smem:$0x3FB8] =	sst s9;
	s0 =	simm.s32 @!p0 $0x0  }
0x12: {  	s1 =	sld [smem:$0x3F9E];
	s0 =	simm.s32 @p0 $0x1  }
0x13: {  	[smem:$0x3FB9] =	sst s0;
	s0 =	simm.s32 @!p1 $0x0  }
0x14: {  	s2 =	sld [smem:$0x3F9D];
	s0 =	simm.s32 @p1 $0x1  }
0x15: {  	[smem:$0x3FBA] =	sst s0;
	s0 =	simm.s32 @!p2 $0x0  }
0x16: {  	s3 =	sld [smem:$0x3FDB];
	s0 =	simm.s32 @p2 $0x1  }
0x17: {  	s4 =	simm.s32 $0x1BF5;
	[smem:$0x3FBC] =	sst s0  }
0x18: {  	s0 =	sld [smem:$0x3F9F];
	_ =	swait.ge [sflag:s4], $0x0  }
0x19: {  	s7 =	sld [smem:$0x3FA0]  }
0x1a: {  	s8 =	sadd.s32 $0xFFFFE003, lr  }
0x1b: {  	s9 =	sadd.s32 $0xFFFFFEF7, lr;
	s5 =	simm.s32 $0xFFFFFFFF;
	p2 =	slt.u32 s8, $0xFFFFF086  }
0x1c: {  	p1 =	slt.u32 s9, $0xF7A;
	s5 =	simm.s32 @!p2 $0x0  }
0x1d: {  	s5 =	simm.s32 @p1 $0x1;
	p0 =	seq.s32 s7, s2  }
0x1e: {  	s7 =	smul.u32 @!p0 $0xF7A, s2;
	p2 =	seq.s32 @!p0 s5, $0x0  }
0x1f: {  	s9 =	smul.u32 $0xF7A, s1;
	s8 =	simm.s32 @!p0 $0x1BF5;
	p2 =	por !p2, p0  }
0x20: {  	[sflag:s8] =	ssyncset.s32 @!p0 $0xFFFFF086;
	s6 =	sadd.s32 @!p0 s3, s7;
	s7 =	simm.s32 @!p0 $0x108  }
0x21: {  	s3 =	sadd.s32 s3, s9;
	s6 =	sadd.s32 @!p0 $0x88, s6;
	s7 =	simm.s32 @p2 $0x1082  }
0x22: {  	[simem:s7], [sflag:s8] =	dma.local @!p0 [hbm:s6], $0xF7A  }
0x23: {  	s9 =	sor.u32 $0xD0000000, s2;
	s6 =	simm.s32 $0x108;
	_ =	swait.ge @!p0 [sflag:s8], $0x0  }
0x24: {  	s3 =	sadd.s32 $0x88, s3;
	s6 =	simm.s32 @!p1 $0x1082;
	[sflag:s4] =	ssyncset.s32 $0xFFFFF086  }
0x25: {  	[simem:s6], [sflag:s4] =	dma.local [hbm:s3], $0xF7A  }
0x26: {  	[smem:$0x3FA0] =	sst s1;
	(tag) =	ssettag s2;
	_ =	strace s9  }
0x27: {  	s1 =	sld [smem:$0x3FB0]  }
0x28: {  	s2 =	sld [smem:$0x3FB1]  }
0x29: {  	s4 =	sld [smem:$0x3FB3]  }
0x2a: {  	p0 =	seq.s32 s5, $0x0;
	s5 =	sld [smem:$0x3FB4]  }
0x2b: {  	s6 =	sld [smem:$0x3FB5]  }
0x2c: {  	s7 =	sld [smem:$0x3FB6]  }
0x2d: {  	s3 =	simm.s32 $0x108;
	s8 =	sld [smem:$0x3FB7]  }
0x2e: {  	s3 =	simm.s32 @!p0 $0x1082;
	s9 =	sld [smem:$0x3FB8]  }
0x2f: {  	lr =	sadd.s32 s0, s3;
	s0 =	sld [smem:$0x3FAF]  }
0x30: {  	s3 =	sld [smem:$0x3FB2]  }
0x31: {  	[smem:$0x3FBB] =	sst s10  }
0x32: {  	s10 =	sld [smem:$0x3FB9];
	_ =	sdelay $0x3  }
0x33: {  	p0 =	seq.s32 s10, $0x1;
	s10 =	sld [smem:$0x3FBB];
	_ =	sdelay $0x3  }
0x34: {  	[smem:$0x3FBB] =	sst s10  }
0x35: {  	s10 =	sld [smem:$0x3FBA];
	_ =	sdelay $0x3  }
0x36: {  	p1 =	seq.s32 s10, $0x1;
	s10 =	sld [smem:$0x3FBB];
	_ =	sdelay $0x3  }
0x37: {  	[smem:$0x3FBB] =	sst s10  }
0x38: {  	s10 =	sld [smem:$0x3FBC]  }
0x39: {  	_ = 	snop;
	(pc) =	sbr.ind lr, $3  }
0x3a: {  	_ = 	snop  }
0x3b: {  	_ = 	snop  }
0x3c: {  	p2 =	seq.s32 s10, $0x1;
	s10 =	sld [smem:$0x3FBB]  }
0x3d: {  	_ =	shalt  }
0x3e: {  	_ =	shalt  }
0x3f: {  	_ =	shalt  }
0x40: {  	_ =	shalt  }
0x41: {  	_ =	shalt  }
0x42: {  	_ =	shalt  }
0x43: {  	_ =	shalt  }
0x44: {  	_ =	shalt  }
0x45: {  	_ =	shalt  }
0x46: {  	_ =	shalt  }
0x47: {  	_ =	shalt  }
0x48: {  	_ =	shalt  }
0x49: {  	_ =	shalt  }
0x4a: {  	_ =	shalt  }
0x4b: {  	_ =	shalt  }
0x4c: {  	_ =	shalt  }
0x4d: {  	_ =	shalt  }
0x4e: {  	_ =	shalt  }
0x4f: {  	_ =	shalt  }
0x50: {  	_ =	shalt  }
0x51: {  	_ =	shalt  }
0x52: {  	_ =	shalt  }
0x53: {  	_ =	shalt  }
0x54: {  	_ =	shalt  }
0x55: {  	_ =	shalt  }
0x56: {  	_ =	shalt  }
0x57: {  	_ =	shalt  }
0x58: {  	_ =	shalt  }
0x59: {  	_ =	shalt  }
0x5a: {  	_ =	shalt  }
0x5b: {  	_ =	shalt  }
0x5c: {  	_ =	shalt  }
0x5d: {  	_ =	shalt  }
0x5e: {  	_ =	shalt  }
0x5f: {  	_ =	shalt  }
0x60: {  	_ =	shalt  }
0x61: {  	_ =	shalt  }
0x62: {  	_ =	shalt  }
0x63: {  	_ =	shalt  }
0x64: {  	_ =	shalt  }
0x65: {  	_ =	shalt  }
0x66: {  	_ =	shalt  }
0x67: {  	_ =	shalt  }
0x68: {  	_ =	shalt  }
0x69: {  	_ =	shalt  }
0x6a: {  	_ =	shalt  }
0x6b: {  	_ =	shalt  }
0x6c: {  	_ =	shalt  }
0x6d: {  	_ =	shalt  }
0x6e: {  	_ =	shalt  }
0x6f: {  	_ =	shalt  }
0x70: {  	_ =	shalt  }
0x71: {  	_ =	shalt  }
0x72: {  	_ =	shalt  }
0x73: {  	_ =	shalt  }
0x74: {  	_ =	shalt  }
0x75: {  	_ =	shalt  }
0x76: {  	_ =	shalt  }
0x77: {  	_ =	shalt  }
0x78: {  	_ =	shalt  }
0x79: {  	_ =	shalt  }
0x7a: {  	_ =	shalt  }
0x7b: {  	_ =	shalt  }
0x7c: {  	_ =	shalt  }
0x7d: {  	_ =	shalt  }
0x7e: {  	_ =	shalt  }
0x7f: {  	_ =	shalt  }
0x80: {  	_ =	shalt  }
0x81: {  	_ =	shalt  }
0x82: {  	_ =	shalt  }
0x83: {  	_ =	shalt  }
0x84: {  	_ =	shalt  }
0x85: {  	_ =	shalt  }
0x86: {  	_ =	shalt  }
0x87: {  	_ =	shalt  }
.Lfunc_end0:
.L_simem_size_0:
called_computation_lowered:
.L_overlay_start_0:
0x88: {  	s2 =	sld [smem:$0x3FD9]  }
0x89: {  	s3 =	sld [smem:$0x3FFE];
	_ =	sdelay $0x1  }
0x8a: {  	s1 =	srdreg.scid  }
0x8b: {  	s0 =	sand.u32 $0x1, s1  }
0x8c: {  	s17 =	sshll.u32 s0, $0xA;
	s2 =	sadd.s32 s3, s2  }
0x8d: {  	s2 =	sadd.s32 s2, s17  }
0x8e: {  	[smem:$0x3FC7] =	sst s2  }
0x8f: {  	_ = 	snop  }
0x90: {  	s2 =	sld [smem:$0x3FD0];
	(tm) =	ssettm $0x1  }
0x91: {  	s18 =	sld [smem:$0x3FFB];
	_ =	sdelay $0x3  }
0x92: {  	_ =	strace s18  }
0x93: {  	s3 =	sld [smem:$0x3FFC];
	_ =	sdelay $0x3  }
0x94: {  	_ =	strace s3  }
0x95: {  	s3 =	sld [smem:$0x3FFD];
	_ =	sdelay $0x3  }
0x96: {  	_ =	strace s3  }
0x97: {  	_ =	strace $0x8FFFFFFF  }
0x98: {  	s19 =	sld [smem:$0x3FDB];
	_ =	sdelay $0x1  }
0x99: {  	s4 =	simm.s32 $_scs_section_size  }
0x9a: {  	s5 =	simm.s32 $_size__tile_overlayer_lowered;
	s6 =	simm.s32 $_tile_overlayer_lowered  }
0x9b: {  	s22 =	simm.s32 $0x1BFF;
	s21 =	sshll.u32 s6, $0x1;
	s3 =	sadd.s32 s4, s19  }
0x9c: {  	s7 =	simm.s32 $0x0;
	s20 =	sshll.u32 s5, $0x1;
	s5 =	sadd.s32 s21, s3  }
0x9d: {  	[timem:s7], [sflag:s22] =	dma.local [hbm:s5], s20  }
0x9e: {  	_ =	swait.ge [sflag:s22], s20  }
0x9f: {  	s4 =	ssub.s32 $0x0, s20;
	[sflag:s22] =	ssyncset.done $0x0  }
0xa0: {  	[sflag:s22] =	ssyncadd.s32 s4;
	_ =	sdelay $0x1  }
0xa1: {  	s23 =	simm.s32 $0x1B8B  }
0xa2: {  	_ =	swait.ge [sflag:s23], $0x1  }
0xa3: {  	[sflag:s23] =	ssyncset.done $0x0  }
0xa4: {  	s25 =	simm.s32 $0x1B8E;
	s24 =	sld [smem:$0x3FFE];
	[sflag:s23] =	ssyncadd.s32 $0xFFFFFFFF  }
0xa5: {  	s26 =	simm.s32 $execute0_lowered;
	[smem:$0x3FD2] =	sst s25  }
0xa6: {  	s5 =	sshll.u32 s26, $0x1;
	_ =	strace $0x80000046;
	[dreg:$0x1] =	wrdreg $0xFFFFFFFF  }
0xa7: {  	s28 =	simm.s32 $_size_execute0_lowered;
	s3 =	sadd.s32 s3, s5;
	[dreg:$0x0] =	wrdreg $0x0  }
0xa8: {  	s5 =	sshll.u32 s28, $0x1;
	[dreg:$0x2] =	wrdreg s3  }
0xa9: {  	[dreg:$0x3] =	wrdreg s5  }
0xaa: {  	[dreg:$0x4] =	wrdreg $0xC0  }
0xab: {  	_ =	task [dreg:s7], $0x5FFFF  }
0xac: {  	[dreg:$0x1] =	wrdreg $0xFFFFFFFF  }
0xad: {  	[dreg:$0x0] =	wrdreg $0x60  }
0xae: {  	[dreg:$0x2] =	wrdreg s24  }
0xaf: {  	[dreg:$0x3] =	wrdreg s2  }
0xb0: {  	[dreg:$0x4] =	wrdreg $0x9  }
0xb1: {  	_ =	task.clear_ibuf [dreg:s7], $0x5FFFF;
	_ =	strace $0x90000046  }
0xb2: {  	s29 =	simm.s32 $0x9;
	_ =	strace $0x80000048  }
0xb3: {  	_ =	swait.ge [sflag:s29], $0x1  }
0xb4: {  	[sflag:s29] =	ssyncadd.s32 $0xFFFFFFFF  }
0xb5: {  	_ =	strace $0x90000048  }
0xb6: {  	_ =	sfence  }
0xb7: {  	s30 =	sld [smem:$0x0];
	_ =	sdelay $0x2  }
0xb8: {  	s31 =	sshll.u32 s1, $0xD;
	s1 =	sshrl.u32 s1, $0x2  }
0xb9: {  	s3 =	sand.u32 $0x4000, s31;
	s1 =	sadd.s32 s1, s30  }
0xba: {  	s0 =	sor.u32 s3, s0;
	s1 =	sshll.u32 s1, $0x11  }
0xbb: {  	s0 =	sor.u32 s1, s0  }
0xbc: {  	s0 =	sadd.s32 $0x8F2B, s0  }
0xbd: {  	[sflag:s0] =	ssyncadd.remote.s32 $0x1  }
0xbe: {  	_ =	sfence.sel $0xFFFF  }
0xbf: {  	[dreg:$0x0] =	wrdreg $0xFFFFFFFF;
	(pc) =	sbr.abs _section_cstart, $3  }
0xc0: {  	[dreg:$0x1] =	wrdreg $0xFFFFFFFF  }
0xc1: {  	_ =	task.clear_ibuf [dreg:s7], $0x2FFFF;
	_ =	strace $0x9FFFFFFF  }
0xc2: {  	(tm) =	ssettm $0x7FFFFFFF  }
0xc3: {  	_ =	shalt  }
tec
execute0_lowered:
.L_overlay_start_1:
0x0: {  	(tag) =	ssettag $0x1  }
0x1: {  	s0 =	rddreg [dreg:$0x0]  }
0x2: {  	s4 =	rddreg [dreg:$0x1];
	s1 =	simm.s32 $0x0;
	s2 =	srdreg.scid  }
0x3: {  	s25 =	stileid.u32;
	s16 =	simm.s32 $0x1D000;
	s17 =	simm.s32 $0x2  }
0x4: {  	s18 =	simm.s32 $0x1;
	s20 =	simm.s32 $0x15000;
	[smem:$0x7FF] =	sst s1  }
0x5: {  	s6 =	sand.u32 $0x1, s2;
	s23 =	sadd.s32 $0xC00, s0;
	s3 =	sadd.s32 $0x2B800, s0  }
0x6: {  	s5 =	sadd.s32 $0x23800, s0;
	s24 =	sadd.s32 $0x23400, s0;
	s7 =	sadd.s32 $0x22C00, s0  }
0x7: {  	s10 =	sshll.u32 s25, $0x3;
	s11 =	sshll.u32 s25, $0xC;
	s2 =	simm.s32 $0x0  }
0x8: {  	_ =	strace $0x80000047;
	[dreg:$0x3] =	wrdreg s23;
	s8 =	ssub.s32 $0x2, s6  }
0x9: {  	s28 =	sshll.u32 s6, $0x7;
	s29 =	sshll.u32 s6, $0xA;
	s6 =	sshll.u32 s6, $0x10  }
0xa: {  	[dreg:$0x4] =	wrdreg s24;
	s9 =	sshrl.u32 s8, $0x1;
	s6 =	sor.u32 s11, s6  }
0xb: {  	s26 =	ssub.s32 s8, s9;
	s8 =	sor.u32 s10, s29;
	s9 =	sor.u32 s10, s28  }
0xc: {  	s13 =	sor.u32 $0x20000, s6;
	s6 =	sshrl.u32 s6, $0x3;
	s0 =	smax.u32 s26, $0x1  }
0xd: {  	s30 =	sshrl.u32 s13, $0x3;
	s31 =	sadd.s32 s6, s4;
	[dreg:$0x5] =	wrdreg s0  }
0xe: {  	s10 =	sor.u32 $0x800, s8;
	s0 =	sadd.s32 s30, s4;
	[dreg:$0x7] =	wrdreg s31  }
0xf: {  	v0 =	vimm.f32 $0.0e+00;
	v1 =	vlaneseq.u32;
	s11 =	sor.u32 $0x1000, s8;
	s12 =	sor.u32 $0x1800, s8;
	[dreg:$0x6] =	wrdreg s0  }
.LBB2_1:
0x10: {  	[dreg:$0x8] =	wrdreg s2  }
0x11: {  	s0 =	rddreg [dreg:$0x4]  }
0x12: {  	[tilespmem:s16], [sflag:$0x2] =	stream.linear.gather [hbm4b:s0+s1], $0x1800, $0x38;
	[tilespmem:$0x1E900] =	vst v63  }
0x13: {  	_ =	swait.ge [sflag:s17], $0x1800  }
0x14: {  	[sflag:s17] =	ssyncset.done $0x0;
	s26 =	rddreg [dreg:$0x7]  }
0x15: {  	s29 =	simm.s32 $0x0;
	s28 =	rddreg [dreg:$0x6];
	[sflag:s17] =	ssyncadd.s32 $0xFFFFE800  }
.LBB2_2:
0x16: {  	p0 =	slt.u32 s29, $0x2  }
.Ltmp0:
0x17: {  	_ = 	snop;
	(pc) =	sbr.rel @p0 .LBB2_6-.Ltmp0, $2  }
0x18: {  	_ =	sdelay $0x2  }
0x19: {  	s0 =	simm.s32 $0x20  }
0x1a: {  	_ =	swait.ge [sflag:s18], $0x1000  }
0x1b: {  	[sflag:s18] =	ssyncset.done $0x0  }
0x1c: {  	[sflag:s18] =	ssyncadd.s32 $0xFFFFF000  }
0x1d: {  	_ =	swait.ge [sflag:s18], $0x1000  }
0x1e: {  	s0 =	sadd.s32 $0xFFFFFFFF, s0;
	[sflag:s18] =	ssyncset.done $0x0  }
.LBB2_4:
0x1f: {  	p0 =	sne.s32 s0, $0x1;
	s0 =	sadd.s32 $0xFFFFFFFF, s0;
	[sflag:s18] =	ssyncadd.s32 $0xFFFFF000  }
.Ltmp1:
0x20: {  	_ =	swait.ge [sflag:s18], $0x1000;
	(pc) =	sbr.rel @p0 .LBB2_4-.Ltmp1, $4  }
0x21: {  	[sflag:s18] =	ssyncset.done $0x0  }
0x22: {  	[sflag:s18] =	ssyncadd.s32 $0xFFFFF000  }
0x23: {  	_ =	swait.ge [sflag:s18], $0x1000  }
0x24: {  	[sflag:s18] =	ssyncset.done $0x0  }
0x25: {  	[sflag:s18] =	ssyncadd.s32 $0xFFFFF000  }
.LBB2_6:
0x26: {  	s0 =	smul.u32 $0x2200, s29  }
0x27: {  	s2 =	rddreg [dreg:$0x3]  }
0x28: {  	s30 =	simm.s32 $0x0;
	s0 =	sadd.s32 s2, s0  }
0x29: {  	[tilespmem:s30], [sflag:$0x2] =	stream.linear.gather [hbm4b:s0+s30], $0x11000, $0x38;
	[tilespmem:$0x1E900] =	vst v63  }
0x2a: {  	_ =	swait.ge [sflag:s17], $0x11000  }
0x2b: {  	s24 =	sshll.u32 s29, $0xB;
	[sflag:s17] =	ssyncset.done $0x0  }
0x2c: {  	s25 =	simm.s32 $0x11000;
	s4 =	sadd.s32 s5, s24;
	[sflag:s17] =	ssyncadd.s32 $0xFFFEF000  }
0x2d: {  	[tilespmem:s25], [sflag:$0x2] =	stream.linear.gather [hbm4b:s4+s30], $0x4000, $0x38;
	[tilespmem:$0x1E900] =	vst v63  }
0x2e: {  	_ =	swait.ge [sflag:s17], $0x4000  }
0x2f: {  	[sflag:s17] =	ssyncset.done $0x0  }
0x30: {  	s0 =	sadd.s32 s3, s24;
	s4 =	sshll.u32 s29, $0xA;
	[sflag:s17] =	ssyncadd.s32 $0xFFFFC000  }
0x31: {  	[tilespmem:s20], [sflag:$0x2] =	stream.linear.gather [hbm4b:s0+s30], $0x4000, $0x38;
	[tilespmem:$0x1E900] =	vst v63  }
0x32: {  	s6 =	sshll.u32 s29, $0x7;
	s0 =	sand.u32 $0x2000, s4  }
0x33: {  	s4 =	sand.u32 $0x380, s6;
	s6 =	sor.u32 s8, s0  }
0x34: {  	_ =	swait.ge [sflag:s17], $0x4000;
	s6 =	sor.u32 s4, s6  }
0x35: {  	s13 =	simm.s32 $0x1E800;
	[sflag:s17] =	ssyncset.done $0x0;
	s6 =	sshrl.u32 s6, $0x3  }
0x36: {  	s14 =	sor.u32 s10, s0;
	[sflag:s17] =	ssyncadd.s32 $0xFFFFC000;
	s6 =	sadd.s32 s7, s6  }
0x37: {  	[tilespmem:s13], [sflag:$0x2] =	stream.linear.gather [hbm4b:s6+s30], $0x8, $0x38;
	[tilespmem:$0x1E900] =	vst v63  }
0x38: {  	s6 =	sor.u32 s4, s14;
	_ =	swait.ge [sflag:s17], $0x8  }
0x39: {  	s15 =	simm.s32 $0x1E808;
	s6 =	sshrl.u32 s6, $0x3;
	[sflag:s17] =	ssyncset.done $0x0  }
0x3a: {  	s19 =	sor.u32 s0, s11;
	s6 =	sadd.s32 s7, s6;
	[sflag:s17] =	ssyncadd.s32 $0xFFFFFFF8  }
0x3b: {  	[tilespmem:s15], [sflag:$0x2] =	stream.linear.gather [hbm4b:s6+s30], $0x8, $0x38;
	[tilespmem:$0x1E900] =	vst v63  }
0x3c: {  	s6 =	sor.u32 s4, s19;
	_ =	swait.ge [sflag:s17], $0x8  }
0x3d: {  	s21 =	simm.s32 $0x1E880;
	s6 =	sshrl.u32 s6, $0x3;
	[sflag:s17] =	ssyncset.done $0x0  }
0x3e: {  	s0 =	sor.u32 s0, s12;
	s6 =	sadd.s32 s7, s6;
	[sflag:s17] =	ssyncadd.s32 $0xFFFFFFF8  }
0x3f: {  	[tilespmem:s21], [sflag:$0x2] =	stream.linear.gather [hbm4b:s6+s30], $0x8, $0x38;
	[tilespmem:$0x1E900] =	vst v63  }
0x40: {  	s0 =	sor.u32 s4, s0;
	_ =	swait.ge [sflag:s17], $0x8  }
0x41: {  	s22 =	simm.s32 $0x1E888;
	s0 =	sshrl.u32 s0, $0x3;
	[sflag:s17] =	ssyncset.done $0x0  }
0x42: {  	s23 =	simm.s32 $0x0;
	s0 =	sadd.s32 s7, s0;
	[sflag:s17] =	ssyncadd.s32 $0xFFFFFFF8  }
0x43: {  	[tilespmem:s22], [sflag:$0x2] =	stream.linear.gather [hbm4b:s0+s30], $0x8, $0x38;
	[tilespmem:$0x1E900] =	vst v63  }
0x44: {  	s0 =	smul.u32 $0x11000, s23  }
0x45: {  	_ =	swait.ge [sflag:s17], $0x8  }
0x46: {  	s24 =	sand.u32 $0x380, s30;
	[sflag:s17] =	ssyncset.done $0x0;
	s0 =	sshra.s32 s0, $0x2  }
0x47: {  	s31 =	sand.u32 $0x1, s29;
	[sflag:s17] =	ssyncadd.s32 $0xFFFFFFF8;
	s25 =	sor.u32 s24, s0  }
0x48: {  	s4 =	simm.s32 $0x1;
	s6 =	simm.s32 $0x0;
	s0 =	sshll.u32 s31, $0x4;
	[tilespmem:s25+$0x0] =	vst v0  }
.LBB2_7:
0x49: {  	s13 =	sshrl.u32 s4, $0x3  }
0x4a: {  	p0 =	seq.s32 s4, $0x1F;
	s4 =	sadd.s32 $0x1, s4;
	s13 =	smul.u32 $0x11000, s13  }
.Ltmp2:
0x4b: {  	(pc) =	sbr.rel @!p0 .LBB2_7-.Ltmp2, $4  }
0x4c: {  	s6 =	sadd.s32 $0x80, s6  }
0x4d: {  	s14 =	sand.u32 $0x380, s6;
	s13 =	sshra.s32 s13, $0x2  }
0x4e: {  	s13 =	sor.u32 s14, s13  }
0x4f: {  	[tilespmem:s13+$0x0] =	vst v0  }
.Ltmp3:
0x50: {  	_ = 	snop;
	(pc) =	sbr.rel .LBB2_8-.Ltmp3, $1  }
0x51: {  	_ =	sdelay $0x3  }
.LBB2_19:
0x52: {  	s30 =	sadd.s32 $0x1, s30  }
0x53: {  	p0 =	seq.s32 s30, $0x10  }
.Ltmp4:
0x54: {  	_ = 	snop;
	(pc) =	sbr.rel @p0 .LBB2_20-.Ltmp4, $1  }
0x55: {  	_ =	sdelay $0x3  }
.LBB2_8:
0x56: {  	v2 =	vld [tilespmem:$0x1E800];
	_ =	sdelay $0x3  }
0x57: {  	v3 =	vld [tilespmem:$0x1E880];
	v4 =	vmov s30  }
0x58: {  	vm0 =	veq.s32 v4, v1;
	v2 =	vxor.u32 $0x80000000, v2  }
0x59: {  	v2 =	vnsel vm0, $0x80000000, v2  }
0x5a: {  	(xrf0) =	vmax.scan.msk.u32 $0xffff, v2;
	_ =	sdelay $0x1  }
0x5b: {  	v2 =	vxor.u32 $0x80000000, v3  }
0x5c: {  	v2 =	vnsel vm0, $0x80000000, v2;
	_ =	sdelay $0x2  }
0x5d: {  	(xrf0) =	vmax.scan.msk.u32 $0xffff, v2;
	v2, _, _ =	vpop (xrf0)  }
0x5e: {  	(v2sf) =	vpush v2, $0xF;
	_ =	sdelay $0x5  }
0x5f: {  	v2, _, _ =	vpop (xrf0)  }
0x60: {  	(v2sf) =	vpush v2, $0xF;
	_ =	sdelay $0x7  }
0x61: {  	s14 =	spop (v2sf)  }
0x62: {  	s15 =	sxor.u32 $0x80000000, s14  }
0x63: {  	p0 =	slt.s32 s15, $0x1  }
.Ltmp5:
0x64: {  	_ = 	snop;
	(pc) =	sbr.rel @p0 .LBB2_12-.Ltmp5, $3  }
0x65: {  	_ =	sdelay $0x1  }
0x66: {  	s4 =	sadd.s32 s0, s30;
	s19 =	sshll.u32 s30, $0x7  }
0x67: {  	s13 =	sshll.u32 s4, $0x9;
	s4 =	sand.u32 $0x380, s19;
	s6 =	spop (v2sf)  }
0x68: {  	p0 =	seq.s32 s15, $0x1  }
.Ltmp6:
0x69: {  	s19 =	sand.u32 $0x3000, s13;
	(pc) =	sbr.rel @p0 .LBB2_11-.Ltmp6, $4  }
0x6a: {  	s21 =	simm.s32 $0x0;
	s19 =	sor.u32 s4, s19  }
0x6b: {  	s22 =	sand.u32 $0xFFFFFC00, s21;
	s19 =	sadd.s32 $0x19000, s19  }
0x6c: {  	s23 =	sand.u32 $0x70, s21;
	s24 =	sadd.s32 s22, s19  }
0x6d: {  	s22 =	sadd.s32 $0xFFFFFFFF, s15;
	s25 =	sadd.s32 s23, s24;
	s23 =	simm.s32 $0x0  }
.LBB2_10:
0x6e: {  	p0 =	seq.s32 s22, $0x1;
	[tilespmem:s25+$0x0] =	vst v0;
	s21 =	sadd.s32 $0x80, s21;
	s23 =	sadd.s32 $0x10, s23  }
.Ltmp7:
0x6f: {  	s22 =	sadd.s32 $0xFFFFFFFF, s22;
	(pc) =	sbr.rel @!p0 .LBB2_10-.Ltmp7, $4  }
0x70: {  	_ = 	snop  }
0x71: {  	s24 =	sand.u32 $0xFFFFFC00, s21  }
0x72: {  	s25 =	sand.u32 $0x70, s23;
	s24 =	sadd.s32 s24, s19  }
0x73: {  	s25 =	sadd.s32 s25, s24  }
.LBB2_11:
0x74: {  	[tilespmem:s25+$0x0] =	vst v0  }
.LBB2_12:
0x75: {  	s19 =	sxor.u32 $0x80000000, s6  }
0x76: {  	p0 =	sgt.s32 s19, $0x1F  }
.Ltmp8:
0x77: {  	_ = 	snop;
	(pc) =	sbr.rel @p0 .LBB2_16-.Ltmp8, $1  }
0x78: {  	_ =	sdelay $0x3  }
0x79: {  	s23 =	ssub.s32 $0x80000020, s6  }
0x7a: {  	p0 =	seq.s32 s23, $0x1  }
.Ltmp9:
0x7b: {  	s21 =	sand.u32 $0x3000, s13;
	(pc) =	sbr.rel @p0 .LBB2_15-.Ltmp9, $4  }
0x7c: {  	s25 =	sshll.u32 s6, $0x7;
	s21 =	sor.u32 s4, s21  }
0x7d: {  	s22 =	sshll.u32 s6, $0x4;
	s24 =	sand.u32 $0xFFFFFC00, s25;
	s21 =	sadd.s32 $0x19000, s21  }
0x7e: {  	s2 =	sand.u32 $0x70, s22;
	s24 =	sadd.s32 s24, s21  }
0x7f: {  	s23 =	sadd.s32 $0xFFFFFFFF, s23;
	s24 =	sadd.s32 s2, s24  }
.LBB2_14:
0x80: {  	p0 =	seq.s32 s23, $0x1;
	[tilespmem:s24+$0x0] =	vst v0;
	s25 =	sadd.s32 $0x80, s25;
	s22 =	sadd.s32 $0x10, s22  }
.Ltmp10:
0x81: {  	s23 =	sadd.s32 $0xFFFFFFFF, s23;
	(pc) =	sbr.rel @!p0 .LBB2_14-.Ltmp10, $4  }
0x82: {  	_ = 	snop  }
0x83: {  	s2 =	sand.u32 $0xFFFFFC00, s25  }
0x84: {  	s24 =	sand.u32 $0x70, s22;
	s2 =	sadd.s32 s2, s21  }
0x85: {  	s24 =	sadd.s32 s24, s2  }
.LBB2_15:
0x86: {  	[tilespmem:s24+$0x0] =	vst v0  }
.LBB2_16:
0x87: {  	p0 =	sge.s32 s15, s19  }
.Ltmp11:
0x88: {  	_ = 	snop;
	(pc) =	sbr.rel @p0 .LBB2_19-.Ltmp11, $1  }
0x89: {  	_ =	sdelay $0x3  }
0x8a: {  	s15 =	sshrl.u32 s30, $0x3  }
0x8b: {  	s15 =	smul.u32 $0xF8, s15  }
0x8c: {  	s19 =	sadd.s32 s9, s30  }
0x8d: {  	s15 =	sadd.s32 s15, s19  }
0x8e: {  	v2 =	vmov s15  }
0x8f: {  	v3 =	vshll.u32 v2, $0x3  }
0x90: {  	v2 =	vand.u32 $0x7F, v2;
	v3 =	vand.u32 $0x7FFFFC00, v3  }
0x91: {  	v2 =	vor.u32 v2, v3  }
0x92: {  	v3 =	vor.u32 $0x80, v2  }
0x93: {  	v4 =	vor.u32 $0x100, v2;
	v5 =	vor.u32 $0x180, v2;
	v6 =	vor.u32 $0x200, v2  }
0x94: {  	v7 =	vor.u32 $0x280, v2;
	v8 =	vor.u32 $0x300, v2;
	v9 =	vor.u32 $0x380, v2  }
0x95: {  	v10 =	vadd.s32 $0x1000, v2;
	v11 =	vadd.s32 $0x1080, v2;
	v12 =	vadd.s32 $0x1100, v2  }
0x96: {  	v13 =	vadd.s32 $0x1180, v2;
	v14 =	vadd.s32 $0x1200, v2;
	v15 =	vadd.s32 $0x1280, v2  }
0x97: {  	v16 =	vadd.s32 $0x1300, v2;
	v17 =	vadd.s32 $0x1380, v2;
	v18 =	vadd.s32 $0x2000, v2  }
0x98: {  	v19 =	vadd.s32 $0x2080, v2;
	v20 =	vadd.s32 $0x2100, v2;
	v21 =	vadd.s32 $0x2180, v2  }
0x99: {  	v22 =	vadd.s32 $0x2200, v2;
	v23 =	vadd.s32 $0x2280, v2;
	v24 =	vadd.s32 $0x2300, v2  }
0x9a: {  	s13 =	sand.u32 $0x3000, s13;
	v25 =	vadd.s32 $0x2380, v2;
	v26 =	vadd.s32 $0x3000, v2;
	v27 =	vadd.s32 $0x3080, v2  }
0x9b: {  	s6 =	ssub.s32 s6, s14;
	s4 =	sor.u32 s4, s13;
	v28 =	vadd.s32 $0x3100, v2;
	v29 =	vadd.s32 $0x3180, v2;
	v30 =	vadd.s32 $0x3200, v2  }
0x9c: {  	s13 =	sshll.u32 s14, $0x7;
	s14 =	sshll.u32 s14, $0x4;
	s4 =	sadd.s32 $0x19000, s4;
	v31 =	vadd.s32 $0x3280, v2;
	v32 =	vadd.s32 $0x3300, v2;
	v33 =	vadd.s32 $0x3380, v2  }
.LBB2_18:
0x9d: {  	s15 =	sand.u32 $0x70, s14;
	s25 =	sand.u32 $0xFFFFFC00, s13  }
0x9e: {  	v34 =	vld.idx.msk [tilespmem:v2+s20+$0x0], $0xffff;
	s19 =	sor.u32 s15, s25  }
0x9f: {  	v35 =	vld [tilespmem:s19+$0x11000]  }
0xa0: {  	v36 =	vld.idx.msk [tilespmem:v3+s20+$0x0], $0xffff;
	s21 =	sadd.s32 $0x11000, s19  }
0xa1: {  	v46 =	vld [tilespmem:s21+$0x80];
	_ =	sdelay $0x2  }
0xa2: {  	v34 =	vadd.f32 v35, v34;
	_ =	sdelay $0x1  }
0xa3: {  	v35 =	vadd.f32 v46, v36;
	v37 =	vshrl.u32 v34, $0xE  }
0xa4: {  	v37 =	vadd.s32 $0xFFFEE800, v37  }
0xa5: {  	v36 =	vshrl.u32 v35, $0xE  }
0xa6: {  	v36 =	vadd.s32 $0xFFFEE800, v36;
	_ =	sdelay $0x2  }
0xa7: {  	v37 =	vld.idx.msk [tilespmem:v37+s16+$0x0], $0xffff;
	_ =	sdelay $0x1  }
0xa8: {  	v36 =	vld.idx.msk [tilespmem:v36+s16+$0x0], $0xffff  }
0xa9: {  	v38 =	vmul.f32 $5.000000000e-01, v34;
	_ =	sdelay $0x1  }
0xaa: {  	v39 =	vmul.f32 $5.000000000e-01, v35;
	v38 =	vmul.f32 v38, v37;
	_ =	sdelay $0x1  }
0xab: {  	v39 =	vmul.f32 v39, v36;
	v38 =	vmul.f32 v38, v37;
	_ =	sdelay $0x1  }
0xac: {  	v40 =	vld.idx.msk [tilespmem:v4+s20+$0x0], $0xffff;
	v39 =	vmul.f32 v39, v36;
	v38 =	vsub.f32 $1.500000000e+00, v38  }
0xad: {  	v47 =	vld [tilespmem:s21+$0x100]  }
0xae: {  	v39 =	vsub.f32 $1.500000000e+00, v39;
	v37 =	vmul.f32 v38, v37  }
0xaf: {  	v52 =	vld.idx.msk [tilespmem:v5+s20+$0x0], $0xffff  }
0xb0: {  	v53 =	vld [tilespmem:s21+$0x180];
	v36 =	vmul.f32 v39, v36;
	v37 =	vmul.f32 v37, v34  }
0xb1: {  	vm0 =	vge.f32 v34, $1.281424000e+06;
	vm1 =	vle.f32 v34, $9.597604000e+06  }
0xb2: {  	v36 =	vmul.f32 v36, v35;
	v48 =	vadd.f32 $-9.320000000e+02, v37;
	v37 =	vadd.f32 v47, v40  }
0xb3: {  	vm0 =	vmand vm0, vm1;
	vm14 =	vge.f32 v35, $1.281424000e+06  }
0xb4: {  	vm15 =	vle.f32 v35, $9.597604000e+06;
	v51 =	vadd.f32 $-9.320000000e+02, v36;
	v50 =	vshrl.u32 v37, $0xE  }
0xb5: {  	v36 =	vadd.f32 v53, v52;
	v34 =	vnsel vm0, $0x0, v48;
	v39 =	vadd.s32 $0xFFFEE800, v50  }
0xb6: {  	vm0 =	vmand vm14, vm15;
	v49 =	vtrunc.f32 v34  }
0xb7: {  	v35 =	vnsel vm0, $0x0, v51;
	v48 =	vshrl.u32 v36, $0xE;
	v38 =	vcvt.f32.s32 v49  }
0xb8: {  	v47 =	vmul.f32 $5.000000000e-01, v37;
	v44 =	vtrunc.f32 v35;
	v48 =	vadd.s32 $0xFFFEE800, v48  }
0xb9: {  	v44 =	vcvt.f32.s32 v44;
	v42 =	vshll.u32 v38, $0x3;
	v43 =	vadd.s32 $0x1, v38  }
0xba: {  	v41 =	vand.u32 $0x7F, v38;
	v42 =	vand.u32 $0xFFFFFC00, v42;
	v45 =	vshll.u32 v43, $0x3;
	v39 =	vld.idx.msk [tilespmem:v39+s16+$0x0], $0xffff  }
0xbb: {  	v56 =	vld.idx.msk [tilespmem:v6+s20+$0x0], $0xffff;
	v54 =	vand.u32 $0x7F, v43;
	v41 =	vor.u32 v41, v42;
	v55 =	vand.u32 $0xFFFFFC00, v45  }
0xbc: {  	v58 =	vld [tilespmem:s21+$0x200];
	v57 =	vshll.u32 v44, $0x3;
	v59 =	vadd.s32 $0x1, v44;
	v42 =	vor.u32 v54, v55  }
0xbd: {  	v46 =	vand.u32 $0x7F, v44;
	v43 =	vand.u32 $0xFFFFFC00, v57;
	v49 =	vshll.u32 v59, $0x3;
	v48 =	vld.idx.msk [tilespmem:v48+s16+$0x0], $0xffff  }
0xbe: {  	v43 =	vor.u32 v43, v46;
	v46 =	vand.u32 $0x7F, v59;
	v49 =	vand.u32 $0xFFFFFC00, v49  }
0xbf: {  	v46 =	vor.u32 v49, v46;
	v47 =	vmul.f32 v47, v39  }
0xc0: {  	v50 =	vmul.f32 $5.000000000e-01, v36;
	v60 =	vor.u32 $0x80, v46;
	v41 =	vld.idx.msk [tilespmem:v41+s1+$0x0], $0xffff  }
0xc1: {  	v40 =	vadd.f32 v58, v56;
	v43 =	vor.u32 $0x80, v43;
	v42 =	vld.idx.msk [tilespmem:v42+s1+$0x0], $0xffff;
	v47 =	vmul.f32 v47, v39  }
0xc2: {  	v53 =	vmul.f32 v50, v48  }
0xc3: {  	v62 =	vshrl.u32 v40, $0xE;
	v38 =	vcvt.s32.f32 v38;
	v61 =	vsub.f32 $1.500000000e+00, v47  }
0xc4: {  	vm4 =	vge.f32 v37, $1.281424000e+06;
	v54 =	vmul.f32 v53, v48;
	v47 =	vadd.s32 $0xFFFEE800, v62  }
0xc5: {  	vm5 =	vle.f32 v37, $9.597604000e+06;
	v34 =	vsub.f32 v34, v38;
	v49 =	vld.idx.msk [tilespmem:v60+s1+$0x0], $0xffff;
	v39 =	vmul.f32 v61, v39  }
0xc6: {  	vm8 =	vge.f32 v40, $1.281424000e+06;
	v38 =	vsub.f32 $1.500000000e+00, v54;
	v63 =	vsub.f32 v42, v41;
	v42 =	vld.idx.msk [tilespmem:v43+s1+$0x0], $0xffff  }
0xc7: {  	vm9 =	vle.f32 v40, $9.597604000e+06;
	vm0 =	vmand vm4, vm5;
	v39 =	vmul.f32 v39, v37  }
0xc8: {  	vm6 =	vge.f32 v36, $1.281424000e+06;
	v38 =	vmul.f32 v38, v48;
	v34 =	vmul.f32 v34, v63  }
0xc9: {  	vm7 =	vle.f32 v36, $9.597604000e+06;
	v51 =	vcvt.s32.f32 v44;
	v44 =	vld.idx.msk [tilespmem:v47+s16+$0x0], $0xffff;
	v52 =	vadd.f32 $-9.320000000e+02, v39  }
0xca: {  	v57 =	vmul.f32 $5.000000000e-01, v40;
	v38 =	vmul.f32 v38, v36;
	v34 =	vadd.f32 v34, v41  }
0xcb: {  	v35 =	vsub.f32 v35, v51;
	v55 =	vsub.f32 v49, v42;
	v37 =	vnsel vm0, $0x0, v52  }
0xcc: {  	v53 =	vadd.f32 $-9.320000000e+02, v38;
	v34 =	vadd.f32 $0.0e+00, v34;
	v56 =	vtrunc.f32 v37  }
0xcd: {  	vm0 =	vmand vm6, vm7;
	v35 =	vmul.f32 v35, v55;
	v41 =	vcvt.f32.s32 v56  }
0xce: {  	v59 =	vld.idx.msk [tilespmem:v7+s20+$0x0], $0xffff;
	v36 =	vnsel vm0, $0x0, v53;
	vm0 =	vmand vm8, vm9;
	v58 =	vmul.f32 v57, v44  }
0xcf: {  	v62 =	vld [tilespmem:s21+$0x280];
	v56 =	vtrunc.f32 v36;
	v35 =	vadd.f32 v35, v42;
	v60 =	vand.u32 $0x7F, v41  }
0xd0: {  	v61 =	vshll.u32 v41, $0x3;
	v63 =	vadd.s32 $0x1, v41;
	v39 =	vmul.f32 v58, v44  }
0xd1: {  	v46 =	vand.u32 $0xFFFFFC00, v61;
	v52 =	vshll.u32 v63, $0x3;
	v48 =	vand.u32 $0x7F, v63  }
0xd2: {  	v45 =	vor.u32 v46, v60;
	v46 =	vand.u32 $0xFFFFFC00, v52;
	v39 =	vsub.f32 $1.500000000e+00, v39  }
0xd3: {  	v58 =	vld.idx.msk [tilespmem:v8+s20+$0x0], $0xffff;
	v43 =	vor.u32 $0x100, v45;
	v55 =	vor.u32 v46, v48;
	v45 =	vcvt.f32.s32 v56  }
0xd4: {  	s2 =	sadd.s32 s15, s13;
	v61 =	vld [tilespmem:s21+$0x300];
	v54 =	vmul.f32 v39, v44;
	v39 =	vadd.f32 v62, v59;
	v44 =	vor.u32 $0x100, v55  }
0xd5: {  	s2 =	sor.u32 $0x380, s2;
	v63 =	vld.idx.msk [tilespmem:v9+s20+$0x0], $0xffff;
	v59 =	vand.u32 $0x7F, v45;
	v60 =	vshll.u32 v45, $0x3;
	v50 =	vadd.s32 $0x1, v45  }
0xd6: {  	v38 =	vmul.f32 v54, v40;
	v57 =	vshrl.u32 v39, $0xE;
	v48 =	vand.u32 $0xFFFFFC00, v60;
	v60 =	vld [tilespmem:s2+$0x11000]  }
0xd7: {  	v62 =	vshll.u32 v50, $0x3;
	v50 =	vand.u32 $0x7F, v50;
	v46 =	vadd.s32 $0xFFFEE800, v57  }
0xd8: {  	v47 =	vor.u32 v48, v59;
	v48 =	vand.u32 $0xFFFFFC00, v62;
	v38 =	vadd.f32 $-9.320000000e+02, v38  }
0xd9: {  	v41 =	vcvt.s32.f32 v41;
	v47 =	vor.u32 $0x180, v47;
	v48 =	vor.u32 v48, v50  }
0xda: {  	v40 =	vadd.f32 v61, v58;
	v43 =	vld.idx.msk [tilespmem:v43+s1+$0x0], $0xffff;
	v48 =	vor.u32 $0x180, v48;
	v38 =	vnsel vm0, $0x0, v38  }
0xdb: {  	v34 =	vadd.f32 v35, v34;
	v44 =	vld.idx.msk [tilespmem:v44+s1+$0x0], $0xffff;
	v51 =	vtrunc.f32 v38;
	v49 =	vadd.f32 v60, v63  }
0xdc: {  	v37 =	vsub.f32 v37, v41;
	v55 =	vshrl.u32 v40, $0xE;
	v51 =	vcvt.f32.s32 v51;
	v46 =	vld.idx.msk [tilespmem:v46+s16+$0x0], $0xffff  }
0xdd: {  	v54 =	vmul.f32 $5.000000000e-01, v39;
	v55 =	vadd.s32 $0xFFFEE800, v55;
	v50 =	vshrl.u32 v49, $0xE  }
0xde: {  	v47 =	vld.idx.msk [tilespmem:v47+s1+$0x0], $0xffff;
	v52 =	vshll.u32 v51, $0x3;
	v61 =	vadd.s32 $0x1, v51;
	v50 =	vadd.s32 $0xFFFEE800, v50  }
0xdf: {  	v53 =	vand.u32 $0x7F, v51;
	v48 =	vld.idx.msk [tilespmem:v48+s1+$0x0], $0xffff;
	v52 =	vand.u32 $0xFFFFFC00, v52;
	v56 =	vshll.u32 v61, $0x3  }
0xe0: {  	v52 =	vor.u32 v52, v53;
	v53 =	vand.u32 $0x7F, v61;
	v56 =	vand.u32 $0xFFFFFC00, v56  }
0xe1: {  	v63 =	vsub.f32 v44, v43;
	v54 =	vmul.f32 v54, v46;
	v53 =	vor.u32 v56, v53  }
0xe2: {  	v45 =	vcvt.s32.f32 v45;
	vm10 =	vge.f32 v39, $1.281424000e+06;
	v62 =	vor.u32 $0x200, v53;
	v53 =	vld.idx.msk [tilespmem:v55+s16+$0x0], $0xffff  }
0xe3: {  	v57 =	vmul.f32 v37, v63;
	v52 =	vor.u32 $0x200, v52;
	v54 =	vmul.f32 v54, v46;
	v63 =	vld.idx.msk [tilespmem:v50+s16+$0x0], $0xffff  }
0xe4: {  	v36 =	vsub.f32 v36, v45;
	v60 =	vmul.f32 $5.000000000e-01, v40;
	v59 =	vsub.f32 v48, v47  }
0xe5: {  	v61 =	vcvt.s32.f32 v51;
	v35 =	vadd.f32 v57, v43;
	v57 =	vld [tilespmem:s19+$0x12000];
	v56 =	vsub.f32 $1.500000000e+00, v54  }
0xe6: {  	vm11 =	vle.f32 v39, $9.597604000e+06;
	v51 =	vmul.f32 $5.000000000e-01, v49;
	v36 =	vmul.f32 v36, v59;
	v54 =	vld.idx.msk [tilespmem:v10+s20+$0x0], $0xffff  }
0xe7: {  	vm12 =	vge.f32 v40, $1.281424000e+06;
	v58 =	vmul.f32 v56, v46;
	v41 =	vld.idx.msk [tilespmem:v62+s1+$0x0], $0xffff;
	v62 =	vmul.f32 v60, v53  }
0xe8: {  	vm13 =	vle.f32 v40, $9.597604000e+06;
	vm0 =	vmand vm10, vm11;
	v44 =	vld.idx.msk [tilespmem:v52+s1+$0x0], $0xffff;
	v52 =	vmul.f32 v51, v63  }
0xe9: {  	v45 =	vadd.f32 v36, v47;
	v37 =	vmul.f32 v58, v39;
	v47 =	vmul.f32 v62, v53  }
0xea: {  	v34 =	vadd.f32 v35, v34;
	v46 =	vsub.f32 v38, v61;
	v36 =	vmul.f32 v52, v63  }
0xeb: {  	vm14 =	vge.f32 v49, $1.281424000e+06;
	v37 =	vadd.f32 $-9.320000000e+02, v37;
	v38 =	vsub.f32 $1.500000000e+00, v47  }
0xec: {  	vm15 =	vle.f32 v49, $9.597604000e+06;
	v39 =	vadd.f32 v57, v54;
	v36 =	vsub.f32 $1.500000000e+00, v36  }
0xed: {  	v48 =	vsub.f32 v41, v44;
	v37 =	vnsel vm0, $0x0, v37;
	v38 =	vmul.f32 v38, v53  }
0xee: {  	v34 =	vadd.f32 v45, v34;
	v50 =	vtrunc.f32 v37;
	v36 =	vmul.f32 v36, v63  }
0xef: {  	v62 =	vshrl.u32 v39, $0xE;
	v35 =	vmul.f32 v46, v48;
	v41 =	vcvt.f32.s32 v50  }
0xf0: {  	vm0 =	vmand vm12, vm13;
	v38 =	vmul.f32 v38, v40;
	v36 =	vmul.f32 v36, v49  }
0xf1: {  	v55 =	vand.u32 $0x7F, v41;
	v56 =	vshll.u32 v41, $0x3;
	v58 =	vadd.s32 $0x1, v41  }
0xf2: {  	v38 =	vadd.f32 $-9.320000000e+02, v38;
	v45 =	vand.u32 $0xFFFFFC00, v56;
	v59 =	vshll.u32 v58, $0x3  }
0xf3: {  	v63 =	vld.idx.msk [tilespmem:v11+s20+$0x0], $0xffff;
	v47 =	vand.u32 $0x7F, v58;
	v36 =	vadd.f32 $-9.320000000e+02, v36;
	v42 =	vor.u32 v45, v55  }
0xf4: {  	v56 =	vld [tilespmem:s19+$0x12080];
	v45 =	vand.u32 $0xFFFFFC00, v59;
	v38 =	vnsel vm0, $0x0, v38;
	vm0 =	vmand vm14, vm15  }
0xf5: {  	v40 =	vor.u32 $0x280, v42;
	v60 =	vor.u32 v45, v47;
	v61 =	vtrunc.f32 v38  }
0xf6: {  	v45 =	vadd.s32 $0xFFFEE800, v62;
	v36 =	vnsel vm0, $0x0, v36;
	v43 =	vcvt.f32.s32 v61  }
0xf7: {  	v62 =	vmul.f32 $5.000000000e-01, v39;
	v42 =	vor.u32 $0x280, v60;
	v59 =	vtrunc.f32 v36  }
0xf8: {  	v51 =	vcvt.f32.s32 v59;
	v54 =	vand.u32 $0x7F, v43;
	v55 =	vshll.u32 v43, $0x3  }
0xf9: {  	v57 =	vadd.s32 $0x1, v43;
	v46 =	vadd.f32 v56, v63;
	v48 =	vand.u32 $0xFFFFFC00, v55  }
0xfa: {  	v58 =	vshll.u32 v57, $0x3;
	v50 =	vand.u32 $0x7F, v57;
	v60 =	vshll.u32 v51, $0x3  }
0xfb: {  	v61 =	vand.u32 $0x7F, v51;
	v47 =	vor.u32 v48, v54;
	v48 =	vand.u32 $0xFFFFFC00, v58;
	v45 =	vld.idx.msk [tilespmem:v45+s16+$0x0], $0xffff  }
0xfc: {  	v49 =	vld [tilespmem:s19+$0x12100];
	v52 =	vand.u32 $0xFFFFFC00, v60;
	v60 =	vshrl.u32 v46, $0xE;
	v47 =	vor.u32 $0x300, v47  }
0xfd: {  	v63 =	vadd.s32 $0x1, v51;
	v48 =	vor.u32 v48, v50;
	v50 =	vld.idx.msk [tilespmem:v12+s20+$0x0], $0xffff;
	v55 =	vadd.s32 $0xFFFEE800, v60  }
0xfe: {  	v52 =	vor.u32 v52, v61;
	v61 =	vshll.u32 v63, $0x3;
	v48 =	vor.u32 $0x300, v48  }
0xff: {  	v40 =	vld.idx.msk [tilespmem:v40+s1+$0x0], $0xffff;
	v53 =	vand.u32 $0x7F, v63;
	v56 =	vand.u32 $0xFFFFFC00, v61  }
0x100: {  	v42 =	vld.idx.msk [tilespmem:v42+s1+$0x0], $0xffff;
	v52 =	vor.u32 $0x380, v52;
	v53 =	vor.u32 v56, v53;
	v54 =	vmul.f32 v62, v45  }
0x101: {  	v62 =	vor.u32 $0x380, v53;
	v47 =	vld.idx.msk [tilespmem:v47+s1+$0x0], $0xffff  }
0x102: {  	v41 =	vcvt.s32.f32 v41;
	v49 =	vadd.f32 v49, v50;
	v53 =	vld.idx.msk [tilespmem:v55+s16+$0x0], $0xffff;
	v54 =	vmul.f32 v54, v45  }
0x103: {  	vm4 =	vge.f32 v39, $1.281424000e+06;
	v35 =	vadd.f32 v35, v44;
	v43 =	vcvt.s32.f32 v43;
	v48 =	vld.idx.msk [tilespmem:v48+s1+$0x0], $0xffff  }
0x104: {  	v37 =	vsub.f32 v37, v41;
	v50 =	vshrl.u32 v49, $0xE;
	v63 =	vsub.f32 $1.500000000e+00, v54  }
0x105: {  	v38 =	vsub.f32 v38, v43;
	v42 =	vsub.f32 v42, v40;
	v43 =	vld.idx.msk [tilespmem:v52+s1+$0x0], $0xffff;
	v50 =	vadd.s32 $0xFFFEE800, v50  }
0x106: {  	vm5 =	vle.f32 v39, $9.597604000e+06;
	v60 =	vmul.f32 $5.000000000e-01, v46;
	v59 =	vld.idx.msk [tilespmem:v62+s1+$0x0], $0xffff;
	v57 =	vmul.f32 v63, v45  }
0x107: {  	v34 =	vadd.f32 v35, v34;
	v61 =	vcvt.s32.f32 v51;
	v56 =	vmul.f32 v37, v42  }
0x108: {  	v62 =	vmul.f32 v60, v53;
	v58 =	vsub.f32 v48, v47;
	v37 =	vmul.f32 v57, v39  }
0x109: {  	vm0 =	vmand vm4, vm5;
	vm6 =	vge.f32 v46, $1.281424000e+06;
	v36 =	vsub.f32 v36, v61;
	v55 =	vld.idx.msk [tilespmem:v13+s20+$0x0], $0xffff  }
0x10a: {  	v48 =	vmul.f32 v62, v53;
	v38 =	vmul.f32 v38, v58;
	v63 =	vld.idx.msk [tilespmem:v50+s16+$0x0], $0xffff;
	v37 =	vadd.f32 $-9.320000000e+02, v37  }
0x10b: {  	v52 =	vmul.f32 $5.000000000e-01, v49;
	v35 =	vadd.f32 v56, v40;
	v58 =	vld [tilespmem:s19+$0x12180];
	v50 =	vsub.f32 v59, v43  }
0x10c: {  	v47 =	vadd.f32 v38, v47;
	v38 =	vsub.f32 $1.500000000e+00, v48;
	v37 =	vnsel vm0, $0x0, v37  }
0x10d: {  	v34 =	vadd.f32 v35, v34;
	v35 =	vmul.f32 v36, v50;
	v51 =	vtrunc.f32 v37  }
0x10e: {  	vm7 =	vle.f32 v46, $9.597604000e+06;
	v38 =	vmul.f32 v38, v53;
	v40 =	vcvt.f32.s32 v51  }
0x10f: {  	vm0 =	vmand vm6, vm7;
	v34 =	vadd.f32 v47, v34;
	v54 =	vmul.f32 v52, v63  }
0x110: {  	v39 =	vadd.f32 v58, v55;
	v38 =	vmul.f32 v38, v46;
	v56 =	vand.u32 $0x7F, v40  }
0x111: {  	v57 =	vshll.u32 v40, $0x3;
	v59 =	vadd.s32 $0x1, v40;
	v36 =	vmul.f32 v54, v63  }
0x112: {  	v45 =	vshrl.u32 v39, $0xE;
	v44 =	vand.u32 $0xFFFFFC00, v57;
	v38 =	vadd.f32 $-9.320000000e+02, v38  }
0x113: {  	v60 =	vshll.u32 v59, $0x3;
	v47 =	vand.u32 $0x7F, v59;
	v36 =	vsub.f32 $1.500000000e+00, v36  }
0x114: {  	v45 =	vadd.s32 $0xFFFEE800, v45;
	v42 =	vor.u32 v56, v44;
	v38 =	vnsel vm0, $0x0, v38  }
0x115: {  	v44 =	vand.u32 $0xFFFFFC00, v60;
	v36 =	vmul.f32 v36, v63;
	v62 =	vtrunc.f32 v38  }
0x116: {  	vm8 =	vge.f32 v49, $1.281424000e+06;
	v61 =	vor.u32 v47, v44;
	v44 =	vcvt.f32.s32 v62  }
0x117: {  	vm9 =	vle.f32 v49, $9.597604000e+06;
	v41 =	vadd.s32 $0x4400, v42;
	v36 =	vmul.f32 v36, v49  }
0x118: {  	v56 =	vld [tilespmem:s19+$0x12200];
	vm0 =	vmand vm8, vm9;
	v42 =	vadd.s32 $0x4400, v61;
	v54 =	vand.u32 $0x7F, v44  }
0x119: {  	v63 =	vld.idx.msk [tilespmem:v14+s20+$0x0], $0xffff;
	v55 =	vshll.u32 v44, $0x3;
	v57 =	vadd.s32 $0x1, v44;
	v36 =	vadd.f32 $-9.320000000e+02, v36  }
0x11a: {  	v45 =	vld.idx.msk [tilespmem:v45+s16+$0x0], $0xffff;
	v48 =	vand.u32 $0xFFFFFC00, v55;
	v58 =	vshll.u32 v57, $0x3;
	v50 =	vand.u32 $0x7F, v57  }
0x11b: {  	v49 =	vld [tilespmem:s19+$0x12280];
	v47 =	vor.u32 v54, v48;
	v48 =	vand.u32 $0xFFFFFC00, v58;
	v36 =	vnsel vm0, $0x0, v36  }
0x11c: {  	v35 =	vadd.f32 v35, v43;
	v48 =	vor.u32 v50, v48;
	v50 =	vld.idx.msk [tilespmem:v15+s20+$0x0], $0xffff;
	v59 =	vtrunc.f32 v36  }
0x11d: {  	v62 =	vmul.f32 $5.000000000e-01, v39;
	v47 =	vadd.s32 $0x4480, v47;
	v51 =	vcvt.f32.s32 v59  }
0x11e: {  	v40 =	vcvt.s32.f32 v40;
	v34 =	vadd.f32 v35, v34;
	v48 =	vadd.s32 $0x4480, v48  }
0x11f: {  	v41 =	vld.idx.msk [tilespmem:v41+s1+$0x0], $0xffff;
	v46 =	vadd.f32 v56, v63;
	v54 =	vmul.f32 v62, v45;
	v60 =	vshll.u32 v51, $0x3  }
0x120: {  	v42 =	vld.idx.msk [tilespmem:v42+s1+$0x0], $0xffff;
	v61 =	vand.u32 $0x7F, v51;
	v63 =	vadd.s32 $0x1, v51;
	v52 =	vand.u32 $0xFFFFFC00, v60  }
0x121: {  	v60 =	vshrl.u32 v46, $0xE;
	v53 =	vand.u32 $0x7F, v63;
	v49 =	vadd.f32 v49, v50  }
0x122: {  	v47 =	vld.idx.msk [tilespmem:v47+s1+$0x0], $0xffff;
	v52 =	vor.u32 v61, v52;
	v61 =	vshll.u32 v63, $0x3;
	v55 =	vadd.s32 $0xFFFEE800, v60  }
0x123: {  	v48 =	vld.idx.msk [tilespmem:v48+s1+$0x0], $0xffff;
	v52 =	vadd.s32 $0x4500, v52;
	v56 =	vand.u32 $0xFFFFFC00, v61;
	v50 =	vshrl.u32 v49, $0xE  }
0x124: {  	v54 =	vmul.f32 v54, v45;
	v53 =	vor.u32 v53, v56;
	v50 =	vadd.s32 $0xFFFEE800, v50  }
0x125: {  	v37 =	vsub.f32 v37, v40;
	v42 =	vsub.f32 v42, v41;
	v62 =	vadd.s32 $0x4500, v53  }
0x126: {  	v44 =	vcvt.s32.f32 v44;
	v58 =	vcvt.s32.f32 v51;
	v51 =	vld.idx.msk [tilespmem:v16+s20+$0x0], $0xffff;
	v63 =	vsub.f32 $1.500000000e+00, v54  }
0x127: {  	vm10 =	vge.f32 v39, $1.281424000e+06;
	vm11 =	vle.f32 v39, $9.597604000e+06;
	v54 =	vmul.f32 v37, v42;
	v53 =	vld.idx.msk [tilespmem:v55+s16+$0x0], $0xffff  }
0x128: {  	v38 =	vsub.f32 v38, v44;
	v55 =	vmul.f32 v63, v45;
	v56 =	vsub.f32 v48, v47;
	v43 =	vld.idx.msk [tilespmem:v52+s1+$0x0], $0xffff  }
0x129: {  	vm0 =	vmand vm10, vm11;
	v57 =	vmul.f32 $5.000000000e-01, v46;
	v35 =	vadd.f32 v54, v41;
	v60 =	vld.idx.msk [tilespmem:v50+s16+$0x0], $0xffff  }
0x12a: {  	vm12 =	vge.f32 v46, $1.281424000e+06;
	v37 =	vmul.f32 v55, v39;
	v38 =	vmul.f32 v38, v56;
	v40 =	vld.idx.msk [tilespmem:v62+s1+$0x0], $0xffff  }
0x12b: {  	vm13 =	vle.f32 v46, $9.597604000e+06;
	v36 =	vsub.f32 v36, v58;
	v34 =	vadd.f32 v35, v34;
	v52 =	vld [tilespmem:s19+$0x12300]  }
0x12c: {  	v37 =	vadd.f32 $-9.320000000e+02, v37;
	v61 =	vadd.f32 v38, v47;
	v59 =	vmul.f32 v57, v53  }
0x12d: {  	vm14 =	vge.f32 v49, $1.281424000e+06;
	vm15 =	vle.f32 v49, $9.597604000e+06;
	v50 =	vmul.f32 $5.000000000e-01, v49  }
0x12e: {  	v37 =	vnsel vm0, $0x0, v37;
	v34 =	vadd.f32 v61, v34;
	v62 =	vmul.f32 v59, v53  }
0x12f: {  	v48 =	vtrunc.f32 v37;
	v54 =	vmul.f32 v50, v60;
	v63 =	vsub.f32 v40, v43  }
0x130: {  	v44 =	vadd.f32 v52, v51;
	v40 =	vcvt.f32.s32 v48;
	v38 =	vsub.f32 $1.500000000e+00, v62  }
0x131: {  	vm0 =	vmand vm12, vm13;
	v35 =	vmul.f32 v36, v63;
	v36 =	vmul.f32 v54, v60  }
0x132: {  	v59 =	vshrl.u32 v44, $0xE;
	vm4 =	vge.f32 v44, $1.281424000e+06;
	v38 =	vmul.f32 v38, v53  }
0x133: {  	vm5 =	vle.f32 v44, $9.597604000e+06;
	v41 =	vadd.s32 $0xFFFEE800, v59;
	v36 =	vsub.f32 $1.500000000e+00, v36  }
0x134: {  	v55 =	vand.u32 $0x7F, v40;
	v56 =	vshll.u32 v40, $0x3;
	v38 =	vmul.f32 v38, v46  }
0x135: {  	v62 =	vld.idx.msk [tilespmem:v17+s20+$0x0], $0xffff;
	v57 =	vadd.s32 $0x1, v40;
	v40 =	vcvt.s32.f32 v40;
	v36 =	vmul.f32 v36, v60  }
0x136: {  	v63 =	vld [tilespmem:s19+$0x12380];
	v42 =	vand.u32 $0xFFFFFC00, v56;
	v58 =	vand.u32 $0x7F, v57;
	v38 =	vadd.f32 $-9.320000000e+02, v38  }
0x137: {  	v47 =	vshll.u32 v57, $0x3;
	v39 =	vor.u32 v55, v42;
	v36 =	vmul.f32 v36, v49  }
0x138: {  	v35 =	vadd.f32 v35, v43;
	v39 =	vadd.s32 $0x4580, v39;
	v38 =	vnsel vm0, $0x0, v38  }
0x139: {  	v60 =	vand.u32 $0xFFFFFC00, v47;
	v61 =	vtrunc.f32 v38;
	v36 =	vadd.f32 $-9.320000000e+02, v36  }
0x13a: {  	v53 =	vld.idx.msk [tilespmem:v18+s20+$0x0], $0xffff;
	v42 =	vor.u32 v58, v60;
	vm0 =	vmand vm14, vm15;
	v45 =	vcvt.f32.s32 v61  }
0x13b: {  	v41 =	vld.idx.msk [tilespmem:v41+s16+$0x0], $0xffff;
	v46 =	vadd.f32 v63, v62;
	v42 =	vadd.s32 $0x4580, v42;
	v36 =	vnsel vm0, $0x0, v36  }
0x13c: {  	v61 =	vld [tilespmem:s19+$0x13000];
	v56 =	vand.u32 $0x7F, v45;
	v57 =	vshll.u32 v45, $0x3;
	v58 =	vadd.s32 $0x1, v45  }
0x13d: {  	v60 =	vtrunc.f32 v36;
	v49 =	vand.u32 $0xFFFFFC00, v57;
	v50 =	vshll.u32 v58, $0x3  }
0x13e: {  	v59 =	vand.u32 $0x7F, v58;
	v52 =	vcvt.f32.s32 v60;
	v50 =	vand.u32 $0xFFFFFC00, v50  }
0x13f: {  	v63 =	vmul.f32 $5.000000000e-01, v44;
	v48 =	vor.u32 v56, v49;
	v62 =	vor.u32 v59, v50  }
0x140: {  	v57 =	vand.u32 $0x7F, v52;
	v58 =	vshll.u32 v52, $0x3;
	v59 =	vshrl.u32 v46, $0xE  }
0x141: {  	v39 =	vld.idx.msk [tilespmem:v39+s1+$0x0], $0xffff;
	v50 =	vmul.f32 v63, v41;
	v47 =	vadd.f32 v61, v53;
	v55 =	vadd.s32 $0xFFFEE800, v59  }
0x142: {  	v42 =	vld.idx.msk [tilespmem:v42+s1+$0x0], $0xffff;
	v48 =	vadd.s32 $0x4600, v48;
	v60 =	vadd.s32 $0x1, v52;
	v54 =	vand.u32 $0xFFFFFC00, v58  }
0x143: {  	v49 =	vadd.s32 $0x4600, v62;
	v51 =	vor.u32 v57, v54;
	v62 =	vshrl.u32 v47, $0xE  }
0x144: {  	v50 =	vmul.f32 v50, v41;
	v54 =	vshll.u32 v60, $0x3;
	v63 =	vadd.s32 $0xFFFEE800, v62  }
0x145: {  	v37 =	vsub.f32 v37, v40;
	v61 =	vand.u32 $0x7F, v60;
	v54 =	vand.u32 $0xFFFFFC00, v54  }
0x146: {  	v51 =	vadd.s32 $0x4680, v51;
	v50 =	vsub.f32 $1.500000000e+00, v50;
	v53 =	vor.u32 v61, v54;
	v54 =	vld.idx.msk [tilespmem:v55+s16+$0x0], $0xffff  }
0x147: {  	v34 =	vadd.f32 v35, v34;
	v56 =	vsub.f32 v42, v39;
	v53 =	vadd.s32 $0x4680, v53;
	v42 =	vld.idx.msk [tilespmem:v48+s1+$0x0], $0xffff  }
0x148: {  	vm6 =	vge.f32 v46, $1.281424000e+06;
	vm7 =	vle.f32 v46, $9.597604000e+06;
	v41 =	vmul.f32 v50, v41;
	v57 =	vld.idx.msk [tilespmem:v49+s1+$0x0], $0xffff  }
0x149: {  	vm0 =	vmand vm4, vm5;
	v58 =	vmul.f32 $5.000000000e-01, v46;
	v59 =	vcvt.s32.f32 v45;
	v48 =	vld.idx.msk [tilespmem:v63+s16+$0x0], $0xffff  }
0x14a: {  	vm8 =	vge.f32 v47, $1.281424000e+06;
	vm9 =	vle.f32 v47, $9.597604000e+06;
	v41 =	vmul.f32 v41, v44  }
0x14b: {  	v38 =	vsub.f32 v38, v59;
	v62 =	vcvt.s32.f32 v52;
	v45 =	vld.idx.msk [tilespmem:v51+s1+$0x0], $0xffff;
	v60 =	vmul.f32 v58, v54  }
0x14c: {  	v37 =	vmul.f32 v37, v56;
	v41 =	vadd.f32 $-9.320000000e+02, v41;
	v61 =	vld.idx.msk [tilespmem:v53+s1+$0x0], $0xffff;
	v53 =	vmul.f32 $5.000000000e-01, v47  }
0x14d: {  	v36 =	vsub.f32 v36, v62;
	v35 =	vsub.f32 v57, v42;
	v63 =	vmul.f32 v60, v54  }
0x14e: {  	v37 =	vadd.f32 v37, v39;
	v41 =	vnsel vm0, $0x0, v41;
	v55 =	vmul.f32 v53, v48  }
0x14f: {  	v52 =	vtrunc.f32 v41;
	v35 =	vmul.f32 v38, v35;
	v43 =	vsub.f32 $1.500000000e+00, v63  }
0x150: {  	v59 =	vld [tilespmem:s19+$0x13080];
	v34 =	vadd.f32 v37, v34;
	v37 =	vcvt.f32.s32 v52;
	v38 =	vmul.f32 v55, v48  }
0x151: {  	v57 =	vld.idx.msk [tilespmem:v19+s20+$0x0], $0xffff;
	vm0 =	vmand vm6, vm7;
	v39 =	vsub.f32 v61, v45;
	v43 =	vmul.f32 v43, v54  }
0x152: {  	v35 =	vadd.f32 v35, v42;
	v56 =	vshll.u32 v37, $0x3;
	v38 =	vsub.f32 $1.500000000e+00, v38  }
0x153: {  	v44 =	vand.u32 $0x7F, v37;
	v58 =	vadd.s32 $0x1, v37;
	v43 =	vmul.f32 v43, v46  }
0x154: {  	v49 =	vld.idx.msk [tilespmem:v20+s20+$0x0], $0xffff;
	v40 =	vand.u32 $0xFFFFFC00, v56;
	v60 =	vand.u32 $0x7F, v58;
	v38 =	vmul.f32 v38, v48  }
0x155: {  	v63 =	vld [tilespmem:s19+$0x13100];
	v36 =	vmul.f32 v36, v39;
	v40 =	vor.u32 v44, v40;
	v43 =	vadd.f32 $-9.320000000e+02, v43  }
0x156: {  	v44 =	vshll.u32 v58, $0x3;
	v48 =	vadd.f32 v59, v57;
	v38 =	vmul.f32 v38, v47  }
0x157: {  	v44 =	vand.u32 $0xFFFFFC00, v44;
	v40 =	vadd.s32 $0x4700, v40;
	v43 =	vnsel vm0, $0x0, v43  }
0x158: {  	v62 =	vshrl.u32 v48, $0xE;
	v38 =	vadd.f32 $-9.320000000e+02, v38;
	v61 =	vtrunc.f32 v43  }
0x159: {  	v47 =	vadd.s32 $0xFFFEE800, v62;
	vm0 =	vmand vm8, vm9;
	v46 =	vcvt.f32.s32 v61  }
0x15a: {  	v44 =	vor.u32 v60, v44;
	v49 =	vadd.f32 v63, v49;
	v38 =	vnsel vm0, $0x0, v38  }
0x15b: {  	v44 =	vadd.s32 $0x4700, v44;
	v61 =	vtrunc.f32 v38;
	v57 =	vand.u32 $0x7F, v46  }
0x15c: {  	v58 =	vshll.u32 v46, $0x3;
	v59 =	vadd.s32 $0x1, v46;
	v55 =	vcvt.f32.s32 v61  }
0x15d: {  	v52 =	vand.u32 $0xFFFFFC00, v58;
	v60 =	vshll.u32 v59, $0x3;
	v53 =	vand.u32 $0x7F, v59  }
0x15e: {  	v47 =	vld.idx.msk [tilespmem:v47+s16+$0x0], $0xffff;
	v54 =	vand.u32 $0xFFFFFC00, v60;
	v51 =	vor.u32 v57, v52;
	v63 =	vand.u32 $0x7F, v55  }
0x15f: {  	v60 =	vshll.u32 v55, $0x3;
	v61 =	vadd.s32 $0x1, v55;
	v62 =	vor.u32 v53, v54  }
0x160: {  	v40 =	vld.idx.msk [tilespmem:v40+s1+$0x0], $0xffff;
	v50 =	vadd.s32 $0x4780, v51;
	v53 =	vand.u32 $0xFFFFFC00, v60;
	v58 =	vshll.u32 v61, $0x3  }
0x161: {  	v44 =	vld.idx.msk [tilespmem:v44+s1+$0x0], $0xffff;
	v60 =	vmul.f32 $5.000000000e-01, v48;
	v51 =	vadd.s32 $0x4780, v62;
	v62 =	vshrl.u32 v49, $0xE  }
0x162: {  	v59 =	vld [tilespmem:s19+$0x13180];
	v52 =	vor.u32 v63, v53;
	v63 =	vand.u32 $0x7F, v61;
	v58 =	vand.u32 $0xFFFFFC00, v58  }
0x163: {  	v57 =	vld.idx.msk [tilespmem:v21+s20+$0x0], $0xffff;
	v56 =	vadd.s32 $0xFFFEE800, v62;
	v53 =	vor.u32 v63, v58;
	v63 =	vmul.f32 v60, v47  }
0x164: {  	v37 =	vcvt.s32.f32 v37;
	v52 =	vadd.s32 $0x8800, v52  }
0x165: {  	v34 =	vadd.f32 v35, v34;
	v36 =	vadd.f32 v36, v45;
	v54 =	vmul.f32 v63, v47;
	v39 =	vld.idx.msk [tilespmem:v50+s1+$0x0], $0xffff  }
0x166: {  	v37 =	vsub.f32 v41, v37;
	v62 =	vld.idx.msk [tilespmem:v51+s1+$0x0], $0xffff  }
0x167: {  	v34 =	vadd.f32 v36, v34;
	v61 =	vadd.s32 $0x8800, v53;
	v41 =	vsub.f32 $1.500000000e+00, v54;
	v54 =	vld [tilespmem:s19+$0x13200]  }
0x168: {  	vm10 =	vge.f32 v48, $1.281424000e+06;
	v44 =	vsub.f32 v44, v40;
	v53 =	vadd.f32 v59, v57;
	v35 =	vld.idx.msk [tilespmem:v56+s16+$0x0], $0xffff  }
0x169: {  	vm11 =	vle.f32 v48, $9.597604000e+06;
	vm12 =	vge.f32 v49, $1.281424000e+06;
	vm13 =	vle.f32 v49, $9.597604000e+06;
	v57 =	vld.idx.msk [tilespmem:v52+s1+$0x0], $0xffff  }
0x16a: {  	vm0 =	vmand vm10, vm11;
	v37 =	vmul.f32 v37, v44;
	v58 =	vshrl.u32 v53, $0xE;
	v52 =	vld.idx.msk [tilespmem:v22+s20+$0x0], $0xffff  }
0x16b: {  	v59 =	vmul.f32 $5.000000000e-01, v49;
	v63 =	vcvt.s32.f32 v55;
	v51 =	vadd.s32 $0xFFFEE800, v58  }
0x16c: {  	v37 =	vadd.f32 v37, v40;
	v56 =	vcvt.s32.f32 v46;
	v42 =	vld.idx.msk [tilespmem:v61+s1+$0x0], $0xffff;
	v41 =	vmul.f32 v41, v47  }
0x16d: {  	v38 =	vsub.f32 v38, v63;
	vm14 =	vge.f32 v53, $1.281424000e+06;
	vm15 =	vle.f32 v53, $9.597604000e+06  }
0x16e: {  	v43 =	vsub.f32 v43, v56;
	v47 =	vmul.f32 v41, v48;
	v60 =	vsub.f32 v62, v39  }
0x16f: {  	v63 =	vld.idx.msk [tilespmem:v23+s20+$0x0], $0xffff;
	v34 =	vadd.f32 v37, v34;
	v61 =	vmul.f32 v59, v35;
	v37 =	vadd.f32 v54, v52  }
0x170: {  	v56 =	vmul.f32 $5.000000000e-01, v53;
	v51 =	vld.idx.msk [tilespmem:v51+s16+$0x0], $0xffff;
	v40 =	vadd.f32 $-9.320000000e+02, v47;
	v62 =	vmul.f32 v43, v60  }
0x171: {  	v54 =	vld [tilespmem:s19+$0x13280];
	v42 =	vsub.f32 v42, v57;
	v50 =	vmul.f32 v61, v35;
	v44 =	vshrl.u32 v37, $0xE  }
0x172: {  	vm4 =	vge.f32 v37, $1.281424000e+06;
	vm5 =	vle.f32 v37, $9.597604000e+06;
	v36 =	vadd.f32 v62, v39  }
0x173: {  	v38 =	vmul.f32 v38, v42;
	v39 =	vnsel vm0, $0x0, v40;
	vm0 =	vmand vm12, vm13  }
0x174: {  	v44 =	vadd.s32 $0xFFFEE800, v44;
	v41 =	vsub.f32 $1.500000000e+00, v50;
	v55 =	vtrunc.f32 v39  }
0x175: {  	v34 =	vadd.f32 v36, v34;
	v36 =	vcvt.f32.s32 v55;
	v40 =	vmul.f32 v56, v51  }
0x176: {  	v38 =	vadd.f32 v38, v57;
	v43 =	vadd.f32 v54, v63;
	v35 =	vmul.f32 v41, v35  }
0x177: {  	v57 =	vand.u32 $0x7F, v36;
	v58 =	vshll.u32 v36, $0x3;
	v40 =	vmul.f32 v40, v51  }
0x178: {  	v60 =	vadd.s32 $0x1, v36;
	v36 =	vcvt.s32.f32 v36;
	v34 =	vadd.f32 v38, v34  }
0x179: {  	vm6 =	vge.f32 v43, $1.281424000e+06;
	vm7 =	vle.f32 v43, $9.597604000e+06;
	v35 =	vmul.f32 v35, v49  }
0x17a: {  	v42 =	vand.u32 $0xFFFFFC00, v58;
	v61 =	vand.u32 $0x7F, v60;
	v44 =	vld.idx.msk [tilespmem:v44+s16+$0x0], $0xffff;
	v40 =	vsub.f32 $1.500000000e+00, v40  }
0x17b: {  	v46 =	vshll.u32 v60, $0x3;
	v41 =	vor.u32 v57, v42;
	v35 =	vadd.f32 $-9.320000000e+02, v35  }
0x17c: {  	v46 =	vand.u32 $0xFFFFFC00, v46;
	v57 =	vmul.f32 $5.000000000e-01, v37;
	v40 =	vmul.f32 v40, v51  }
0x17d: {  	v42 =	vor.u32 v61, v46;
	v41 =	vadd.s32 $0x8880, v41;
	v35 =	vnsel vm0, $0x0, v35  }
0x17e: {  	v42 =	vadd.s32 $0x8880, v42;
	v59 =	vtrunc.f32 v35;
	v40 =	vmul.f32 v40, v53  }
0x17f: {  	v60 =	vshrl.u32 v43, $0xE;
	v48 =	vmul.f32 v57, v44;
	v45 =	vcvt.f32.s32 v59  }
0x180: {  	v50 =	vadd.s32 $0xFFFEE800, v60;
	v36 =	vsub.f32 v39, v36;
	vm0 =	vmand vm14, vm15  }
0x181: {  	v40 =	vadd.f32 $-9.320000000e+02, v40;
	v48 =	vmul.f32 v48, v44;
	v62 =	vshll.u32 v45, $0x3  }
0x182: {  	v41 =	vld.idx.msk [tilespmem:v41+s1+$0x0], $0xffff;
	v52 =	vand.u32 $0x7F, v45;
	v56 =	vadd.s32 $0x1, v45;
	v47 =	vand.u32 $0xFFFFFC00, v62  }
0x183: {  	v42 =	vld.idx.msk [tilespmem:v42+s1+$0x0], $0xffff;
	v58 =	vand.u32 $0x7F, v56;
	v40 =	vnsel vm0, $0x0, v40;
	v48 =	vsub.f32 $1.500000000e+00, v48  }
0x184: {  	v55 =	vor.u32 v52, v47;
	v47 =	vshll.u32 v56, $0x3;
	v59 =	vtrunc.f32 v40  }
0x185: {  	vm0 =	vmand vm4, vm5;
	v47 =	vand.u32 $0xFFFFFC00, v47;
	v49 =	vcvt.f32.s32 v59  }
0x186: {  	v54 =	vld.idx.msk [tilespmem:v24+s20+$0x0], $0xffff;
	v46 =	vadd.s32 $0x8900, v55;
	v44 =	vmul.f32 v48, v44;
	v47 =	vor.u32 v58, v47  }
0x187: {  	v59 =	vld [tilespmem:s19+$0x13300];
	v47 =	vadd.s32 $0x8900, v47;
	v61 =	vand.u32 $0x7F, v49;
	v62 =	vshll.u32 v49, $0x3  }
0x188: {  	v63 =	vadd.s32 $0x1, v49;
	v42 =	vsub.f32 v42, v41;
	v44 =	vmul.f32 v44, v37  }
0x189: {  	v50 =	vld.idx.msk [tilespmem:v50+s16+$0x0], $0xffff;
	v52 =	vand.u32 $0xFFFFFC00, v62;
	v58 =	vshll.u32 v63, $0x3;
	v53 =	vand.u32 $0x7F, v63  }
0x18a: {  	v56 =	vld.idx.msk [tilespmem:v25+s20+$0x0], $0xffff;
	v57 =	vor.u32 v61, v52;
	v51 =	vand.u32 $0xFFFFFC00, v58;
	v36 =	vmul.f32 v36, v42  }
0x18b: {  	v48 =	vadd.f32 $-9.320000000e+02, v44;
	v39 =	vadd.s32 $0x8980, v57;
	v60 =	vor.u32 v53, v51;
	v61 =	vld.idx.msk [tilespmem:v46+s1+$0x0], $0xffff  }
0x18c: {  	v51 =	vmul.f32 $5.000000000e-01, v43;
	v62 =	vadd.s32 $0x8980, v60;
	v63 =	vld.idx.msk [tilespmem:v47+s1+$0x0], $0xffff;
	v47 =	vadd.f32 v59, v54  }
0x18d: {  	v52 =	vcvt.s32.f32 v45;
	v57 =	vld [tilespmem:s19+$0x13380];
	v36 =	vadd.f32 v36, v41;
	v37 =	vnsel vm0, $0x0, v48  }
0x18e: {  	v44 =	vmul.f32 v51, v50;
	v55 =	vtrunc.f32 v37;
	v53 =	vshrl.u32 v47, $0xE  }
0x18f: {  	v49 =	vcvt.s32.f32 v49;
	v46 =	vcvt.f32.s32 v55;
	v45 =	vadd.s32 $0xFFFEE800, v53  }
0x190: {  	v35 =	vsub.f32 v35, v52;
	v34 =	vadd.f32 v36, v34;
	v44 =	vmul.f32 v44, v50;
	v39 =	vld.idx.msk [tilespmem:v39+s1+$0x0], $0xffff  }
0x191: {  	v58 =	vshll.u32 v46, $0x3;
	v59 =	vand.u32 $0x7F, v46;
	v54 =	vld.idx.msk [tilespmem:v62+s1+$0x0], $0xffff;
	v42 =	vsub.f32 v63, v61  }
0x192: {  	v36 =	vadd.f32 v57, v56;
	v44 =	vsub.f32 $1.500000000e+00, v44;
	v63 =	vadd.s32 $0x1, v46  }
0x193: {  	v52 =	vshll.u32 v63, $0x3;
	v35 =	vmul.f32 v35, v42;
	v42 =	vand.u32 $0xFFFFFC00, v58  }
0x194: {  	v53 =	vmul.f32 $5.000000000e-01, v47;
	v48 =	vand.u32 $0xFFFFFC00, v52;
	v60 =	vor.u32 v59, v42;
	v62 =	vld.idx.msk [tilespmem:v45+s16+$0x0], $0xffff  }
0x195: {  	v45 =	vand.u32 $0x7F, v63;
	v35 =	vadd.f32 v35, v61;
	v61 =	vmul.f32 v44, v50  }
0x196: {  	v41 =	vsub.f32 v54, v39;
	v38 =	vadd.s32 $0x8A00, v60;
	v45 =	vor.u32 v45, v48  }
0x197: {  	v54 =	vshrl.u32 v36, $0xE;
	v45 =	vadd.s32 $0x8A00, v45;
	v42 =	vmul.f32 v61, v43  }
0x198: {  	v40 =	vsub.f32 v40, v49;
	vm0 =	vmand vm6, vm7;
	v43 =	vadd.s32 $0xFFFEE800, v54  }
0x199: {  	vm8 =	vge.f32 v47, $1.281424000e+06;
	v42 =	vadd.f32 $-9.320000000e+02, v42;
	v49 =	vmul.f32 v53, v62  }
0x19a: {  	vm9 =	vle.f32 v47, $9.597604000e+06;
	vm10 =	vge.f32 v36, $1.281424000e+06;
	v34 =	vadd.f32 v35, v34  }
0x19b: {  	v35 =	vmul.f32 v40, v41;
	v38 =	vld.idx.msk [tilespmem:v38+s1+$0x0], $0xffff;
	v42 =	vnsel vm0, $0x0, v42;
	v49 =	vmul.f32 v49, v62  }
0x19c: {  	vm11 =	vle.f32 v36, $9.597604000e+06;
	v41 =	vcvt.s32.f32 v46;
	v45 =	vld.idx.msk [tilespmem:v45+s1+$0x0], $0xffff;
	v55 =	vtrunc.f32 v42  }
0x19d: {  	v63 =	vmul.f32 $5.000000000e-01, v36;
	v43 =	vld.idx.msk [tilespmem:v43+s16+$0x0], $0xffff;
	v48 =	vcvt.f32.s32 v55;
	v56 =	vsub.f32 $1.500000000e+00, v49  }
0x19e: {  	v60 =	vld.idx.msk [tilespmem:v26+s20+$0x0], $0xffff;
	v37 =	vsub.f32 v37, v41;
	v35 =	vadd.f32 v35, v39;
	vm0 =	vmand vm8, vm9  }
0x19f: {  	v57 =	vand.u32 $0x7F, v48;
	v58 =	vshll.u32 v48, $0x3;
	v40 =	vmul.f32 v56, v62;
	v62 =	vld [tilespmem:s19+$0x14000]  }
0x1a0: {  	v59 =	vadd.s32 $0x1, v48;
	v48 =	vcvt.s32.f32 v48;
	v49 =	vand.u32 $0xFFFFFC00, v58  }
0x1a1: {  	v61 =	vand.u32 $0x7F, v59;
	v50 =	vshll.u32 v59, $0x3;
	v40 =	vmul.f32 v40, v47  }
0x1a2: {  	v45 =	vsub.f32 v45, v38;
	v46 =	vor.u32 v57, v49;
	v56 =	vmul.f32 v63, v43  }
0x1a3: {  	v50 =	vand.u32 $0xFFFFFC00, v50;
	v63 =	vld [tilespmem:s19+$0x14080];
	v46 =	vadd.s32 $0x8A80, v46;
	v40 =	vadd.f32 $-9.320000000e+02, v40  }
0x1a4: {  	v49 =	vor.u32 v61, v50;
	v61 =	vld.idx.msk [tilespmem:v27+s20+$0x0], $0xffff;
	v47 =	vmul.f32 v56, v43;
	v44 =	vadd.f32 v62, v60  }
0x1a5: {  	v37 =	vmul.f32 v37, v45;
	v57 =	vadd.s32 $0x8A80, v49;
	v40 =	vnsel vm0, $0x0, v40  }
0x1a6: {  	v47 =	vsub.f32 $1.500000000e+00, v47;
	v58 =	vtrunc.f32 v40;
	v59 =	vshrl.u32 v44, $0xE  }
0x1a7: {  	v34 =	vadd.f32 v35, v34;
	v49 =	vcvt.f32.s32 v58;
	v60 =	vadd.s32 $0xFFFEE800, v59  }
0x1a8: {  	v42 =	vsub.f32 v42, v48;
	v37 =	vadd.f32 v37, v38;
	v43 =	vmul.f32 v47, v43  }
0x1a9: {  	vm0 =	vmand vm10, vm11;
	v46 =	vld.idx.msk [tilespmem:v46+s1+$0x0], $0xffff;
	v45 =	vadd.f32 v63, v61;
	v62 =	vshll.u32 v49, $0x3  }
0x1aa: {  	v41 =	vld.idx.msk [tilespmem:v57+s1+$0x0], $0xffff;
	v54 =	vand.u32 $0x7F, v49;
	v55 =	vadd.s32 $0x1, v49;
	v43 =	vmul.f32 v43, v36  }
0x1ab: {  	v48 =	vand.u32 $0xFFFFFC00, v62;
	v56 =	vshll.u32 v55, $0x3;
	v51 =	vand.u32 $0x7F, v55  }
0x1ac: {  	v48 =	vor.u32 v54, v48;
	v50 =	vand.u32 $0xFFFFFC00, v56;
	v57 =	vadd.f32 $-9.320000000e+02, v43;
	v39 =	vld.idx.msk [tilespmem:v60+s16+$0x0], $0xffff  }
0x1ad: {  	v61 =	vshrl.u32 v45, $0xE;
	v48 =	vadd.s32 $0x8B00, v48;
	v58 =	vor.u32 v51, v50  }
0x1ae: {  	v62 =	vadd.s32 $0xFFFEE800, v61;
	v43 =	vadd.s32 $0x8B00, v58;
	v36 =	vnsel vm0, $0x0, v57  }
0x1af: {  	v52 =	vld.idx.msk [tilespmem:v28+s20+$0x0], $0xffff;
	v60 =	vmul.f32 $5.000000000e-01, v44;
	v41 =	vsub.f32 v41, v46;
	v59 =	vtrunc.f32 v36  }
0x1b0: {  	v63 =	vld [tilespmem:s19+$0x14100];
	v57 =	vcvt.s32.f32 v49;
	v35 =	vcvt.f32.s32 v59  }
0x1b1: {  	v34 =	vadd.f32 v37, v34;
	v38 =	vmul.f32 v42, v41;
	v56 =	vmul.f32 v60, v39  }
0x1b2: {  	v48 =	vld.idx.msk [tilespmem:v48+s1+$0x0], $0xffff;
	v58 =	vand.u32 $0x7F, v35;
	v59 =	vshll.u32 v35, $0x3;
	v60 =	vadd.s32 $0x1, v35  }
0x1b3: {  	v43 =	vld.idx.msk [tilespmem:v43+s1+$0x0], $0xffff;
	v50 =	vand.u32 $0xFFFFFC00, v59;
	v61 =	vand.u32 $0x7F, v60;
	v53 =	vshll.u32 v60, $0x3  }
0x1b4: {  	v47 =	vld.idx.msk [tilespmem:v62+s16+$0x0], $0xffff;
	v41 =	vmul.f32 v56, v39;
	v49 =	vor.u32 v58, v50;
	v53 =	vand.u32 $0xFFFFFC00, v53  }
0x1b5: {  	v51 =	vadd.f32 v63, v52;
	v62 =	vadd.s32 $0x8B80, v49;
	v63 =	vor.u32 v61, v53  }
0x1b6: {  	vm12 =	vge.f32 v44, $1.281424000e+06;
	v41 =	vsub.f32 $1.500000000e+00, v41;
	v49 =	vadd.s32 $0x8B80, v63  }
0x1b7: {  	v52 =	vshrl.u32 v51, $0xE;
	v40 =	vsub.f32 v40, v57;
	v53 =	vmul.f32 $5.000000000e-01, v45  }
0x1b8: {  	v39 =	vmul.f32 v41, v39;
	v43 =	vsub.f32 v43, v48;
	v41 =	vadd.s32 $0xFFFEE800, v52  }
0x1b9: {  	vm13 =	vle.f32 v44, $9.597604000e+06;
	vm14 =	vge.f32 v45, $1.281424000e+06;
	v61 =	vld.idx.msk [tilespmem:v29+s20+$0x0], $0xffff;
	v56 =	vmul.f32 v53, v47  }
0x1ba: {  	vm15 =	vle.f32 v45, $9.597604000e+06;
	v54 =	vmul.f32 v39, v44;
	v55 =	vmul.f32 v40, v43;
	v42 =	vld.idx.msk [tilespmem:v62+s1+$0x0], $0xffff  }
0x1bb: {  	vm0 =	vmand vm12, vm13;
	v38 =	vadd.f32 v38, v46;
	v40 =	vmul.f32 v56, v47;
	v57 =	vld.idx.msk [tilespmem:v49+s1+$0x0], $0xffff  }
0x1bc: {  	vm4 =	vge.f32 v51, $1.281424000e+06;
	v37 =	vadd.f32 $-9.320000000e+02, v54;
	v58 =	vadd.f32 v55, v48;
	v48 =	vld [tilespmem:s19+$0x14180]  }
0x1bd: {  	vm5 =	vle.f32 v51, $9.597604000e+06;
	v35 =	vcvt.s32.f32 v35;
	v40 =	vsub.f32 $1.500000000e+00, v40;
	v59 =	vld.idx.msk [tilespmem:v41+s16+$0x0], $0xffff  }
0x1be: {  	v34 =	vadd.f32 v38, v34;
	v63 =	vmul.f32 $5.000000000e-01, v51;
	v37 =	vnsel vm0, $0x0, v37  }
0x1bf: {  	v35 =	vsub.f32 v36, v35;
	v62 =	vmul.f32 v40, v47;
	v60 =	vtrunc.f32 v37  }
0x1c0: {  	v34 =	vadd.f32 v58, v34;
	vm0 =	vmand vm14, vm15;
	v38 =	vcvt.f32.s32 v60  }
0x1c1: {  	v43 =	vsub.f32 v57, v42;
	v36 =	vmul.f32 v62, v45;
	v41 =	vadd.f32 v48, v61  }
0x1c2: {  	v49 =	vand.u32 $0x7F, v38;
	v50 =	vshll.u32 v38, $0x3;
	v40 =	vmul.f32 v63, v59  }
0x1c3: {  	v52 =	vadd.s32 $0x1, v38;
	v36 =	vadd.f32 $-9.320000000e+02, v36;
	v35 =	vmul.f32 v35, v43  }
0x1c4: {  	v38 =	vcvt.s32.f32 v38;
	v47 =	vand.u32 $0xFFFFFC00, v50;
	v53 =	vand.u32 $0x7F, v52  }
0x1c5: {  	v60 =	vld.idx.msk [tilespmem:v30+s20+$0x0], $0xffff;
	v54 =	vshll.u32 v52, $0x3;
	v56 =	vshrl.u32 v41, $0xE;
	vm6 =	vge.f32 v41, $1.281424000e+06  }
0x1c6: {  	v63 =	vld [tilespmem:s19+$0x14200];
	vm7 =	vle.f32 v41, $9.597604000e+06;
	v46 =	vor.u32 v49, v47;
	v40 =	vmul.f32 v40, v59  }
0x1c7: {  	v36 =	vnsel vm0, $0x0, v36;
	v44 =	vand.u32 $0xFFFFFC00, v54;
	v57 =	vadd.s32 $0xFFFEE800, v56  }
0x1c8: {  	vm0 =	vmand vm4, vm5;
	v56 =	vmul.f32 $5.000000000e-01, v41;
	v58 =	vadd.s32 $0xCC00, v46  }
0x1c9: {  	v35 =	vadd.f32 v35, v42;
	v37 =	vsub.f32 v37, v38;
	v55 =	vtrunc.f32 v36  }
0x1ca: {  	v44 =	vor.u32 v53, v44;
	v40 =	vsub.f32 $1.500000000e+00, v40;
	v47 =	vcvt.f32.s32 v55  }
0x1cb: {  	v50 =	vld.idx.msk [tilespmem:v31+s20+$0x0], $0xffff;
	v44 =	vadd.s32 $0xCC00, v44;
	v35 =	vadd.f32 v35, v34;
	v46 =	vadd.f32 v63, v60  }
0x1cc: {  	v39 =	vmul.f32 v40, v59;
	v59 =	vshll.u32 v47, $0x3;
	v61 =	vand.u32 $0x7F, v47;
	v40 =	vld.idx.msk [tilespmem:v57+s16+$0x0], $0xffff  }
0x1cd: {  	v62 =	vadd.s32 $0x1, v47;
	v47 =	vcvt.s32.f32 v47;
	v45 =	vand.u32 $0xFFFFFC00, v59;
	v43 =	vld.idx.msk [tilespmem:v58+s1+$0x0], $0xffff  }
0x1ce: {  	v54 =	vshll.u32 v62, $0x3;
	v49 =	vand.u32 $0x7F, v62;
	v39 =	vmul.f32 v39, v51;
	v58 =	vld [tilespmem:s19+$0x14280]  }
0x1cf: {  	v60 =	vshrl.u32 v46, $0xE;
	v45 =	vor.u32 v61, v45;
	v48 =	vand.u32 $0xFFFFFC00, v54  }
0x1d0: {  	v45 =	vadd.s32 $0xCC80, v45;
	v48 =	vor.u32 v49, v48;
	v44 =	vld.idx.msk [tilespmem:v44+s1+$0x0], $0xffff;
	v39 =	vadd.f32 $-9.320000000e+02, v39  }
0x1d1: {  	vm8 =	vge.f32 v46, $1.281424000e+06;
	vm9 =	vle.f32 v46, $9.597604000e+06;
	v57 =	vadd.s32 $0xCC80, v48  }
0x1d2: {  	v53 =	vadd.s32 $0xFFFEE800, v60;
	v39 =	vnsel vm0, $0x0, v39;
	v51 =	vmul.f32 v56, v40  }
0x1d3: {  	v36 =	vsub.f32 v36, v47;
	v55 =	vtrunc.f32 v39;
	v48 =	vadd.f32 v58, v50  }
0x1d4: {  	vm0 =	vmand vm6, vm7;
	v49 =	vcvt.f32.s32 v55;
	v51 =	vmul.f32 v51, v40  }
0x1d5: {  	v45 =	vld.idx.msk [tilespmem:v45+s1+$0x0], $0xffff;
	v56 =	vsub.f32 v44, v43;
	v58 =	vshrl.u32 v48, $0xE;
	vm10 =	vge.f32 v48, $1.281424000e+06  }
0x1d6: {  	v42 =	vld.idx.msk [tilespmem:v57+s1+$0x0], $0xffff;
	v59 =	vshll.u32 v49, $0x3;
	v61 =	vand.u32 $0x7F, v49;
	v62 =	vadd.s32 $0x1, v49  }
0x1d7: {  	v50 =	vld.idx.msk [tilespmem:v53+s16+$0x0], $0xffff;
	v51 =	vsub.f32 $1.500000000e+00, v51;
	v37 =	vmul.f32 v37, v56;
	v52 =	vand.u32 $0xFFFFFC00, v59  }
0x1d8: {  	v56 =	vld.idx.msk [tilespmem:v33+s20+$0x0], $0xffff;
	v63 =	vand.u32 $0x7F, v62;
	v54 =	vshll.u32 v62, $0x3;
	v52 =	vor.u32 v61, v52  }
0x1d9: {  	v62 =	vld.idx.msk [tilespmem:v32+s20+$0x0], $0xffff;
	v54 =	vand.u32 $0xFFFFFC00, v54;
	v40 =	vmul.f32 v51, v40;
	v51 =	vadd.s32 $0xFFFEE800, v58  }
0x1da: {  	v61 =	vmul.f32 $5.000000000e-01, v46;
	v37 =	vadd.f32 v37, v43;
	v57 =	vor.u32 v63, v54;
	v63 =	vld [tilespmem:s19+$0x14300]  }
0x1db: {  	v58 =	vld [tilespmem:s19+$0x14380];
	v52 =	vadd.s32 $0xCD00, v52;
	v59 =	vmul.f32 v40, v41;
	v60 =	vsub.f32 v42, v45  }
0x1dc: {  	v44 =	vadd.s32 $0xCD00, v57;
	v42 =	vmul.f32 v61, v50;
	v57 =	vcvt.s32.f32 v49  }
0x1dd: {  	vm11 =	vle.f32 v48, $9.597604000e+06;
	v38 =	vadd.f32 $-9.320000000e+02, v59;
	v40 =	vmul.f32 v36, v60  }
0x1de: {  	v35 =	vadd.f32 v37, v35;
	v42 =	vmul.f32 v42, v50;
	v39 =	vsub.f32 v39, v57  }
0x1df: {  	v36 =	vnsel vm0, $0x0, v38;
	v38 =	vld.idx.msk [tilespmem:v51+s16+$0x0], $0xffff;
	v37 =	vadd.f32 v40, v45;
	v41 =	vadd.f32 v63, v62  }
0x1e0: {  	v59 =	vmul.f32 $5.000000000e-01, v48;
	v34 =	vld.idx.msk [tilespmem:v52+s1+$0x0], $0xffff;
	v42 =	vsub.f32 $1.500000000e+00, v42;
	v45 =	vadd.f32 v58, v56  }
0x1e1: {  	vm0 =	vmand vm8, vm9;
	v54 =	vld.idx.msk [tilespmem:v44+s1+$0x0], $0xffff;
	v55 =	vtrunc.f32 v36;
	v60 =	vshrl.u32 v41, $0xE  }
0x1e2: {  	v44 =	vcvt.f32.s32 v55;
	v42 =	vmul.f32 v42, v50;
	v49 =	vadd.s32 $0xFFFEE800, v60  }
0x1e3: {  	v55 =	vshrl.u32 v45, $0xE;
	v58 =	vmul.f32 $5.000000000e-01, v41;
	vm12 =	vge.f32 v41, $1.281424000e+06  }
0x1e4: {  	vm13 =	vle.f32 v41, $9.597604000e+06;
	vm14 =	vge.f32 v45, $1.281424000e+06;
	v47 =	vmul.f32 v59, v38  }
0x1e5: {  	vm15 =	vle.f32 v45, $9.597604000e+06;
	v43 =	vcvt.s32.f32 v44;
	v42 =	vmul.f32 v42, v46  }
0x1e6: {  	v40 =	vsub.f32 v54, v34;
	v54 =	vmul.f32 v47, v38;
	v47 =	vadd.s32 $0xFFFEE800, v55  }
0x1e7: {  	v61 =	vand.u32 $0x7F, v44;
	v62 =	vshll.u32 v44, $0x3;
	v42 =	vadd.f32 $-9.320000000e+02, v42;
	v49 =	vld.idx.msk [tilespmem:v49+s16+$0x0], $0xffff  }
0x1e8: {  	v44 =	vadd.s32 $0x1, v44;
	v63 =	vand.u32 $0xFFFFFC00, v62;
	v46 =	vsub.f32 $1.500000000e+00, v54  }
0x1e9: {  	v56 =	vand.u32 $0x7F, v44;
	v44 =	vshll.u32 v44, $0x3;
	v42 =	vnsel vm0, $0x0, v42  }
0x1ea: {  	v50 =	vor.u32 v61, v63;
	v57 =	vtrunc.f32 v42;
	v38 =	vmul.f32 v46, v38  }
0x1eb: {  	v44 =	vand.u32 $0xFFFFFC00, v44;
	v63 =	vmul.f32 $5.000000000e-01, v45;
	v52 =	vcvt.f32.s32 v57;
	v47 =	vld.idx.msk [tilespmem:v47+s16+$0x0], $0xffff  }
0x1ec: {  	v46 =	vadd.s32 $0xCD80, v50;
	v38 =	vmul.f32 v38, v48;
	v50 =	vmul.f32 v58, v49  }
0x1ed: {  	v44 =	vor.u32 v56, v44;
	vm0 =	vmand vm10, vm11;
	v60 =	vshll.u32 v52, $0x3  }
0x1ee: {  	v61 =	vadd.s32 $0x1, v52;
	v38 =	vadd.f32 $-9.320000000e+02, v38;
	v62 =	vmul.f32 v50, v49  }
0x1ef: {  	v59 =	vand.u32 $0x7F, v52;
	v53 =	vand.u32 $0xFFFFFC00, v60;
	v57 =	vshll.u32 v61, $0x3  }
0x1f0: {  	v38 =	vnsel vm0, $0x0, v38;
	v48 =	vsub.f32 $1.500000000e+00, v62;
	v50 =	vmul.f32 v63, v47  }
0x1f1: {  	v54 =	vand.u32 $0x7F, v61;
	v51 =	vor.u32 v59, v53;
	v58 =	vtrunc.f32 v38  }
0x1f2: {  	v53 =	vand.u32 $0xFFFFFC00, v57;
	v48 =	vmul.f32 v48, v49;
	v59 =	vmul.f32 v50, v47  }
0x1f3: {  	v44 =	vadd.s32 $0xCD80, v44;
	v53 =	vor.u32 v54, v53;
	v55 =	vcvt.f32.s32 v58  }
0x1f4: {  	vm0 =	vmand vm12, vm13;
	v48 =	vmul.f32 v48, v41;
	v49 =	vsub.f32 $1.500000000e+00, v59  }
0x1f5: {  	v50 =	vadd.s32 $0xCE00, v51;
	v51 =	vadd.s32 $0xCE00, v53;
	v60 =	vshll.u32 v55, $0x3  }
0x1f6: {  	v57 =	vadd.s32 $0x1, v55;
	v62 =	vadd.f32 $-9.320000000e+02, v48;
	v47 =	vmul.f32 v49, v47  }
0x1f7: {  	v61 =	vand.u32 $0x7F, v55;
	v53 =	vand.u32 $0xFFFFFC00, v60;
	v58 =	vshll.u32 v57, $0x3  }
0x1f8: {  	v63 =	vor.u32 v61, v53;
	v41 =	vnsel vm0, $0x0, v62;
	v47 =	vmul.f32 v47, v45  }
0x1f9: {  	v49 =	vand.u32 $0x7F, v57;
	v53 =	vand.u32 $0xFFFFFC00, v58;
	v59 =	vtrunc.f32 v41  }
0x1fa: {  	v61 =	vor.u32 v49, v53;
	v60 =	vadd.f32 $-9.320000000e+02, v47;
	v49 =	vcvt.f32.s32 v59  }
0x1fb: {  	v48 =	vadd.s32 $0xCE80, v63;
	vm0 =	vmand vm14, vm15  }
0x1fc: {  	v47 =	vadd.s32 $0xCE80, v61;
	v45 =	vnsel vm0, $0x0, v60;
	v62 =	vand.u32 $0x7F, v49  }
0x1fd: {  	v54 =	vadd.s32 $0x1, v49;
	v60 =	vshll.u32 v49, $0x3;
	v63 =	vtrunc.f32 v45  }
0x1fe: {  	v61 =	vshll.u32 v54, $0x3;
	v57 =	vand.u32 $0xFFFFFC00, v60;
	v54 =	vand.u32 $0x7F, v54  }
0x1ff: {  	v44 =	vld.idx.msk [tilespmem:v44+s1+$0x0], $0xffff;
	v56 =	vcvt.f32.s32 v63;
	v58 =	vand.u32 $0xFFFFFC00, v61;
	v53 =	vor.u32 v62, v57  }
0x200: {  	v46 =	vld.idx.msk [tilespmem:v46+s1+$0x0], $0xffff;
	v54 =	vor.u32 v54, v58;
	v53 =	vadd.s32 $0xCF00, v53  }
0x201: {  	v62 =	vshll.u32 v56, $0x3;
	v63 =	vand.u32 $0x7F, v56;
	v60 =	vadd.s32 $0x1, v56  }
0x202: {  	v50 =	vld.idx.msk [tilespmem:v50+s1+$0x0], $0xffff;
	v54 =	vadd.s32 $0xCF00, v54;
	v57 =	vand.u32 $0xFFFFFC00, v62;
	v61 =	vshll.u32 v60, $0x3  }
0x203: {  	v51 =	vld.idx.msk [tilespmem:v51+s1+$0x0], $0xffff;
	v59 =	vand.u32 $0x7F, v60;
	v57 =	vor.u32 v63, v57;
	v58 =	vand.u32 $0xFFFFFC00, v61  }
0x204: {  	v36 =	vsub.f32 v36, v43;
	v62 =	vor.u32 v59, v58;
	v57 =	vadd.s32 $0xCF80, v57  }
0x205: {  	v39 =	vmul.f32 v39, v40;
	v48 =	vld.idx.msk [tilespmem:v48+s1+$0x0], $0xffff;
	v63 =	vsub.f32 v44, v46;
	v40 =	vadd.s32 $0xCF80, v62  }
0x206: {  	v44 =	vld.idx.msk [tilespmem:v47+s1+$0x0], $0xffff;
	v58 =	vcvt.s32.f32 v52  }
0x207: {  	v35 =	vadd.f32 v37, v35;
	v34 =	vadd.f32 v39, v34;
	v36 =	vmul.f32 v36, v63;
	v37 =	vld.idx.msk [tilespmem:v53+s1+$0x0], $0xffff  }
0x208: {  	v60 =	vsub.f32 v51, v50;
	v59 =	vsub.f32 v42, v58;
	v62 =	vld.idx.msk [tilespmem:v54+s1+$0x0], $0xffff  }
0x209: {  	v61 =	vcvt.s32.f32 v55;
	v63 =	vadd.f32 v36, v46;
	v46 =	vld.idx.msk [tilespmem:v57+s1+$0x0], $0xffff  }
0x20a: {  	v34 =	vadd.f32 v34, v35;
	v39 =	vmul.f32 v59, v60;
	v40 =	vld.idx.msk [tilespmem:v40+s1+$0x0], $0xffff  }
0x20b: {  	v52 =	vcvt.s32.f32 v49;
	v38 =	vsub.f32 v38, v61;
	v51 =	vsub.f32 v44, v48  }
0x20c: {  	v34 =	vadd.f32 v63, v34;
	v57 =	vcvt.s32.f32 v56;
	v53 =	vadd.f32 v39, v50  }
0x20d: {  	v54 =	vsub.f32 v41, v52;
	v38 =	vmul.f32 v38, v51;
	v55 =	vsub.f32 v62, v37  }
0x20e: {  	v60 =	vsub.f32 v45, v57;
	v34 =	vadd.f32 v53, v34  }
0x20f: {  	v58 =	vadd.f32 v38, v48;
	v59 =	vmul.f32 v54, v55;
	v40 =	vsub.f32 v40, v46;
	_ =	sdelay $0x1  }
0x210: {  	v34 =	vadd.f32 v58, v34;
	v61 =	vadd.f32 v59, v37;
	v62 =	vmul.f32 v60, v40  }
0x211: {  	p0 =	sne.s32 s6, $0x1  }
.Ltmp12:
0x212: {  	v34 =	vadd.f32 v61, v34;
	v63 =	vadd.f32 v62, v46;
	(pc) =	sbr.rel @p0 .LBB2_18-.Ltmp12, $4  }
0x213: {  	_ = 	snop  }
0x214: {  	s25 =	sadd.s32 s25, s4;
	v34 =	vadd.f32 v63, v34  }
0x215: {  	s2 =	sadd.s32 s15, s25  }
0x216: {  	s14 =	sadd.s32 $0x10, s14;
	s6 =	sadd.s32 $0xFFFFFFFF, s6;
	s13 =	sadd.s32 $0x80, s13;
	[tilespmem:s2+$0x0] =	vst v34  }
.Ltmp13:
0x217: {  	_ = 	snop;
	(pc) =	sbr.rel .LBB2_19-.Ltmp13, $1  }
0x218: {  	_ =	sdelay $0x3  }
.LBB2_20:
0x219: {  	s0 =	sshll.u32 s31, $0xD;
	s2 =	sadd.s32 $0x0, s26;
	s6 =	simm.s32 $0x8000  }
0x21a: {  	s13 =	sadd.s32 $0x0, s28;
	s4 =	sor.u32 $0x19000, s0;
	s0 =	sadd.s32 $0x1A000, s0  }
0x21b: {  	[hbm4b:s2+s1] =	stream.linear.scatter [tilespmem:s4], [sflag:$0x1], $0x1000, $0x38;
	[tilespmem:$0x1E900] =	vst v63  }
.LBB2_21:
0x21c: {  	[hbm4b:s13+s1] =	stream.linear.scatter [tilespmem:s0], [sflag:$0x1], $0x1000, $0x38;
	[tilespmem:$0x1E900] =	vst v63  }
0x21d: {  	s2 =	smov.u32 s6;
	p0 =	sne.s32 s6, $0xF8000  }
.Ltmp14:
0x21e: {  	s6 =	sadd.s32 $0x8000, s6;
	(pc) =	sbr.rel @p0 .LBB2_21-.Ltmp14, $4  }
0x21f: {  	_ = 	snop  }
0x220: {  	s13 =	sadd.s32 s2, s26  }
0x221: {  	[hbm4b:s13+s1] =	stream.linear.scatter [tilespmem:s4], [sflag:$0x1], $0x1000, $0x38;
	[tilespmem:$0x1E900] =	vst v63  }
0x222: {  	s13 =	sadd.s32 s2, s28  }
0x223: {  	s29 =	sadd.s32 $0x1, s29  }
0x224: {  	p0 =	sne.s32 s29, $0x10  }
.Ltmp15:
0x225: {  	_ = 	snop;
	(pc) =	sbr.rel @p0 .LBB2_2-.Ltmp15, $3  }
0x226: {  	_ =	sdelay $0x1  }
0x227: {  	[hbm4b:s13+s1] =	stream.linear.scatter [tilespmem:s0], [sflag:$0x1], $0x1000, $0x38;
	[tilespmem:$0x1E900] =	vst v63  }
0x228: {  	s28 =	sadd.s32 $0x100000, s28;
	s26 =	sadd.s32 $0x100000, s26;
	s0 =	simm.s32 $0x20  }
0x229: {  	_ =	swait.ge [sflag:s18], $0x1000  }
0x22a: {  	[sflag:s18] =	ssyncset.done $0x0  }
0x22b: {  	[sflag:s18] =	ssyncadd.s32 $0xFFFFF000  }
0x22c: {  	_ =	swait.ge [sflag:s18], $0x1000  }
0x22d: {  	s0 =	sadd.s32 $0xFFFFFFFF, s0;
	[sflag:s18] =	ssyncset.done $0x0  }
.LBB2_24:
0x22e: {  	p0 =	sne.s32 s0, $0x1;
	s0 =	sadd.s32 $0xFFFFFFFF, s0;
	[sflag:s18] =	ssyncadd.s32 $0xFFFFF000  }
.Ltmp16:
0x22f: {  	_ =	swait.ge [sflag:s18], $0x1000;
	(pc) =	sbr.rel @p0 .LBB2_24-.Ltmp16, $4  }
0x230: {  	[sflag:s18] =	ssyncset.done $0x0  }
0x231: {  	[sflag:s18] =	ssyncadd.s32 $0xFFFFF000  }
0x232: {  	_ =	swait.ge [sflag:s18], $0x1000  }
0x233: {  	[sflag:s18] =	ssyncset.done $0x0  }
0x234: {  	[sflag:s18] =	ssyncadd.s32 $0xFFFFF000  }
0x235: {  	_ =	swait.ge [sflag:s18], $0x1000  }
0x236: {  	[sflag:s18] =	ssyncset.done $0x0  }
0x237: {  	[sflag:s18] =	ssyncadd.s32 $0xFFFFF000  }
0x238: {  	_ =	swait.ge [sflag:s18], $0x1000  }
0x239: {  	s0 =	simm.s32 $0x1F;
	[sflag:s18] =	ssyncset.done $0x0;
	s2 =	rddreg [dreg:$0x8]  }
.LBB2_26:
0x23a: {  	p0 =	sne.s32 s0, $0x1;
	s0 =	sadd.s32 $0xFFFFFFFF, s0;
	[sflag:s18] =	ssyncadd.s32 $0xFFFFF000  }
.Ltmp17:
0x23b: {  	_ =	swait.ge [sflag:s18], $0x1000;
	(pc) =	sbr.rel @p0 .LBB2_26-.Ltmp17, $4  }
0x23c: {  	[sflag:s18] =	ssyncset.done $0x0  }
0x23d: {  	[sflag:s18] =	ssyncadd.s32 $0xFFFFF000  }
0x23e: {  	_ =	swait.ge [sflag:s18], $0x1000  }
0x23f: {  	[sflag:s18] =	ssyncset.done $0x0  }
0x240: {  	s2 =	sadd.s32 $0x1, s2;
	s0 =	rddreg [dreg:$0x5]  }
0x241: {  	p0 =	sne.s32 s2, s0  }
.Ltmp18:
0x242: {  	_ = 	snop;
	(pc) =	sbr.rel @p0 .LBB2_1-.Ltmp18, $2  }
0x243: {  	_ =	sdelay $0x2  }
0x244: {  	[sflag:s18] =	ssyncadd.s32 $0xFFFFF000  }
0x245: {  	_ =	sfence.sel $0x180000  }
0x246: {  	[bflag:$0x0] =	sbarrier.arrive $0xFFFF  }
0x247: {  	_ =	strace $0x90000047  }
0x248: {  	s0 =	stileid.u32;
	[bflag:$0x2] =	sbarrier.arrive $0xFFFF  }
0x249: {  	p0 =	sne.s32 s0, $0x0;
	s0 =	rddreg [dreg:$0x2]  }
0x24a: {  	s0 =	sadd.s32 @!p0 $0x100000, s0  }
0x24b: {  	[sflag:s0] =	ssyncadd.tile.s32 @!p0 $0x1;
	_ =	shalt  }
.Lfunc_end2:
_tile_overlayer_lowered:
.L_overlay_start_2:
0x24c: {  	(tag) =	ssettag $0x2  }
0x24d: {  	s0 =	rddreg [dreg:$0x0];
	s2 =	stileid.u32  }
0x24e: {  	s1 =	rddreg [dreg:$0x1];
	p0 =	sne.s32 s2, $0x0  }
0x24f: {  	s3 =	rddreg [dreg:$0x2];
	[bflag:$0x3] =	sbarrier.arrive $0xFFFF;
	s2 =	simm.s32 @!p0 $0x1C02  }
0x250: {  	[timem:s3], [sflag:s2] =	dma.local @!p0 [hbm:s0], s1  }
0x251: {  	s0 =	simm.s32 @!p0 $0x2  }
0x252: {  	_ =	swait.ge @!p0 [sflag:s0], s1  }
0x253: {  	s1 =	ssub.s32 @!p0 $0x0, s1;
	[sflag:s0] =	ssyncset.done @!p0 $0x0  }
0x254: {  	[sflag:s0] =	ssyncadd.s32 @!p0 s1  }
0x255: {  	[bflag:$0x3] =	sbarrier.arrive $0xFFFF  }
0x256: {  	_ =	shalt  }

</sc_bundles>
